<compile_context>
chip_gen: v7x
topology: tpu7x:2x2x1
jax: 0.10.2.dev20260603
libtpu: 0.0.44.dev20260713+nightly
codegen_flags: <defaults>
</compile_context>

<pallas_src>
import functools

import jax
import jax.numpy as jnp
from jax import lax
from jax.experimental import pallas as pl
from jax.experimental.pallas import tpu as pltpu
from jax.experimental.pallas import tpu_sc as plsc

_NC = 2
_NS = 16
_NW = _NC * _NS
_K = 128
_G = 16


@functools.lru_cache(maxsize=None)
def _build_sc_agg(N_pad, D, C, with_cnt):
    RPT = N_pad // _NS
    mesh = plsc.VectorSubcoreMesh(
        core_axis_name="c", subcore_axis_name="s",
        num_cores=_NC, num_subcores=_NS)

    def body(h_hbm, idx_hbm, zrows_hbm, zcnt_hbm,
             agg_out, cnt_out,
             idx_v, rows_a, rows_b, srcu_a, dstu_a, srcu_b, dstu_b,
             ones_v, agg_sh, cnt_sh, sem_a, sem_b):
        c = lax.axis_index("c")
        s = lax.axis_index("s")
        wid = c * _NS + s

        pltpu.sync_copy(zrows_hbm, agg_sh.at[pl.ds(s * RPT, RPT)])

        if with_cnt:
            @pl.when(s == 0)
            def _():
                pltpu.sync_copy(zcnt_hbm, cnt_sh)

            for i in range(_K // 16):
                ones_v[pl.ds(i * 16, 16)] = jnp.ones((16,), jnp.float32)

        pltpu.sync_copy(idx_hbm.at[wid], idx_v)

        plsc.subcore_barrier()

        def unpack(j, srcu, dstu):
            for i in range(_K // 16):
                p = idx_v[j, pl.ds(i * 16, 16)]
                srcu[pl.ds(i * 16, 16)] = p & jnp.int32(0x3FFF)
                dstu[pl.ds(i * 16, 16)] = p >> jnp.int32(14)

        def gather(srcu, buf, sem):
            pltpu.async_copy(h_hbm.at[srcu], buf, sem)

        def wait_g(buf, sem):
            pltpu.make_async_copy(h_hbm.at[srcu_a], buf, sem).wait()

        def scat(dstu, buf):
            pltpu.sync_copy(buf, agg_sh.at[dstu], add=True)
            if with_cnt:
                pltpu.sync_copy(ones_v, cnt_sh.at[dstu], add=True)

        unpack(0, srcu_a, dstu_a)
        gather(srcu_a, rows_a, sem_a)
        unpack(1, srcu_b, dstu_b)
        gather(srcu_b, rows_b, sem_b)

        @pl.loop(0, C - 2, step=2)
        def _(j):
            wait_g(rows_a, sem_a)
            scat(dstu_a, rows_a)
            unpack(j + 2, srcu_a, dstu_a)
            gather(srcu_a, rows_a, sem_a)
            wait_g(rows_b, sem_b)
            scat(dstu_b, rows_b)
            unpack(j + 3, srcu_b, dstu_b)
            gather(srcu_b, rows_b, sem_b)

        wait_g(rows_a, sem_a)
        scat(dstu_a, rows_a)
        wait_g(rows_b, sem_b)
        scat(dstu_b, rows_b)

        plsc.subcore_barrier()

        pltpu.sync_copy(agg_sh.at[pl.ds(s * RPT, RPT)], agg_out.at[wid])

        if with_cnt:
            @pl.when(s == 0)
            def _():
                pltpu.sync_copy(cnt_sh, cnt_out.at[c])

    out_type = [jax.ShapeDtypeStruct((_NW, RPT, D), jnp.float32)]
    if with_cnt:
        out_type.append(jax.ShapeDtypeStruct((_NC, N_pad), jnp.float32))

    def wrapped(h, idxp, zrows, zcnt):
        def body_in(*args):
            if with_cnt:
                (h_hbm, idx_hbm, zrows_hbm, zcnt_hbm,
                 agg_out, cnt_out, *rest) = args
            else:
                (h_hbm, idx_hbm, zrows_hbm, zcnt_hbm,
                 agg_out, *rest) = args
                cnt_out = None
            body(h_hbm, idx_hbm, zrows_hbm, zcnt_hbm,
                 agg_out, cnt_out, *rest)

        return pl.kernel(
            body_in,
            out_type=out_type,
            mesh=mesh,
            scratch_types=[
                pltpu.VMEM((C, _K), jnp.int32),
                pltpu.VMEM((_K, D), jnp.float32),
                pltpu.VMEM((_K, D), jnp.float32),
                pltpu.VMEM((_K,), jnp.int32),
                pltpu.VMEM((_K,), jnp.int32),
                pltpu.VMEM((_K,), jnp.int32),
                pltpu.VMEM((_K,), jnp.int32),
                pltpu.VMEM((_K,), jnp.float32),
                pltpu.VMEM_SHARED((N_pad, D), jnp.float32),
                pltpu.VMEM_SHARED((N_pad,), jnp.float32),
                pltpu.SemaphoreType.DMA,
                pltpu.SemaphoreType.DMA,
            ],
        )(h, idxp, zrows, zcnt)

    return wrapped


def _dot(a, b):
    return jnp.dot(a, b, precision=lax.Precision.HIGHEST,
                   preferred_element_type=jnp.float32)


def _tc_layer_call(agg, cntT, h, Wl, bl, Wr, residual, head=None):
    N, D = h.shape
    BN = 1024
    grid = (pl.cdiv(N, BN),)

    def body(agg_ref, cnt_ref, h_ref, Wl_ref, bl_ref, Wr_ref, *rest):
        out_ref = rest[-1]
        cnt = cnt_ref[..., 0:1] + cnt_ref[..., 1:2]
        invc = 1.0 / jnp.maximum(cnt, 1.0)
        mean = (agg_ref[0] + agg_ref[1]) * invc
        h_blk = h_ref[...]
        y = _dot(mean, Wl_ref[...]) + bl_ref[...] + _dot(h_blk, Wr_ref[...])
        y = jnp.maximum(y, 0.0)
        if residual:
            y = y + h_blk
        if head is not None:
            Wh1_ref, bh1_ref, Wh2_ref, bh2_ref = rest[:4]
            t = jnp.maximum(_dot(y, Wh1_ref[...]) + bh1_ref[...], 0.0)
            y = _dot(t, Wh2_ref[...]) + bh2_ref[...]
        out_ref[...] = y

    w_spec = pl.BlockSpec((D, D), lambda i: (0, 0))
    b_spec = pl.BlockSpec((1, D), lambda i: (0, 0))
    in_specs = [
        pl.BlockSpec((_NC, BN, D), lambda i: (0, i, 0)),
        pl.BlockSpec((BN, _NC), lambda i: (i, 0)),
        pl.BlockSpec((BN, D), lambda i: (i, 0)),
        w_spec, b_spec, w_spec,
    ]
    args = [agg, cntT, h, Wl, bl.reshape(1, D), Wr]
    if head is not None:
        Wh1, bh1, Wh2, bh2 = head
        in_specs += [w_spec, b_spec, w_spec, b_spec]
        args += [Wh1, bh1.reshape(1, D), Wh2, bh2.reshape(1, D)]

    return pl.pallas_call(
        body,
        grid=grid,
        in_specs=in_specs,
        out_specs=pl.BlockSpec((BN, D), lambda i: (i, 0)),
        out_shape=jax.ShapeDtypeStruct((N, D), jnp.float32),
    )(*args)


def kernel(x, edge_index, Wl0, bl0, Wr0, Wl1, bl1, Wr1, Wl2, bl2, Wr2,
           Wh1, bh1, Wh2, bh2):
    N, D = x.shape
    E = edge_index.shape[1]
    C = 2 * pl.cdiv(E, _NW * _K * 2)
    E_pad = _NW * _K * C
    N_pad = pl.cdiv(N + 1, 128) * 128
    RPT = N_pad // _NS

    src = edge_index[0]
    dst = edge_index[1]
    pad = E_pad - E
    pad_ar = jnp.arange(pad, dtype=jnp.int32)
    pad_src = pad_ar % jnp.int32(N)
    pad_dst = jnp.int32(N) + pad_ar % jnp.int32(N_pad - N)
    srcp = jnp.concatenate([src, pad_src])
    dstp = jnp.concatenate([dst, pad_dst])
    idxp = (srcp | (dstp << jnp.int32(14))).reshape(_NW, C, _K)
    zrows = jnp.zeros((RPT, D), jnp.float32)
    zcnt = jnp.zeros((N_pad,), jnp.float32)

    sc_agg0 = _build_sc_agg(N_pad, D, C, True)
    sc_agg = _build_sc_agg(N_pad, D, C, False)
    layers = [(Wl0, bl0, Wr0), (Wl1, bl1, Wr1), (Wl2, bl2, Wr2)]

    h = x
    cntT = None
    for i, (Wl, bl, Wr) in enumerate(layers):
        if i == 0:
            agg_raw, cnt_raw = sc_agg0(h, idxp, zrows, zcnt)
            cntT = cnt_raw.T
        else:
            (agg_raw,) = sc_agg(h, idxp, zrows, zcnt)
        agg = agg_raw.reshape(_NC, N_pad, D)
        h = _tc_layer_call(agg, cntT, h, Wl, bl, Wr,
                           residual=(i > 0),
                           head=(Wh1, bh1, Wh2, bh2) if i == 2 else None)
    return h

# --- scband reference (transcript-rebuilt; emitter-appended) ---
"""Pipeline reference for scband-graph-sage-21964462751759 (READ-ONLY COPY).

The authoritative reference and input builder live on the scoring server;
editing this copy changes nothing except your own understanding.
"""

import jax, jax.numpy as jnp
import numpy as np

N = 10000
E = 320000
D = 128

def setup_inputs(seed: int = 0):
    key = jax.random.key(seed)
    ks = jax.random.split(key, 12)
    s = 1.0 / np.sqrt(D)
    inp = {}
    inp["x"] = jax.random.normal(ks[0], (N, D), dtype=jnp.float32)
    inp["edge_index"] = jax.random.randint(ks[1], (2, E), 0, N, dtype=jnp.int32)
    for i in range(3):
        inp[f"Wl{i}"] = jax.random.normal(ks[2 + 2 * i], (D, D), dtype=jnp.float32) * s
        inp[f"bl{i}"] = jnp.zeros((D,), dtype=jnp.float32)
        inp[f"Wr{i}"] = jax.random.normal(ks[3 + 2 * i], (D, D), dtype=jnp.float32) * s
    inp["Wh1"] = jax.random.normal(ks[8], (D, D), dtype=jnp.float32) * s
    inp["bh1"] = jnp.zeros((D,), dtype=jnp.float32)
    inp["Wh2"] = jax.random.normal(ks[9], (D, D), dtype=jnp.float32) * s
    inp["bh2"] = jnp.zeros((D,), dtype=jnp.float32)
    return inp

def _sage_conv(x, src, dst, Wl, bl, Wr):
    # PyG SAGEConv: out = lin_l(mean_{j in N(i)} x_j) + lin_r(x_i)
    msgs = jnp.take(x, src, axis=0)
    agg = jax.ops.segment_sum(msgs, dst, num_segments=N)
    cnt = jax.ops.segment_sum(jnp.ones((E,), dtype=x.dtype), dst, num_segments=N)
    mean = agg / jnp.clip(cnt, 1.0)[:, None]
    return mean @ Wl + bl + x @ Wr

def reference(x, edge_index, Wl0, bl0, Wr0, Wl1, bl1, Wr1, Wl2, bl2, Wr2, Wh1, bh1, Wh2, bh2):
    src = edge_index[0]
    dst = edge_index[1]
    layers = [(Wl0, bl0, Wr0), (Wl1, bl1, Wr1), (Wl2, bl2, Wr2)]
    h = x
    for i, (Wl, bl, Wr) in enumerate(layers):
        h_prev = h
        h = _sage_conv(h, src, dst, Wl, bl, Wr)
        # norm='none' -> identity; dropout=0.0 -> identity
        h = jax.nn.relu(h)
        if i > 0:
            h = h + h_prev
    # jk='last' -> take last hidden state
    h = jax.nn.relu(h @ Wh1 + bh1)
    return h @ Wh2 + bh2

if __name__ == "__main__":
    import jax
    _d = setup_inputs()
    print(jax.jit(kernel)(*tuple(_d.values())))

</pallas_src>

<mosaic_0001>
#map = affine_map<(d0, d1) -> (0, 0)>
#map1 = affine_map<(d0, d1) -> (0, 0, 0)>
#map2 = affine_map<(d0, d1) -> (0)>
module attributes {stable_mosaic.version = 14 : i64} {
  func.func @body_in(%arg0: i32, %arg1: i32, %arg2: memref<10000x128xf32, #tpu.memory_space<hbm>>, %arg3: memref<32x80x128xi32, #tpu.memory_space<hbm>>, %arg4: memref<632x128xf32, #tpu.memory_space<hbm>>, %arg5: memref<10112xf32, #tpu.memory_space<hbm>>, %arg6: memref<32x632x128xf32, #tpu.memory_space<hbm>>, %arg7: memref<80x128xi32, #tpu.memory_space<vmem>>, %arg8: memref<128x128xf32, #tpu.memory_space<vmem>>, %arg9: memref<128x128xf32, #tpu.memory_space<vmem>>, %arg10: memref<128xi32, #tpu.memory_space<vmem>>, %arg11: memref<128xi32, #tpu.memory_space<vmem>>, %arg12: memref<128xi32, #tpu.memory_space<vmem>>, %arg13: memref<128xi32, #tpu.memory_space<vmem>>, %arg14: memref<128xf32, #tpu.memory_space<vmem>>, %arg15: memref<10112x128xf32, #tpu.memory_space<vmem_shared>>, %arg16: memref<10112xf32, #tpu.memory_space<vmem_shared>>, %arg17: memref<!tpu.dma_semaphore, #tpu.memory_space<semaphore_mem>>, %arg18: memref<!tpu.dma_semaphore, #tpu.memory_space<semaphore_mem>>) attributes {dimension_semantics = [#tpu.dimension_semantics<core_parallel>, #tpu.dimension_semantics<subcore_parallel>], iteration_bounds = array<i64: 2, 16>, scalar_prefetch = 0 : i64, scratch_operands = 12 : i64, tpu.core_type = #tpu.core_type<sc_vector_subcore>, window_params = [{transform_indices = #map}, {transform_indices = #map1}, {transform_indices = #map}, {transform_indices = #map2}, {transform_indices = #map1}]} {
    %mul3A = arith.constant 16 : i32
    %mul3A_0 = arith.muli %arg0, %mul3A : i32
    %add3A = arith.addi %mul3A_0, %arg1 : i32
    %mul3A_1 = arith.constant 632 : i32
    %mul3A_2 = arith.muli %arg1, %mul3A_1 : i32
    "tpu.region"() ({
      %run_scoped3A = tpu.sem_alloc : memref<!tpu.dma_semaphore, #tpu.memory_space<semaphore_mem>>
      %dma_start3A_320 = arith.constant 0 : i32
      %dma_start3A_321 = tpu.memref_slice %arg15[%mul3A_2, %dma_start3A_320] : memref<10112x128xf32, #tpu.memory_space<vmem_shared>> -> memref<632x128xf32, #tpu.memory_space<vmem_shared>>
      tpu.enqueue_dma source(%arg4 : memref<632x128xf32, #tpu.memory_space<hbm>>) target(%dma_start3A_321 : memref<632x128xf32, #tpu.memory_space<vmem_shared>>) target_semaphore(%run_scoped3A : memref<!tpu.dma_semaphore, #tpu.memory_space<semaphore_mem>>)
      %dma_wait3A_322 = arith.constant 0 : i32
      %dma_wait3A_323 = tpu.memref_slice %arg15[%mul3A_2, %dma_wait3A_322] : memref<10112x128xf32, #tpu.memory_space<vmem_shared>> -> memref<632x128xf32, #tpu.memory_space<vmem_shared>>
      tpu.wait_dma2 semaphore(%run_scoped3A : memref<!tpu.dma_semaphore, #tpu.memory_space<semaphore_mem>>) src(%arg4 : memref<632x128xf32, #tpu.memory_space<hbm>>) dst(%dma_wait3A_323 : memref<632x128xf32, #tpu.memory_space<vmem_shared>>)
      tpu.yield
    }) : () -> ()
    "tpu.region"() ({
      %run_scoped3A = tpu.sem_alloc : memref<!tpu.dma_semaphore, #tpu.memory_space<semaphore_mem>>
      %dma_start3A_320 = arith.constant 0 : i32
      %dma_start3A_321 = arith.constant 0 : i32
      %dma_start3A_322 = tpu.memref_slice %arg3[%add3A, %dma_start3A_320, %dma_start3A_321] : memref<32x80x128xi32, #tpu.memory_space<hbm>> -> memref<1x80x128xi32, #tpu.memory_space<hbm>>
      %dma_start3A_323 = tpu.memref_squeeze %dma_start3A_322 : memref<1x80x128xi32, #tpu.memory_space<hbm>> -> memref<80x128xi32, #tpu.memory_space<hbm>>
      %dma_start3A_324 = arith.constant 0 : i32
      %dma_start3A_325 = arith.constant 0 : i32
      %dma_start3A_326 = tpu.memref_slice %arg3[%add3A, %dma_start3A_324, %dma_start3A_325] : memref<32x80x128xi32, #tpu.memory_space<hbm>> -> memref<1x80x128xi32, #tpu.memory_space<hbm>>
      %dma_start3A_327 = tpu.memref_squeeze %dma_start3A_326 : memref<1x80x128xi32, #tpu.memory_space<hbm>> -> memref<80x128xi32, #tpu.memory_space<hbm>>
      tpu.enqueue_dma source(%dma_start3A_327 : memref<80x128xi32, #tpu.memory_space<hbm>>) target(%arg7 : memref<80x128xi32, #tpu.memory_space<vmem>>) target_semaphore(%run_scoped3A : memref<!tpu.dma_semaphore, #tpu.memory_space<semaphore_mem>>)
      %dma_wait3A_328 = arith.constant 0 : i32
      %dma_wait3A_329 = arith.constant 0 : i32
      %dma_wait3A_330 = tpu.memref_slice %arg3[%add3A, %dma_wait3A_328, %dma_wait3A_329] : memref<32x80x128xi32, #tpu.memory_space<hbm>> -> memref<1x80x128xi32, #tpu.memory_space<hbm>>
      %dma_wait3A_331 = tpu.memref_squeeze %dma_wait3A_330 : memref<1x80x128xi32, #tpu.memory_space<hbm>> -> memref<80x128xi32, #tpu.memory_space<hbm>>
      %dma_wait3A_332 = arith.constant 0 : i32
      %dma_wait3A_333 = arith.constant 0 : i32
      %dma_wait3A_334 = tpu.memref_slice %arg3[%add3A, %dma_wait3A_332, %dma_wait3A_333] : memref<32x80x128xi32, #tpu.memory_space<hbm>> -> memref<1x80x128xi32, #tpu.memory_space<hbm>>
      %dma_wait3A_335 = tpu.memref_squeeze %dma_wait3A_334 : memref<1x80x128xi32, #tpu.memory_space<hbm>> -> memref<80x128xi32, #tpu.memory_space<hbm>>
      tpu.wait_dma2 semaphore(%run_scoped3A : memref<!tpu.dma_semaphore, #tpu.memory_space<semaphore_mem>>) src(%dma_wait3A_335 : memref<80x128xi32, #tpu.memory_space<hbm>>) dst(%arg7 : memref<80x128xi32, #tpu.memory_space<vmem>>)
      tpu.yield
    }) : () -> ()
    %barrier3A = arith.constant 0 : index
    tpu.barrier barrier_id(%barrier3A)
    %get3A = arith.constant 0 : i32
    %get3A_3 = arith.index_cast %get3A : i32 to index
    %get3A_4 = arith.constant 0 : index
    %get3A_5 = tpu.vector_load %arg7[%get3A_3, %get3A_4] {strides = array<i32>} : memref<80x128xi32, #tpu.memory_space<vmem>>, vector<1x16xi32>,
    %get3A_6 = vector.shape_cast %get3A_5 : vector<1x16xi32> to vector<16xi32>
    %and3A = arith.constant 16383 : i32
    %and3A_7 = vector.broadcast %and3A : i32 to vector<16xi32>
    %and3A_8 = arith.andi %get3A_6, %and3A_7 : vector<16xi32>
    %swap3A = arith.constant 0 : index
    %swap3A_9 = tpu.vector_load %arg10[%swap3A] {strides = array<i32>} : memref<128xi32, #tpu.memory_space<vmem>>, vector<16xi32>,
    %swap3A_10 = vector.shape_cast %swap3A_9 : vector<16xi32> to vector<16xi32>
    %swap3A_11 = vector.shape_cast %and3A_8 : vector<16xi32> to vector<16xi32>
    tpu.vector_store %arg10[%swap3A], %swap3A_11 {strides = array<i32>} : memref<128xi32, #tpu.memory_space<vmem>>, vector<16xi32>,
    %shift_right_arithmetic3A = arith.constant 14 : i32
    %shift_right_arithmetic3A_12 = vector.broadcast %shift_right_arithmetic3A : i32 to vector<16xi32>
    %shift_right_arithmetic3A_13 = arith.shrsi %get3A_6, %shift_right_arithmetic3A_12 : vector<16xi32>
    %swap3A_14 = arith.constant 0 : index
    %swap3A_15 = tpu.vector_load %arg11[%swap3A_14] {strides = array<i32>} : memref<128xi32, #tpu.memory_space<vmem>>, vector<16xi32>,
    %swap3A_16 = vector.shape_cast %swap3A_15 : vector<16xi32> to vector<16xi32>
    %swap3A_17 = vector.shape_cast %shift_right_arithmetic3A_13 : vector<16xi32> to vector<16xi32>
    tpu.vector_store %arg11[%swap3A_14], %swap3A_17 {strides = array<i32>} : memref<128xi32, #tpu.memory_space<vmem>>, vector<16xi32>,
    %get3A_18 = arith.constant 0 : i32
    %get3A_19 = arith.index_cast %get3A_18 : i32 to index
    %get3A_20 = arith.constant 16 : index
    %get3A_21 = tpu.vector_load %arg7[%get3A_19, %get3A_20] {strides = array<i32>} : memref<80x128xi32, #tpu.memory_space<vmem>>, vector<1x16xi32>,
    %get3A_22 = vector.shape_cast %get3A_21 : vector<1x16xi32> to vector<16xi32>
    %and3A_23 = arith.constant 16383 : i32
    %and3A_24 = vector.broadcast %and3A_23 : i32 to vector<16xi32>
    %and3A_25 = arith.andi %get3A_22, %and3A_24 : vector<16xi32>
    %swap3A_26 = arith.constant 16 : index
    %swap3A_27 = tpu.vector_load %arg10[%swap3A_26] {strides = array<i32>} : memref<128xi32, #tpu.memory_space<vmem>>, vector<16xi32>,
    %swap3A_28 = vector.shape_cast %swap3A_27 : vector<16xi32> to vector<16xi32>
    %swap3A_29 = vector.shape_cast %and3A_25 : vector<16xi32> to vector<16xi32>
    tpu.vector_store %arg10[%swap3A_26], %swap3A_29 {strides = array<i32>} : memref<128xi32, #tpu.memory_space<vmem>>, vector<16xi32>,
    %shift_right_arithmetic3A_30 = arith.constant 14 : i32
    %shift_right_arithmetic3A_31 = vector.broadcast %shift_right_arithmetic3A_30 : i32 to vector<16xi32>
    %shift_right_arithmetic3A_32 = arith.shrsi %get3A_22, %shift_right_arithmetic3A_31 : vector<16xi32>
    %swap3A_33 = arith.constant 16 : index
    %swap3A_34 = tpu.vector_load %arg11[%swap3A_33] {strides = array<i32>} : memref<128xi32, #tpu.memory_space<vmem>>, vector<16xi32>,
    %swap3A_35 = vector.shape_cast %swap3A_34 : vector<16xi32> to vector<16xi32>
    %swap3A_36 = vector.shape_cast %shift_right_arithmetic3A_32 : vector<16xi32> to vector<16xi32>
    tpu.vector_store %arg11[%swap3A_33], %swap3A_36 {strides = array<i32>} : memref<128xi32, #tpu.memory_space<vmem>>, vector<16xi32>,
    %get3A_37 = arith.constant 0 : i32
    %get3A_38 = arith.index_cast %get3A_37 : i32 to index
    %get3A_39 = arith.constant 32 : index
    %get3A_40 = tpu.vector_load %arg7[%get3A_38, %get3A_39] {strides = array<i32>} : memref<80x128xi32, #tpu.memory_space<vmem>>, vector<1x16xi32>,
    %get3A_41 = vector.shape_cast %get3A_40 : vector<1x16xi32> to vector<16xi32>
    %and3A_42 = arith.constant 16383 : i32
    %and3A_43 = vector.broadcast %and3A_42 : i32 to vector<16xi32>
    %and3A_44 = arith.andi %get3A_41, %and3A_43 : vector<16xi32>
    %swap3A_45 = arith.constant 32 : index
    %swap3A_46 = tpu.vector_load %arg10[%swap3A_45] {strides = array<i32>} : memref<128xi32, #tpu.memory_space<vmem>>, vector<16xi32>,
    %swap3A_47 = vector.shape_cast %swap3A_46 : vector<16xi32> to vector<16xi32>
    %swap3A_48 = vector.shape_cast %and3A_44 : vector<16xi32> to vector<16xi32>
    tpu.vector_store %arg10[%swap3A_45], %swap3A_48 {strides = array<i32>} : memref<128xi32, #tpu.memory_space<vmem>>, vector<16xi32>,
    %shift_right_arithmetic3A_49 = arith.constant 14 : i32
    %shift_right_arithmetic3A_50 = vector.broadcast %shift_right_arithmetic3A_49 : i32 to vector<16xi32>
    %shift_right_arithmetic3A_51 = arith.shrsi %get3A_41, %shift_right_arithmetic3A_50 : vector<16xi32>
    %swap3A_52 = arith.constant 32 : index
    %swap3A_53 = tpu.vector_load %arg11[%swap3A_52] {strides = array<i32>} : memref<128xi32, #tpu.memory_space<vmem>>, vector<16xi32>,
    %swap3A_54 = vector.shape_cast %swap3A_53 : vector<16xi32> to vector<16xi32>
    %swap3A_55 = vector.shape_cast %shift_right_arithmetic3A_51 : vector<16xi32> to vector<16xi32>
    tpu.vector_store %arg11[%swap3A_52], %swap3A_55 {strides = array<i32>} : memref<128xi32, #tpu.memory_space<vmem>>, vector<16xi32>,
    %get3A_56 = arith.constant 0 : i32
    %get3A_57 = arith.index_cast %get3A_56 : i32 to index
    %get3A_58 = arith.constant 48 : index
    %get3A_59 = tpu.vector_load %arg7[%get3A_57, %get3A_58] {strides = array<i32>} : memref<80x128xi32, #tpu.memory_space<vmem>>, vector<1x16xi32>,
    %get3A_60 = vector.shape_cast %get3A_59 : vector<1x16xi32> to vector<16xi32>
    %and3A_61 = arith.constant 16383 : i32
    %and3A_62 = vector.broadcast %and3A_61 : i32 to vector<16xi32>
    %and3A_63 = arith.andi %get3A_60, %and3A_62 : vector<16xi32>
    %swap3A_64 = arith.constant 48 : index
    %swap3A_65 = tpu.vector_load %arg10[%swap3A_64] {strides = array<i32>} : memref<128xi32, #tpu.memory_space<vmem>>, vector<16xi32>,
    %swap3A_66 = vector.shape_cast %swap3A_65 : vector<16xi32> to vector<16xi32>
    %swap3A_67 = vector.shape_cast %and3A_63 : vector<16xi32> to vector<16xi32>
    tpu.vector_store %arg10[%swap3A_64], %swap3A_67 {strides = array<i32>} : memref<128xi32, #tpu.memory_space<vmem>>, vector<16xi32>,
    %shift_right_arithmetic3A_68 = arith.constant 14 : i32
    %shift_right_arithmetic3A_69 = vector.broadcast %shift_right_arithmetic3A_68 : i32 to vector<16xi32>
    %shift_right_arithmetic3A_70 = arith.shrsi %get3A_60, %shift_right_arithmetic3A_69 : vector<16xi32>
    %swap3A_71 = arith.constant 48 : index
    %swap3A_72 = tpu.vector_load %arg11[%swap3A_71] {strides = array<i32>} : memref<128xi32, #tpu.memory_space<vmem>>, vector<16xi32>,
    %swap3A_73 = vector.shape_cast %swap3A_72 : vector<16xi32> to vector<16xi32>
    %swap3A_74 = vector.shape_cast %shift_right_arithmetic3A_70 : vector<16xi32> to vector<16xi32>
    tpu.vector_store %arg11[%swap3A_71], %swap3A_74 {strides = array<i32>} : memref<128xi32, #tpu.memory_space<vmem>>, vector<16xi32>,
    %get3A_75 = arith.constant 0 : i32
    %get3A_76 = arith.index_cast %get3A_75 : i32 to index
    %get3A_77 = arith.constant 64 : index
    %get3A_78 = tpu.vector_load %arg7[%get3A_76, %get3A_77] {strides = array<i32>} : memref<80x128xi32, #tpu.memory_space<vmem>>, vector<1x16xi32>,
    %get3A_79 = vector.shape_cast %get3A_78 : vector<1x16xi32> to vector<16xi32>
    %and3A_80 = arith.constant 16383 : i32
    %and3A_81 = vector.broadcast %and3A_80 : i32 to vector<16xi32>
    %and3A_82 = arith.andi %get3A_79, %and3A_81 : vector<16xi32>
    %swap3A_83 = arith.constant 64 : index
    %swap3A_84 = tpu.vector_load %arg10[%swap3A_83] {strides = array<i32>} : memref<128xi32, #tpu.memory_space<vmem>>, vector<16xi32>,
    %swap3A_85 = vector.shape_cast %swap3A_84 : vector<16xi32> to vector<16xi32>
    %swap3A_86 = vector.shape_cast %and3A_82 : vector<16xi32> to vector<16xi32>
    tpu.vector_store %arg10[%swap3A_83], %swap3A_86 {strides = array<i32>} : memref<128xi32, #tpu.memory_space<vmem>>, vector<16xi32>,
    %shift_right_arithmetic3A_87 = arith.constant 14 : i32
    %shift_right_arithmetic3A_88 = vector.broadcast %shift_right_arithmetic3A_87 : i32 to vector<16xi32>
    %shift_right_arithmetic3A_89 = arith.shrsi %get3A_79, %shift_right_arithmetic3A_88 : vector<16xi32>
    %swap3A_90 = arith.constant 64 : index
    %swap3A_91 = tpu.vector_load %arg11[%swap3A_90] {strides = array<i32>} : memref<128xi32, #tpu.memory_space<vmem>>, vector<16xi32>,
    %swap3A_92 = vector.shape_cast %swap3A_91 : vector<16xi32> to vector<16xi32>
    %swap3A_93 = vector.shape_cast %shift_right_arithmetic3A_89 : vector<16xi32> to vector<16xi32>
    tpu.vector_store %arg11[%swap3A_90], %swap3A_93 {strides = array<i32>} : memref<128xi32, #tpu.memory_space<vmem>>, vector<16xi32>,
    %get3A_94 = arith.constant 0 : i32
    %get3A_95 = arith.index_cast %get3A_94 : i32 to index
    %get3A_96 = arith.constant 80 : index
    %get3A_97 = tpu.vector_load %arg7[%get3A_95, %get3A_96] {strides = array<i32>} : memref<80x128xi32, #tpu.memory_space<vmem>>, vector<1x16xi32>,
    %get3A_98 = vector.shape_cast %get3A_97 : vector<1x16xi32> to vector<16xi32>
    %and3A_99 = arith.constant 16383 : i32
    %and3A_100 = vector.broadcast %and3A_99 : i32 to vector<16xi32>
    %and3A_101 = arith.andi %get3A_98, %and3A_100 : vector<16xi32>
    %swap3A_102 = arith.constant 80 : index
    %swap3A_103 = tpu.vector_load %arg10[%swap3A_102] {strides = array<i32>} : memref<128xi32, #tpu.memory_space<vmem>>, vector<16xi32>,
    %swap3A_104 = vector.shape_cast %swap3A_103 : vector<16xi32> to vector<16xi32>
    %swap3A_105 = vector.shape_cast %and3A_101 : vector<16xi32> to vector<16xi32>
    tpu.vector_store %arg10[%swap3A_102], %swap3A_105 {strides = array<i32>} : memref<128xi32, #tpu.memory_space<vmem>>, vector<16xi32>,
    %shift_right_arithmetic3A_106 = arith.constant 14 : i32
    %shift_right_arithmetic3A_107 = vector.broadcast %shift_right_arithmetic3A_106 : i32 to vector<16xi32>
    %shift_right_arithmetic3A_108 = arith.shrsi %get3A_98, %shift_right_arithmetic3A_107 : vector<16xi32>
    %swap3A_109 = arith.constant 80 : index
    %swap3A_110 = tpu.vector_load %arg11[%swap3A_109] {strides = array<i32>} : memref<128xi32, #tpu.memory_space<vmem>>, vector<16xi32>,
    %swap3A_111 = vector.shape_cast %swap3A_110 : vector<16xi32> to vector<16xi32>
    %swap3A_112 = vector.shape_cast %shift_right_arithmetic3A_108 : vector<16xi32> to vector<16xi32>
    tpu.vector_store %arg11[%swap3A_109], %swap3A_112 {strides = array<i32>} : memref<128xi32, #tpu.memory_space<vmem>>, vector<16xi32>,
    %get3A_113 = arith.constant 0 : i32
    %get3A_114 = arith.index_cast %get3A_113 : i32 to index
    %get3A_115 = arith.constant 96 : index
    %get3A_116 = tpu.vector_load %arg7[%get3A_114, %get3A_115] {strides = array<i32>} : memref<80x128xi32, #tpu.memory_space<vmem>>, vector<1x16xi32>,
    %get3A_117 = vector.shape_cast %get3A_116 : vector<1x16xi32> to vector<16xi32>
    %and3A_118 = arith.constant 16383 : i32
    %and3A_119 = vector.broadcast %and3A_118 : i32 to vector<16xi32>
    %and3A_120 = arith.andi %get3A_117, %and3A_119 : vector<16xi32>
    %swap3A_121 = arith.constant 96 : index
    %swap3A_122 = tpu.vector_load %arg10[%swap3A_121] {strides = array<i32>} : memref<128xi32, #tpu.memory_space<vmem>>, vector<16xi32>,
    %swap3A_123 = vector.shape_cast %swap3A_122 : vector<16xi32> to vector<16xi32>
    %swap3A_124 = vector.shape_cast %and3A_120 : vector<16xi32> to vector<16xi32>
    tpu.vector_store %arg10[%swap3A_121], %swap3A_124 {strides = array<i32>} : memref<128xi32, #tpu.memory_space<vmem>>, vector<16xi32>,
    %shift_right_arithmetic3A_125 = arith.constant 14 : i32
    %shift_right_arithmetic3A_126 = vector.broadcast %shift_right_arithmetic3A_125 : i32 to vector<16xi32>
    %shift_right_arithmetic3A_127 = arith.shrsi %get3A_117, %shift_right_arithmetic3A_126 : vector<16xi32>
    %swap3A_128 = arith.constant 96 : index
    %swap3A_129 = tpu.vector_load %arg11[%swap3A_128] {strides = array<i32>} : memref<128xi32, #tpu.memory_space<vmem>>, vector<16xi32>,
    %swap3A_130 = vector.shape_cast %swap3A_129 : vector<16xi32> to vector<16xi32>
    %swap3A_131 = vector.shape_cast %shift_right_arithmetic3A_127 : vector<16xi32> to vector<16xi32>
    tpu.vector_store %arg11[%swap3A_128], %swap3A_131 {strides = array<i32>} : memref<128xi32, #tpu.memory_space<vmem>>, vector<16xi32>,
    %get3A_132 = arith.constant 0 : i32
    %get3A_133 = arith.index_cast %get3A_132 : i32 to index
    %get3A_134 = arith.constant 112 : index
    %get3A_135 = tpu.vector_load %arg7[%get3A_133, %get3A_134] {strides = array<i32>} : memref<80x128xi32, #tpu.memory_space<vmem>>, vector<1x16xi32>,
    %get3A_136 = vector.shape_cast %get3A_135 : vector<1x16xi32> to vector<16xi32>
    %and3A_137 = arith.constant 16383 : i32
    %and3A_138 = vector.broadcast %and3A_137 : i32 to vector<16xi32>
    %and3A_139 = arith.andi %get3A_136, %and3A_138 : vector<16xi32>
    %swap3A_140 = arith.constant 112 : index
    %swap3A_141 = tpu.vector_load %arg10[%swap3A_140] {strides = array<i32>} : memref<128xi32, #tpu.memory_space<vmem>>, vector<16xi32>,
    %swap3A_142 = vector.shape_cast %swap3A_141 : vector<16xi32> to vector<16xi32>
    %swap3A_143 = vector.shape_cast %and3A_139 : vector<16xi32> to vector<16xi32>
    tpu.vector_store %arg10[%swap3A_140], %swap3A_143 {strides = array<i32>} : memref<128xi32, #tpu.memory_space<vmem>>, vector<16xi32>,
    %shift_right_arithmetic3A_144 = arith.constant 14 : i32
    %shift_right_arithmetic3A_145 = vector.broadcast %shift_right_arithmetic3A_144 : i32 to vector<16xi32>
    %shift_right_arithmetic3A_146 = arith.shrsi %get3A_136, %shift_right_arithmetic3A_145 : vector<16xi32>
    %swap3A_147 = arith.constant 112 : index
    %swap3A_148 = tpu.vector_load %arg11[%swap3A_147] {strides = array<i32>} : memref<128xi32, #tpu.memory_space<vmem>>, vector<16xi32>,
    %swap3A_149 = vector.shape_cast %swap3A_148 : vector<16xi32> to vector<16xi32>
    %swap3A_150 = vector.shape_cast %shift_right_arithmetic3A_146 : vector<16xi32> to vector<16xi32>
    tpu.vector_store %arg11[%swap3A_147], %swap3A_150 {strides = array<i32>} : memref<128xi32, #tpu.memory_space<vmem>>, vector<16xi32>,
    %dma_start3A = arith.constant 0 : i32
    %dma_start3A_151 = arith.constant 0 : i32
    %dma_start3A_152 = tpu.memref_slice %arg2[%dma_start3A, %dma_start3A_151] : memref<10000x128xf32, #tpu.memory_space<hbm>> -> memref<10000x128xf32, #tpu.memory_space<hbm>>
    tpu.enqueue_indirect_dma source(%dma_start3A_152 : memref<10000x128xf32, #tpu.memory_space<hbm>>) target(%arg8 : memref<128x128xf32, #tpu.memory_space<vmem>>) offsets(%arg10 : memref<128xi32, #tpu.memory_space<vmem>>) semaphore(%arg17 : memref<!tpu.dma_semaphore, #tpu.memory_space<semaphore_mem>>)
    %get3A_153 = arith.constant 1 : i32
    %get3A_154 = arith.index_cast %get3A_153 : i32 to index
    %get3A_155 = arith.constant 0 : index
    %get3A_156 = tpu.vector_load %arg7[%get3A_154, %get3A_155] {strides = array<i32>} : memref<80x128xi32, #tpu.memory_space<vmem>>, vector<1x16xi32>,
    %get3A_157 = vector.shape_cast %get3A_156 : vector<1x16xi32> to vector<16xi32>
    %and3A_158 = arith.constant 16383 : i32
    %and3A_159 = vector.broadcast %and3A_158 : i32 to vector<16xi32>
    %and3A_160 = arith.andi %get3A_157, %and3A_159 : vector<16xi32>
    %swap3A_161 = arith.constant 0 : index
    %swap3A_162 = tpu.vector_load %arg12[%swap3A_161] {strides = array<i32>} : memref<128xi32, #tpu.memory_space<vmem>>, vector<16xi32>,
    %swap3A_163 = vector.shape_cast %swap3A_162 : vector<16xi32> to vector<16xi32>
    %swap3A_164 = vector.shape_cast %and3A_160 : vector<16xi32> to vector<16xi32>
    tpu.vector_store %arg12[%swap3A_161], %swap3A_164 {strides = array<i32>} : memref<128xi32, #tpu.memory_space<vmem>>, vector<16xi32>,
    %shift_right_arithmetic3A_165 = arith.constant 14 : i32
    %shift_right_arithmetic3A_166 = vector.broadcast %shift_right_arithmetic3A_165 : i32 to vector<16xi32>
    %shift_right_arithmetic3A_167 = arith.shrsi %get3A_157, %shift_right_arithmetic3A_166 : vector<16xi32>
    %swap3A_168 = arith.constant 0 : index
    %swap3A_169 = tpu.vector_load %arg13[%swap3A_168] {strides = array<i32>} : memref<128xi32, #tpu.memory_space<vmem>>, vector<16xi32>,
    %swap3A_170 = vector.shape_cast %swap3A_169 : vector<16xi32> to vector<16xi32>
    %swap3A_171 = vector.shape_cast %shift_right_arithmetic3A_167 : vector<16xi32> to vector<16xi32>
    tpu.vector_store %arg13[%swap3A_168], %swap3A_171 {strides = array<i32>} : memref<128xi32, #tpu.memory_space<vmem>>, vector<16xi32>,
    %get3A_172 = arith.constant 1 : i32
    %get3A_173 = arith.index_cast %get3A_172 : i32 to index
    %get3A_174 = arith.constant 16 : index
    %get3A_175 = tpu.vector_load %arg7[%get3A_173, %get3A_174] {strides = array<i32>} : memref<80x128xi32, #tpu.memory_space<vmem>>, vector<1x16xi32>,
    %get3A_176 = vector.shape_cast %get3A_175 : vector<1x16xi32> to vector<16xi32>
    %and3A_177 = arith.constant 16383 : i32
    %and3A_178 = vector.broadcast %and3A_177 : i32 to vector<16xi32>
    %and3A_179 = arith.andi %get3A_176, %and3A_178 : vector<16xi32>
    %swap3A_180 = arith.constant 16 : index
    %swap3A_181 = tpu.vector_load %arg12[%swap3A_180] {strides = array<i32>} : memref<128xi32, #tpu.memory_space<vmem>>, vector<16xi32>,
    %swap3A_182 = vector.shape_cast %swap3A_181 : vector<16xi32> to vector<16xi32>
    %swap3A_183 = vector.shape_cast %and3A_179 : vector<16xi32> to vector<16xi32>
    tpu.vector_store %arg12[%swap3A_180], %swap3A_183 {strides = array<i32>} : memref<128xi32, #tpu.memory_space<vmem>>, vector<16xi32>,
    %shift_right_arithmetic3A_184 = arith.constant 14 : i32
    %shift_right_arithmetic3A_185 = vector.broadcast %shift_right_arithmetic3A_184 : i32 to vector<16xi32>
    %shift_right_arithmetic3A_186 = arith.shrsi %get3A_176, %shift_right_arithmetic3A_185 : vector<16xi32>
    %swap3A_187 = arith.constant 16 : index
    %swap3A_188 = tpu.vector_load %arg13[%swap3A_187] {strides = array<i32>} : memref<128xi32, #tpu.memory_space<vmem>>, vector<16xi32>,
    %swap3A_189 = vector.shape_cast %swap3A_188 : vector<16xi32> to vector<16xi32>
    %swap3A_190 = vector.shape_cast %shift_right_arithmetic3A_186 : vector<16xi32> to vector<16xi32>
    tpu.vector_store %arg13[%swap3A_187], %swap3A_190 {strides = array<i32>} : memref<128xi32, #tpu.memory_space<vmem>>, vector<16xi32>,
    %get3A_191 = arith.constant 1 : i32
    %get3A_192 = arith.index_cast %get3A_191 : i32 to index
    %get3A_193 = arith.constant 32 : index
    %get3A_194 = tpu.vector_load %arg7[%get3A_192, %get3A_193] {strides = array<i32>} : memref<80x128xi32, #tpu.memory_space<vmem>>, vector<1x16xi32>,
    %get3A_195 = vector.shape_cast %get3A_194 : vector<1x16xi32> to vector<16xi32>
    %and3A_196 = arith.constant 16383 : i32
    %and3A_197 = vector.broadcast %and3A_196 : i32 to vector<16xi32>
    %and3A_198 = arith.andi %get3A_195, %and3A_197 : vector<16xi32>
    %swap3A_199 = arith.constant 32 : index
    %swap3A_200 = tpu.vector_load %arg12[%swap3A_199] {strides = array<i32>} : memref<128xi32, #tpu.memory_space<vmem>>, vector<16xi32>,
    %swap3A_201 = vector.shape_cast %swap3A_200 : vector<16xi32> to vector<16xi32>
    %swap3A_202 = vector.shape_cast %and3A_198 : vector<16xi32> to vector<16xi32>
    tpu.vector_store %arg12[%swap3A_199], %swap3A_202 {strides = array<i32>} : memref<128xi32, #tpu.memory_space<vmem>>, vector<16xi32>,
    %shift_right_arithmetic3A_203 = arith.constant 14 : i32
    %shift_right_arithmetic3A_204 = vector.broadcast %shift_right_arithmetic3A_203 : i32 to vector<16xi32>
    %shift_right_arithmetic3A_205 = arith.shrsi %get3A_195, %shift_right_arithmetic3A_204 : vector<16xi32>
    %swap3A_206 = arith.constant 32 : index
    %swap3A_207 = tpu.vector_load %arg13[%swap3A_206] {strides = array<i32>} : memref<128xi32, #tpu.memory_space<vmem>>, vector<16xi32>,
    %swap3A_208 = vector.shape_cast %swap3A_207 : vector<16xi32> to vector<16xi32>
    %swap3A_209 = vector.shape_cast %shift_right_arithmetic3A_205 : vector<16xi32> to vector<16xi32>
    tpu.vector_store %arg13[%swap3A_206], %swap3A_209 {strides = array<i32>} : memref<128xi32, #tpu.memory_space<vmem>>, vector<16xi32>,
    %get3A_210 = arith.constant 1 : i32
    %get3A_211 = arith.index_cast %get3A_210 : i32 to index
    %get3A_212 = arith.constant 48 : index
    %get3A_213 = tpu.vector_load %arg7[%get3A_211, %get3A_212] {strides = array<i32>} : memref<80x128xi32, #tpu.memory_space<vmem>>, vector<1x16xi32>,
    %get3A_214 = vector.shape_cast %get3A_213 : vector<1x16xi32> to vector<16xi32>
    %and3A_215 = arith.constant 16383 : i32
    %and3A_216 = vector.broadcast %and3A_215 : i32 to vector<16xi32>
    %and3A_217 = arith.andi %get3A_214, %and3A_216 : vector<16xi32>
    %swap3A_218 = arith.constant 48 : index
    %swap3A_219 = tpu.vector_load %arg12[%swap3A_218] {strides = array<i32>} : memref<128xi32, #tpu.memory_space<vmem>>, vector<16xi32>,
    %swap3A_220 = vector.shape_cast %swap3A_219 : vector<16xi32> to vector<16xi32>
    %swap3A_221 = vector.shape_cast %and3A_217 : vector<16xi32> to vector<16xi32>
    tpu.vector_store %arg12[%swap3A_218], %swap3A_221 {strides = array<i32>} : memref<128xi32, #tpu.memory_space<vmem>>, vector<16xi32>,
    %shift_right_arithmetic3A_222 = arith.constant 14 : i32
    %shift_right_arithmetic3A_223 = vector.broadcast %shift_right_arithmetic3A_222 : i32 to vector<16xi32>
    %shift_right_arithmetic3A_224 = arith.shrsi %get3A_214, %shift_right_arithmetic3A_223 : vector<16xi32>
    %swap3A_225 = arith.constant 48 : index
    %swap3A_226 = tpu.vector_load %arg13[%swap3A_225] {strides = array<i32>} : memref<128xi32, #tpu.memory_space<vmem>>, vector<16xi32>,
    %swap3A_227 = vector.shape_cast %swap3A_226 : vector<16xi32> to vector<16xi32>
    %swap3A_228 = vector.shape_cast %shift_right_arithmetic3A_224 : vector<16xi32> to vector<16xi32>
    tpu.vector_store %arg13[%swap3A_225], %swap3A_228 {strides = array<i32>} : memref<128xi32, #tpu.memory_space<vmem>>, vector<16xi32>,
    %get3A_229 = arith.constant 1 : i32
    %get3A_230 = arith.index_cast %get3A_229 : i32 to index
    %get3A_231 = arith.constant 64 : index
    %get3A_232 = tpu.vector_load %arg7[%get3A_230, %get3A_231] {strides = array<i32>} : memref<80x128xi32, #tpu.memory_space<vmem>>, vector<1x16xi32>,
    %get3A_233 = vector.shape_cast %get3A_232 : vector<1x16xi32> to vector<16xi32>
    %and3A_234 = arith.constant 16383 : i32
    %and3A_235 = vector.broadcast %and3A_234 : i32 to vector<16xi32>
    %and3A_236 = arith.andi %get3A_233, %and3A_235 : vector<16xi32>
    %swap3A_237 = arith.constant 64 : index
    %swap3A_238 = tpu.vector_load %arg12[%swap3A_237] {strides = array<i32>} : memref<128xi32, #tpu.memory_space<vmem>>, vector<16xi32>,
    %swap3A_239 = vector.shape_cast %swap3A_238 : vector<16xi32> to vector<16xi32>
    %swap3A_240 = vector.shape_cast %and3A_236 : vector<16xi32> to vector<16xi32>
    tpu.vector_store %arg12[%swap3A_237], %swap3A_240 {strides = array<i32>} : memref<128xi32, #tpu.memory_space<vmem>>, vector<16xi32>,
    %shift_right_arithmetic3A_241 = arith.constant 14 : i32
    %shift_right_arithmetic3A_242 = vector.broadcast %shift_right_arithmetic3A_241 : i32 to vector<16xi32>
    %shift_right_arithmetic3A_243 = arith.shrsi %get3A_233, %shift_right_arithmetic3A_242 : vector<16xi32>
    %swap3A_244 = arith.constant 64 : index
    %swap3A_245 = tpu.vector_load %arg13[%swap3A_244] {strides = array<i32>} : memref<128xi32, #tpu.memory_space<vmem>>, vector<16xi32>,
    %swap3A_246 = vector.shape_cast %swap3A_245 : vector<16xi32> to vector<16xi32>
    %swap3A_247 = vector.shape_cast %shift_right_arithmetic3A_243 : vector<16xi32> to vector<16xi32>
    tpu.vector_store %arg13[%swap3A_244], %swap3A_247 {strides = array<i32>} : memref<128xi32, #tpu.memory_space<vmem>>, vector<16xi32>,
    %get3A_248 = arith.constant 1 : i32
    %get3A_249 = arith.index_cast %get3A_248 : i32 to index
    %get3A_250 = arith.constant 80 : index
    %get3A_251 = tpu.vector_load %arg7[%get3A_249, %get3A_250] {strides = array<i32>} : memref<80x128xi32, #tpu.memory_space<vmem>>, vector<1x16xi32>,
    %get3A_252 = vector.shape_cast %get3A_251 : vector<1x16xi32> to vector<16xi32>
    %and3A_253 = arith.constant 16383 : i32
    %and3A_254 = vector.broadcast %and3A_253 : i32 to vector<16xi32>
    %and3A_255 = arith.andi %get3A_252, %and3A_254 : vector<16xi32>
    %swap3A_256 = arith.constant 80 : index
    %swap3A_257 = tpu.vector_load %arg12[%swap3A_256] {strides = array<i32>} : memref<128xi32, #tpu.memory_space<vmem>>, vector<16xi32>,
    %swap3A_258 = vector.shape_cast %swap3A_257 : vector<16xi32> to vector<16xi32>
    %swap3A_259 = vector.shape_cast %and3A_255 : vector<16xi32> to vector<16xi32>
    tpu.vector_store %arg12[%swap3A_256], %swap3A_259 {strides = array<i32>} : memref<128xi32, #tpu.memory_space<vmem>>, vector<16xi32>,
    %shift_right_arithmetic3A_260 = arith.constant 14 : i32
    %shift_right_arithmetic3A_261 = vector.broadcast %shift_right_arithmetic3A_260 : i32 to vector<16xi32>
    %shift_right_arithmetic3A_262 = arith.shrsi %get3A_252, %shift_right_arithmetic3A_261 : vector<16xi32>
    %swap3A_263 = arith.constant 80 : index
    %swap3A_264 = tpu.vector_load %arg13[%swap3A_263] {strides = array<i32>} : memref<128xi32, #tpu.memory_space<vmem>>, vector<16xi32>,
    %swap3A_265 = vector.shape_cast %swap3A_264 : vector<16xi32> to vector<16xi32>
    %swap3A_266 = vector.shape_cast %shift_right_arithmetic3A_262 : vector<16xi32> to vector<16xi32>
    tpu.vector_store %arg13[%swap3A_263], %swap3A_266 {strides = array<i32>} : memref<128xi32, #tpu.memory_space<vmem>>, vector<16xi32>,
    %get3A_267 = arith.constant 1 : i32
    %get3A_268 = arith.index_cast %get3A_267 : i32 to index
    %get3A_269 = arith.constant 96 : index
    %get3A_270 = tpu.vector_load %arg7[%get3A_268, %get3A_269] {strides = array<i32>} : memref<80x128xi32, #tpu.memory_space<vmem>>, vector<1x16xi32>,
    %get3A_271 = vector.shape_cast %get3A_270 : vector<1x16xi32> to vector<16xi32>
    %and3A_272 = arith.constant 16383 : i32
    %and3A_273 = vector.broadcast %and3A_272 : i32 to vector<16xi32>
    %and3A_274 = arith.andi %get3A_271, %and3A_273 : vector<16xi32>
    %swap3A_275 = arith.constant 96 : index
    %swap3A_276 = tpu.vector_load %arg12[%swap3A_275] {strides = array<i32>} : memref<128xi32, #tpu.memory_space<vmem>>, vector<16xi32>,
    %swap3A_277 = vector.shape_cast %swap3A_276 : vector<16xi32> to vector<16xi32>
    %swap3A_278 = vector.shape_cast %and3A_274 : vector<16xi32> to vector<16xi32>
    tpu.vector_store %arg12[%swap3A_275], %swap3A_278 {strides = array<i32>} : memref<128xi32, #tpu.memory_space<vmem>>, vector<16xi32>,
    %shift_right_arithmetic3A_279 = arith.constant 14 : i32
    %shift_right_arithmetic3A_280 = vector.broadcast %shift_right_arithmetic3A_279 : i32 to vector<16xi32>
    %shift_right_arithmetic3A_281 = arith.shrsi %get3A_271, %shift_right_arithmetic3A_280 : vector<16xi32>
    %swap3A_282 = arith.constant 96 : index
    %swap3A_283 = tpu.vector_load %arg13[%swap3A_282] {strides = array<i32>} : memref<128xi32, #tpu.memory_space<vmem>>, vector<16xi32>,
    %swap3A_284 = vector.shape_cast %swap3A_283 : vector<16xi32> to vector<16xi32>
    %swap3A_285 = vector.shape_cast %shift_right_arithmetic3A_281 : vector<16xi32> to vector<16xi32>
    tpu.vector_store %arg13[%swap3A_282], %swap3A_285 {strides = array<i32>} : memref<128xi32, #tpu.memory_space<vmem>>, vector<16xi32>,
    %get3A_286 = arith.constant 1 : i32
    %get3A_287 = arith.index_cast %get3A_286 : i32 to index
    %get3A_288 = arith.constant 112 : index
    %get3A_289 = tpu.vector_load %arg7[%get3A_287, %get3A_288] {strides = array<i32>} : memref<80x128xi32, #tpu.memory_space<vmem>>, vector<1x16xi32>,
    %get3A_290 = vector.shape_cast %get3A_289 : vector<1x16xi32> to vector<16xi32>
    %and3A_291 = arith.constant 16383 : i32
    %and3A_292 = vector.broadcast %and3A_291 : i32 to vector<16xi32>
    %and3A_293 = arith.andi %get3A_290, %and3A_292 : vector<16xi32>
    %swap3A_294 = arith.constant 112 : index
    %swap3A_295 = tpu.vector_load %arg12[%swap3A_294] {strides = array<i32>} : memref<128xi32, #tpu.memory_space<vmem>>, vector<16xi32>,
    %swap3A_296 = vector.shape_cast %swap3A_295 : vector<16xi32> to vector<16xi32>
    %swap3A_297 = vector.shape_cast %and3A_293 : vector<16xi32> to vector<16xi32>
    tpu.vector_store %arg12[%swap3A_294], %swap3A_297 {strides = array<i32>} : memref<128xi32, #tpu.memory_space<vmem>>, vector<16xi32>,
    %shift_right_arithmetic3A_298 = arith.constant 14 : i32
    %shift_right_arithmetic3A_299 = vector.broadcast %shift_right_arithmetic3A_298 : i32 to vector<16xi32>
    %shift_right_arithmetic3A_300 = arith.shrsi %get3A_290, %shift_right_arithmetic3A_299 : vector<16xi32>
    %swap3A_301 = arith.constant 112 : index
    %swap3A_302 = tpu.vector_load %arg13[%swap3A_301] {strides = array<i32>} : memref<128xi32, #tpu.memory_space<vmem>>, vector<16xi32>,
    %swap3A_303 = vector.shape_cast %swap3A_302 : vector<16xi32> to vector<16xi32>
    %swap3A_304 = vector.shape_cast %shift_right_arithmetic3A_300 : vector<16xi32> to vector<16xi32>
    tpu.vector_store %arg13[%swap3A_301], %swap3A_304 {strides = array<i32>} : memref<128xi32, #tpu.memory_space<vmem>>, vector<16xi32>,
    %dma_start3A_305 = arith.constant 0 : i32
    %dma_start3A_306 = arith.constant 0 : i32
    %dma_start3A_307 = tpu.memref_slice %arg2[%dma_start3A_305, %dma_start3A_306] : memref<10000x128xf32, #tpu.memory_space<hbm>> -> memref<10000x128xf32, #tpu.memory_space<hbm>>
    tpu.enqueue_indirect_dma source(%dma_start3A_307 : memref<10000x128xf32, #tpu.memory_space<hbm>>) target(%arg9 : memref<128x128xf32, #tpu.memory_space<vmem>>) offsets(%arg12 : memref<128xi32, #tpu.memory_space<vmem>>) semaphore(%arg18 : memref<!tpu.dma_semaphore, #tpu.memory_space<semaphore_mem>>)
    %scan3A = arith.constant 0 : i32
    %scan3A_308 = arith.constant 39 : i32
    %scan3A_309 = arith.addi %scan3A, %scan3A_308 : i32
    %scan3A_310 = arith.constant 1 : i32
    scf.for %scan3A_320 = %scan3A to %scan3A_309 step %scan3A_310  : i32 {
      %mul3A_321 = arith.constant 2 : i32
      %mul3A_322 = arith.muli %scan3A_320, %mul3A_321 : i32
      %add3A_323 = arith.constant 0 : i32
      %add3A_324 = arith.addi %add3A_323, %mul3A_322 : i32
      %dma_wait3A_325 = arith.constant 0 : i32
      %dma_wait3A_326 = arith.constant 0 : i32
      %dma_wait3A_327 = tpu.memref_slice %arg2[%dma_wait3A_325, %dma_wait3A_326] : memref<10000x128xf32, #tpu.memory_space<hbm>> -> memref<10000x128xf32, #tpu.memory_space<hbm>>
      tpu.wait_indirect_dma semaphore(%arg17 : memref<!tpu.dma_semaphore, #tpu.memory_space<semaphore_mem>>) src(%dma_wait3A_327 : memref<10000x128xf32, #tpu.memory_space<hbm>>) dst(%arg8 : memref<128x128xf32, #tpu.memory_space<vmem>>)
      "tpu.region"() ({
        %run_scoped3A = tpu.sem_alloc : memref<!tpu.dma_semaphore, #tpu.memory_space<semaphore_mem>>
        %dma_start3A_629 = arith.constant 0 : i32
        %dma_start3A_630 = arith.constant 0 : i32
        %dma_start3A_631 = tpu.memref_slice %arg15[%dma_start3A_629, %dma_start3A_630] : memref<10112x128xf32, #tpu.memory_space<vmem_shared>> -> memref<10112x128xf32, #tpu.memory_space<vmem_shared>>
        tpu.enqueue_indirect_dma source(%arg8 : memref<128x128xf32, #tpu.memory_space<vmem>>) target(%dma_start3A_631 : memref<10112x128xf32, #tpu.memory_space<vmem_shared>>) offsets(%arg11 : memref<128xi32, #tpu.memory_space<vmem>>) semaphore(%run_scoped3A : memref<!tpu.dma_semaphore, #tpu.memory_space<semaphore_mem>>) {add = true}
        %dma_wait3A_632 = arith.constant 0 : i32
        %dma_wait3A_633 = arith.constant 0 : i32
        %dma_wait3A_634 = tpu.memref_slice %arg15[%dma_wait3A_632, %dma_wait3A_633] : memref<10112x128xf32, #tpu.memory_space<vmem_shared>> -> memref<10112x128xf32, #tpu.memory_space<vmem_shared>>
        tpu.wait_indirect_dma semaphore(%run_scoped3A : memref<!tpu.dma_semaphore, #tpu.memory_space<semaphore_mem>>) src(%arg8 : memref<128x128xf32, #tpu.memory_space<vmem>>) dst(%dma_wait3A_634 : memref<10112x128xf32, #tpu.memory_space<vmem_shared>>)
        tpu.yield
      }) : () -> ()
      %add3A_328 = arith.constant 2 : i32
      %add3A_329 = arith.addi %add3A_324, %add3A_328 : i32
      %get3A_330 = arith.index_cast %add3A_329 : i32 to index
      %get3A_331 = arith.constant 0 : index
      %get3A_332 = tpu.vector_load %arg7[%get3A_330, %get3A_331] {strides = array<i32>} : memref<80x128xi32, #tpu.memory_space<vmem>>, vector<1x16xi32>,
      %get3A_333 = vector.shape_cast %get3A_332 : vector<1x16xi32> to vector<16xi32>
      %and3A_334 = arith.constant 16383 : i32
      %and3A_335 = vector.broadcast %and3A_334 : i32 to vector<16xi32>
      %and3A_336 = arith.andi %get3A_333, %and3A_335 : vector<16xi32>
      %swap3A_337 = arith.constant 0 : index
      %swap3A_338 = tpu.vector_load %arg10[%swap3A_337] {strides = array<i32>} : memref<128xi32, #tpu.memory_space<vmem>>, vector<16xi32>,
      %swap3A_339 = vector.shape_cast %swap3A_338 : vector<16xi32> to vector<16xi32>
      %swap3A_340 = vector.shape_cast %and3A_336 : vector<16xi32> to vector<16xi32>
      tpu.vector_store %arg10[%swap3A_337], %swap3A_340 {strides = array<i32>} : memref<128xi32, #tpu.memory_space<vmem>>, vector<16xi32>,
      %shift_right_arithmetic3A_341 = arith.constant 14 : i32
      %shift_right_arithmetic3A_342 = vector.broadcast %shift_right_arithmetic3A_341 : i32 to vector<16xi32>
      %shift_right_arithmetic3A_343 = arith.shrsi %get3A_333, %shift_right_arithmetic3A_342 : vector<16xi32>
      %swap3A_344 = arith.constant 0 : index
      %swap3A_345 = tpu.vector_load %arg11[%swap3A_344] {strides = array<i32>} : memref<128xi32, #tpu.memory_space<vmem>>, vector<16xi32>,
      %swap3A_346 = vector.shape_cast %swap3A_345 : vector<16xi32> to vector<16xi32>
      %swap3A_347 = vector.shape_cast %shift_right_arithmetic3A_343 : vector<16xi32> to vector<16xi32>
      tpu.vector_store %arg11[%swap3A_344], %swap3A_347 {strides = array<i32>} : memref<128xi32, #tpu.memory_space<vmem>>, vector<16xi32>,
      %get3A_348 = arith.index_cast %add3A_329 : i32 to index
      %get3A_349 = arith.constant 16 : index
      %get3A_350 = tpu.vector_load %arg7[%get3A_348, %get3A_349] {strides = array<i32>} : memref<80x128xi32, #tpu.memory_space<vmem>>, vector<1x16xi32>,
      %get3A_351 = vector.shape_cast %get3A_350 : vector<1x16xi32> to vector<16xi32>
      %and3A_352 = arith.constant 16383 : i32
      %and3A_353 = vector.broadcast %and3A_352 : i32 to vector<16xi32>
      %and3A_354 = arith.andi %get3A_351, %and3A_353 : vector<16xi32>
      %swap3A_355 = arith.constant 16 : index
      %swap3A_356 = tpu.vector_load %arg10[%swap3A_355] {strides = array<i32>} : memref<128xi32, #tpu.memory_space<vmem>>, vector<16xi32>,
      %swap3A_357 = vector.shape_cast %swap3A_356 : vector<16xi32> to vector<16xi32>
      %swap3A_358 = vector.shape_cast %and3A_354 : vector<16xi32> to vector<16xi32>
      tpu.vector_store %arg10[%swap3A_355], %swap3A_358 {strides = array<i32>} : memref<128xi32, #tpu.memory_space<vmem>>, vector<16xi32>,
      %shift_right_arithmetic3A_359 = arith.constant 14 : i32
      %shift_right_arithmetic3A_360 = vector.broadcast %shift_right_arithmetic3A_359 : i32 to vector<16xi32>
      %shift_right_arithmetic3A_361 = arith.shrsi %get3A_351, %shift_right_arithmetic3A_360 : vector<16xi32>
      %swap3A_362 = arith.constant 16 : index
      %swap3A_363 = tpu.vector_load %arg11[%swap3A_362] {strides = array<i32>} : memref<128xi32, #tpu.memory_space<vmem>>, vector<16xi32>,
      %swap3A_364 = vector.shape_cast %swap3A_363 : vector<16xi32> to vector<16xi32>
      %swap3A_365 = vector.shape_cast %shift_right_arithmetic3A_361 : vector<16xi32> to vector<16xi32>
      tpu.vector_store %arg11[%swap3A_362], %swap3A_365 {strides = array<i32>} : memref<128xi32, #tpu.memory_space<vmem>>, vector<16xi32>,
      %get3A_366 = arith.index_cast %add3A_329 : i32 to index
      %get3A_367 = arith.constant 32 : index
      %get3A_368 = tpu.vector_load %arg7[%get3A_366, %get3A_367] {strides = array<i32>} : memref<80x128xi32, #tpu.memory_space<vmem>>, vector<1x16xi32>,
      %get3A_369 = vector.shape_cast %get3A_368 : vector<1x16xi32> to vector<16xi32>
      %and3A_370 = arith.constant 16383 : i32
      %and3A_371 = vector.broadcast %and3A_370 : i32 to vector<16xi32>
      %and3A_372 = arith.andi %get3A_369, %and3A_371 : vector<16xi32>
      %swap3A_373 = arith.constant 32 : index
      %swap3A_374 = tpu.vector_load %arg10[%swap3A_373] {strides = array<i32>} : memref<128xi32, #tpu.memory_space<vmem>>, vector<16xi32>,
      %swap3A_375 = vector.shape_cast %swap3A_374 : vector<16xi32> to vector<16xi32>
      %swap3A_376 = vector.shape_cast %and3A_372 : vector<16xi32> to vector<16xi32>
      tpu.vector_store %arg10[%swap3A_373], %swap3A_376 {strides = array<i32>} : memref<128xi32, #tpu.memory_space<vmem>>, vector<16xi32>,
      %shift_right_arithmetic3A_377 = arith.constant 14 : i32
      %shift_right_arithmetic3A_378 = vector.broadcast %shift_right_arithmetic3A_377 : i32 to vector<16xi32>
      %shift_right_arithmetic3A_379 = arith.shrsi %get3A_369, %shift_right_arithmetic3A_378 : vector<16xi32>
      %swap3A_380 = arith.constant 32 : index
      %swap3A_381 = tpu.vector_load %arg11[%swap3A_380] {strides = array<i32>} : memref<128xi32, #tpu.memory_space<vmem>>, vector<16xi32>,
      %swap3A_382 = vector.shape_cast %swap3A_381 : vector<16xi32> to vector<16xi32>
      %swap3A_383 = vector.shape_cast %shift_right_arithmetic3A_379 : vector<16xi32> to vector<16xi32>
      tpu.vector_store %arg11[%swap3A_380], %swap3A_383 {strides = array<i32>} : memref<128xi32, #tpu.memory_space<vmem>>, vector<16xi32>,
      %get3A_384 = arith.index_cast %add3A_329 : i32 to index
      %get3A_385 = arith.constant 48 : index
      %get3A_386 = tpu.vector_load %arg7[%get3A_384, %get3A_385] {strides = array<i32>} : memref<80x128xi32, #tpu.memory_space<vmem>>, vector<1x16xi32>,
      %get3A_387 = vector.shape_cast %get3A_386 : vector<1x16xi32> to vector<16xi32>
      %and3A_388 = arith.constant 16383 : i32
      %and3A_389 = vector.broadcast %and3A_388 : i32 to vector<16xi32>
      %and3A_390 = arith.andi %get3A_387, %and3A_389 : vector<16xi32>
      %swap3A_391 = arith.constant 48 : index
      %swap3A_392 = tpu.vector_load %arg10[%swap3A_391] {strides = array<i32>} : memref<128xi32, #tpu.memory_space<vmem>>, vector<16xi32>,
      %swap3A_393 = vector.shape_cast %swap3A_392 : vector<16xi32> to vector<16xi32>
      %swap3A_394 = vector.shape_cast %and3A_390 : vector<16xi32> to vector<16xi32>
      tpu.vector_store %arg10[%swap3A_391], %swap3A_394 {strides = array<i32>} : memref<128xi32, #tpu.memory_space<vmem>>, vector<16xi32>,
      %shift_right_arithmetic3A_395 = arith.constant 14 : i32
      %shift_right_arithmetic3A_396 = vector.broadcast %shift_right_arithmetic3A_395 : i32 to vector<16xi32>
      %shift_right_arithmetic3A_397 = arith.shrsi %get3A_387, %shift_right_arithmetic3A_396 : vector<16xi32>
      %swap3A_398 = arith.constant 48 : index
      %swap3A_399 = tpu.vector_load %arg11[%swap3A_398] {strides = array<i32>} : memref<128xi32, #tpu.memory_space<vmem>>, vector<16xi32>,
      %swap3A_400 = vector.shape_cast %swap3A_399 : vector<16xi32> to vector<16xi32>
      %swap3A_401 = vector.shape_cast %shift_right_arithmetic3A_397 : vector<16xi32> to vector<16xi32>
      tpu.vector_store %arg11[%swap3A_398], %swap3A_401 {strides = array<i32>} : memref<128xi32, #tpu.memory_space<vmem>>, vector<16xi32>,
      %get3A_402 = arith.index_cast %add3A_329 : i32 to index
      %get3A_403 = arith.constant 64 : index
      %get3A_404 = tpu.vector_load %arg7[%get3A_402, %get3A_403] {strides = array<i32>} : memref<80x128xi32, #tpu.memory_space<vmem>>, vector<1x16xi32>,
      %get3A_405 = vector.shape_cast %get3A_404 : vector<1x16xi32> to vector<16xi32>
      %and3A_406 = arith.constant 16383 : i32
      %and3A_407 = vector.broadcast %and3A_406 : i32 to vector<16xi32>
      %and3A_408 = arith.andi %get3A_405, %and3A_407 : vector<16xi32>
      %swap3A_409 = arith.constant 64 : index
      %swap3A_410 = tpu.vector_load %arg10[%swap3A_409] {strides = array<i32>} : memref<128xi32, #tpu.memory_space<vmem>>, vector<16xi32>,
      %swap3A_411 = vector.shape_cast %swap3A_410 : vector<16xi32> to vector<16xi32>
      %swap3A_412 = vector.shape_cast %and3A_408 : vector<16xi32> to vector<16xi32>
      tpu.vector_store %arg10[%swap3A_409], %swap3A_412 {strides = array<i32>} : memref<128xi32, #tpu.memory_space<vmem>>, vector<16xi32>,
      %shift_right_arithmetic3A_413 = arith.constant 14 : i32
      %shift_right_arithmetic3A_414 = vector.broadcast %shift_right_arithmetic3A_413 : i32 to vector<16xi32>
      %shift_right_arithmetic3A_415 = arith.shrsi %get3A_405, %shift_right_arithmetic3A_414 : vector<16xi32>
      %swap3A_416 = arith.constant 64 : index
      %swap3A_417 = tpu.vector_load %arg11[%swap3A_416] {strides = array<i32>} : memref<128xi32, #tpu.memory_space<vmem>>, vector<16xi32>,
      %swap3A_418 = vector.shape_cast %swap3A_417 : vector<16xi32> to vector<16xi32>
      %swap3A_419 = vector.shape_cast %shift_right_arithmetic3A_415 : vector<16xi32> to vector<16xi32>
      tpu.vector_store %arg11[%swap3A_416], %swap3A_419 {strides = array<i32>} : memref<128xi32, #tpu.memory_space<vmem>>, vector<16xi32>,
      %get3A_420 = arith.index_cast %add3A_329 : i32 to index
      %get3A_421 = arith.constant 80 : index
      %get3A_422 = tpu.vector_load %arg7[%get3A_420, %get3A_421] {strides = array<i32>} : memref<80x128xi32, #tpu.memory_space<vmem>>, vector<1x16xi32>,
      %get3A_423 = vector.shape_cast %get3A_422 : vector<1x16xi32> to vector<16xi32>
      %and3A_424 = arith.constant 16383 : i32
      %and3A_425 = vector.broadcast %and3A_424 : i32 to vector<16xi32>
      %and3A_426 = arith.andi %get3A_423, %and3A_425 : vector<16xi32>
      %swap3A_427 = arith.constant 80 : index
      %swap3A_428 = tpu.vector_load %arg10[%swap3A_427] {strides = array<i32>} : memref<128xi32, #tpu.memory_space<vmem>>, vector<16xi32>,
      %swap3A_429 = vector.shape_cast %swap3A_428 : vector<16xi32> to vector<16xi32>
      %swap3A_430 = vector.shape_cast %and3A_426 : vector<16xi32> to vector<16xi32>
      tpu.vector_store %arg10[%swap3A_427], %swap3A_430 {strides = array<i32>} : memref<128xi32, #tpu.memory_space<vmem>>, vector<16xi32>,
      %shift_right_arithmetic3A_431 = arith.constant 14 : i32
      %shift_right_arithmetic3A_432 = vector.broadcast %shift_right_arithmetic3A_431 : i32 to vector<16xi32>
      %shift_right_arithmetic3A_433 = arith.shrsi %get3A_423, %shift_right_arithmetic3A_432 : vector<16xi32>
      %swap3A_434 = arith.constant 80 : index
      %swap3A_435 = tpu.vector_load %arg11[%swap3A_434] {strides = array<i32>} : memref<128xi32, #tpu.memory_space<vmem>>, vector<16xi32>,
      %swap3A_436 = vector.shape_cast %swap3A_435 : vector<16xi32> to vector<16xi32>
      %swap3A_437 = vector.shape_cast %shift_right_arithmetic3A_433 : vector<16xi32> to vector<16xi32>
      tpu.vector_store %arg11[%swap3A_434], %swap3A_437 {strides = array<i32>} : memref<128xi32, #tpu.memory_space<vmem>>, vector<16xi32>,
      %get3A_438 = arith.index_cast %add3A_329 : i32 to index
      %get3A_439 = arith.constant 96 : index
      %get3A_440 = tpu.vector_load %arg7[%get3A_438, %get3A_439] {strides = array<i32>} : memref<80x128xi32, #tpu.memory_space<vmem>>, vector<1x16xi32>,
      %get3A_441 = vector.shape_cast %get3A_440 : vector<1x16xi32> to vector<16xi32>
      %and3A_442 = arith.constant 16383 : i32
      %and3A_443 = vector.broadcast %and3A_442 : i32 to vector<16xi32>
      %and3A_444 = arith.andi %get3A_441, %and3A_443 : vector<16xi32>
      %swap3A_445 = arith.constant 96 : index
      %swap3A_446 = tpu.vector_load %arg10[%swap3A_445] {strides = array<i32>} : memref<128xi32, #tpu.memory_space<vmem>>, vector<16xi32>,
      %swap3A_447 = vector.shape_cast %swap3A_446 : vector<16xi32> to vector<16xi32>
      %swap3A_448 = vector.shape_cast %and3A_444 : vector<16xi32> to vector<16xi32>
      tpu.vector_store %arg10[%swap3A_445], %swap3A_448 {strides = array<i32>} : memref<128xi32, #tpu.memory_space<vmem>>, vector<16xi32>,
      %shift_right_arithmetic3A_449 = arith.constant 14 : i32
      %shift_right_arithmetic3A_450 = vector.broadcast %shift_right_arithmetic3A_449 : i32 to vector<16xi32>
      %shift_right_arithmetic3A_451 = arith.shrsi %get3A_441, %shift_right_arithmetic3A_450 : vector<16xi32>
      %swap3A_452 = arith.constant 96 : index
      %swap3A_453 = tpu.vector_load %arg11[%swap3A_452] {strides = array<i32>} : memref<128xi32, #tpu.memory_space<vmem>>, vector<16xi32>,
      %swap3A_454 = vector.shape_cast %swap3A_453 : vector<16xi32> to vector<16xi32>
      %swap3A_455 = vector.shape_cast %shift_right_arithmetic3A_451 : vector<16xi32> to vector<16xi32>
      tpu.vector_store %arg11[%swap3A_452], %swap3A_455 {strides = array<i32>} : memref<128xi32, #tpu.memory_space<vmem>>, vector<16xi32>,
      %get3A_456 = arith.index_cast %add3A_329 : i32 to index
      %get3A_457 = arith.constant 112 : index
      %get3A_458 = tpu.vector_load %arg7[%get3A_456, %get3A_457] {strides = array<i32>} : memref<80x128xi32, #tpu.memory_space<vmem>>, vector<1x16xi32>,
      %get3A_459 = vector.shape_cast %get3A_458 : vector<1x16xi32> to vector<16xi32>
      %and3A_460 = arith.constant 16383 : i32
      %and3A_461 = vector.broadcast %and3A_460 : i32 to vector<16xi32>
      %and3A_462 = arith.andi %get3A_459, %and3A_461 : vector<16xi32>
      %swap3A_463 = arith.constant 112 : index
      %swap3A_464 = tpu.vector_load %arg10[%swap3A_463] {strides = array<i32>} : memref<128xi32, #tpu.memory_space<vmem>>, vector<16xi32>,
      %swap3A_465 = vector.shape_cast %swap3A_464 : vector<16xi32> to vector<16xi32>
      %swap3A_466 = vector.shape_cast %and3A_462 : vector<16xi32> to vector<16xi32>
      tpu.vector_store %arg10[%swap3A_463], %swap3A_466 {strides = array<i32>} : memref<128xi32, #tpu.memory_space<vmem>>, vector<16xi32>,
      %shift_right_arithmetic3A_467 = arith.constant 14 : i32
      %shift_right_arithmetic3A_468 = vector.broadcast %shift_right_arithmetic3A_467 : i32 to vector<16xi32>
      %shift_right_arithmetic3A_469 = arith.shrsi %get3A_459, %shift_right_arithmetic3A_468 : vector<16xi32>
      %swap3A_470 = arith.constant 112 : index
      %swap3A_471 = tpu.vector_load %arg11[%swap3A_470] {strides = array<i32>} : memref<128xi32, #tpu.memory_space<vmem>>, vector<16xi32>,
      %swap3A_472 = vector.shape_cast %swap3A_471 : vector<16xi32> to vector<16xi32>
      %swap3A_473 = vector.shape_cast %shift_right_arithmetic3A_469 : vector<16xi32> to vector<16xi32>
      tpu.vector_store %arg11[%swap3A_470], %swap3A_473 {strides = array<i32>} : memref<128xi32, #tpu.memory_space<vmem>>, vector<16xi32>,
      %dma_start3A_474 = arith.constant 0 : i32
      %dma_start3A_475 = arith.constant 0 : i32
      %dma_start3A_476 = tpu.memref_slice %arg2[%dma_start3A_474, %dma_start3A_475] : memref<10000x128xf32, #tpu.memory_space<hbm>> -> memref<10000x128xf32, #tpu.memory_space<hbm>>
      tpu.enqueue_indirect_dma source(%dma_start3A_476 : memref<10000x128xf32, #tpu.memory_space<hbm>>) target(%arg8 : memref<128x128xf32, #tpu.memory_space<vmem>>) offsets(%arg10 : memref<128xi32, #tpu.memory_space<vmem>>) semaphore(%arg17 : memref<!tpu.dma_semaphore, #tpu.memory_space<semaphore_mem>>)
      %dma_wait3A_477 = arith.constant 0 : i32
      %dma_wait3A_478 = arith.constant 0 : i32
      %dma_wait3A_479 = tpu.memref_slice %arg2[%dma_wait3A_477, %dma_wait3A_478] : memref<10000x128xf32, #tpu.memory_space<hbm>> -> memref<10000x128xf32, #tpu.memory_space<hbm>>
      tpu.wait_indirect_dma semaphore(%arg18 : memref<!tpu.dma_semaphore, #tpu.memory_space<semaphore_mem>>) src(%dma_wait3A_479 : memref<10000x128xf32, #tpu.memory_space<hbm>>) dst(%arg9 : memref<128x128xf32, #tpu.memory_space<vmem>>)
      "tpu.region"() ({
        %run_scoped3A = tpu.sem_alloc : memref<!tpu.dma_semaphore, #tpu.memory_space<semaphore_mem>>
        %dma_start3A_629 = arith.constant 0 : i32
        %dma_start3A_630 = arith.constant 0 : i32
        %dma_start3A_631 = tpu.memref_slice %arg15[%dma_start3A_629, %dma_start3A_630] : memref<10112x128xf32, #tpu.memory_space<vmem_shared>> -> memref<10112x128xf32, #tpu.memory_space<vmem_shared>>
        tpu.enqueue_indirect_dma source(%arg9 : memref<128x128xf32, #tpu.memory_space<vmem>>) target(%dma_start3A_631 : memref<10112x128xf32, #tpu.memory_space<vmem_shared>>) offsets(%arg13 : memref<128xi32, #tpu.memory_space<vmem>>) semaphore(%run_scoped3A : memref<!tpu.dma_semaphore, #tpu.memory_space<semaphore_mem>>) {add = true}
        %dma_wait3A_632 = arith.constant 0 : i32
        %dma_wait3A_633 = arith.constant 0 : i32
        %dma_wait3A_634 = tpu.memref_slice %arg15[%dma_wait3A_632, %dma_wait3A_633] : memref<10112x128xf32, #tpu.memory_space<vmem_shared>> -> memref<10112x128xf32, #tpu.memory_space<vmem_shared>>
        tpu.wait_indirect_dma semaphore(%run_scoped3A : memref<!tpu.dma_semaphore, #tpu.memory_space<semaphore_mem>>) src(%arg9 : memref<128x128xf32, #tpu.memory_space<vmem>>) dst(%dma_wait3A_634 : memref<10112x128xf32, #tpu.memory_space<vmem_shared>>)
        tpu.yield
      }) : () -> ()
      %add3A_480 = arith.constant 3 : i32
      %add3A_481 = arith.addi %add3A_324, %add3A_480 : i32
      %get3A_482 = arith.index_cast %add3A_481 : i32 to index
      %get3A_483 = arith.constant 0 : index
      %get3A_484 = tpu.vector_load %arg7[%get3A_482, %get3A_483] {strides = array<i32>} : memref<80x128xi32, #tpu.memory_space<vmem>>, vector<1x16xi32>,
      %get3A_485 = vector.shape_cast %get3A_484 : vector<1x16xi32> to vector<16xi32>
      %and3A_486 = arith.constant 16383 : i32
      %and3A_487 = vector.broadcast %and3A_486 : i32 to vector<16xi32>
      %and3A_488 = arith.andi %get3A_485, %and3A_487 : vector<16xi32>
      %swap3A_489 = arith.constant 0 : index
      %swap3A_490 = tpu.vector_load %arg12[%swap3A_489] {strides = array<i32>} : memref<128xi32, #tpu.memory_space<vmem>>, vector<16xi32>,
      %swap3A_491 = vector.shape_cast %swap3A_490 : vector<16xi32> to vector<16xi32>
      %swap3A_492 = vector.shape_cast %and3A_488 : vector<16xi32> to vector<16xi32>
      tpu.vector_store %arg12[%swap3A_489], %swap3A_492 {strides = array<i32>} : memref<128xi32, #tpu.memory_space<vmem>>, vector<16xi32>,
      %shift_right_arithmetic3A_493 = arith.constant 14 : i32
      %shift_right_arithmetic3A_494 = vector.broadcast %shift_right_arithmetic3A_493 : i32 to vector<16xi32>
      %shift_right_arithmetic3A_495 = arith.shrsi %get3A_485, %shift_right_arithmetic3A_494 : vector<16xi32>
      %swap3A_496 = arith.constant 0 : index
      %swap3A_497 = tpu.vector_load %arg13[%swap3A_496] {strides = array<i32>} : memref<128xi32, #tpu.memory_space<vmem>>, vector<16xi32>,
      %swap3A_498 = vector.shape_cast %swap3A_497 : vector<16xi32> to vector<16xi32>
      %swap3A_499 = vector.shape_cast %shift_right_arithmetic3A_495 : vector<16xi32> to vector<16xi32>
      tpu.vector_store %arg13[%swap3A_496], %swap3A_499 {strides = array<i32>} : memref<128xi32, #tpu.memory_space<vmem>>, vector<16xi32>,
      %get3A_500 = arith.index_cast %add3A_481 : i32 to index
      %get3A_501 = arith.constant 16 : index
      %get3A_502 = tpu.vector_load %arg7[%get3A_500, %get3A_501] {strides = array<i32>} : memref<80x128xi32, #tpu.memory_space<vmem>>, vector<1x16xi32>,
      %get3A_503 = vector.shape_cast %get3A_502 : vector<1x16xi32> to vector<16xi32>
      %and3A_504 = arith.constant 16383 : i32
      %and3A_505 = vector.broadcast %and3A_504 : i32 to vector<16xi32>
      %and3A_506 = arith.andi %get3A_503, %and3A_505 : vector<16xi32>
      %swap3A_507 = arith.constant 16 : index
      %swap3A_508 = tpu.vector_load %arg12[%swap3A_507] {strides = array<i32>} : memref<128xi32, #tpu.memory_space<vmem>>, vector<16xi32>,
      %swap3A_509 = vector.shape_cast %swap3A_508 : vector<16xi32> to vector<16xi32>
      %swap3A_510 = vector.shape_cast %and3A_506 : vector<16xi32> to vector<16xi32>
      tpu.vector_store %arg12[%swap3A_507], %swap3A_510 {strides = array<i32>} : memref<128xi32, #tpu.memory_space<vmem>>, vector<16xi32>,
      %shift_right_arithmetic3A_511 = arith.constant 14 : i32
      %shift_right_arithmetic3A_512 = vector.broadcast %shift_right_arithmetic3A_511 : i32 to vector<16xi32>
      %shift_right_arithmetic3A_513 = arith.shrsi %get3A_503, %shift_right_arithmetic3A_512 : vector<16xi32>
      %swap3A_514 = arith.constant 16 : index
      %swap3A_515 = tpu.vector_load %arg13[%swap3A_514] {strides = array<i32>} : memref<128xi32, #tpu.memory_space<vmem>>, vector<16xi32>,
      %swap3A_516 = vector.shape_cast %swap3A_515 : vector<16xi32> to vector<16xi32>
      %swap3A_517 = vector.shape_cast %shift_right_arithmetic3A_513 : vector<16xi32> to vector<16xi32>
      tpu.vector_store %arg13[%swap3A_514], %swap3A_517 {strides = array<i32>} : memref<128xi32, #tpu.memory_space<vmem>>, vector<16xi32>,
      %get3A_518 = arith.index_cast %add3A_481 : i32 to index
      %get3A_519 = arith.constant 32 : index
      %get3A_520 = tpu.vector_load %arg7[%get3A_518, %get3A_519] {strides = array<i32>} : memref<80x128xi32, #tpu.memory_space<vmem>>, vector<1x16xi32>,
      %get3A_521 = vector.shape_cast %get3A_520 : vector<1x16xi32> to vector<16xi32>
      %and3A_522 = arith.constant 16383 : i32
      %and3A_523 = vector.broadcast %and3A_522 : i32 to vector<16xi32>
      %and3A_524 = arith.andi %get3A_521, %and3A_523 : vector<16xi32>
      %swap3A_525 = arith.constant 32 : index
      %swap3A_526 = tpu.vector_load %arg12[%swap3A_525] {strides = array<i32>} : memref<128xi32, #tpu.memory_space<vmem>>, vector<16xi32>,
      %swap3A_527 = vector.shape_cast %swap3A_526 : vector<16xi32> to vector<16xi32>
      %swap3A_528 = vector.shape_cast %and3A_524 : vector<16xi32> to vector<16xi32>
      tpu.vector_store %arg12[%swap3A_525], %swap3A_528 {strides = array<i32>} : memref<128xi32, #tpu.memory_space<vmem>>, vector<16xi32>,
      %shift_right_arithmetic3A_529 = arith.constant 14 : i32
      %shift_right_arithmetic3A_530 = vector.broadcast %shift_right_arithmetic3A_529 : i32 to vector<16xi32>
      %shift_right_arithmetic3A_531 = arith.shrsi %get3A_521, %shift_right_arithmetic3A_530 : vector<16xi32>
      %swap3A_532 = arith.constant 32 : index
      %swap3A_533 = tpu.vector_load %arg13[%swap3A_532] {strides = array<i32>} : memref<128xi32, #tpu.memory_space<vmem>>, vector<16xi32>,
      %swap3A_534 = vector.shape_cast %swap3A_533 : vector<16xi32> to vector<16xi32>
      %swap3A_535 = vector.shape_cast %shift_right_arithmetic3A_531 : vector<16xi32> to vector<16xi32>
      tpu.vector_store %arg13[%swap3A_532], %swap3A_535 {strides = array<i32>} : memref<128xi32, #tpu.memory_space<vmem>>, vector<16xi32>,
      %get3A_536 = arith.index_cast %add3A_481 : i32 to index
      %get3A_537 = arith.constant 48 : index
      %get3A_538 = tpu.vector_load %arg7[%get3A_536, %get3A_537] {strides = array<i32>} : memref<80x128xi32, #tpu.memory_space<vmem>>, vector<1x16xi32>,
      %get3A_539 = vector.shape_cast %get3A_538 : vector<1x16xi32> to vector<16xi32>
      %and3A_540 = arith.constant 16383 : i32
      %and3A_541 = vector.broadcast %and3A_540 : i32 to vector<16xi32>
      %and3A_542 = arith.andi %get3A_539, %and3A_541 : vector<16xi32>
      %swap3A_543 = arith.constant 48 : index
      %swap3A_544 = tpu.vector_load %arg12[%swap3A_543] {strides = array<i32>} : memref<128xi32, #tpu.memory_space<vmem>>, vector<16xi32>,
      %swap3A_545 = vector.shape_cast %swap3A_544 : vector<16xi32> to vector<16xi32>
      %swap3A_546 = vector.shape_cast %and3A_542 : vector<16xi32> to vector<16xi32>
      tpu.vector_store %arg12[%swap3A_543], %swap3A_546 {strides = array<i32>} : memref<128xi32, #tpu.memory_space<vmem>>, vector<16xi32>,
      %shift_right_arithmetic3A_547 = arith.constant 14 : i32
      %shift_right_arithmetic3A_548 = vector.broadcast %shift_right_arithmetic3A_547 : i32 to vector<16xi32>
      %shift_right_arithmetic3A_549 = arith.shrsi %get3A_539, %shift_right_arithmetic3A_548 : vector<16xi32>
      %swap3A_550 = arith.constant 48 : index
      %swap3A_551 = tpu.vector_load %arg13[%swap3A_550] {strides = array<i32>} : memref<128xi32, #tpu.memory_space<vmem>>, vector<16xi32>,
      %swap3A_552 = vector.shape_cast %swap3A_551 : vector<16xi32> to vector<16xi32>
      %swap3A_553 = vector.shape_cast %shift_right_arithmetic3A_549 : vector<16xi32> to vector<16xi32>
      tpu.vector_store %arg13[%swap3A_550], %swap3A_553 {strides = array<i32>} : memref<128xi32, #tpu.memory_space<vmem>>, vector<16xi32>,
      %get3A_554 = arith.index_cast %add3A_481 : i32 to index
      %get3A_555 = arith.constant 64 : index
      %get3A_556 = tpu.vector_load %arg7[%get3A_554, %get3A_555] {strides = array<i32>} : memref<80x128xi32, #tpu.memory_space<vmem>>, vector<1x16xi32>,
      %get3A_557 = vector.shape_cast %get3A_556 : vector<1x16xi32> to vector<16xi32>
      %and3A_558 = arith.constant 16383 : i32
      %and3A_559 = vector.broadcast %and3A_558 : i32 to vector<16xi32>
      %and3A_560 = arith.andi %get3A_557, %and3A_559 : vector<16xi32>
      %swap3A_561 = arith.constant 64 : index
      %swap3A_562 = tpu.vector_load %arg12[%swap3A_561] {strides = array<i32>} : memref<128xi32, #tpu.memory_space<vmem>>, vector<16xi32>,
      %swap3A_563 = vector.shape_cast %swap3A_562 : vector<16xi32> to vector<16xi32>
      %swap3A_564 = vector.shape_cast %and3A_560 : vector<16xi32> to vector<16xi32>
      tpu.vector_store %arg12[%swap3A_561], %swap3A_564 {strides = array<i32>} : memref<128xi32, #tpu.memory_space<vmem>>, vector<16xi32>,
      %shift_right_arithmetic3A_565 = arith.constant 14 : i32
      %shift_right_arithmetic3A_566 = vector.broadcast %shift_right_arithmetic3A_565 : i32 to vector<16xi32>
      %shift_right_arithmetic3A_567 = arith.shrsi %get3A_557, %shift_right_arithmetic3A_566 : vector<16xi32>
      %swap3A_568 = arith.constant 64 : index
      %swap3A_569 = tpu.vector_load %arg13[%swap3A_568] {strides = array<i32>} : memref<128xi32, #tpu.memory_space<vmem>>, vector<16xi32>,
      %swap3A_570 = vector.shape_cast %swap3A_569 : vector<16xi32> to vector<16xi32>
      %swap3A_571 = vector.shape_cast %shift_right_arithmetic3A_567 : vector<16xi32> to vector<16xi32>
      tpu.vector_store %arg13[%swap3A_568], %swap3A_571 {strides = array<i32>} : memref<128xi32, #tpu.memory_space<vmem>>, vector<16xi32>,
      %get3A_572 = arith.index_cast %add3A_481 : i32 to index
      %get3A_573 = arith.constant 80 : index
      %get3A_574 = tpu.vector_load %arg7[%get3A_572, %get3A_573] {strides = array<i32>} : memref<80x128xi32, #tpu.memory_space<vmem>>, vector<1x16xi32>,
      %get3A_575 = vector.shape_cast %get3A_574 : vector<1x16xi32> to vector<16xi32>
      %and3A_576 = arith.constant 16383 : i32
      %and3A_577 = vector.broadcast %and3A_576 : i32 to vector<16xi32>
      %and3A_578 = arith.andi %get3A_575, %and3A_577 : vector<16xi32>
      %swap3A_579 = arith.constant 80 : index
      %swap3A_580 = tpu.vector_load %arg12[%swap3A_579] {strides = array<i32>} : memref<128xi32, #tpu.memory_space<vmem>>, vector<16xi32>,
      %swap3A_581 = vector.shape_cast %swap3A_580 : vector<16xi32> to vector<16xi32>
      %swap3A_582 = vector.shape_cast %and3A_578 : vector<16xi32> to vector<16xi32>
      tpu.vector_store %arg12[%swap3A_579], %swap3A_582 {strides = array<i32>} : memref<128xi32, #tpu.memory_space<vmem>>, vector<16xi32>,
      %shift_right_arithmetic3A_583 = arith.constant 14 : i32
      %shift_right_arithmetic3A_584 = vector.broadcast %shift_right_arithmetic3A_583 : i32 to vector<16xi32>
      %shift_right_arithmetic3A_585 = arith.shrsi %get3A_575, %shift_right_arithmetic3A_584 : vector<16xi32>
      %swap3A_586 = arith.constant 80 : index
      %swap3A_587 = tpu.vector_load %arg13[%swap3A_586] {strides = array<i32>} : memref<128xi32, #tpu.memory_space<vmem>>, vector<16xi32>,
      %swap3A_588 = vector.shape_cast %swap3A_587 : vector<16xi32> to vector<16xi32>
      %swap3A_589 = vector.shape_cast %shift_right_arithmetic3A_585 : vector<16xi32> to vector<16xi32>
      tpu.vector_store %arg13[%swap3A_586], %swap3A_589 {strides = array<i32>} : memref<128xi32, #tpu.memory_space<vmem>>, vector<16xi32>,
      %get3A_590 = arith.index_cast %add3A_481 : i32 to index
      %get3A_591 = arith.constant 96 : index
      %get3A_592 = tpu.vector_load %arg7[%get3A_590, %get3A_591] {strides = array<i32>} : memref<80x128xi32, #tpu.memory_space<vmem>>, vector<1x16xi32>,
      %get3A_593 = vector.shape_cast %get3A_592 : vector<1x16xi32> to vector<16xi32>
      %and3A_594 = arith.constant 16383 : i32
      %and3A_595 = vector.broadcast %and3A_594 : i32 to vector<16xi32>
      %and3A_596 = arith.andi %get3A_593, %and3A_595 : vector<16xi32>
      %swap3A_597 = arith.constant 96 : index
      %swap3A_598 = tpu.vector_load %arg12[%swap3A_597] {strides = array<i32>} : memref<128xi32, #tpu.memory_space<vmem>>, vector<16xi32>,
      %swap3A_599 = vector.shape_cast %swap3A_598 : vector<16xi32> to vector<16xi32>
      %swap3A_600 = vector.shape_cast %and3A_596 : vector<16xi32> to vector<16xi32>
      tpu.vector_store %arg12[%swap3A_597], %swap3A_600 {strides = array<i32>} : memref<128xi32, #tpu.memory_space<vmem>>, vector<16xi32>,
      %shift_right_arithmetic3A_601 = arith.constant 14 : i32
      %shift_right_arithmetic3A_602 = vector.broadcast %shift_right_arithmetic3A_601 : i32 to vector<16xi32>
      %shift_right_arithmetic3A_603 = arith.shrsi %get3A_593, %shift_right_arithmetic3A_602 : vector<16xi32>
      %swap3A_604 = arith.constant 96 : index
      %swap3A_605 = tpu.vector_load %arg13[%swap3A_604] {strides = array<i32>} : memref<128xi32, #tpu.memory_space<vmem>>, vector<16xi32>,
      %swap3A_606 = vector.shape_cast %swap3A_605 : vector<16xi32> to vector<16xi32>
      %swap3A_607 = vector.shape_cast %shift_right_arithmetic3A_603 : vector<16xi32> to vector<16xi32>
      tpu.vector_store %arg13[%swap3A_604], %swap3A_607 {strides = array<i32>} : memref<128xi32, #tpu.memory_space<vmem>>, vector<16xi32>,
      %get3A_608 = arith.index_cast %add3A_481 : i32 to index
      %get3A_609 = arith.constant 112 : index
      %get3A_610 = tpu.vector_load %arg7[%get3A_608, %get3A_609] {strides = array<i32>} : memref<80x128xi32, #tpu.memory_space<vmem>>, vector<1x16xi32>,
      %get3A_611 = vector.shape_cast %get3A_610 : vector<1x16xi32> to vector<16xi32>
      %and3A_612 = arith.constant 16383 : i32
      %and3A_613 = vector.broadcast %and3A_612 : i32 to vector<16xi32>
      %and3A_614 = arith.andi %get3A_611, %and3A_613 : vector<16xi32>
      %swap3A_615 = arith.constant 112 : index
      %swap3A_616 = tpu.vector_load %arg12[%swap3A_615] {strides = array<i32>} : memref<128xi32, #tpu.memory_space<vmem>>, vector<16xi32>,
      %swap3A_617 = vector.shape_cast %swap3A_616 : vector<16xi32> to vector<16xi32>
      %swap3A_618 = vector.shape_cast %and3A_614 : vector<16xi32> to vector<16xi32>
      tpu.vector_store %arg12[%swap3A_615], %swap3A_618 {strides = array<i32>} : memref<128xi32, #tpu.memory_space<vmem>>, vector<16xi32>,
      %shift_right_arithmetic3A_619 = arith.constant 14 : i32
      %shift_right_arithmetic3A_620 = vector.broadcast %shift_right_arithmetic3A_619 : i32 to vector<16xi32>
      %shift_right_arithmetic3A_621 = arith.shrsi %get3A_611, %shift_right_arithmetic3A_620 : vector<16xi32>
      %swap3A_622 = arith.constant 112 : index
      %swap3A_623 = tpu.vector_load %arg13[%swap3A_622] {strides = array<i32>} : memref<128xi32, #tpu.memory_space<vmem>>, vector<16xi32>,
      %swap3A_624 = vector.shape_cast %swap3A_623 : vector<16xi32> to vector<16xi32>
      %swap3A_625 = vector.shape_cast %shift_right_arithmetic3A_621 : vector<16xi32> to vector<16xi32>
      tpu.vector_store %arg13[%swap3A_622], %swap3A_625 {strides = array<i32>} : memref<128xi32, #tpu.memory_space<vmem>>, vector<16xi32>,
      %dma_start3A_626 = arith.constant 0 : i32
      %dma_start3A_627 = arith.constant 0 : i32
      %dma_start3A_628 = tpu.memref_slice %arg2[%dma_start3A_626, %dma_start3A_627] : memref<10000x128xf32, #tpu.memory_space<hbm>> -> memref<10000x128xf32, #tpu.memory_space<hbm>>
      tpu.enqueue_indirect_dma source(%dma_start3A_628 : memref<10000x128xf32, #tpu.memory_space<hbm>>) target(%arg9 : memref<128x128xf32, #tpu.memory_space<vmem>>) offsets(%arg12 : memref<128xi32, #tpu.memory_space<vmem>>) semaphore(%arg18 : memref<!tpu.dma_semaphore, #tpu.memory_space<semaphore_mem>>)
    }
    %scan3A_311 = arith.constant 39 : i32
    %dma_wait3A = arith.constant 0 : i32
    %dma_wait3A_312 = arith.constant 0 : i32
    %dma_wait3A_313 = tpu.memref_slice %arg2[%dma_wait3A, %dma_wait3A_312] : memref<10000x128xf32, #tpu.memory_space<hbm>> -> memref<10000x128xf32, #tpu.memory_space<hbm>>
    tpu.wait_indirect_dma semaphore(%arg17 : memref<!tpu.dma_semaphore, #tpu.memory_space<semaphore_mem>>) src(%dma_wait3A_313 : memref<10000x128xf32, #tpu.memory_space<hbm>>) dst(%arg8 : memref<128x128xf32, #tpu.memory_space<vmem>>)
    "tpu.region"() ({
      %run_scoped3A = tpu.sem_alloc : memref<!tpu.dma_semaphore, #tpu.memory_space<semaphore_mem>>
      %dma_start3A_320 = arith.constant 0 : i32
      %dma_start3A_321 = arith.constant 0 : i32
      %dma_start3A_322 = tpu.memref_slice %arg15[%dma_start3A_320, %dma_start3A_321] : memref<10112x128xf32, #tpu.memory_space<vmem_shared>> -> memref<10112x128xf32, #tpu.memory_space<vmem_shared>>
      tpu.enqueue_indirect_dma source(%arg8 : memref<128x128xf32, #tpu.memory_space<vmem>>) target(%dma_start3A_322 : memref<10112x128xf32, #tpu.memory_space<vmem_shared>>) offsets(%arg11 : memref<128xi32, #tpu.memory_space<vmem>>) semaphore(%run_scoped3A : memref<!tpu.dma_semaphore, #tpu.memory_space<semaphore_mem>>) {add = true}
      %dma_wait3A_323 = arith.constant 0 : i32
      %dma_wait3A_324 = arith.constant 0 : i32
      %dma_wait3A_325 = tpu.memref_slice %arg15[%dma_wait3A_323, %dma_wait3A_324] : memref<10112x128xf32, #tpu.memory_space<vmem_shared>> -> memref<10112x128xf32, #tpu.memory_space<vmem_shared>>
      tpu.wait_indirect_dma semaphore(%run_scoped3A : memref<!tpu.dma_semaphore, #tpu.memory_space<semaphore_mem>>) src(%arg8 : memref<128x128xf32, #tpu.memory_space<vmem>>) dst(%dma_wait3A_325 : memref<10112x128xf32, #tpu.memory_space<vmem_shared>>)
      tpu.yield
    }) : () -> ()
    %dma_wait3A_314 = arith.constant 0 : i32
    %dma_wait3A_315 = arith.constant 0 : i32
    %dma_wait3A_316 = tpu.memref_slice %arg2[%dma_wait3A_314, %dma_wait3A_315] : memref<10000x128xf32, #tpu.memory_space<hbm>> -> memref<10000x128xf32, #tpu.memory_space<hbm>>
    tpu.wait_indirect_dma semaphore(%arg18 : memref<!tpu.dma_semaphore, #tpu.memory_space<semaphore_mem>>) src(%dma_wait3A_316 : memref<10000x128xf32, #tpu.memory_space<hbm>>) dst(%arg9 : memref<128x128xf32, #tpu.memory_space<vmem>>)
    "tpu.region"() ({
      %run_scoped3A = tpu.sem_alloc : memref<!tpu.dma_semaphore, #tpu.memory_space<semaphore_mem>>
      %dma_start3A_320 = arith.constant 0 : i32
      %dma_start3A_321 = arith.constant 0 : i32
      %dma_start3A_322 = tpu.memref_slice %arg15[%dma_start3A_320, %dma_start3A_321] : memref<10112x128xf32, #tpu.memory_space<vmem_shared>> -> memref<10112x128xf32, #tpu.memory_space<vmem_shared>>
      tpu.enqueue_indirect_dma source(%arg9 : memref<128x128xf32, #tpu.memory_space<vmem>>) target(%dma_start3A_322 : memref<10112x128xf32, #tpu.memory_space<vmem_shared>>) offsets(%arg13 : memref<128xi32, #tpu.memory_space<vmem>>) semaphore(%run_scoped3A : memref<!tpu.dma_semaphore, #tpu.memory_space<semaphore_mem>>) {add = true}
      %dma_wait3A_323 = arith.constant 0 : i32
      %dma_wait3A_324 = arith.constant 0 : i32
      %dma_wait3A_325 = tpu.memref_slice %arg15[%dma_wait3A_323, %dma_wait3A_324] : memref<10112x128xf32, #tpu.memory_space<vmem_shared>> -> memref<10112x128xf32, #tpu.memory_space<vmem_shared>>
      tpu.wait_indirect_dma semaphore(%run_scoped3A : memref<!tpu.dma_semaphore, #tpu.memory_space<semaphore_mem>>) src(%arg9 : memref<128x128xf32, #tpu.memory_space<vmem>>) dst(%dma_wait3A_325 : memref<10112x128xf32, #tpu.memory_space<vmem_shared>>)
      tpu.yield
    }) : () -> ()
    %barrier3A_317 = arith.constant 0 : index
    tpu.barrier barrier_id(%barrier3A_317)
    %mul3A_318 = arith.constant 632 : i32
    %mul3A_319 = arith.muli %arg1, %mul3A_318 : i32
    "tpu.region"() ({
      %run_scoped3A = tpu.sem_alloc : memref<!tpu.dma_semaphore, #tpu.memory_space<semaphore_mem>>
      %dma_start3A_320 = arith.constant 0 : i32
      %dma_start3A_321 = arith.constant 0 : i32
      %dma_start3A_322 = tpu.memref_slice %arg6[%add3A, %dma_start3A_320, %dma_start3A_321] : memref<32x632x128xf32, #tpu.memory_space<hbm>> -> memref<1x632x128xf32, #tpu.memory_space<hbm>>
      %dma_start3A_323 = tpu.memref_squeeze %dma_start3A_322 : memref<1x632x128xf32, #tpu.memory_space<hbm>> -> memref<632x128xf32, #tpu.memory_space<hbm>>
      %dma_start3A_324 = arith.constant 0 : i32
      %dma_start3A_325 = tpu.memref_slice %arg15[%mul3A_319, %dma_start3A_324] : memref<10112x128xf32, #tpu.memory_space<vmem_shared>> -> memref<632x128xf32, #tpu.memory_space<vmem_shared>>
      tpu.enqueue_dma source(%dma_start3A_325 : memref<632x128xf32, #tpu.memory_space<vmem_shared>>) target(%dma_start3A_323 : memref<632x128xf32, #tpu.memory_space<hbm>>) target_semaphore(%run_scoped3A : memref<!tpu.dma_semaphore, #tpu.memory_space<semaphore_mem>>)
      %dma_wait3A_326 = arith.constant 0 : i32
      %dma_wait3A_327 = arith.constant 0 : i32
      %dma_wait3A_328 = tpu.memref_slice %arg6[%add3A, %dma_wait3A_326, %dma_wait3A_327] : memref<32x632x128xf32, #tpu.memory_space<hbm>> -> memref<1x632x128xf32, #tpu.memory_space<hbm>>
      %dma_wait3A_329 = tpu.memref_squeeze %dma_wait3A_328 : memref<1x632x128xf32, #tpu.memory_space<hbm>> -> memref<632x128xf32, #tpu.memory_space<hbm>>
      %dma_wait3A_330 = arith.constant 0 : i32
      %dma_wait3A_331 = tpu.memref_slice %arg15[%mul3A_319, %dma_wait3A_330] : memref<10112x128xf32, #tpu.memory_space<vmem_shared>> -> memref<632x128xf32, #tpu.memory_space<vmem_shared>>
      tpu.wait_dma2 semaphore(%run_scoped3A : memref<!tpu.dma_semaphore, #tpu.memory_space<semaphore_mem>>) src(%dma_wait3A_331 : memref<632x128xf32, #tpu.memory_space<vmem_shared>>) dst(%dma_wait3A_329 : memref<632x128xf32, #tpu.memory_space<hbm>>)
      tpu.yield
    }) : () -> ()
    return
  }
}

#map = affine_map<(d0, d1) -> (0, 0)>
#map1 = affine_map<(d0, d1) -> (0, 0, 0)>
#map2 = affine_map<(d0, d1) -> (0)>
module attributes {stable_mosaic.version = 14 : i64} {
  func.func @body_in(%arg0: i32, %arg1: i32, %arg2: memref<10000x128xf32, #tpu.memory_space<hbm>>, %arg3: memref<32x80x128xi32, #tpu.memory_space<hbm>>, %arg4: memref<632x128xf32, #tpu.memory_space<hbm>>, %arg5: memref<10112xf32, #tpu.memory_space<hbm>>, %arg6: memref<32x632x128xf32, #tpu.memory_space<hbm>>, %arg7: memref<2x10112xf32, #tpu.memory_space<hbm>>, %arg8: memref<80x128xi32, #tpu.memory_space<vmem>>, %arg9: memref<128x128xf32, #tpu.memory_space<vmem>>, %arg10: memref<128x128xf32, #tpu.memory_space<vmem>>, %arg11: memref<128xi32, #tpu.memory_space<vmem>>, %arg12: memref<128xi32, #tpu.memory_space<vmem>>, %arg13: memref<128xi32, #tpu.memory_space<vmem>>, %arg14: memref<128xi32, #tpu.memory_space<vmem>>, %arg15: memref<128xf32, #tpu.memory_space<vmem>>, %arg16: memref<10112x128xf32, #tpu.memory_space<vmem_shared>>, %arg17: memref<10112xf32, #tpu.memory_space<vmem_shared>>, %arg18: memref<!tpu.dma_semaphore, #tpu.memory_space<semaphore_mem>>, %arg19: memref<!tpu.dma_semaphore, #tpu.memory_space<semaphore_mem>>) attributes {dimension_semantics = [#tpu.dimension_semantics<core_parallel>, #tpu.dimension_semantics<subcore_parallel>], iteration_bounds = array<i64: 2, 16>, scalar_prefetch = 0 : i64, scratch_operands = 12 : i64, tpu.core_type = #tpu.core_type<sc_vector_subcore>, window_params = [{transform_indices = #map}, {transform_indices = #map1}, {transform_indices = #map}, {transform_indices = #map2}, {transform_indices = #map1}, {transform_indices = #map}]} {
    %mul3A = arith.constant 16 : i32
    %mul3A_0 = arith.muli %arg0, %mul3A : i32
    %add3A = arith.addi %mul3A_0, %arg1 : i32
    %mul3A_1 = arith.constant 632 : i32
    %mul3A_2 = arith.muli %arg1, %mul3A_1 : i32
    "tpu.region"() ({
      %run_scoped3A = tpu.sem_alloc : memref<!tpu.dma_semaphore, #tpu.memory_space<semaphore_mem>>
      %dma_start3A_374 = arith.constant 0 : i32
      %dma_start3A_375 = tpu.memref_slice %arg16[%mul3A_2, %dma_start3A_374] : memref<10112x128xf32, #tpu.memory_space<vmem_shared>> -> memref<632x128xf32, #tpu.memory_space<vmem_shared>>
      tpu.enqueue_dma source(%arg4 : memref<632x128xf32, #tpu.memory_space<hbm>>) target(%dma_start3A_375 : memref<632x128xf32, #tpu.memory_space<vmem_shared>>) target_semaphore(%run_scoped3A : memref<!tpu.dma_semaphore, #tpu.memory_space<semaphore_mem>>)
      %dma_wait3A_376 = arith.constant 0 : i32
      %dma_wait3A_377 = tpu.memref_slice %arg16[%mul3A_2, %dma_wait3A_376] : memref<10112x128xf32, #tpu.memory_space<vmem_shared>> -> memref<632x128xf32, #tpu.memory_space<vmem_shared>>
      tpu.wait_dma2 semaphore(%run_scoped3A : memref<!tpu.dma_semaphore, #tpu.memory_space<semaphore_mem>>) src(%arg4 : memref<632x128xf32, #tpu.memory_space<hbm>>) dst(%dma_wait3A_377 : memref<632x128xf32, #tpu.memory_space<vmem_shared>>)
      tpu.yield
    }) : () -> ()
    %eq3A = arith.constant 0 : i32
    %eq3A_3 = arith.cmpi eq, %arg1, %eq3A : i32
    %convert_element_type3A = arith.extui %eq3A_3 : i1 to i32
    %cond3A = arith.constant 0 : i32
    %cond3A_4 = arith.cmpi ne, %convert_element_type3A, %cond3A : i32
    scf.if %cond3A_4 {
      "tpu.region"() ({
        %run_scoped3A = tpu.sem_alloc : memref<!tpu.dma_semaphore, #tpu.memory_space<semaphore_mem>>
        tpu.enqueue_dma source(%arg5 : memref<10112xf32, #tpu.memory_space<hbm>>) target(%arg17 : memref<10112xf32, #tpu.memory_space<vmem_shared>>) target_semaphore(%run_scoped3A : memref<!tpu.dma_semaphore, #tpu.memory_space<semaphore_mem>>)
        tpu.wait_dma2 semaphore(%run_scoped3A : memref<!tpu.dma_semaphore, #tpu.memory_space<semaphore_mem>>) src(%arg5 : memref<10112xf32, #tpu.memory_space<hbm>>) dst(%arg17 : memref<10112xf32, #tpu.memory_space<vmem_shared>>)
        tpu.yield
      }) : () -> ()
    } else {
    }
    %broadcast_in_dim3A = arith.constant 1.000000e+00 : f32
    %broadcast_in_dim3A_5 = vector.broadcast %broadcast_in_dim3A : f32 to vector<16xf32>
    %swap3A = arith.constant 0 : index
    %swap3A_6 = tpu.vector_load %arg15[%swap3A] {strides = array<i32>} : memref<128xf32, #tpu.memory_space<vmem>>, vector<16xf32>,
    %swap3A_7 = vector.shape_cast %swap3A_6 : vector<16xf32> to vector<16xf32>
    %swap3A_8 = vector.shape_cast %broadcast_in_dim3A_5 : vector<16xf32> to vector<16xf32>
    tpu.vector_store %arg15[%swap3A], %swap3A_8 {strides = array<i32>} : memref<128xf32, #tpu.memory_space<vmem>>, vector<16xf32>,
    %broadcast_in_dim3A_9 = arith.constant 1.000000e+00 : f32
    %broadcast_in_dim3A_10 = vector.broadcast %broadcast_in_dim3A_9 : f32 to vector<16xf32>
    %swap3A_11 = arith.constant 16 : index
    %swap3A_12 = tpu.vector_load %arg15[%swap3A_11] {strides = array<i32>} : memref<128xf32, #tpu.memory_space<vmem>>, vector<16xf32>,
    %swap3A_13 = vector.shape_cast %swap3A_12 : vector<16xf32> to vector<16xf32>
    %swap3A_14 = vector.shape_cast %broadcast_in_dim3A_10 : vector<16xf32> to vector<16xf32>
    tpu.vector_store %arg15[%swap3A_11], %swap3A_14 {strides = array<i32>} : memref<128xf32, #tpu.memory_space<vmem>>, vector<16xf32>,
    %broadcast_in_dim3A_15 = arith.constant 1.000000e+00 : f32
    %broadcast_in_dim3A_16 = vector.broadcast %broadcast_in_dim3A_15 : f32 to vector<16xf32>
    %swap3A_17 = arith.constant 32 : index
    %swap3A_18 = tpu.vector_load %arg15[%swap3A_17] {strides = array<i32>} : memref<128xf32, #tpu.memory_space<vmem>>, vector<16xf32>,
    %swap3A_19 = vector.shape_cast %swap3A_18 : vector<16xf32> to vector<16xf32>
    %swap3A_20 = vector.shape_cast %broadcast_in_dim3A_16 : vector<16xf32> to vector<16xf32>
    tpu.vector_store %arg15[%swap3A_17], %swap3A_20 {strides = array<i32>} : memref<128xf32, #tpu.memory_space<vmem>>, vector<16xf32>,
    %broadcast_in_dim3A_21 = arith.constant 1.000000e+00 : f32
    %broadcast_in_dim3A_22 = vector.broadcast %broadcast_in_dim3A_21 : f32 to vector<16xf32>
    %swap3A_23 = arith.constant 48 : index
    %swap3A_24 = tpu.vector_load %arg15[%swap3A_23] {strides = array<i32>} : memref<128xf32, #tpu.memory_space<vmem>>, vector<16xf32>,
    %swap3A_25 = vector.shape_cast %swap3A_24 : vector<16xf32> to vector<16xf32>
    %swap3A_26 = vector.shape_cast %broadcast_in_dim3A_22 : vector<16xf32> to vector<16xf32>
    tpu.vector_store %arg15[%swap3A_23], %swap3A_26 {strides = array<i32>} : memref<128xf32, #tpu.memory_space<vmem>>, vector<16xf32>,
    %broadcast_in_dim3A_27 = arith.constant 1.000000e+00 : f32
    %broadcast_in_dim3A_28 = vector.broadcast %broadcast_in_dim3A_27 : f32 to vector<16xf32>
    %swap3A_29 = arith.constant 64 : index
    %swap3A_30 = tpu.vector_load %arg15[%swap3A_29] {strides = array<i32>} : memref<128xf32, #tpu.memory_space<vmem>>, vector<16xf32>,
    %swap3A_31 = vector.shape_cast %swap3A_30 : vector<16xf32> to vector<16xf32>
    %swap3A_32 = vector.shape_cast %broadcast_in_dim3A_28 : vector<16xf32> to vector<16xf32>
    tpu.vector_store %arg15[%swap3A_29], %swap3A_32 {strides = array<i32>} : memref<128xf32, #tpu.memory_space<vmem>>, vector<16xf32>,
    %broadcast_in_dim3A_33 = arith.constant 1.000000e+00 : f32
    %broadcast_in_dim3A_34 = vector.broadcast %broadcast_in_dim3A_33 : f32 to vector<16xf32>
    %swap3A_35 = arith.constant 80 : index
    %swap3A_36 = tpu.vector_load %arg15[%swap3A_35] {strides = array<i32>} : memref<128xf32, #tpu.memory_space<vmem>>, vector<16xf32>,
    %swap3A_37 = vector.shape_cast %swap3A_36 : vector<16xf32> to vector<16xf32>
    %swap3A_38 = vector.shape_cast %broadcast_in_dim3A_34 : vector<16xf32> to vector<16xf32>
    tpu.vector_store %arg15[%swap3A_35], %swap3A_38 {strides = array<i32>} : memref<128xf32, #tpu.memory_space<vmem>>, vector<16xf32>,
    %broadcast_in_dim3A_39 = arith.constant 1.000000e+00 : f32
    %broadcast_in_dim3A_40 = vector.broadcast %broadcast_in_dim3A_39 : f32 to vector<16xf32>
    %swap3A_41 = arith.constant 96 : index
    %swap3A_42 = tpu.vector_load %arg15[%swap3A_41] {strides = array<i32>} : memref<128xf32, #tpu.memory_space<vmem>>, vector<16xf32>,
    %swap3A_43 = vector.shape_cast %swap3A_42 : vector<16xf32> to vector<16xf32>
    %swap3A_44 = vector.shape_cast %broadcast_in_dim3A_40 : vector<16xf32> to vector<16xf32>
    tpu.vector_store %arg15[%swap3A_41], %swap3A_44 {strides = array<i32>} : memref<128xf32, #tpu.memory_space<vmem>>, vector<16xf32>,
    %broadcast_in_dim3A_45 = arith.constant 1.000000e+00 : f32
    %broadcast_in_dim3A_46 = vector.broadcast %broadcast_in_dim3A_45 : f32 to vector<16xf32>
    %swap3A_47 = arith.constant 112 : index
    %swap3A_48 = tpu.vector_load %arg15[%swap3A_47] {strides = array<i32>} : memref<128xf32, #tpu.memory_space<vmem>>, vector<16xf32>,
    %swap3A_49 = vector.shape_cast %swap3A_48 : vector<16xf32> to vector<16xf32>
    %swap3A_50 = vector.shape_cast %broadcast_in_dim3A_46 : vector<16xf32> to vector<16xf32>
    tpu.vector_store %arg15[%swap3A_47], %swap3A_50 {strides = array<i32>} : memref<128xf32, #tpu.memory_space<vmem>>, vector<16xf32>,
    "tpu.region"() ({
      %run_scoped3A = tpu.sem_alloc : memref<!tpu.dma_semaphore, #tpu.memory_space<semaphore_mem>>
      %dma_start3A_374 = arith.constant 0 : i32
      %dma_start3A_375 = arith.constant 0 : i32
      %dma_start3A_376 = tpu.memref_slice %arg3[%add3A, %dma_start3A_374, %dma_start3A_375] : memref<32x80x128xi32, #tpu.memory_space<hbm>> -> memref<1x80x128xi32, #tpu.memory_space<hbm>>
      %dma_start3A_377 = tpu.memref_squeeze %dma_start3A_376 : memref<1x80x128xi32, #tpu.memory_space<hbm>> -> memref<80x128xi32, #tpu.memory_space<hbm>>
      %dma_start3A_378 = arith.constant 0 : i32
      %dma_start3A_379 = arith.constant 0 : i32
      %dma_start3A_380 = tpu.memref_slice %arg3[%add3A, %dma_start3A_378, %dma_start3A_379] : memref<32x80x128xi32, #tpu.memory_space<hbm>> -> memref<1x80x128xi32, #tpu.memory_space<hbm>>
      %dma_start3A_381 = tpu.memref_squeeze %dma_start3A_380 : memref<1x80x128xi32, #tpu.memory_space<hbm>> -> memref<80x128xi32, #tpu.memory_space<hbm>>
      tpu.enqueue_dma source(%dma_start3A_381 : memref<80x128xi32, #tpu.memory_space<hbm>>) target(%arg8 : memref<80x128xi32, #tpu.memory_space<vmem>>) target_semaphore(%run_scoped3A : memref<!tpu.dma_semaphore, #tpu.memory_space<semaphore_mem>>)
      %dma_wait3A_382 = arith.constant 0 : i32
      %dma_wait3A_383 = arith.constant 0 : i32
      %dma_wait3A_384 = tpu.memref_slice %arg3[%add3A, %dma_wait3A_382, %dma_wait3A_383] : memref<32x80x128xi32, #tpu.memory_space<hbm>> -> memref<1x80x128xi32, #tpu.memory_space<hbm>>
      %dma_wait3A_385 = tpu.memref_squeeze %dma_wait3A_384 : memref<1x80x128xi32, #tpu.memory_space<hbm>> -> memref<80x128xi32, #tpu.memory_space<hbm>>
      %dma_wait3A_386 = arith.constant 0 : i32
      %dma_wait3A_387 = arith.constant 0 : i32
      %dma_wait3A_388 = tpu.memref_slice %arg3[%add3A, %dma_wait3A_386, %dma_wait3A_387] : memref<32x80x128xi32, #tpu.memory_space<hbm>> -> memref<1x80x128xi32, #tpu.memory_space<hbm>>
      %dma_wait3A_389 = tpu.memref_squeeze %dma_wait3A_388 : memref<1x80x128xi32, #tpu.memory_space<hbm>> -> memref<80x128xi32, #tpu.memory_space<hbm>>
      tpu.wait_dma2 semaphore(%run_scoped3A : memref<!tpu.dma_semaphore, #tpu.memory_space<semaphore_mem>>) src(%dma_wait3A_389 : memref<80x128xi32, #tpu.memory_space<hbm>>) dst(%arg8 : memref<80x128xi32, #tpu.memory_space<vmem>>)
      tpu.yield
    }) : () -> ()
    %barrier3A = arith.constant 0 : index
    tpu.barrier barrier_id(%barrier3A)
    %get3A = arith.constant 0 : i32
    %get3A_51 = arith.index_cast %get3A : i32 to index
    %get3A_52 = arith.constant 0 : index
    %get3A_53 = tpu.vector_load %arg8[%get3A_51, %get3A_52] {strides = array<i32>} : memref<80x128xi32, #tpu.memory_space<vmem>>, vector<1x16xi32>,
    %get3A_54 = vector.shape_cast %get3A_53 : vector<1x16xi32> to vector<16xi32>
    %and3A = arith.constant 16383 : i32
    %and3A_55 = vector.broadcast %and3A : i32 to vector<16xi32>
    %and3A_56 = arith.andi %get3A_54, %and3A_55 : vector<16xi32>
    %swap3A_57 = arith.constant 0 : index
    %swap3A_58 = tpu.vector_load %arg11[%swap3A_57] {strides = array<i32>} : memref<128xi32, #tpu.memory_space<vmem>>, vector<16xi32>,
    %swap3A_59 = vector.shape_cast %swap3A_58 : vector<16xi32> to vector<16xi32>
    %swap3A_60 = vector.shape_cast %and3A_56 : vector<16xi32> to vector<16xi32>
    tpu.vector_store %arg11[%swap3A_57], %swap3A_60 {strides = array<i32>} : memref<128xi32, #tpu.memory_space<vmem>>, vector<16xi32>,
    %shift_right_arithmetic3A = arith.constant 14 : i32
    %shift_right_arithmetic3A_61 = vector.broadcast %shift_right_arithmetic3A : i32 to vector<16xi32>
    %shift_right_arithmetic3A_62 = arith.shrsi %get3A_54, %shift_right_arithmetic3A_61 : vector<16xi32>
    %swap3A_63 = arith.constant 0 : index
    %swap3A_64 = tpu.vector_load %arg12[%swap3A_63] {strides = array<i32>} : memref<128xi32, #tpu.memory_space<vmem>>, vector<16xi32>,
    %swap3A_65 = vector.shape_cast %swap3A_64 : vector<16xi32> to vector<16xi32>
    %swap3A_66 = vector.shape_cast %shift_right_arithmetic3A_62 : vector<16xi32> to vector<16xi32>
    tpu.vector_store %arg12[%swap3A_63], %swap3A_66 {strides = array<i32>} : memref<128xi32, #tpu.memory_space<vmem>>, vector<16xi32>,
    %get3A_67 = arith.constant 0 : i32
    %get3A_68 = arith.index_cast %get3A_67 : i32 to index
    %get3A_69 = arith.constant 16 : index
    %get3A_70 = tpu.vector_load %arg8[%get3A_68, %get3A_69] {strides = array<i32>} : memref<80x128xi32, #tpu.memory_space<vmem>>, vector<1x16xi32>,
    %get3A_71 = vector.shape_cast %get3A_70 : vector<1x16xi32> to vector<16xi32>
    %and3A_72 = arith.constant 16383 : i32
    %and3A_73 = vector.broadcast %and3A_72 : i32 to vector<16xi32>
    %and3A_74 = arith.andi %get3A_71, %and3A_73 : vector<16xi32>
    %swap3A_75 = arith.constant 16 : index
    %swap3A_76 = tpu.vector_load %arg11[%swap3A_75] {strides = array<i32>} : memref<128xi32, #tpu.memory_space<vmem>>, vector<16xi32>,
    %swap3A_77 = vector.shape_cast %swap3A_76 : vector<16xi32> to vector<16xi32>
    %swap3A_78 = vector.shape_cast %and3A_74 : vector<16xi32> to vector<16xi32>
    tpu.vector_store %arg11[%swap3A_75], %swap3A_78 {strides = array<i32>} : memref<128xi32, #tpu.memory_space<vmem>>, vector<16xi32>,
    %shift_right_arithmetic3A_79 = arith.constant 14 : i32
    %shift_right_arithmetic3A_80 = vector.broadcast %shift_right_arithmetic3A_79 : i32 to vector<16xi32>
    %shift_right_arithmetic3A_81 = arith.shrsi %get3A_71, %shift_right_arithmetic3A_80 : vector<16xi32>
    %swap3A_82 = arith.constant 16 : index
    %swap3A_83 = tpu.vector_load %arg12[%swap3A_82] {strides = array<i32>} : memref<128xi32, #tpu.memory_space<vmem>>, vector<16xi32>,
    %swap3A_84 = vector.shape_cast %swap3A_83 : vector<16xi32> to vector<16xi32>
    %swap3A_85 = vector.shape_cast %shift_right_arithmetic3A_81 : vector<16xi32> to vector<16xi32>
    tpu.vector_store %arg12[%swap3A_82], %swap3A_85 {strides = array<i32>} : memref<128xi32, #tpu.memory_space<vmem>>, vector<16xi32>,
    %get3A_86 = arith.constant 0 : i32
    %get3A_87 = arith.index_cast %get3A_86 : i32 to index
    %get3A_88 = arith.constant 32 : index
    %get3A_89 = tpu.vector_load %arg8[%get3A_87, %get3A_88] {strides = array<i32>} : memref<80x128xi32, #tpu.memory_space<vmem>>, vector<1x16xi32>,
    %get3A_90 = vector.shape_cast %get3A_89 : vector<1x16xi32> to vector<16xi32>
    %and3A_91 = arith.constant 16383 : i32
    %and3A_92 = vector.broadcast %and3A_91 : i32 to vector<16xi32>
    %and3A_93 = arith.andi %get3A_90, %and3A_92 : vector<16xi32>
    %swap3A_94 = arith.constant 32 : index
    %swap3A_95 = tpu.vector_load %arg11[%swap3A_94] {strides = array<i32>} : memref<128xi32, #tpu.memory_space<vmem>>, vector<16xi32>,
    %swap3A_96 = vector.shape_cast %swap3A_95 : vector<16xi32> to vector<16xi32>
    %swap3A_97 = vector.shape_cast %and3A_93 : vector<16xi32> to vector<16xi32>
    tpu.vector_store %arg11[%swap3A_94], %swap3A_97 {strides = array<i32>} : memref<128xi32, #tpu.memory_space<vmem>>, vector<16xi32>,
    %shift_right_arithmetic3A_98 = arith.constant 14 : i32
    %shift_right_arithmetic3A_99 = vector.broadcast %shift_right_arithmetic3A_98 : i32 to vector<16xi32>
    %shift_right_arithmetic3A_100 = arith.shrsi %get3A_90, %shift_right_arithmetic3A_99 : vector<16xi32>
    %swap3A_101 = arith.constant 32 : index
    %swap3A_102 = tpu.vector_load %arg12[%swap3A_101] {strides = array<i32>} : memref<128xi32, #tpu.memory_space<vmem>>, vector<16xi32>,
    %swap3A_103 = vector.shape_cast %swap3A_102 : vector<16xi32> to vector<16xi32>
    %swap3A_104 = vector.shape_cast %shift_right_arithmetic3A_100 : vector<16xi32> to vector<16xi32>
    tpu.vector_store %arg12[%swap3A_101], %swap3A_104 {strides = array<i32>} : memref<128xi32, #tpu.memory_space<vmem>>, vector<16xi32>,
    %get3A_105 = arith.constant 0 : i32
    %get3A_106 = arith.index_cast %get3A_105 : i32 to index
    %get3A_107 = arith.constant 48 : index
    %get3A_108 = tpu.vector_load %arg8[%get3A_106, %get3A_107] {strides = array<i32>} : memref<80x128xi32, #tpu.memory_space<vmem>>, vector<1x16xi32>,
    %get3A_109 = vector.shape_cast %get3A_108 : vector<1x16xi32> to vector<16xi32>
    %and3A_110 = arith.constant 16383 : i32
    %and3A_111 = vector.broadcast %and3A_110 : i32 to vector<16xi32>
    %and3A_112 = arith.andi %get3A_109, %and3A_111 : vector<16xi32>
    %swap3A_113 = arith.constant 48 : index
    %swap3A_114 = tpu.vector_load %arg11[%swap3A_113] {strides = array<i32>} : memref<128xi32, #tpu.memory_space<vmem>>, vector<16xi32>,
    %swap3A_115 = vector.shape_cast %swap3A_114 : vector<16xi32> to vector<16xi32>
    %swap3A_116 = vector.shape_cast %and3A_112 : vector<16xi32> to vector<16xi32>
    tpu.vector_store %arg11[%swap3A_113], %swap3A_116 {strides = array<i32>} : memref<128xi32, #tpu.memory_space<vmem>>, vector<16xi32>,
    %shift_right_arithmetic3A_117 = arith.constant 14 : i32
    %shift_right_arithmetic3A_118 = vector.broadcast %shift_right_arithmetic3A_117 : i32 to vector<16xi32>
    %shift_right_arithmetic3A_119 = arith.shrsi %get3A_109, %shift_right_arithmetic3A_118 : vector<16xi32>
    %swap3A_120 = arith.constant 48 : index
    %swap3A_121 = tpu.vector_load %arg12[%swap3A_120] {strides = array<i32>} : memref<128xi32, #tpu.memory_space<vmem>>, vector<16xi32>,
    %swap3A_122 = vector.shape_cast %swap3A_121 : vector<16xi32> to vector<16xi32>
    %swap3A_123 = vector.shape_cast %shift_right_arithmetic3A_119 : vector<16xi32> to vector<16xi32>
    tpu.vector_store %arg12[%swap3A_120], %swap3A_123 {strides = array<i32>} : memref<128xi32, #tpu.memory_space<vmem>>, vector<16xi32>,
    %get3A_124 = arith.constant 0 : i32
    %get3A_125 = arith.index_cast %get3A_124 : i32 to index
    %get3A_126 = arith.constant 64 : index
    %get3A_127 = tpu.vector_load %arg8[%get3A_125, %get3A_126] {strides = array<i32>} : memref<80x128xi32, #tpu.memory_space<vmem>>, vector<1x16xi32>,
    %get3A_128 = vector.shape_cast %get3A_127 : vector<1x16xi32> to vector<16xi32>
    %and3A_129 = arith.constant 16383 : i32
    %and3A_130 = vector.broadcast %and3A_129 : i32 to vector<16xi32>
    %and3A_131 = arith.andi %get3A_128, %and3A_130 : vector<16xi32>
    %swap3A_132 = arith.constant 64 : index
    %swap3A_133 = tpu.vector_load %arg11[%swap3A_132] {strides = array<i32>} : memref<128xi32, #tpu.memory_space<vmem>>, vector<16xi32>,
    %swap3A_134 = vector.shape_cast %swap3A_133 : vector<16xi32> to vector<16xi32>
    %swap3A_135 = vector.shape_cast %and3A_131 : vector<16xi32> to vector<16xi32>
    tpu.vector_store %arg11[%swap3A_132], %swap3A_135 {strides = array<i32>} : memref<128xi32, #tpu.memory_space<vmem>>, vector<16xi32>,
    %shift_right_arithmetic3A_136 = arith.constant 14 : i32
    %shift_right_arithmetic3A_137 = vector.broadcast %shift_right_arithmetic3A_136 : i32 to vector<16xi32>
    %shift_right_arithmetic3A_138 = arith.shrsi %get3A_128, %shift_right_arithmetic3A_137 : vector<16xi32>
    %swap3A_139 = arith.constant 64 : index
    %swap3A_140 = tpu.vector_load %arg12[%swap3A_139] {strides = array<i32>} : memref<128xi32, #tpu.memory_space<vmem>>, vector<16xi32>,
    %swap3A_141 = vector.shape_cast %swap3A_140 : vector<16xi32> to vector<16xi32>
    %swap3A_142 = vector.shape_cast %shift_right_arithmetic3A_138 : vector<16xi32> to vector<16xi32>
    tpu.vector_store %arg12[%swap3A_139], %swap3A_142 {strides = array<i32>} : memref<128xi32, #tpu.memory_space<vmem>>, vector<16xi32>,
    %get3A_143 = arith.constant 0 : i32
    %get3A_144 = arith.index_cast %get3A_143 : i32 to index
    %get3A_145 = arith.constant 80 : index
    %get3A_146 = tpu.vector_load %arg8[%get3A_144, %get3A_145] {strides = array<i32>} : memref<80x128xi32, #tpu.memory_space<vmem>>, vector<1x16xi32>,
    %get3A_147 = vector.shape_cast %get3A_146 : vector<1x16xi32> to vector<16xi32>
    %and3A_148 = arith.constant 16383 : i32
    %and3A_149 = vector.broadcast %and3A_148 : i32 to vector<16xi32>
    %and3A_150 = arith.andi %get3A_147, %and3A_149 : vector<16xi32>
    %swap3A_151 = arith.constant 80 : index
    %swap3A_152 = tpu.vector_load %arg11[%swap3A_151] {strides = array<i32>} : memref<128xi32, #tpu.memory_space<vmem>>, vector<16xi32>,
    %swap3A_153 = vector.shape_cast %swap3A_152 : vector<16xi32> to vector<16xi32>
    %swap3A_154 = vector.shape_cast %and3A_150 : vector<16xi32> to vector<16xi32>
    tpu.vector_store %arg11[%swap3A_151], %swap3A_154 {strides = array<i32>} : memref<128xi32, #tpu.memory_space<vmem>>, vector<16xi32>,
    %shift_right_arithmetic3A_155 = arith.constant 14 : i32
    %shift_right_arithmetic3A_156 = vector.broadcast %shift_right_arithmetic3A_155 : i32 to vector<16xi32>
    %shift_right_arithmetic3A_157 = arith.shrsi %get3A_147, %shift_right_arithmetic3A_156 : vector<16xi32>
    %swap3A_158 = arith.constant 80 : index
    %swap3A_159 = tpu.vector_load %arg12[%swap3A_158] {strides = array<i32>} : memref<128xi32, #tpu.memory_space<vmem>>, vector<16xi32>,
    %swap3A_160 = vector.shape_cast %swap3A_159 : vector<16xi32> to vector<16xi32>
    %swap3A_161 = vector.shape_cast %shift_right_arithmetic3A_157 : vector<16xi32> to vector<16xi32>
    tpu.vector_store %arg12[%swap3A_158], %swap3A_161 {strides = array<i32>} : memref<128xi32, #tpu.memory_space<vmem>>, vector<16xi32>,
    %get3A_162 = arith.constant 0 : i32
    %get3A_163 = arith.index_cast %get3A_162 : i32 to index
    %get3A_164 = arith.constant 96 : index
    %get3A_165 = tpu.vector_load %arg8[%get3A_163, %get3A_164] {strides = array<i32>} : memref<80x128xi32, #tpu.memory_space<vmem>>, vector<1x16xi32>,
    %get3A_166 = vector.shape_cast %get3A_165 : vector<1x16xi32> to vector<16xi32>
    %and3A_167 = arith.constant 16383 : i32
    %and3A_168 = vector.broadcast %and3A_167 : i32 to vector<16xi32>
    %and3A_169 = arith.andi %get3A_166, %and3A_168 : vector<16xi32>
    %swap3A_170 = arith.constant 96 : index
    %swap3A_171 = tpu.vector_load %arg11[%swap3A_170] {strides = array<i32>} : memref<128xi32, #tpu.memory_space<vmem>>, vector<16xi32>,
    %swap3A_172 = vector.shape_cast %swap3A_171 : vector<16xi32> to vector<16xi32>
    %swap3A_173 = vector.shape_cast %and3A_169 : vector<16xi32> to vector<16xi32>
    tpu.vector_store %arg11[%swap3A_170], %swap3A_173 {strides = array<i32>} : memref<128xi32, #tpu.memory_space<vmem>>, vector<16xi32>,
    %shift_right_arithmetic3A_174 = arith.constant 14 : i32
    %shift_right_arithmetic3A_175 = vector.broadcast %shift_right_arithmetic3A_174 : i32 to vector<16xi32>
    %shift_right_arithmetic3A_176 = arith.shrsi %get3A_166, %shift_right_arithmetic3A_175 : vector<16xi32>
    %swap3A_177 = arith.constant 96 : index
    %swap3A_178 = tpu.vector_load %arg12[%swap3A_177] {strides = array<i32>} : memref<128xi32, #tpu.memory_space<vmem>>, vector<16xi32>,
    %swap3A_179 = vector.shape_cast %swap3A_178 : vector<16xi32> to vector<16xi32>
    %swap3A_180 = vector.shape_cast %shift_right_arithmetic3A_176 : vector<16xi32> to vector<16xi32>
    tpu.vector_store %arg12[%swap3A_177], %swap3A_180 {strides = array<i32>} : memref<128xi32, #tpu.memory_space<vmem>>, vector<16xi32>,
    %get3A_181 = arith.constant 0 : i32
    %get3A_182 = arith.index_cast %get3A_181 : i32 to index
    %get3A_183 = arith.constant 112 : index
    %get3A_184 = tpu.vector_load %arg8[%get3A_182, %get3A_183] {strides = array<i32>} : memref<80x128xi32, #tpu.memory_space<vmem>>, vector<1x16xi32>,
    %get3A_185 = vector.shape_cast %get3A_184 : vector<1x16xi32> to vector<16xi32>
    %and3A_186 = arith.constant 16383 : i32
    %and3A_187 = vector.broadcast %and3A_186 : i32 to vector<16xi32>
    %and3A_188 = arith.andi %get3A_185, %and3A_187 : vector<16xi32>
    %swap3A_189 = arith.constant 112 : index
    %swap3A_190 = tpu.vector_load %arg11[%swap3A_189] {strides = array<i32>} : memref<128xi32, #tpu.memory_space<vmem>>, vector<16xi32>,
    %swap3A_191 = vector.shape_cast %swap3A_190 : vector<16xi32> to vector<16xi32>
    %swap3A_192 = vector.shape_cast %and3A_188 : vector<16xi32> to vector<16xi32>
    tpu.vector_store %arg11[%swap3A_189], %swap3A_192 {strides = array<i32>} : memref<128xi32, #tpu.memory_space<vmem>>, vector<16xi32>,
    %shift_right_arithmetic3A_193 = arith.constant 14 : i32
    %shift_right_arithmetic3A_194 = vector.broadcast %shift_right_arithmetic3A_193 : i32 to vector<16xi32>
    %shift_right_arithmetic3A_195 = arith.shrsi %get3A_185, %shift_right_arithmetic3A_194 : vector<16xi32>
    %swap3A_196 = arith.constant 112 : index
    %swap3A_197 = tpu.vector_load %arg12[%swap3A_196] {strides = array<i32>} : memref<128xi32, #tpu.memory_space<vmem>>, vector<16xi32>,
    %swap3A_198 = vector.shape_cast %swap3A_197 : vector<16xi32> to vector<16xi32>
    %swap3A_199 = vector.shape_cast %shift_right_arithmetic3A_195 : vector<16xi32> to vector<16xi32>
    tpu.vector_store %arg12[%swap3A_196], %swap3A_199 {strides = array<i32>} : memref<128xi32, #tpu.memory_space<vmem>>, vector<16xi32>,
    %dma_start3A = arith.constant 0 : i32
    %dma_start3A_200 = arith.constant 0 : i32
    %dma_start3A_201 = tpu.memref_slice %arg2[%dma_start3A, %dma_start3A_200] : memref<10000x128xf32, #tpu.memory_space<hbm>> -> memref<10000x128xf32, #tpu.memory_space<hbm>>
    tpu.enqueue_indirect_dma source(%dma_start3A_201 : memref<10000x128xf32, #tpu.memory_space<hbm>>) target(%arg9 : memref<128x128xf32, #tpu.memory_space<vmem>>) offsets(%arg11 : memref<128xi32, #tpu.memory_space<vmem>>) semaphore(%arg18 : memref<!tpu.dma_semaphore, #tpu.memory_space<semaphore_mem>>)
    %get3A_202 = arith.constant 1 : i32
    %get3A_203 = arith.index_cast %get3A_202 : i32 to index
    %get3A_204 = arith.constant 0 : index
    %get3A_205 = tpu.vector_load %arg8[%get3A_203, %get3A_204] {strides = array<i32>} : memref<80x128xi32, #tpu.memory_space<vmem>>, vector<1x16xi32>,
    %get3A_206 = vector.shape_cast %get3A_205 : vector<1x16xi32> to vector<16xi32>
    %and3A_207 = arith.constant 16383 : i32
    %and3A_208 = vector.broadcast %and3A_207 : i32 to vector<16xi32>
    %and3A_209 = arith.andi %get3A_206, %and3A_208 : vector<16xi32>
    %swap3A_210 = arith.constant 0 : index
    %swap3A_211 = tpu.vector_load %arg13[%swap3A_210] {strides = array<i32>} : memref<128xi32, #tpu.memory_space<vmem>>, vector<16xi32>,
    %swap3A_212 = vector.shape_cast %swap3A_211 : vector<16xi32> to vector<16xi32>
    %swap3A_213 = vector.shape_cast %and3A_209 : vector<16xi32> to vector<16xi32>
    tpu.vector_store %arg13[%swap3A_210], %swap3A_213 {strides = array<i32>} : memref<128xi32, #tpu.memory_space<vmem>>, vector<16xi32>,
    %shift_right_arithmetic3A_214 = arith.constant 14 : i32
    %shift_right_arithmetic3A_215 = vector.broadcast %shift_right_arithmetic3A_214 : i32 to vector<16xi32>
    %shift_right_arithmetic3A_216 = arith.shrsi %get3A_206, %shift_right_arithmetic3A_215 : vector<16xi32>
    %swap3A_217 = arith.constant 0 : index
    %swap3A_218 = tpu.vector_load %arg14[%swap3A_217] {strides = array<i32>} : memref<128xi32, #tpu.memory_space<vmem>>, vector<16xi32>,
    %swap3A_219 = vector.shape_cast %swap3A_218 : vector<16xi32> to vector<16xi32>
    %swap3A_220 = vector.shape_cast %shift_right_arithmetic3A_216 : vector<16xi32> to vector<16xi32>
    tpu.vector_store %arg14[%swap3A_217], %swap3A_220 {strides = array<i32>} : memref<128xi32, #tpu.memory_space<vmem>>, vector<16xi32>,
    %get3A_221 = arith.constant 1 : i32
    %get3A_222 = arith.index_cast %get3A_221 : i32 to index
    %get3A_223 = arith.constant 16 : index
    %get3A_224 = tpu.vector_load %arg8[%get3A_222, %get3A_223] {strides = array<i32>} : memref<80x128xi32, #tpu.memory_space<vmem>>, vector<1x16xi32>,
    %get3A_225 = vector.shape_cast %get3A_224 : vector<1x16xi32> to vector<16xi32>
    %and3A_226 = arith.constant 16383 : i32
    %and3A_227 = vector.broadcast %and3A_226 : i32 to vector<16xi32>
    %and3A_228 = arith.andi %get3A_225, %and3A_227 : vector<16xi32>
    %swap3A_229 = arith.constant 16 : index
    %swap3A_230 = tpu.vector_load %arg13[%swap3A_229] {strides = array<i32>} : memref<128xi32, #tpu.memory_space<vmem>>, vector<16xi32>,
    %swap3A_231 = vector.shape_cast %swap3A_230 : vector<16xi32> to vector<16xi32>
    %swap3A_232 = vector.shape_cast %and3A_228 : vector<16xi32> to vector<16xi32>
    tpu.vector_store %arg13[%swap3A_229], %swap3A_232 {strides = array<i32>} : memref<128xi32, #tpu.memory_space<vmem>>, vector<16xi32>,
    %shift_right_arithmetic3A_233 = arith.constant 14 : i32
    %shift_right_arithmetic3A_234 = vector.broadcast %shift_right_arithmetic3A_233 : i32 to vector<16xi32>
    %shift_right_arithmetic3A_235 = arith.shrsi %get3A_225, %shift_right_arithmetic3A_234 : vector<16xi32>
    %swap3A_236 = arith.constant 16 : index
    %swap3A_237 = tpu.vector_load %arg14[%swap3A_236] {strides = array<i32>} : memref<128xi32, #tpu.memory_space<vmem>>, vector<16xi32>,
    %swap3A_238 = vector.shape_cast %swap3A_237 : vector<16xi32> to vector<16xi32>
    %swap3A_239 = vector.shape_cast %shift_right_arithmetic3A_235 : vector<16xi32> to vector<16xi32>
    tpu.vector_store %arg14[%swap3A_236], %swap3A_239 {strides = array<i32>} : memref<128xi32, #tpu.memory_space<vmem>>, vector<16xi32>,
    %get3A_240 = arith.constant 1 : i32
    %get3A_241 = arith.index_cast %get3A_240 : i32 to index
    %get3A_242 = arith.constant 32 : index
    %get3A_243 = tpu.vector_load %arg8[%get3A_241, %get3A_242] {strides = array<i32>} : memref<80x128xi32, #tpu.memory_space<vmem>>, vector<1x16xi32>,
    %get3A_244 = vector.shape_cast %get3A_243 : vector<1x16xi32> to vector<16xi32>
    %and3A_245 = arith.constant 16383 : i32
    %and3A_246 = vector.broadcast %and3A_245 : i32 to vector<16xi32>
    %and3A_247 = arith.andi %get3A_244, %and3A_246 : vector<16xi32>
    %swap3A_248 = arith.constant 32 : index
    %swap3A_249 = tpu.vector_load %arg13[%swap3A_248] {strides = array<i32>} : memref<128xi32, #tpu.memory_space<vmem>>, vector<16xi32>,
    %swap3A_250 = vector.shape_cast %swap3A_249 : vector<16xi32> to vector<16xi32>
    %swap3A_251 = vector.shape_cast %and3A_247 : vector<16xi32> to vector<16xi32>
    tpu.vector_store %arg13[%swap3A_248], %swap3A_251 {strides = array<i32>} : memref<128xi32, #tpu.memory_space<vmem>>, vector<16xi32>,
    %shift_right_arithmetic3A_252 = arith.constant 14 : i32
    %shift_right_arithmetic3A_253 = vector.broadcast %shift_right_arithmetic3A_252 : i32 to vector<16xi32>
    %shift_right_arithmetic3A_254 = arith.shrsi %get3A_244, %shift_right_arithmetic3A_253 : vector<16xi32>
    %swap3A_255 = arith.constant 32 : index
    %swap3A_256 = tpu.vector_load %arg14[%swap3A_255] {strides = array<i32>} : memref<128xi32, #tpu.memory_space<vmem>>, vector<16xi32>,
    %swap3A_257 = vector.shape_cast %swap3A_256 : vector<16xi32> to vector<16xi32>
    %swap3A_258 = vector.shape_cast %shift_right_arithmetic3A_254 : vector<16xi32> to vector<16xi32>
    tpu.vector_store %arg14[%swap3A_255], %swap3A_258 {strides = array<i32>} : memref<128xi32, #tpu.memory_space<vmem>>, vector<16xi32>,
    %get3A_259 = arith.constant 1 : i32
    %get3A_260 = arith.index_cast %get3A_259 : i32 to index
    %get3A_261 = arith.constant 48 : index
    %get3A_262 = tpu.vector_load %arg8[%get3A_260, %get3A_261] {strides = array<i32>} : memref<80x128xi32, #tpu.memory_space<vmem>>, vector<1x16xi32>,
    %get3A_263 = vector.shape_cast %get3A_262 : vector<1x16xi32> to vector<16xi32>
    %and3A_264 = arith.constant 16383 : i32
    %and3A_265 = vector.broadcast %and3A_264 : i32 to vector<16xi32>
    %and3A_266 = arith.andi %get3A_263, %and3A_265 : vector<16xi32>
    %swap3A_267 = arith.constant 48 : index
    %swap3A_268 = tpu.vector_load %arg13[%swap3A_267] {strides = array<i32>} : memref<128xi32, #tpu.memory_space<vmem>>, vector<16xi32>,
    %swap3A_269 = vector.shape_cast %swap3A_268 : vector<16xi32> to vector<16xi32>
    %swap3A_270 = vector.shape_cast %and3A_266 : vector<16xi32> to vector<16xi32>
    tpu.vector_store %arg13[%swap3A_267], %swap3A_270 {strides = array<i32>} : memref<128xi32, #tpu.memory_space<vmem>>, vector<16xi32>,
    %shift_right_arithmetic3A_271 = arith.constant 14 : i32
    %shift_right_arithmetic3A_272 = vector.broadcast %shift_right_arithmetic3A_271 : i32 to vector<16xi32>
    %shift_right_arithmetic3A_273 = arith.shrsi %get3A_263, %shift_right_arithmetic3A_272 : vector<16xi32>
    %swap3A_274 = arith.constant 48 : index
    %swap3A_275 = tpu.vector_load %arg14[%swap3A_274] {strides = array<i32>} : memref<128xi32, #tpu.memory_space<vmem>>, vector<16xi32>,
    %swap3A_276 = vector.shape_cast %swap3A_275 : vector<16xi32> to vector<16xi32>
    %swap3A_277 = vector.shape_cast %shift_right_arithmetic3A_273 : vector<16xi32> to vector<16xi32>
    tpu.vector_store %arg14[%swap3A_274], %swap3A_277 {strides = array<i32>} : memref<128xi32, #tpu.memory_space<vmem>>, vector<16xi32>,
    %get3A_278 = arith.constant 1 : i32
    %get3A_279 = arith.index_cast %get3A_278 : i32 to index
    %get3A_280 = arith.constant 64 : index
    %get3A_281 = tpu.vector_load %arg8[%get3A_279, %get3A_280] {strides = array<i32>} : memref<80x128xi32, #tpu.memory_space<vmem>>, vector<1x16xi32>,
    %get3A_282 = vector.shape_cast %get3A_281 : vector<1x16xi32> to vector<16xi32>
    %and3A_283 = arith.constant 16383 : i32
    %and3A_284 = vector.broadcast %and3A_283 : i32 to vector<16xi32>
    %and3A_285 = arith.andi %get3A_282, %and3A_284 : vector<16xi32>
    %swap3A_286 = arith.constant 64 : index
    %swap3A_287 = tpu.vector_load %arg13[%swap3A_286] {strides = array<i32>} : memref<128xi32, #tpu.memory_space<vmem>>, vector<16xi32>,
    %swap3A_288 = vector.shape_cast %swap3A_287 : vector<16xi32> to vector<16xi32>
    %swap3A_289 = vector.shape_cast %and3A_285 : vector<16xi32> to vector<16xi32>
    tpu.vector_store %arg13[%swap3A_286], %swap3A_289 {strides = array<i32>} : memref<128xi32, #tpu.memory_space<vmem>>, vector<16xi32>,
    %shift_right_arithmetic3A_290 = arith.constant 14 : i32
    %shift_right_arithmetic3A_291 = vector.broadcast %shift_right_arithmetic3A_290 : i32 to vector<16xi32>
    %shift_right_arithmetic3A_292 = arith.shrsi %get3A_282, %shift_right_arithmetic3A_291 : vector<16xi32>
    %swap3A_293 = arith.constant 64 : index
    %swap3A_294 = tpu.vector_load %arg14[%swap3A_293] {strides = array<i32>} : memref<128xi32, #tpu.memory_space<vmem>>, vector<16xi32>,
    %swap3A_295 = vector.shape_cast %swap3A_294 : vector<16xi32> to vector<16xi32>
    %swap3A_296 = vector.shape_cast %shift_right_arithmetic3A_292 : vector<16xi32> to vector<16xi32>
    tpu.vector_store %arg14[%swap3A_293], %swap3A_296 {strides = array<i32>} : memref<128xi32, #tpu.memory_space<vmem>>, vector<16xi32>,
    %get3A_297 = arith.constant 1 : i32
    %get3A_298 = arith.index_cast %get3A_297 : i32 to index
    %get3A_299 = arith.constant 80 : index
    %get3A_300 = tpu.vector_load %arg8[%get3A_298, %get3A_299] {strides = array<i32>} : memref<80x128xi32, #tpu.memory_space<vmem>>, vector<1x16xi32>,
    %get3A_301 = vector.shape_cast %get3A_300 : vector<1x16xi32> to vector<16xi32>
    %and3A_302 = arith.constant 16383 : i32
    %and3A_303 = vector.broadcast %and3A_302 : i32 to vector<16xi32>
    %and3A_304 = arith.andi %get3A_301, %and3A_303 : vector<16xi32>
    %swap3A_305 = arith.constant 80 : index
    %swap3A_306 = tpu.vector_load %arg13[%swap3A_305] {strides = array<i32>} : memref<128xi32, #tpu.memory_space<vmem>>, vector<16xi32>,
    %swap3A_307 = vector.shape_cast %swap3A_306 : vector<16xi32> to vector<16xi32>
    %swap3A_308 = vector.shape_cast %and3A_304 : vector<16xi32> to vector<16xi32>
    tpu.vector_store %arg13[%swap3A_305], %swap3A_308 {strides = array<i32>} : memref<128xi32, #tpu.memory_space<vmem>>, vector<16xi32>,
    %shift_right_arithmetic3A_309 = arith.constant 14 : i32
    %shift_right_arithmetic3A_310 = vector.broadcast %shift_right_arithmetic3A_309 : i32 to vector<16xi32>
    %shift_right_arithmetic3A_311 = arith.shrsi %get3A_301, %shift_right_arithmetic3A_310 : vector<16xi32>
    %swap3A_312 = arith.constant 80 : index
    %swap3A_313 = tpu.vector_load %arg14[%swap3A_312] {strides = array<i32>} : memref<128xi32, #tpu.memory_space<vmem>>, vector<16xi32>,
    %swap3A_314 = vector.shape_cast %swap3A_313 : vector<16xi32> to vector<16xi32>
    %swap3A_315 = vector.shape_cast %shift_right_arithmetic3A_311 : vector<16xi32> to vector<16xi32>
    tpu.vector_store %arg14[%swap3A_312], %swap3A_315 {strides = array<i32>} : memref<128xi32, #tpu.memory_space<vmem>>, vector<16xi32>,
    %get3A_316 = arith.constant 1 : i32
    %get3A_317 = arith.index_cast %get3A_316 : i32 to index
    %get3A_318 = arith.constant 96 : index
    %get3A_319 = tpu.vector_load %arg8[%get3A_317, %get3A_318] {strides = array<i32>} : memref<80x128xi32, #tpu.memory_space<vmem>>, vector<1x16xi32>,
    %get3A_320 = vector.shape_cast %get3A_319 : vector<1x16xi32> to vector<16xi32>
    %and3A_321 = arith.constant 16383 : i32
    %and3A_322 = vector.broadcast %and3A_321 : i32 to vector<16xi32>
    %and3A_323 = arith.andi %get3A_320, %and3A_322 : vector<16xi32>
    %swap3A_324 = arith.constant 96 : index
    %swap3A_325 = tpu.vector_load %arg13[%swap3A_324] {strides = array<i32>} : memref<128xi32, #tpu.memory_space<vmem>>, vector<16xi32>,
    %swap3A_326 = vector.shape_cast %swap3A_325 : vector<16xi32> to vector<16xi32>
    %swap3A_327 = vector.shape_cast %and3A_323 : vector<16xi32> to vector<16xi32>
    tpu.vector_store %arg13[%swap3A_324], %swap3A_327 {strides = array<i32>} : memref<128xi32, #tpu.memory_space<vmem>>, vector<16xi32>,
    %shift_right_arithmetic3A_328 = arith.constant 14 : i32
    %shift_right_arithmetic3A_329 = vector.broadcast %shift_right_arithmetic3A_328 : i32 to vector<16xi32>
    %shift_right_arithmetic3A_330 = arith.shrsi %get3A_320, %shift_right_arithmetic3A_329 : vector<16xi32>
    %swap3A_331 = arith.constant 96 : index
    %swap3A_332 = tpu.vector_load %arg14[%swap3A_331] {strides = array<i32>} : memref<128xi32, #tpu.memory_space<vmem>>, vector<16xi32>,
    %swap3A_333 = vector.shape_cast %swap3A_332 : vector<16xi32> to vector<16xi32>
    %swap3A_334 = vector.shape_cast %shift_right_arithmetic3A_330 : vector<16xi32> to vector<16xi32>
    tpu.vector_store %arg14[%swap3A_331], %swap3A_334 {strides = array<i32>} : memref<128xi32, #tpu.memory_space<vmem>>, vector<16xi32>,
    %get3A_335 = arith.constant 1 : i32
    %get3A_336 = arith.index_cast %get3A_335 : i32 to index
    %get3A_337 = arith.constant 112 : index
    %get3A_338 = tpu.vector_load %arg8[%get3A_336, %get3A_337] {strides = array<i32>} : memref<80x128xi32, #tpu.memory_space<vmem>>, vector<1x16xi32>,
    %get3A_339 = vector.shape_cast %get3A_338 : vector<1x16xi32> to vector<16xi32>
    %and3A_340 = arith.constant 16383 : i32
    %and3A_341 = vector.broadcast %and3A_340 : i32 to vector<16xi32>
    %and3A_342 = arith.andi %get3A_339, %and3A_341 : vector<16xi32>
    %swap3A_343 = arith.constant 112 : index
    %swap3A_344 = tpu.vector_load %arg13[%swap3A_343] {strides = array<i32>} : memref<128xi32, #tpu.memory_space<vmem>>, vector<16xi32>,
    %swap3A_345 = vector.shape_cast %swap3A_344 : vector<16xi32> to vector<16xi32>
    %swap3A_346 = vector.shape_cast %and3A_342 : vector<16xi32> to vector<16xi32>
    tpu.vector_store %arg13[%swap3A_343], %swap3A_346 {strides = array<i32>} : memref<128xi32, #tpu.memory_space<vmem>>, vector<16xi32>,
    %shift_right_arithmetic3A_347 = arith.constant 14 : i32
    %shift_right_arithmetic3A_348 = vector.broadcast %shift_right_arithmetic3A_347 : i32 to vector<16xi32>
    %shift_right_arithmetic3A_349 = arith.shrsi %get3A_339, %shift_right_arithmetic3A_348 : vector<16xi32>
    %swap3A_350 = arith.constant 112 : index
    %swap3A_351 = tpu.vector_load %arg14[%swap3A_350] {strides = array<i32>} : memref<128xi32, #tpu.memory_space<vmem>>, vector<16xi32>,
    %swap3A_352 = vector.shape_cast %swap3A_351 : vector<16xi32> to vector<16xi32>
    %swap3A_353 = vector.shape_cast %shift_right_arithmetic3A_349 : vector<16xi32> to vector<16xi32>
    tpu.vector_store %arg14[%swap3A_350], %swap3A_353 {strides = array<i32>} : memref<128xi32, #tpu.memory_space<vmem>>, vector<16xi32>,
    %dma_start3A_354 = arith.constant 0 : i32
    %dma_start3A_355 = arith.constant 0 : i32
    %dma_start3A_356 = tpu.memref_slice %arg2[%dma_start3A_354, %dma_start3A_355] : memref<10000x128xf32, #tpu.memory_space<hbm>> -> memref<10000x128xf32, #tpu.memory_space<hbm>>
    tpu.enqueue_indirect_dma source(%dma_start3A_356 : memref<10000x128xf32, #tpu.memory_space<hbm>>) target(%arg10 : memref<128x128xf32, #tpu.memory_space<vmem>>) offsets(%arg13 : memref<128xi32, #tpu.memory_space<vmem>>) semaphore(%arg19 : memref<!tpu.dma_semaphore, #tpu.memory_space<semaphore_mem>>)
    %scan3A = arith.constant 0 : i32
    %scan3A_357 = arith.constant 39 : i32
    %scan3A_358 = arith.addi %scan3A, %scan3A_357 : i32
    %scan3A_359 = arith.constant 1 : i32
    scf.for %scan3A_374 = %scan3A to %scan3A_358 step %scan3A_359  : i32 {
      %mul3A_375 = arith.constant 2 : i32
      %mul3A_376 = arith.muli %scan3A_374, %mul3A_375 : i32
      %add3A_377 = arith.constant 0 : i32
      %add3A_378 = arith.addi %add3A_377, %mul3A_376 : i32
      %dma_wait3A_379 = arith.constant 0 : i32
      %dma_wait3A_380 = arith.constant 0 : i32
      %dma_wait3A_381 = tpu.memref_slice %arg2[%dma_wait3A_379, %dma_wait3A_380] : memref<10000x128xf32, #tpu.memory_space<hbm>> -> memref<10000x128xf32, #tpu.memory_space<hbm>>
      tpu.wait_indirect_dma semaphore(%arg18 : memref<!tpu.dma_semaphore, #tpu.memory_space<semaphore_mem>>) src(%dma_wait3A_381 : memref<10000x128xf32, #tpu.memory_space<hbm>>) dst(%arg9 : memref<128x128xf32, #tpu.memory_space<vmem>>)
      "tpu.region"() ({
        %run_scoped3A = tpu.sem_alloc : memref<!tpu.dma_semaphore, #tpu.memory_space<semaphore_mem>>
        %dma_start3A_683 = arith.constant 0 : i32
        %dma_start3A_684 = arith.constant 0 : i32
        %dma_start3A_685 = tpu.memref_slice %arg16[%dma_start3A_683, %dma_start3A_684] : memref<10112x128xf32, #tpu.memory_space<vmem_shared>> -> memref<10112x128xf32, #tpu.memory_space<vmem_shared>>
        tpu.enqueue_indirect_dma source(%arg9 : memref<128x128xf32, #tpu.memory_space<vmem>>) target(%dma_start3A_685 : memref<10112x128xf32, #tpu.memory_space<vmem_shared>>) offsets(%arg12 : memref<128xi32, #tpu.memory_space<vmem>>) semaphore(%run_scoped3A : memref<!tpu.dma_semaphore, #tpu.memory_space<semaphore_mem>>) {add = true}
        %dma_wait3A_686 = arith.constant 0 : i32
        %dma_wait3A_687 = arith.constant 0 : i32
        %dma_wait3A_688 = tpu.memref_slice %arg16[%dma_wait3A_686, %dma_wait3A_687] : memref<10112x128xf32, #tpu.memory_space<vmem_shared>> -> memref<10112x128xf32, #tpu.memory_space<vmem_shared>>
        tpu.wait_indirect_dma semaphore(%run_scoped3A : memref<!tpu.dma_semaphore, #tpu.memory_space<semaphore_mem>>) src(%arg9 : memref<128x128xf32, #tpu.memory_space<vmem>>) dst(%dma_wait3A_688 : memref<10112x128xf32, #tpu.memory_space<vmem_shared>>)
        tpu.yield
      }) : () -> ()
      "tpu.region"() ({
        %run_scoped3A = tpu.sem_alloc : memref<!tpu.dma_semaphore, #tpu.memory_space<semaphore_mem>>
        %dma_start3A_683 = arith.constant 0 : i32
        %dma_start3A_684 = tpu.memref_slice %arg17[%dma_start3A_683] : memref<10112xf32, #tpu.memory_space<vmem_shared>> -> memref<10112xf32, #tpu.memory_space<vmem_shared>>
        tpu.enqueue_indirect_dma source(%arg15 : memref<128xf32, #tpu.memory_space<vmem>>) target(%dma_start3A_684 : memref<10112xf32, #tpu.memory_space<vmem_shared>>) offsets(%arg12 : memref<128xi32, #tpu.memory_space<vmem>>) semaphore(%run_scoped3A : memref<!tpu.dma_semaphore, #tpu.memory_space<semaphore_mem>>) {add = true}
        %dma_wait3A_685 = arith.constant 0 : i32
        %dma_wait3A_686 = tpu.memref_slice %arg17[%dma_wait3A_685] : memref<10112xf32, #tpu.memory_space<vmem_shared>> -> memref<10112xf32, #tpu.memory_space<vmem_shared>>
        tpu.wait_indirect_dma semaphore(%run_scoped3A : memref<!tpu.dma_semaphore, #tpu.memory_space<semaphore_mem>>) src(%arg15 : memref<128xf32, #tpu.memory_space<vmem>>) dst(%dma_wait3A_686 : memref<10112xf32, #tpu.memory_space<vmem_shared>>)
        tpu.yield
      }) : () -> ()
      %add3A_382 = arith.constant 2 : i32
      %add3A_383 = arith.addi %add3A_378, %add3A_382 : i32
      %get3A_384 = arith.index_cast %add3A_383 : i32 to index
      %get3A_385 = arith.constant 0 : index
      %get3A_386 = tpu.vector_load %arg8[%get3A_384, %get3A_385] {strides = array<i32>} : memref<80x128xi32, #tpu.memory_space<vmem>>, vector<1x16xi32>,
      %get3A_387 = vector.shape_cast %get3A_386 : vector<1x16xi32> to vector<16xi32>
      %and3A_388 = arith.constant 16383 : i32
      %and3A_389 = vector.broadcast %and3A_388 : i32 to vector<16xi32>
      %and3A_390 = arith.andi %get3A_387, %and3A_389 : vector<16xi32>
      %swap3A_391 = arith.constant 0 : index
      %swap3A_392 = tpu.vector_load %arg11[%swap3A_391] {strides = array<i32>} : memref<128xi32, #tpu.memory_space<vmem>>, vector<16xi32>,
      %swap3A_393 = vector.shape_cast %swap3A_392 : vector<16xi32> to vector<16xi32>
      %swap3A_394 = vector.shape_cast %and3A_390 : vector<16xi32> to vector<16xi32>
      tpu.vector_store %arg11[%swap3A_391], %swap3A_394 {strides = array<i32>} : memref<128xi32, #tpu.memory_space<vmem>>, vector<16xi32>,
      %shift_right_arithmetic3A_395 = arith.constant 14 : i32
      %shift_right_arithmetic3A_396 = vector.broadcast %shift_right_arithmetic3A_395 : i32 to vector<16xi32>
      %shift_right_arithmetic3A_397 = arith.shrsi %get3A_387, %shift_right_arithmetic3A_396 : vector<16xi32>
      %swap3A_398 = arith.constant 0 : index
      %swap3A_399 = tpu.vector_load %arg12[%swap3A_398] {strides = array<i32>} : memref<128xi32, #tpu.memory_space<vmem>>, vector<16xi32>,
      %swap3A_400 = vector.shape_cast %swap3A_399 : vector<16xi32> to vector<16xi32>
      %swap3A_401 = vector.shape_cast %shift_right_arithmetic3A_397 : vector<16xi32> to vector<16xi32>
      tpu.vector_store %arg12[%swap3A_398], %swap3A_401 {strides = array<i32>} : memref<128xi32, #tpu.memory_space<vmem>>, vector<16xi32>,
      %get3A_402 = arith.index_cast %add3A_383 : i32 to index
      %get3A_403 = arith.constant 16 : index
      %get3A_404 = tpu.vector_load %arg8[%get3A_402, %get3A_403] {strides = array<i32>} : memref<80x128xi32, #tpu.memory_space<vmem>>, vector<1x16xi32>,
      %get3A_405 = vector.shape_cast %get3A_404 : vector<1x16xi32> to vector<16xi32>
      %and3A_406 = arith.constant 16383 : i32
      %and3A_407 = vector.broadcast %and3A_406 : i32 to vector<16xi32>
      %and3A_408 = arith.andi %get3A_405, %and3A_407 : vector<16xi32>
      %swap3A_409 = arith.constant 16 : index
      %swap3A_410 = tpu.vector_load %arg11[%swap3A_409] {strides = array<i32>} : memref<128xi32, #tpu.memory_space<vmem>>, vector<16xi32>,
      %swap3A_411 = vector.shape_cast %swap3A_410 : vector<16xi32> to vector<16xi32>
      %swap3A_412 = vector.shape_cast %and3A_408 : vector<16xi32> to vector<16xi32>
      tpu.vector_store %arg11[%swap3A_409], %swap3A_412 {strides = array<i32>} : memref<128xi32, #tpu.memory_space<vmem>>, vector<16xi32>,
      %shift_right_arithmetic3A_413 = arith.constant 14 : i32
      %shift_right_arithmetic3A_414 = vector.broadcast %shift_right_arithmetic3A_413 : i32 to vector<16xi32>
      %shift_right_arithmetic3A_415 = arith.shrsi %get3A_405, %shift_right_arithmetic3A_414 : vector<16xi32>
      %swap3A_416 = arith.constant 16 : index
      %swap3A_417 = tpu.vector_load %arg12[%swap3A_416] {strides = array<i32>} : memref<128xi32, #tpu.memory_space<vmem>>, vector<16xi32>,
      %swap3A_418 = vector.shape_cast %swap3A_417 : vector<16xi32> to vector<16xi32>
      %swap3A_419 = vector.shape_cast %shift_right_arithmetic3A_415 : vector<16xi32> to vector<16xi32>
      tpu.vector_store %arg12[%swap3A_416], %swap3A_419 {strides = array<i32>} : memref<128xi32, #tpu.memory_space<vmem>>, vector<16xi32>,
      %get3A_420 = arith.index_cast %add3A_383 : i32 to index
      %get3A_421 = arith.constant 32 : index
      %get3A_422 = tpu.vector_load %arg8[%get3A_420, %get3A_421] {strides = array<i32>} : memref<80x128xi32, #tpu.memory_space<vmem>>, vector<1x16xi32>,
      %get3A_423 = vector.shape_cast %get3A_422 : vector<1x16xi32> to vector<16xi32>
      %and3A_424 = arith.constant 16383 : i32
      %and3A_425 = vector.broadcast %and3A_424 : i32 to vector<16xi32>
      %and3A_426 = arith.andi %get3A_423, %and3A_425 : vector<16xi32>
      %swap3A_427 = arith.constant 32 : index
      %swap3A_428 = tpu.vector_load %arg11[%swap3A_427] {strides = array<i32>} : memref<128xi32, #tpu.memory_space<vmem>>, vector<16xi32>,
      %swap3A_429 = vector.shape_cast %swap3A_428 : vector<16xi32> to vector<16xi32>
      %swap3A_430 = vector.shape_cast %and3A_426 : vector<16xi32> to vector<16xi32>
      tpu.vector_store %arg11[%swap3A_427], %swap3A_430 {strides = array<i32>} : memref<128xi32, #tpu.memory_space<vmem>>, vector<16xi32>,
      %shift_right_arithmetic3A_431 = arith.constant 14 : i32
      %shift_right_arithmetic3A_432 = vector.broadcast %shift_right_arithmetic3A_431 : i32 to vector<16xi32>
      %shift_right_arithmetic3A_433 = arith.shrsi %get3A_423, %shift_right_arithmetic3A_432 : vector<16xi32>
      %swap3A_434 = arith.constant 32 : index
      %swap3A_435 = tpu.vector_load %arg12[%swap3A_434] {strides = array<i32>} : memref<128xi32, #tpu.memory_space<vmem>>, vector<16xi32>,
      %swap3A_436 = vector.shape_cast %swap3A_435 : vector<16xi32> to vector<16xi32>
      %swap3A_437 = vector.shape_cast %shift_right_arithmetic3A_433 : vector<16xi32> to vector<16xi32>
      tpu.vector_store %arg12[%swap3A_434], %swap3A_437 {strides = array<i32>} : memref<128xi32, #tpu.memory_space<vmem>>, vector<16xi32>,
      %get3A_438 = arith.index_cast %add3A_383 : i32 to index
      %get3A_439 = arith.constant 48 : index
      %get3A_440 = tpu.vector_load %arg8[%get3A_438, %get3A_439] {strides = array<i32>} : memref<80x128xi32, #tpu.memory_space<vmem>>, vector<1x16xi32>,
      %get3A_441 = vector.shape_cast %get3A_440 : vector<1x16xi32> to vector<16xi32>
      %and3A_442 = arith.constant 16383 : i32
      %and3A_443 = vector.broadcast %and3A_442 : i32 to vector<16xi32>
      %and3A_444 = arith.andi %get3A_441, %and3A_443 : vector<16xi32>
      %swap3A_445 = arith.constant 48 : index
      %swap3A_446 = tpu.vector_load %arg11[%swap3A_445] {strides = array<i32>} : memref<128xi32, #tpu.memory_space<vmem>>, vector<16xi32>,
      %swap3A_447 = vector.shape_cast %swap3A_446 : vector<16xi32> to vector<16xi32>
      %swap3A_448 = vector.shape_cast %and3A_444 : vector<16xi32> to vector<16xi32>
      tpu.vector_store %arg11[%swap3A_445], %swap3A_448 {strides = array<i32>} : memref<128xi32, #tpu.memory_space<vmem>>, vector<16xi32>,
      %shift_right_arithmetic3A_449 = arith.constant 14 : i32
      %shift_right_arithmetic3A_450 = vector.broadcast %shift_right_arithmetic3A_449 : i32 to vector<16xi32>
      %shift_right_arithmetic3A_451 = arith.shrsi %get3A_441, %shift_right_arithmetic3A_450 : vector<16xi32>
      %swap3A_452 = arith.constant 48 : index
      %swap3A_453 = tpu.vector_load %arg12[%swap3A_452] {strides = array<i32>} : memref<128xi32, #tpu.memory_space<vmem>>, vector<16xi32>,
      %swap3A_454 = vector.shape_cast %swap3A_453 : vector<16xi32> to vector<16xi32>
      %swap3A_455 = vector.shape_cast %shift_right_arithmetic3A_451 : vector<16xi32> to vector<16xi32>
      tpu.vector_store %arg12[%swap3A_452], %swap3A_455 {strides = array<i32>} : memref<128xi32, #tpu.memory_space<vmem>>, vector<16xi32>,
      %get3A_456 = arith.index_cast %add3A_383 : i32 to index
      %get3A_457 = arith.constant 64 : index
      %get3A_458 = tpu.vector_load %arg8[%get3A_456, %get3A_457] {strides = array<i32>} : memref<80x128xi32, #tpu.memory_space<vmem>>, vector<1x16xi32>,
      %get3A_459 = vector.shape_cast %get3A_458 : vector<1x16xi32> to vector<16xi32>
      %and3A_460 = arith.constant 16383 : i32
      %and3A_461 = vector.broadcast %and3A_460 : i32 to vector<16xi32>
      %and3A_462 = arith.andi %get3A_459, %and3A_461 : vector<16xi32>
      %swap3A_463 = arith.constant 64 : index
      %swap3A_464 = tpu.vector_load %arg11[%swap3A_463] {strides = array<i32>} : memref<128xi32, #tpu.memory_space<vmem>>, vector<16xi32>,
      %swap3A_465 = vector.shape_cast %swap3A_464 : vector<16xi32> to vector<16xi32>
      %swap3A_466 = vector.shape_cast %and3A_462 : vector<16xi32> to vector<16xi32>
      tpu.vector_store %arg11[%swap3A_463], %swap3A_466 {strides = array<i32>} : memref<128xi32, #tpu.memory_space<vmem>>, vector<16xi32>,
      %shift_right_arithmetic3A_467 = arith.constant 14 : i32
      %shift_right_arithmetic3A_468 = vector.broadcast %shift_right_arithmetic3A_467 : i32 to vector<16xi32>
      %shift_right_arithmetic3A_469 = arith.shrsi %get3A_459, %shift_right_arithmetic3A_468 : vector<16xi32>
      %swap3A_470 = arith.constant 64 : index
      %swap3A_471 = tpu.vector_load %arg12[%swap3A_470] {strides = array<i32>} : memref<128xi32, #tpu.memory_space<vmem>>, vector<16xi32>,
      %swap3A_472 = vector.shape_cast %swap3A_471 : vector<16xi32> to vector<16xi32>
      %swap3A_473 = vector.shape_cast %shift_right_arithmetic3A_469 : vector<16xi32> to vector<16xi32>
      tpu.vector_store %arg12[%swap3A_470], %swap3A_473 {strides = array<i32>} : memref<128xi32, #tpu.memory_space<vmem>>, vector<16xi32>,
      %get3A_474 = arith.index_cast %add3A_383 : i32 to index
      %get3A_475 = arith.constant 80 : index
      %get3A_476 = tpu.vector_load %arg8[%get3A_474, %get3A_475] {strides = array<i32>} : memref<80x128xi32, #tpu.memory_space<vmem>>, vector<1x16xi32>,
      %get3A_477 = vector.shape_cast %get3A_476 : vector<1x16xi32> to vector<16xi32>
      %and3A_478 = arith.constant 16383 : i32
      %and3A_479 = vector.broadcast %and3A_478 : i32 to vector<16xi32>
      %and3A_480 = arith.andi %get3A_477, %and3A_479 : vector<16xi32>
      %swap3A_481 = arith.constant 80 : index
      %swap3A_482 = tpu.vector_load %arg11[%swap3A_481] {strides = array<i32>} : memref<128xi32, #tpu.memory_space<vmem>>, vector<16xi32>,
      %swap3A_483 = vector.shape_cast %swap3A_482 : vector<16xi32> to vector<16xi32>
      %swap3A_484 = vector.shape_cast %and3A_480 : vector<16xi32> to vector<16xi32>
      tpu.vector_store %arg11[%swap3A_481], %swap3A_484 {strides = array<i32>} : memref<128xi32, #tpu.memory_space<vmem>>, vector<16xi32>,
      %shift_right_arithmetic3A_485 = arith.constant 14 : i32
      %shift_right_arithmetic3A_486 = vector.broadcast %shift_right_arithmetic3A_485 : i32 to vector<16xi32>
      %shift_right_arithmetic3A_487 = arith.shrsi %get3A_477, %shift_right_arithmetic3A_486 : vector<16xi32>
      %swap3A_488 = arith.constant 80 : index
      %swap3A_489 = tpu.vector_load %arg12[%swap3A_488] {strides = array<i32>} : memref<128xi32, #tpu.memory_space<vmem>>, vector<16xi32>,
      %swap3A_490 = vector.shape_cast %swap3A_489 : vector<16xi32> to vector<16xi32>
      %swap3A_491 = vector.shape_cast %shift_right_arithmetic3A_487 : vector<16xi32> to vector<16xi32>
      tpu.vector_store %arg12[%swap3A_488], %swap3A_491 {strides = array<i32>} : memref<128xi32, #tpu.memory_space<vmem>>, vector<16xi32>,
      %get3A_492 = arith.index_cast %add3A_383 : i32 to index
      %get3A_493 = arith.constant 96 : index
      %get3A_494 = tpu.vector_load %arg8[%get3A_492, %get3A_493] {strides = array<i32>} : memref<80x128xi32, #tpu.memory_space<vmem>>, vector<1x16xi32>,
      %get3A_495 = vector.shape_cast %get3A_494 : vector<1x16xi32> to vector<16xi32>
      %and3A_496 = arith.constant 16383 : i32
      %and3A_497 = vector.broadcast %and3A_496 : i32 to vector<16xi32>
      %and3A_498 = arith.andi %get3A_495, %and3A_497 : vector<16xi32>
      %swap3A_499 = arith.constant 96 : index
      %swap3A_500 = tpu.vector_load %arg11[%swap3A_499] {strides = array<i32>} : memref<128xi32, #tpu.memory_space<vmem>>, vector<16xi32>,
      %swap3A_501 = vector.shape_cast %swap3A_500 : vector<16xi32> to vector<16xi32>
      %swap3A_502 = vector.shape_cast %and3A_498 : vector<16xi32> to vector<16xi32>
      tpu.vector_store %arg11[%swap3A_499], %swap3A_502 {strides = array<i32>} : memref<128xi32, #tpu.memory_space<vmem>>, vector<16xi32>,
      %shift_right_arithmetic3A_503 = arith.constant 14 : i32
      %shift_right_arithmetic3A_504 = vector.broadcast %shift_right_arithmetic3A_503 : i32 to vector<16xi32>
      %shift_right_arithmetic3A_505 = arith.shrsi %get3A_495, %shift_right_arithmetic3A_504 : vector<16xi32>
      %swap3A_506 = arith.constant 96 : index
      %swap3A_507 = tpu.vector_load %arg12[%swap3A_506] {strides = array<i32>} : memref<128xi32, #tpu.memory_space<vmem>>, vector<16xi32>,
      %swap3A_508 = vector.shape_cast %swap3A_507 : vector<16xi32> to vector<16xi32>
      %swap3A_509 = vector.shape_cast %shift_right_arithmetic3A_505 : vector<16xi32> to vector<16xi32>
      tpu.vector_store %arg12[%swap3A_506], %swap3A_509 {strides = array<i32>} : memref<128xi32, #tpu.memory_space<vmem>>, vector<16xi32>,
      %get3A_510 = arith.index_cast %add3A_383 : i32 to index
      %get3A_511 = arith.constant 112 : index
      %get3A_512 = tpu.vector_load %arg8[%get3A_510, %get3A_511] {strides = array<i32>} : memref<80x128xi32, #tpu.memory_space<vmem>>, vector<1x16xi32>,
      %get3A_513 = vector.shape_cast %get3A_512 : vector<1x16xi32> to vector<16xi32>
      %and3A_514 = arith.constant 16383 : i32
      %and3A_515 = vector.broadcast %and3A_514 : i32 to vector<16xi32>
      %and3A_516 = arith.andi %get3A_513, %and3A_515 : vector<16xi32>
      %swap3A_517 = arith.constant 112 : index
      %swap3A_518 = tpu.vector_load %arg11[%swap3A_517] {strides = array<i32>} : memref<128xi32, #tpu.memory_space<vmem>>, vector<16xi32>,
      %swap3A_519 = vector.shape_cast %swap3A_518 : vector<16xi32> to vector<16xi32>
      %swap3A_520 = vector.shape_cast %and3A_516 : vector<16xi32> to vector<16xi32>
      tpu.vector_store %arg11[%swap3A_517], %swap3A_520 {strides = array<i32>} : memref<128xi32, #tpu.memory_space<vmem>>, vector<16xi32>,
      %shift_right_arithmetic3A_521 = arith.constant 14 : i32
      %shift_right_arithmetic3A_522 = vector.broadcast %shift_right_arithmetic3A_521 : i32 to vector<16xi32>
      %shift_right_arithmetic3A_523 = arith.shrsi %get3A_513, %shift_right_arithmetic3A_522 : vector<16xi32>
      %swap3A_524 = arith.constant 112 : index
      %swap3A_525 = tpu.vector_load %arg12[%swap3A_524] {strides = array<i32>} : memref<128xi32, #tpu.memory_space<vmem>>, vector<16xi32>,
      %swap3A_526 = vector.shape_cast %swap3A_525 : vector<16xi32> to vector<16xi32>
      %swap3A_527 = vector.shape_cast %shift_right_arithmetic3A_523 : vector<16xi32> to vector<16xi32>
      tpu.vector_store %arg12[%swap3A_524], %swap3A_527 {strides = array<i32>} : memref<128xi32, #tpu.memory_space<vmem>>, vector<16xi32>,
      %dma_start3A_528 = arith.constant 0 : i32
      %dma_start3A_529 = arith.constant 0 : i32
      %dma_start3A_530 = tpu.memref_slice %arg2[%dma_start3A_528, %dma_start3A_529] : memref<10000x128xf32, #tpu.memory_space<hbm>> -> memref<10000x128xf32, #tpu.memory_space<hbm>>
      tpu.enqueue_indirect_dma source(%dma_start3A_530 : memref<10000x128xf32, #tpu.memory_space<hbm>>) target(%arg9 : memref<128x128xf32, #tpu.memory_space<vmem>>) offsets(%arg11 : memref<128xi32, #tpu.memory_space<vmem>>) semaphore(%arg18 : memref<!tpu.dma_semaphore, #tpu.memory_space<semaphore_mem>>)
      %dma_wait3A_531 = arith.constant 0 : i32
      %dma_wait3A_532 = arith.constant 0 : i32
      %dma_wait3A_533 = tpu.memref_slice %arg2[%dma_wait3A_531, %dma_wait3A_532] : memref<10000x128xf32, #tpu.memory_space<hbm>> -> memref<10000x128xf32, #tpu.memory_space<hbm>>
      tpu.wait_indirect_dma semaphore(%arg19 : memref<!tpu.dma_semaphore, #tpu.memory_space<semaphore_mem>>) src(%dma_wait3A_533 : memref<10000x128xf32, #tpu.memory_space<hbm>>) dst(%arg10 : memref<128x128xf32, #tpu.memory_space<vmem>>)
      "tpu.region"() ({
        %run_scoped3A = tpu.sem_alloc : memref<!tpu.dma_semaphore, #tpu.memory_space<semaphore_mem>>
        %dma_start3A_683 = arith.constant 0 : i32
        %dma_start3A_684 = arith.constant 0 : i32
        %dma_start3A_685 = tpu.memref_slice %arg16[%dma_start3A_683, %dma_start3A_684] : memref<10112x128xf32, #tpu.memory_space<vmem_shared>> -> memref<10112x128xf32, #tpu.memory_space<vmem_shared>>
        tpu.enqueue_indirect_dma source(%arg10 : memref<128x128xf32, #tpu.memory_space<vmem>>) target(%dma_start3A_685 : memref<10112x128xf32, #tpu.memory_space<vmem_shared>>) offsets(%arg14 : memref<128xi32, #tpu.memory_space<vmem>>) semaphore(%run_scoped3A : memref<!tpu.dma_semaphore, #tpu.memory_space<semaphore_mem>>) {add = true}
        %dma_wait3A_686 = arith.constant 0 : i32
        %dma_wait3A_687 = arith.constant 0 : i32
        %dma_wait3A_688 = tpu.memref_slice %arg16[%dma_wait3A_686, %dma_wait3A_687] : memref<10112x128xf32, #tpu.memory_space<vmem_shared>> -> memref<10112x128xf32, #tpu.memory_space<vmem_shared>>
        tpu.wait_indirect_dma semaphore(%run_scoped3A : memref<!tpu.dma_semaphore, #tpu.memory_space<semaphore_mem>>) src(%arg10 : memref<128x128xf32, #tpu.memory_space<vmem>>) dst(%dma_wait3A_688 : memref<10112x128xf32, #tpu.memory_space<vmem_shared>>)
        tpu.yield
      }) : () -> ()
      "tpu.region"() ({
        %run_scoped3A = tpu.sem_alloc : memref<!tpu.dma_semaphore, #tpu.memory_space<semaphore_mem>>
        %dma_start3A_683 = arith.constant 0 : i32
        %dma_start3A_684 = tpu.memref_slice %arg17[%dma_start3A_683] : memref<10112xf32, #tpu.memory_space<vmem_shared>> -> memref<10112xf32, #tpu.memory_space<vmem_shared>>
        tpu.enqueue_indirect_dma source(%arg15 : memref<128xf32, #tpu.memory_space<vmem>>) target(%dma_start3A_684 : memref<10112xf32, #tpu.memory_space<vmem_shared>>) offsets(%arg14 : memref<128xi32, #tpu.memory_space<vmem>>) semaphore(%run_scoped3A : memref<!tpu.dma_semaphore, #tpu.memory_space<semaphore_mem>>) {add = true}
        %dma_wait3A_685 = arith.constant 0 : i32
        %dma_wait3A_686 = tpu.memref_slice %arg17[%dma_wait3A_685] : memref<10112xf32, #tpu.memory_space<vmem_shared>> -> memref<10112xf32, #tpu.memory_space<vmem_shared>>
        tpu.wait_indirect_dma semaphore(%run_scoped3A : memref<!tpu.dma_semaphore, #tpu.memory_space<semaphore_mem>>) src(%arg15 : memref<128xf32, #tpu.memory_space<vmem>>) dst(%dma_wait3A_686 : memref<10112xf32, #tpu.memory_space<vmem_shared>>)
        tpu.yield
      }) : () -> ()
      %add3A_534 = arith.constant 3 : i32
      %add3A_535 = arith.addi %add3A_378, %add3A_534 : i32
      %get3A_536 = arith.index_cast %add3A_535 : i32 to index
      %get3A_537 = arith.constant 0 : index
      %get3A_538 = tpu.vector_load %arg8[%get3A_536, %get3A_537] {strides = array<i32>} : memref<80x128xi32, #tpu.memory_space<vmem>>, vector<1x16xi32>,
      %get3A_539 = vector.shape_cast %get3A_538 : vector<1x16xi32> to vector<16xi32>
      %and3A_540 = arith.constant 16383 : i32
      %and3A_541 = vector.broadcast %and3A_540 : i32 to vector<16xi32>
      %and3A_542 = arith.andi %get3A_539, %and3A_541 : vector<16xi32>
      %swap3A_543 = arith.constant 0 : index
      %swap3A_544 = tpu.vector_load %arg13[%swap3A_543] {strides = array<i32>} : memref<128xi32, #tpu.memory_space<vmem>>, vector<16xi32>,
      %swap3A_545 = vector.shape_cast %swap3A_544 : vector<16xi32> to vector<16xi32>
      %swap3A_546 = vector.shape_cast %and3A_542 : vector<16xi32> to vector<16xi32>
      tpu.vector_store %arg13[%swap3A_543], %swap3A_546 {strides = array<i32>} : memref<128xi32, #tpu.memory_space<vmem>>, vector<16xi32>,
      %shift_right_arithmetic3A_547 = arith.constant 14 : i32
      %shift_right_arithmetic3A_548 = vector.broadcast %shift_right_arithmetic3A_547 : i32 to vector<16xi32>
      %shift_right_arithmetic3A_549 = arith.shrsi %get3A_539, %shift_right_arithmetic3A_548 : vector<16xi32>
      %swap3A_550 = arith.constant 0 : index
      %swap3A_551 = tpu.vector_load %arg14[%swap3A_550] {strides = array<i32>} : memref<128xi32, #tpu.memory_space<vmem>>, vector<16xi32>,
      %swap3A_552 = vector.shape_cast %swap3A_551 : vector<16xi32> to vector<16xi32>
      %swap3A_553 = vector.shape_cast %shift_right_arithmetic3A_549 : vector<16xi32> to vector<16xi32>
      tpu.vector_store %arg14[%swap3A_550], %swap3A_553 {strides = array<i32>} : memref<128xi32, #tpu.memory_space<vmem>>, vector<16xi32>,
      %get3A_554 = arith.index_cast %add3A_535 : i32 to index
      %get3A_555 = arith.constant 16 : index
      %get3A_556 = tpu.vector_load %arg8[%get3A_554, %get3A_555] {strides = array<i32>} : memref<80x128xi32, #tpu.memory_space<vmem>>, vector<1x16xi32>,
      %get3A_557 = vector.shape_cast %get3A_556 : vector<1x16xi32> to vector<16xi32>
      %and3A_558 = arith.constant 16383 : i32
      %and3A_559 = vector.broadcast %and3A_558 : i32 to vector<16xi32>
      %and3A_560 = arith.andi %get3A_557, %and3A_559 : vector<16xi32>
      %swap3A_561 = arith.constant 16 : index
      %swap3A_562 = tpu.vector_load %arg13[%swap3A_561] {strides = array<i32>} : memref<128xi32, #tpu.memory_space<vmem>>, vector<16xi32>,
      %swap3A_563 = vector.shape_cast %swap3A_562 : vector<16xi32> to vector<16xi32>
      %swap3A_564 = vector.shape_cast %and3A_560 : vector<16xi32> to vector<16xi32>
      tpu.vector_store %arg13[%swap3A_561], %swap3A_564 {strides = array<i32>} : memref<128xi32, #tpu.memory_space<vmem>>, vector<16xi32>,
      %shift_right_arithmetic3A_565 = arith.constant 14 : i32
      %shift_right_arithmetic3A_566 = vector.broadcast %shift_right_arithmetic3A_565 : i32 to vector<16xi32>
      %shift_right_arithmetic3A_567 = arith.shrsi %get3A_557, %shift_right_arithmetic3A_566 : vector<16xi32>
      %swap3A_568 = arith.constant 16 : index
      %swap3A_569 = tpu.vector_load %arg14[%swap3A_568] {strides = array<i32>} : memref<128xi32, #tpu.memory_space<vmem>>, vector<16xi32>,
      %swap3A_570 = vector.shape_cast %swap3A_569 : vector<16xi32> to vector<16xi32>
      %swap3A_571 = vector.shape_cast %shift_right_arithmetic3A_567 : vector<16xi32> to vector<16xi32>
      tpu.vector_store %arg14[%swap3A_568], %swap3A_571 {strides = array<i32>} : memref<128xi32, #tpu.memory_space<vmem>>, vector<16xi32>,
      %get3A_572 = arith.index_cast %add3A_535 : i32 to index
      %get3A_573 = arith.constant 32 : index
      %get3A_574 = tpu.vector_load %arg8[%get3A_572, %get3A_573] {strides = array<i32>} : memref<80x128xi32, #tpu.memory_space<vmem>>, vector<1x16xi32>,
      %get3A_575 = vector.shape_cast %get3A_574 : vector<1x16xi32> to vector<16xi32>
      %and3A_576 = arith.constant 16383 : i32
      %and3A_577 = vector.broadcast %and3A_576 : i32 to vector<16xi32>
      %and3A_578 = arith.andi %get3A_575, %and3A_577 : vector<16xi32>
      %swap3A_579 = arith.constant 32 : index
      %swap3A_580 = tpu.vector_load %arg13[%swap3A_579] {strides = array<i32>} : memref<128xi32, #tpu.memory_space<vmem>>, vector<16xi32>,
      %swap3A_581 = vector.shape_cast %swap3A_580 : vector<16xi32> to vector<16xi32>
      %swap3A_582 = vector.shape_cast %and3A_578 : vector<16xi32> to vector<16xi32>
      tpu.vector_store %arg13[%swap3A_579], %swap3A_582 {strides = array<i32>} : memref<128xi32, #tpu.memory_space<vmem>>, vector<16xi32>,
      %shift_right_arithmetic3A_583 = arith.constant 14 : i32
      %shift_right_arithmetic3A_584 = vector.broadcast %shift_right_arithmetic3A_583 : i32 to vector<16xi32>
      %shift_right_arithmetic3A_585 = arith.shrsi %get3A_575, %shift_right_arithmetic3A_584 : vector<16xi32>
      %swap3A_586 = arith.constant 32 : index
      %swap3A_587 = tpu.vector_load %arg14[%swap3A_586] {strides = array<i32>} : memref<128xi32, #tpu.memory_space<vmem>>, vector<16xi32>,
      %swap3A_588 = vector.shape_cast %swap3A_587 : vector<16xi32> to vector<16xi32>
      %swap3A_589 = vector.shape_cast %shift_right_arithmetic3A_585 : vector<16xi32> to vector<16xi32>
      tpu.vector_store %arg14[%swap3A_586], %swap3A_589 {strides = array<i32>} : memref<128xi32, #tpu.memory_space<vmem>>, vector<16xi32>,
      %get3A_590 = arith.index_cast %add3A_535 : i32 to index
      %get3A_591 = arith.constant 48 : index
      %get3A_592 = tpu.vector_load %arg8[%get3A_590, %get3A_591] {strides = array<i32>} : memref<80x128xi32, #tpu.memory_space<vmem>>, vector<1x16xi32>,
      %get3A_593 = vector.shape_cast %get3A_592 : vector<1x16xi32> to vector<16xi32>
      %and3A_594 = arith.constant 16383 : i32
      %and3A_595 = vector.broadcast %and3A_594 : i32 to vector<16xi32>
      %and3A_596 = arith.andi %get3A_593, %and3A_595 : vector<16xi32>
      %swap3A_597 = arith.constant 48 : index
      %swap3A_598 = tpu.vector_load %arg13[%swap3A_597] {strides = array<i32>} : memref<128xi32, #tpu.memory_space<vmem>>, vector<16xi32>,
      %swap3A_599 = vector.shape_cast %swap3A_598 : vector<16xi32> to vector<16xi32>
      %swap3A_600 = vector.shape_cast %and3A_596 : vector<16xi32> to vector<16xi32>
      tpu.vector_store %arg13[%swap3A_597], %swap3A_600 {strides = array<i32>} : memref<128xi32, #tpu.memory_space<vmem>>, vector<16xi32>,
      %shift_right_arithmetic3A_601 = arith.constant 14 : i32
      %shift_right_arithmetic3A_602 = vector.broadcast %shift_right_arithmetic3A_601 : i32 to vector<16xi32>
      %shift_right_arithmetic3A_603 = arith.shrsi %get3A_593, %shift_right_arithmetic3A_602 : vector<16xi32>
      %swap3A_604 = arith.constant 48 : index
      %swap3A_605 = tpu.vector_load %arg14[%swap3A_604] {strides = array<i32>} : memref<128xi32, #tpu.memory_space<vmem>>, vector<16xi32>,
      %swap3A_606 = vector.shape_cast %swap3A_605 : vector<16xi32> to vector<16xi32>
      %swap3A_607 = vector.shape_cast %shift_right_arithmetic3A_603 : vector<16xi32> to vector<16xi32>
      tpu.vector_store %arg14[%swap3A_604], %swap3A_607 {strides = array<i32>} : memref<128xi32, #tpu.memory_space<vmem>>, vector<16xi32>,
      %get3A_608 = arith.index_cast %add3A_535 : i32 to index
      %get3A_609 = arith.constant 64 : index
      %get3A_610 = tpu.vector_load %arg8[%get3A_608, %get3A_609] {strides = array<i32>} : memref<80x128xi32, #tpu.memory_space<vmem>>, vector<1x16xi32>,
      %get3A_611 = vector.shape_cast %get3A_610 : vector<1x16xi32> to vector<16xi32>
      %and3A_612 = arith.constant 16383 : i32
      %and3A_613 = vector.broadcast %and3A_612 : i32 to vector<16xi32>
      %and3A_614 = arith.andi %get3A_611, %and3A_613 : vector<16xi32>
      %swap3A_615 = arith.constant 64 : index
      %swap3A_616 = tpu.vector_load %arg13[%swap3A_615] {strides = array<i32>} : memref<128xi32, #tpu.memory_space<vmem>>, vector<16xi32>,
      %swap3A_617 = vector.shape_cast %swap3A_616 : vector<16xi32> to vector<16xi32>
      %swap3A_618 = vector.shape_cast %and3A_614 : vector<16xi32> to vector<16xi32>
      tpu.vector_store %arg13[%swap3A_615], %swap3A_618 {strides = array<i32>} : memref<128xi32, #tpu.memory_space<vmem>>, vector<16xi32>,
      %shift_right_arithmetic3A_619 = arith.constant 14 : i32
      %shift_right_arithmetic3A_620 = vector.broadcast %shift_right_arithmetic3A_619 : i32 to vector<16xi32>
      %shift_right_arithmetic3A_621 = arith.shrsi %get3A_611, %shift_right_arithmetic3A_620 : vector<16xi32>
      %swap3A_622 = arith.constant 64 : index
      %swap3A_623 = tpu.vector_load %arg14[%swap3A_622] {strides = array<i32>} : memref<128xi32, #tpu.memory_space<vmem>>, vector<16xi32>,
      %swap3A_624 = vector.shape_cast %swap3A_623 : vector<16xi32> to vector<16xi32>
      %swap3A_625 = vector.shape_cast %shift_right_arithmetic3A_621 : vector<16xi32> to vector<16xi32>
      tpu.vector_store %arg14[%swap3A_622], %swap3A_625 {strides = array<i32>} : memref<128xi32, #tpu.memory_space<vmem>>, vector<16xi32>,
      %get3A_626 = arith.index_cast %add3A_535 : i32 to index
      %get3A_627 = arith.constant 80 : index
      %get3A_628 = tpu.vector_load %arg8[%get3A_626, %get3A_627] {strides = array<i32>} : memref<80x128xi32, #tpu.memory_space<vmem>>, vector<1x16xi32>,
      %get3A_629 = vector.shape_cast %get3A_628 : vector<1x16xi32> to vector<16xi32>
      %and3A_630 = arith.constant 16383 : i32
      %and3A_631 = vector.broadcast %and3A_630 : i32 to vector<16xi32>
      %and3A_632 = arith.andi %get3A_629, %and3A_631 : vector<16xi32>
      %swap3A_633 = arith.constant 80 : index
      %swap3A_634 = tpu.vector_load %arg13[%swap3A_633] {strides = array<i32>} : memref<128xi32, #tpu.memory_space<vmem>>, vector<16xi32>,
      %swap3A_635 = vector.shape_cast %swap3A_634 : vector<16xi32> to vector<16xi32>
      %swap3A_636 = vector.shape_cast %and3A_632 : vector<16xi32> to vector<16xi32>
      tpu.vector_store %arg13[%swap3A_633], %swap3A_636 {strides = array<i32>} : memref<128xi32, #tpu.memory_space<vmem>>, vector<16xi32>,
      %shift_right_arithmetic3A_637 = arith.constant 14 : i32
      %shift_right_arithmetic3A_638 = vector.broadcast %shift_right_arithmetic3A_637 : i32 to vector<16xi32>
      %shift_right_arithmetic3A_639 = arith.shrsi %get3A_629, %shift_right_arithmetic3A_638 : vector<16xi32>
      %swap3A_640 = arith.constant 80 : index
      %swap3A_641 = tpu.vector_load %arg14[%swap3A_640] {strides = array<i32>} : memref<128xi32, #tpu.memory_space<vmem>>, vector<16xi32>,
      %swap3A_642 = vector.shape_cast %swap3A_641 : vector<16xi32> to vector<16xi32>
      %swap3A_643 = vector.shape_cast %shift_right_arithmetic3A_639 : vector<16xi32> to vector<16xi32>
      tpu.vector_store %arg14[%swap3A_640], %swap3A_643 {strides = array<i32>} : memref<128xi32, #tpu.memory_space<vmem>>, vector<16xi32>,
      %get3A_644 = arith.index_cast %add3A_535 : i32 to index
      %get3A_645 = arith.constant 96 : index
      %get3A_646 = tpu.vector_load %arg8[%get3A_644, %get3A_645] {strides = array<i32>} : memref<80x128xi32, #tpu.memory_space<vmem>>, vector<1x16xi32>,
      %get3A_647 = vector.shape_cast %get3A_646 : vector<1x16xi32> to vector<16xi32>
      %and3A_648 = arith.constant 16383 : i32
      %and3A_649 = vector.broadcast %and3A_648 : i32 to vector<16xi32>
      %and3A_650 = arith.andi %get3A_647, %and3A_649 : vector<16xi32>
      %swap3A_651 = arith.constant 96 : index
      %swap3A_652 = tpu.vector_load %arg13[%swap3A_651] {strides = array<i32>} : memref<128xi32, #tpu.memory_space<vmem>>, vector<16xi32>,
      %swap3A_653 = vector.shape_cast %swap3A_652 : vector<16xi32> to vector<16xi32>
      %swap3A_654 = vector.shape_cast %and3A_650 : vector<16xi32> to vector<16xi32>
      tpu.vector_store %arg13[%swap3A_651], %swap3A_654 {strides = array<i32>} : memref<128xi32, #tpu.memory_space<vmem>>, vector<16xi32>,
      %shift_right_arithmetic3A_655 = arith.constant 14 : i32
      %shift_right_arithmetic3A_656 = vector.broadcast %shift_right_arithmetic3A_655 : i32 to vector<16xi32>
      %shift_right_arithmetic3A_657 = arith.shrsi %get3A_647, %shift_right_arithmetic3A_656 : vector<16xi32>
      %swap3A_658 = arith.constant 96 : index
      %swap3A_659 = tpu.vector_load %arg14[%swap3A_658] {strides = array<i32>} : memref<128xi32, #tpu.memory_space<vmem>>, vector<16xi32>,
      %swap3A_660 = vector.shape_cast %swap3A_659 : vector<16xi32> to vector<16xi32>
      %swap3A_661 = vector.shape_cast %shift_right_arithmetic3A_657 : vector<16xi32> to vector<16xi32>
      tpu.vector_store %arg14[%swap3A_658], %swap3A_661 {strides = array<i32>} : memref<128xi32, #tpu.memory_space<vmem>>, vector<16xi32>,
      %get3A_662 = arith.index_cast %add3A_535 : i32 to index
      %get3A_663 = arith.constant 112 : index
      %get3A_664 = tpu.vector_load %arg8[%get3A_662, %get3A_663] {strides = array<i32>} : memref<80x128xi32, #tpu.memory_space<vmem>>, vector<1x16xi32>,
      %get3A_665 = vector.shape_cast %get3A_664 : vector<1x16xi32> to vector<16xi32>
      %and3A_666 = arith.constant 16383 : i32
      %and3A_667 = vector.broadcast %and3A_666 : i32 to vector<16xi32>
      %and3A_668 = arith.andi %get3A_665, %and3A_667 : vector<16xi32>
      %swap3A_669 = arith.constant 112 : index
      %swap3A_670 = tpu.vector_load %arg13[%swap3A_669] {strides = array<i32>} : memref<128xi32, #tpu.memory_space<vmem>>, vector<16xi32>,
      %swap3A_671 = vector.shape_cast %swap3A_670 : vector<16xi32> to vector<16xi32>
      %swap3A_672 = vector.shape_cast %and3A_668 : vector<16xi32> to vector<16xi32>
      tpu.vector_store %arg13[%swap3A_669], %swap3A_672 {strides = array<i32>} : memref<128xi32, #tpu.memory_space<vmem>>, vector<16xi32>,
      %shift_right_arithmetic3A_673 = arith.constant 14 : i32
      %shift_right_arithmetic3A_674 = vector.broadcast %shift_right_arithmetic3A_673 : i32 to vector<16xi32>
      %shift_right_arithmetic3A_675 = arith.shrsi %get3A_665, %shift_right_arithmetic3A_674 : vector<16xi32>
      %swap3A_676 = arith.constant 112 : index
      %swap3A_677 = tpu.vector_load %arg14[%swap3A_676] {strides = array<i32>} : memref<128xi32, #tpu.memory_space<vmem>>, vector<16xi32>,
      %swap3A_678 = vector.shape_cast %swap3A_677 : vector<16xi32> to vector<16xi32>
      %swap3A_679 = vector.shape_cast %shift_right_arithmetic3A_675 : vector<16xi32> to vector<16xi32>
      tpu.vector_store %arg14[%swap3A_676], %swap3A_679 {strides = array<i32>} : memref<128xi32, #tpu.memory_space<vmem>>, vector<16xi32>,
      %dma_start3A_680 = arith.constant 0 : i32
      %dma_start3A_681 = arith.constant 0 : i32
      %dma_start3A_682 = tpu.memref_slice %arg2[%dma_start3A_680, %dma_start3A_681] : memref<10000x128xf32, #tpu.memory_space<hbm>> -> memref<10000x128xf32, #tpu.memory_space<hbm>>
      tpu.enqueue_indirect_dma source(%dma_start3A_682 : memref<10000x128xf32, #tpu.memory_space<hbm>>) target(%arg10 : memref<128x128xf32, #tpu.memory_space<vmem>>) offsets(%arg13 : memref<128xi32, #tpu.memory_space<vmem>>) semaphore(%arg19 : memref<!tpu.dma_semaphore, #tpu.memory_space<semaphore_mem>>)
    }
    %scan3A_360 = arith.constant 39 : i32
    %dma_wait3A = arith.constant 0 : i32
    %dma_wait3A_361 = arith.constant 0 : i32
    %dma_wait3A_362 = tpu.memref_slice %arg2[%dma_wait3A, %dma_wait3A_361] : memref<10000x128xf32, #tpu.memory_space<hbm>> -> memref<10000x128xf32, #tpu.memory_space<hbm>>
    tpu.wait_indirect_dma semaphore(%arg18 : memref<!tpu.dma_semaphore, #tpu.memory_space<semaphore_mem>>) src(%dma_wait3A_362 : memref<10000x128xf32, #tpu.memory_space<hbm>>) dst(%arg9 : memref<128x128xf32, #tpu.memory_space<vmem>>)
    "tpu.region"() ({
      %run_scoped3A = tpu.sem_alloc : memref<!tpu.dma_semaphore, #tpu.memory_space<semaphore_mem>>
      %dma_start3A_374 = arith.constant 0 : i32
      %dma_start3A_375 = arith.constant 0 : i32
      %dma_start3A_376 = tpu.memref_slice %arg16[%dma_start3A_374, %dma_start3A_375] : memref<10112x128xf32, #tpu.memory_space<vmem_shared>> -> memref<10112x128xf32, #tpu.memory_space<vmem_shared>>
      tpu.enqueue_indirect_dma source(%arg9 : memref<128x128xf32, #tpu.memory_space<vmem>>) target(%dma_start3A_376 : memref<10112x128xf32, #tpu.memory_space<vmem_shared>>) offsets(%arg12 : memref<128xi32, #tpu.memory_space<vmem>>) semaphore(%run_scoped3A : memref<!tpu.dma_semaphore, #tpu.memory_space<semaphore_mem>>) {add = true}
      %dma_wait3A_377 = arith.constant 0 : i32
      %dma_wait3A_378 = arith.constant 0 : i32
      %dma_wait3A_379 = tpu.memref_slice %arg16[%dma_wait3A_377, %dma_wait3A_378] : memref<10112x128xf32, #tpu.memory_space<vmem_shared>> -> memref<10112x128xf32, #tpu.memory_space<vmem_shared>>
      tpu.wait_indirect_dma semaphore(%run_scoped3A : memref<!tpu.dma_semaphore, #tpu.memory_space<semaphore_mem>>) src(%arg9 : memref<128x128xf32, #tpu.memory_space<vmem>>) dst(%dma_wait3A_379 : memref<10112x128xf32, #tpu.memory_space<vmem_shared>>)
      tpu.yield
    }) : () -> ()
    "tpu.region"() ({
      %run_scoped3A = tpu.sem_alloc : memref<!tpu.dma_semaphore, #tpu.memory_space<semaphore_mem>>
      %dma_start3A_374 = arith.constant 0 : i32
      %dma_start3A_375 = tpu.memref_slice %arg17[%dma_start3A_374] : memref<10112xf32, #tpu.memory_space<vmem_shared>> -> memref<10112xf32, #tpu.memory_space<vmem_shared>>
      tpu.enqueue_indirect_dma source(%arg15 : memref<128xf32, #tpu.memory_space<vmem>>) target(%dma_start3A_375 : memref<10112xf32, #tpu.memory_space<vmem_shared>>) offsets(%arg12 : memref<128xi32, #tpu.memory_space<vmem>>) semaphore(%run_scoped3A : memref<!tpu.dma_semaphore, #tpu.memory_space<semaphore_mem>>) {add = true}
      %dma_wait3A_376 = arith.constant 0 : i32
      %dma_wait3A_377 = tpu.memref_slice %arg17[%dma_wait3A_376] : memref<10112xf32, #tpu.memory_space<vmem_shared>> -> memref<10112xf32, #tpu.memory_space<vmem_shared>>
      tpu.wait_indirect_dma semaphore(%run_scoped3A : memref<!tpu.dma_semaphore, #tpu.memory_space<semaphore_mem>>) src(%arg15 : memref<128xf32, #tpu.memory_space<vmem>>) dst(%dma_wait3A_377 : memref<10112xf32, #tpu.memory_space<vmem_shared>>)
      tpu.yield
    }) : () -> ()
    %dma_wait3A_363 = arith.constant 0 : i32
    %dma_wait3A_364 = arith.constant 0 : i32
    %dma_wait3A_365 = tpu.memref_slice %arg2[%dma_wait3A_363, %dma_wait3A_364] : memref<10000x128xf32, #tpu.memory_space<hbm>> -> memref<10000x128xf32, #tpu.memory_space<hbm>>
    tpu.wait_indirect_dma semaphore(%arg19 : memref<!tpu.dma_semaphore, #tpu.memory_space<semaphore_mem>>) src(%dma_wait3A_365 : memref<10000x128xf32, #tpu.memory_space<hbm>>) dst(%arg10 : memref<128x128xf32, #tpu.memory_space<vmem>>)
    "tpu.region"() ({
      %run_scoped3A = tpu.sem_alloc : memref<!tpu.dma_semaphore, #tpu.memory_space<semaphore_mem>>
      %dma_start3A_374 = arith.constant 0 : i32
      %dma_start3A_375 = arith.constant 0 : i32
      %dma_start3A_376 = tpu.memref_slice %arg16[%dma_start3A_374, %dma_start3A_375] : memref<10112x128xf32, #tpu.memory_space<vmem_shared>> -> memref<10112x128xf32, #tpu.memory_space<vmem_shared>>
      tpu.enqueue_indirect_dma source(%arg10 : memref<128x128xf32, #tpu.memory_space<vmem>>) target(%dma_start3A_376 : memref<10112x128xf32, #tpu.memory_space<vmem_shared>>) offsets(%arg14 : memref<128xi32, #tpu.memory_space<vmem>>) semaphore(%run_scoped3A : memref<!tpu.dma_semaphore, #tpu.memory_space<semaphore_mem>>) {add = true}
      %dma_wait3A_377 = arith.constant 0 : i32
      %dma_wait3A_378 = arith.constant 0 : i32
      %dma_wait3A_379 = tpu.memref_slice %arg16[%dma_wait3A_377, %dma_wait3A_378] : memref<10112x128xf32, #tpu.memory_space<vmem_shared>> -> memref<10112x128xf32, #tpu.memory_space<vmem_shared>>
      tpu.wait_indirect_dma semaphore(%run_scoped3A : memref<!tpu.dma_semaphore, #tpu.memory_space<semaphore_mem>>) src(%arg10 : memref<128x128xf32, #tpu.memory_space<vmem>>) dst(%dma_wait3A_379 : memref<10112x128xf32, #tpu.memory_space<vmem_shared>>)
      tpu.yield
    }) : () -> ()
    "tpu.region"() ({
      %run_scoped3A = tpu.sem_alloc : memref<!tpu.dma_semaphore, #tpu.memory_space<semaphore_mem>>
      %dma_start3A_374 = arith.constant 0 : i32
      %dma_start3A_375 = tpu.memref_slice %arg17[%dma_start3A_374] : memref<10112xf32, #tpu.memory_space<vmem_shared>> -> memref<10112xf32, #tpu.memory_space<vmem_shared>>
      tpu.enqueue_indirect_dma source(%arg15 : memref<128xf32, #tpu.memory_space<vmem>>) target(%dma_start3A_375 : memref<10112xf32, #tpu.memory_space<vmem_shared>>) offsets(%arg14 : memref<128xi32, #tpu.memory_space<vmem>>) semaphore(%run_scoped3A : memref<!tpu.dma_semaphore, #tpu.memory_space<semaphore_mem>>) {add = true}
      %dma_wait3A_376 = arith.constant 0 : i32
      %dma_wait3A_377 = tpu.memref_slice %arg17[%dma_wait3A_376] : memref<10112xf32, #tpu.memory_space<vmem_shared>> -> memref<10112xf32, #tpu.memory_space<vmem_shared>>
      tpu.wait_indirect_dma semaphore(%run_scoped3A : memref<!tpu.dma_semaphore, #tpu.memory_space<semaphore_mem>>) src(%arg15 : memref<128xf32, #tpu.memory_space<vmem>>) dst(%dma_wait3A_377 : memref<10112xf32, #tpu.memory_space<vmem_shared>>)
      tpu.yield
    }) : () -> ()
    %barrier3A_366 = arith.constant 0 : index
    tpu.barrier barrier_id(%barrier3A_366)
    %mul3A_367 = arith.constant 632 : i32
    %mul3A_368 = arith.muli %arg1, %mul3A_367 : i32
    "tpu.region"() ({
      %run_scoped3A = tpu.sem_alloc : memref<!tpu.dma_semaphore, #tpu.memory_space<semaphore_mem>>
      %dma_start3A_374 = arith.constant 0 : i32
      %dma_start3A_375 = arith.constant 0 : i32
      %dma_start3A_376 = tpu.memref_slice %arg6[%add3A, %dma_start3A_374, %dma_start3A_375] : memref<32x632x128xf32, #tpu.memory_space<hbm>> -> memref<1x632x128xf32, #tpu.memory_space<hbm>>
      %dma_start3A_377 = tpu.memref_squeeze %dma_start3A_376 : memref<1x632x128xf32, #tpu.memory_space<hbm>> -> memref<632x128xf32, #tpu.memory_space<hbm>>
      %dma_start3A_378 = arith.constant 0 : i32
      %dma_start3A_379 = tpu.memref_slice %arg16[%mul3A_368, %dma_start3A_378] : memref<10112x128xf32, #tpu.memory_space<vmem_shared>> -> memref<632x128xf32, #tpu.memory_space<vmem_shared>>
      tpu.enqueue_dma source(%dma_start3A_379 : memref<632x128xf32, #tpu.memory_space<vmem_shared>>) target(%dma_start3A_377 : memref<632x128xf32, #tpu.memory_space<hbm>>) target_semaphore(%run_scoped3A : memref<!tpu.dma_semaphore, #tpu.memory_space<semaphore_mem>>)
      %dma_wait3A_380 = arith.constant 0 : i32
      %dma_wait3A_381 = arith.constant 0 : i32
      %dma_wait3A_382 = tpu.memref_slice %arg6[%add3A, %dma_wait3A_380, %dma_wait3A_381] : memref<32x632x128xf32, #tpu.memory_space<hbm>> -> memref<1x632x128xf32, #tpu.memory_space<hbm>>
      %dma_wait3A_383 = tpu.memref_squeeze %dma_wait3A_382 : memref<1x632x128xf32, #tpu.memory_space<hbm>> -> memref<632x128xf32, #tpu.memory_space<hbm>>
      %dma_wait3A_384 = arith.constant 0 : i32
      %dma_wait3A_385 = tpu.memref_slice %arg16[%mul3A_368, %dma_wait3A_384] : memref<10112x128xf32, #tpu.memory_space<vmem_shared>> -> memref<632x128xf32, #tpu.memory_space<vmem_shared>>
      tpu.wait_dma2 semaphore(%run_scoped3A : memref<!tpu.dma_semaphore, #tpu.memory_space<semaphore_mem>>) src(%dma_wait3A_385 : memref<632x128xf32, #tpu.memory_space<vmem_shared>>) dst(%dma_wait3A_383 : memref<632x128xf32, #tpu.memory_space<hbm>>)
      tpu.yield
    }) : () -> ()
    %eq3A_369 = arith.constant 0 : i32
    %eq3A_370 = arith.cmpi eq, %arg1, %eq3A_369 : i32
    %convert_element_type3A_371 = arith.extui %eq3A_370 : i1 to i32
    %cond3A_372 = arith.constant 0 : i32
    %cond3A_373 = arith.cmpi ne, %convert_element_type3A_371, %cond3A_372 : i32
    scf.if %cond3A_373 {
      "tpu.region"() ({
        %run_scoped3A = tpu.sem_alloc : memref<!tpu.dma_semaphore, #tpu.memory_space<semaphore_mem>>
        %dma_start3A_374 = arith.constant 0 : i32
        %dma_start3A_375 = tpu.memref_slice %arg7[%arg0, %dma_start3A_374] : memref<2x10112xf32, #tpu.memory_space<hbm>> -> memref<1x10112xf32, #tpu.memory_space<hbm>>
        %dma_start3A_376 = tpu.memref_squeeze %dma_start3A_375 : memref<1x10112xf32, #tpu.memory_space<hbm>> -> memref<10112xf32, #tpu.memory_space<hbm>>
        tpu.enqueue_dma source(%arg17 : memref<10112xf32, #tpu.memory_space<vmem_shared>>) target(%dma_start3A_376 : memref<10112xf32, #tpu.memory_space<hbm>>) target_semaphore(%run_scoped3A : memref<!tpu.dma_semaphore, #tpu.memory_space<semaphore_mem>>)
        %dma_wait3A_377 = arith.constant 0 : i32
        %dma_wait3A_378 = tpu.memref_slice %arg7[%arg0, %dma_wait3A_377] : memref<2x10112xf32, #tpu.memory_space<hbm>> -> memref<1x10112xf32, #tpu.memory_space<hbm>>
        %dma_wait3A_379 = tpu.memref_squeeze %dma_wait3A_378 : memref<1x10112xf32, #tpu.memory_space<hbm>> -> memref<10112xf32, #tpu.memory_space<hbm>>
        tpu.wait_dma2 semaphore(%run_scoped3A : memref<!tpu.dma_semaphore, #tpu.memory_space<semaphore_mem>>) src(%arg17 : memref<10112xf32, #tpu.memory_space<vmem_shared>>) dst(%dma_wait3A_379 : memref<10112xf32, #tpu.memory_space<hbm>>)
        tpu.yield
      }) : () -> ()
    } else {
    }
    return
  }
}

#map = affine_map<(d0, d1) -> (0, 0)>
#map1 = affine_map<(d0, d1) -> (0, 0, 0)>
#map2 = affine_map<(d0, d1) -> (0)>
module attributes {stable_mosaic.version = 14 : i64} {
  func.func @body_in(%arg0: i32, %arg1: i32, %arg2: memref<10000x128xf32, #tpu.memory_space<hbm>>, %arg3: memref<32x80x128xi32, #tpu.memory_space<hbm>>, %arg4: memref<632x128xf32, #tpu.memory_space<hbm>>, %arg5: memref<10112xf32, #tpu.memory_space<hbm>>, %arg6: memref<32x632x128xf32, #tpu.memory_space<hbm>>, %arg7: memref<80x128xi32, #tpu.memory_space<vmem>>, %arg8: memref<128x128xf32, #tpu.memory_space<vmem>>, %arg9: memref<128x128xf32, #tpu.memory_space<vmem>>, %arg10: memref<128xi32, #tpu.memory_space<vmem>>, %arg11: memref<128xi32, #tpu.memory_space<vmem>>, %arg12: memref<128xi32, #tpu.memory_space<vmem>>, %arg13: memref<128xi32, #tpu.memory_space<vmem>>, %arg14: memref<128xf32, #tpu.memory_space<vmem>>, %arg15: memref<10112x128xf32, #tpu.memory_space<vmem_shared>>, %arg16: memref<10112xf32, #tpu.memory_space<vmem_shared>>, %arg17: memref<!tpu.dma_semaphore, #tpu.memory_space<semaphore_mem>>, %arg18: memref<!tpu.dma_semaphore, #tpu.memory_space<semaphore_mem>>) attributes {dimension_semantics = [#tpu.dimension_semantics<core_parallel>, #tpu.dimension_semantics<subcore_parallel>], iteration_bounds = array<i64: 2, 16>, scalar_prefetch = 0 : i64, scratch_operands = 12 : i64, tpu.core_type = #tpu.core_type<sc_vector_subcore>, window_params = [{transform_indices = #map}, {transform_indices = #map1}, {transform_indices = #map}, {transform_indices = #map2}, {transform_indices = #map1}]} {
    %mul3A = arith.constant 16 : i32
    %mul3A_0 = arith.muli %arg0, %mul3A : i32
    %add3A = arith.addi %mul3A_0, %arg1 : i32
    %mul3A_1 = arith.constant 632 : i32
    %mul3A_2 = arith.muli %arg1, %mul3A_1 : i32
    "tpu.region"() ({
      %run_scoped3A = tpu.sem_alloc : memref<!tpu.dma_semaphore, #tpu.memory_space<semaphore_mem>>
      %dma_start3A_320 = arith.constant 0 : i32
      %dma_start3A_321 = tpu.memref_slice %arg15[%mul3A_2, %dma_start3A_320] : memref<10112x128xf32, #tpu.memory_space<vmem_shared>> -> memref<632x128xf32, #tpu.memory_space<vmem_shared>>
      tpu.enqueue_dma source(%arg4 : memref<632x128xf32, #tpu.memory_space<hbm>>) target(%dma_start3A_321 : memref<632x128xf32, #tpu.memory_space<vmem_shared>>) target_semaphore(%run_scoped3A : memref<!tpu.dma_semaphore, #tpu.memory_space<semaphore_mem>>)
      %dma_wait3A_322 = arith.constant 0 : i32
      %dma_wait3A_323 = tpu.memref_slice %arg15[%mul3A_2, %dma_wait3A_322] : memref<10112x128xf32, #tpu.memory_space<vmem_shared>> -> memref<632x128xf32, #tpu.memory_space<vmem_shared>>
      tpu.wait_dma2 semaphore(%run_scoped3A : memref<!tpu.dma_semaphore, #tpu.memory_space<semaphore_mem>>) src(%arg4 : memref<632x128xf32, #tpu.memory_space<hbm>>) dst(%dma_wait3A_323 : memref<632x128xf32, #tpu.memory_space<vmem_shared>>)
      tpu.yield
    }) : () -> ()
    "tpu.region"() ({
      %run_scoped3A = tpu.sem_alloc : memref<!tpu.dma_semaphore, #tpu.memory_space<semaphore_mem>>
      %dma_start3A_320 = arith.constant 0 : i32
      %dma_start3A_321 = arith.constant 0 : i32
      %dma_start3A_322 = tpu.memref_slice %arg3[%add3A, %dma_start3A_320, %dma_start3A_321] : memref<32x80x128xi32, #tpu.memory_space<hbm>> -> memref<1x80x128xi32, #tpu.memory_space<hbm>>
      %dma_start3A_323 = tpu.memref_squeeze %dma_start3A_322 : memref<1x80x128xi32, #tpu.memory_space<hbm>> -> memref<80x128xi32, #tpu.memory_space<hbm>>
      %dma_start3A_324 = arith.constant 0 : i32
      %dma_start3A_325 = arith.constant 0 : i32
      %dma_start3A_326 = tpu.memref_slice %arg3[%add3A, %dma_start3A_324, %dma_start3A_325] : memref<32x80x128xi32, #tpu.memory_space<hbm>> -> memref<1x80x128xi32, #tpu.memory_space<hbm>>
      %dma_start3A_327 = tpu.memref_squeeze %dma_start3A_326 : memref<1x80x128xi32, #tpu.memory_space<hbm>> -> memref<80x128xi32, #tpu.memory_space<hbm>>
      tpu.enqueue_dma source(%dma_start3A_327 : memref<80x128xi32, #tpu.memory_space<hbm>>) target(%arg7 : memref<80x128xi32, #tpu.memory_space<vmem>>) target_semaphore(%run_scoped3A : memref<!tpu.dma_semaphore, #tpu.memory_space<semaphore_mem>>)
      %dma_wait3A_328 = arith.constant 0 : i32
      %dma_wait3A_329 = arith.constant 0 : i32
      %dma_wait3A_330 = tpu.memref_slice %arg3[%add3A, %dma_wait3A_328, %dma_wait3A_329] : memref<32x80x128xi32, #tpu.memory_space<hbm>> -> memref<1x80x128xi32, #tpu.memory_space<hbm>>
      %dma_wait3A_331 = tpu.memref_squeeze %dma_wait3A_330 : memref<1x80x128xi32, #tpu.memory_space<hbm>> -> memref<80x128xi32, #tpu.memory_space<hbm>>
      %dma_wait3A_332 = arith.constant 0 : i32
      %dma_wait3A_333 = arith.constant 0 : i32
      %dma_wait3A_334 = tpu.memref_slice %arg3[%add3A, %dma_wait3A_332, %dma_wait3A_333] : memref<32x80x128xi32, #tpu.memory_space<hbm>> -> memref<1x80x128xi32, #tpu.memory_space<hbm>>
      %dma_wait3A_335 = tpu.memref_squeeze %dma_wait3A_334 : memref<1x80x128xi32, #tpu.memory_space<hbm>> -> memref<80x128xi32, #tpu.memory_space<hbm>>
      tpu.wait_dma2 semaphore(%run_scoped3A : memref<!tpu.dma_semaphore, #tpu.memory_space<semaphore_mem>>) src(%dma_wait3A_335 : memref<80x128xi32, #tpu.memory_space<hbm>>) dst(%arg7 : memref<80x128xi32, #tpu.memory_space<vmem>>)
      tpu.yield
    }) : () -> ()
    %barrier3A = arith.constant 0 : index
    tpu.barrier barrier_id(%barrier3A)
    %get3A = arith.constant 0 : i32
    %get3A_3 = arith.index_cast %get3A : i32 to index
    %get3A_4 = arith.constant 0 : index
    %get3A_5 = tpu.vector_load %arg7[%get3A_3, %get3A_4] {strides = array<i32>} : memref<80x128xi32, #tpu.memory_space<vmem>>, vector<1x16xi32>,
    %get3A_6 = vector.shape_cast %get3A_5 : vector<1x16xi32> to vector<16xi32>
    %and3A = arith.constant 16383 : i32
    %and3A_7 = vector.broadcast %and3A : i32 to vector<16xi32>
    %and3A_8 = arith.andi %get3A_6, %and3A_7 : vector<16xi32>
    %swap3A = arith.constant 0 : index
    %swap3A_9 = tpu.vector_load %arg10[%swap3A] {strides = array<i32>} : memref<128xi32, #tpu.memory_space<vmem>>, vector<16xi32>,
    %swap3A_10 = vector.shape_cast %swap3A_9 : vector<16xi32> to vector<16xi32>
    %swap3A_11 = vector.shape_cast %and3A_8 : vector<16xi32> to vector<16xi32>
    tpu.vector_store %arg10[%swap3A], %swap3A_11 {strides = array<i32>} : memref<128xi32, #tpu.memory_space<vmem>>, vector<16xi32>,
    %shift_right_arithmetic3A = arith.constant 14 : i32
    %shift_right_arithmetic3A_12 = vector.broadcast %shift_right_arithmetic3A : i32 to vector<16xi32>
    %shift_right_arithmetic3A_13 = arith.shrsi %get3A_6, %shift_right_arithmetic3A_12 : vector<16xi32>
    %swap3A_14 = arith.constant 0 : index
    %swap3A_15 = tpu.vector_load %arg11[%swap3A_14] {strides = array<i32>} : memref<128xi32, #tpu.memory_space<vmem>>, vector<16xi32>,
    %swap3A_16 = vector.shape_cast %swap3A_15 : vector<16xi32> to vector<16xi32>
    %swap3A_17 = vector.shape_cast %shift_right_arithmetic3A_13 : vector<16xi32> to vector<16xi32>
    tpu.vector_store %arg11[%swap3A_14], %swap3A_17 {strides = array<i32>} : memref<128xi32, #tpu.memory_space<vmem>>, vector<16xi32>,
    %get3A_18 = arith.constant 0 : i32
    %get3A_19 = arith.index_cast %get3A_18 : i32 to index
    %get3A_20 = arith.constant 16 : index
    %get3A_21 = tpu.vector_load %arg7[%get3A_19, %get3A_20] {strides = array<i32>} : memref<80x128xi32, #tpu.memory_space<vmem>>, vector<1x16xi32>,
    %get3A_22 = vector.shape_cast %get3A_21 : vector<1x16xi32> to vector<16xi32>
    %and3A_23 = arith.constant 16383 : i32
    %and3A_24 = vector.broadcast %and3A_23 : i32 to vector<16xi32>
    %and3A_25 = arith.andi %get3A_22, %and3A_24 : vector<16xi32>
    %swap3A_26 = arith.constant 16 : index
    %swap3A_27 = tpu.vector_load %arg10[%swap3A_26] {strides = array<i32>} : memref<128xi32, #tpu.memory_space<vmem>>, vector<16xi32>,
    %swap3A_28 = vector.shape_cast %swap3A_27 : vector<16xi32> to vector<16xi32>
    %swap3A_29 = vector.shape_cast %and3A_25 : vector<16xi32> to vector<16xi32>
    tpu.vector_store %arg10[%swap3A_26], %swap3A_29 {strides = array<i32>} : memref<128xi32, #tpu.memory_space<vmem>>, vector<16xi32>,
    %shift_right_arithmetic3A_30 = arith.constant 14 : i32
    %shift_right_arithmetic3A_31 = vector.broadcast %shift_right_arithmetic3A_30 : i32 to vector<16xi32>
    %shift_right_arithmetic3A_32 = arith.shrsi %get3A_22, %shift_right_arithmetic3A_31 : vector<16xi32>
    %swap3A_33 = arith.constant 16 : index
    %swap3A_34 = tpu.vector_load %arg11[%swap3A_33] {strides = array<i32>} : memref<128xi32, #tpu.memory_space<vmem>>, vector<16xi32>,
    %swap3A_35 = vector.shape_cast %swap3A_34 : vector<16xi32> to vector<16xi32>
    %swap3A_36 = vector.shape_cast %shift_right_arithmetic3A_32 : vector<16xi32> to vector<16xi32>
    tpu.vector_store %arg11[%swap3A_33], %swap3A_36 {strides = array<i32>} : memref<128xi32, #tpu.memory_space<vmem>>, vector<16xi32>,
    %get3A_37 = arith.constant 0 : i32
    %get3A_38 = arith.index_cast %get3A_37 : i32 to index
    %get3A_39 = arith.constant 32 : index
    %get3A_40 = tpu.vector_load %arg7[%get3A_38, %get3A_39] {strides = array<i32>} : memref<80x128xi32, #tpu.memory_space<vmem>>, vector<1x16xi32>,
    %get3A_41 = vector.shape_cast %get3A_40 : vector<1x16xi32> to vector<16xi32>
    %and3A_42 = arith.constant 16383 : i32
    %and3A_43 = vector.broadcast %and3A_42 : i32 to vector<16xi32>
    %and3A_44 = arith.andi %get3A_41, %and3A_43 : vector<16xi32>
    %swap3A_45 = arith.constant 32 : index
    %swap3A_46 = tpu.vector_load %arg10[%swap3A_45] {strides = array<i32>} : memref<128xi32, #tpu.memory_space<vmem>>, vector<16xi32>,
    %swap3A_47 = vector.shape_cast %swap3A_46 : vector<16xi32> to vector<16xi32>
    %swap3A_48 = vector.shape_cast %and3A_44 : vector<16xi32> to vector<16xi32>
    tpu.vector_store %arg10[%swap3A_45], %swap3A_48 {strides = array<i32>} : memref<128xi32, #tpu.memory_space<vmem>>, vector<16xi32>,
    %shift_right_arithmetic3A_49 = arith.constant 14 : i32
    %shift_right_arithmetic3A_50 = vector.broadcast %shift_right_arithmetic3A_49 : i32 to vector<16xi32>
    %shift_right_arithmetic3A_51 = arith.shrsi %get3A_41, %shift_right_arithmetic3A_50 : vector<16xi32>
    %swap3A_52 = arith.constant 32 : index
    %swap3A_53 = tpu.vector_load %arg11[%swap3A_52] {strides = array<i32>} : memref<128xi32, #tpu.memory_space<vmem>>, vector<16xi32>,
    %swap3A_54 = vector.shape_cast %swap3A_53 : vector<16xi32> to vector<16xi32>
    %swap3A_55 = vector.shape_cast %shift_right_arithmetic3A_51 : vector<16xi32> to vector<16xi32>
    tpu.vector_store %arg11[%swap3A_52], %swap3A_55 {strides = array<i32>} : memref<128xi32, #tpu.memory_space<vmem>>, vector<16xi32>,
    %get3A_56 = arith.constant 0 : i32
    %get3A_57 = arith.index_cast %get3A_56 : i32 to index
    %get3A_58 = arith.constant 48 : index
    %get3A_59 = tpu.vector_load %arg7[%get3A_57, %get3A_58] {strides = array<i32>} : memref<80x128xi32, #tpu.memory_space<vmem>>, vector<1x16xi32>,
    %get3A_60 = vector.shape_cast %get3A_59 : vector<1x16xi32> to vector<16xi32>
    %and3A_61 = arith.constant 16383 : i32
    %and3A_62 = vector.broadcast %and3A_61 : i32 to vector<16xi32>
    %and3A_63 = arith.andi %get3A_60, %and3A_62 : vector<16xi32>
    %swap3A_64 = arith.constant 48 : index
    %swap3A_65 = tpu.vector_load %arg10[%swap3A_64] {strides = array<i32>} : memref<128xi32, #tpu.memory_space<vmem>>, vector<16xi32>,
    %swap3A_66 = vector.shape_cast %swap3A_65 : vector<16xi32> to vector<16xi32>
    %swap3A_67 = vector.shape_cast %and3A_63 : vector<16xi32> to vector<16xi32>
    tpu.vector_store %arg10[%swap3A_64], %swap3A_67 {strides = array<i32>} : memref<128xi32, #tpu.memory_space<vmem>>, vector<16xi32>,
    %shift_right_arithmetic3A_68 = arith.constant 14 : i32
    %shift_right_arithmetic3A_69 = vector.broadcast %shift_right_arithmetic3A_68 : i32 to vector<16xi32>
    %shift_right_arithmetic3A_70 = arith.shrsi %get3A_60, %shift_right_arithmetic3A_69 : vector<16xi32>
    %swap3A_71 = arith.constant 48 : index
    %swap3A_72 = tpu.vector_load %arg11[%swap3A_71] {strides = array<i32>} : memref<128xi32, #tpu.memory_space<vmem>>, vector<16xi32>,
    %swap3A_73 = vector.shape_cast %swap3A_72 : vector<16xi32> to vector<16xi32>
    %swap3A_74 = vector.shape_cast %shift_right_arithmetic3A_70 : vector<16xi32> to vector<16xi32>
    tpu.vector_store %arg11[%swap3A_71], %swap3A_74 {strides = array<i32>} : memref<128xi32, #tpu.memory_space<vmem>>, vector<16xi32>,
    %get3A_75 = arith.constant 0 : i32
    %get3A_76 = arith.index_cast %get3A_75 : i32 to index
    %get3A_77 = arith.constant 64 : index
    %get3A_78 = tpu.vector_load %arg7[%get3A_76, %get3A_77] {strides = array<i32>} : memref<80x128xi32, #tpu.memory_space<vmem>>, vector<1x16xi32>,
    %get3A_79 = vector.shape_cast %get3A_78 : vector<1x16xi32> to vector<16xi32>
    %and3A_80 = arith.constant 16383 : i32
    %and3A_81 = vector.broadcast %and3A_80 : i32 to vector<16xi32>
    %and3A_82 = arith.andi %get3A_79, %and3A_81 : vector<16xi32>
    %swap3A_83 = arith.constant 64 : index
    %swap3A_84 = tpu.vector_load %arg10[%swap3A_83] {strides = array<i32>} : memref<128xi32, #tpu.memory_space<vmem>>, vector<16xi32>,
    %swap3A_85 = vector.shape_cast %swap3A_84 : vector<16xi32> to vector<16xi32>
    %swap3A_86 = vector.shape_cast %and3A_82 : vector<16xi32> to vector<16xi32>
    tpu.vector_store %arg10[%swap3A_83], %swap3A_86 {strides = array<i32>} : memref<128xi32, #tpu.memory_space<vmem>>, vector<16xi32>,
    %shift_right_arithmetic3A_87 = arith.constant 14 : i32
    %shift_right_arithmetic3A_88 = vector.broadcast %shift_right_arithmetic3A_87 : i32 to vector<16xi32>
    %shift_right_arithmetic3A_89 = arith.shrsi %get3A_79, %shift_right_arithmetic3A_88 : vector<16xi32>
    %swap3A_90 = arith.constant 64 : index
    %swap3A_91 = tpu.vector_load %arg11[%swap3A_90] {strides = array<i32>} : memref<128xi32, #tpu.memory_space<vmem>>, vector<16xi32>,
    %swap3A_92 = vector.shape_cast %swap3A_91 : vector<16xi32> to vector<16xi32>
    %swap3A_93 = vector.shape_cast %shift_right_arithmetic3A_89 : vector<16xi32> to vector<16xi32>
    tpu.vector_store %arg11[%swap3A_90], %swap3A_93 {strides = array<i32>} : memref<128xi32, #tpu.memory_space<vmem>>, vector<16xi32>,
    %get3A_94 = arith.constant 0 : i32
    %get3A_95 = arith.index_cast %get3A_94 : i32 to index
    %get3A_96 = arith.constant 80 : index
    %get3A_97 = tpu.vector_load %arg7[%get3A_95, %get3A_96] {strides = array<i32>} : memref<80x128xi32, #tpu.memory_space<vmem>>, vector<1x16xi32>,
    %get3A_98 = vector.shape_cast %get3A_97 : vector<1x16xi32> to vector<16xi32>
    %and3A_99 = arith.constant 16383 : i32
    %and3A_100 = vector.broadcast %and3A_99 : i32 to vector<16xi32>
    %and3A_101 = arith.andi %get3A_98, %and3A_100 : vector<16xi32>
    %swap3A_102 = arith.constant 80 : index
    %swap3A_103 = tpu.vector_load %arg10[%swap3A_102] {strides = array<i32>} : memref<128xi32, #tpu.memory_space<vmem>>, vector<16xi32>,
    %swap3A_104 = vector.shape_cast %swap3A_103 : vector<16xi32> to vector<16xi32>
    %swap3A_105 = vector.shape_cast %and3A_101 : vector<16xi32> to vector<16xi32>
    tpu.vector_store %arg10[%swap3A_102], %swap3A_105 {strides = array<i32>} : memref<128xi32, #tpu.memory_space<vmem>>, vector<16xi32>,
    %shift_right_arithmetic3A_106 = arith.constant 14 : i32
    %shift_right_arithmetic3A_107 = vector.broadcast %shift_right_arithmetic3A_106 : i32 to vector<16xi32>
    %shift_right_arithmetic3A_108 = arith.shrsi %get3A_98, %shift_right_arithmetic3A_107 : vector<16xi32>
    %swap3A_109 = arith.constant 80 : index
    %swap3A_110 = tpu.vector_load %arg11[%swap3A_109] {strides = array<i32>} : memref<128xi32, #tpu.memory_space<vmem>>, vector<16xi32>,
    %swap3A_111 = vector.shape_cast %swap3A_110 : vector<16xi32> to vector<16xi32>
    %swap3A_112 = vector.shape_cast %shift_right_arithmetic3A_108 : vector<16xi32> to vector<16xi32>
    tpu.vector_store %arg11[%swap3A_109], %swap3A_112 {strides = array<i32>} : memref<128xi32, #tpu.memory_space<vmem>>, vector<16xi32>,
    %get3A_113 = arith.constant 0 : i32
    %get3A_114 = arith.index_cast %get3A_113 : i32 to index
    %get3A_115 = arith.constant 96 : index
    %get3A_116 = tpu.vector_load %arg7[%get3A_114, %get3A_115] {strides = array<i32>} : memref<80x128xi32, #tpu.memory_space<vmem>>, vector<1x16xi32>,
    %get3A_117 = vector.shape_cast %get3A_116 : vector<1x16xi32> to vector<16xi32>
    %and3A_118 = arith.constant 16383 : i32
    %and3A_119 = vector.broadcast %and3A_118 : i32 to vector<16xi32>
    %and3A_120 = arith.andi %get3A_117, %and3A_119 : vector<16xi32>
    %swap3A_121 = arith.constant 96 : index
    %swap3A_122 = tpu.vector_load %arg10[%swap3A_121] {strides = array<i32>} : memref<128xi32, #tpu.memory_space<vmem>>, vector<16xi32>,
    %swap3A_123 = vector.shape_cast %swap3A_122 : vector<16xi32> to vector<16xi32>
    %swap3A_124 = vector.shape_cast %and3A_120 : vector<16xi32> to vector<16xi32>
    tpu.vector_store %arg10[%swap3A_121], %swap3A_124 {strides = array<i32>} : memref<128xi32, #tpu.memory_space<vmem>>, vector<16xi32>,
    %shift_right_arithmetic3A_125 = arith.constant 14 : i32
    %shift_right_arithmetic3A_126 = vector.broadcast %shift_right_arithmetic3A_125 : i32 to vector<16xi32>
    %shift_right_arithmetic3A_127 = arith.shrsi %get3A_117, %shift_right_arithmetic3A_126 : vector<16xi32>
    %swap3A_128 = arith.constant 96 : index
    %swap3A_129 = tpu.vector_load %arg11[%swap3A_128] {strides = array<i32>} : memref<128xi32, #tpu.memory_space<vmem>>, vector<16xi32>,
    %swap3A_130 = vector.shape_cast %swap3A_129 : vector<16xi32> to vector<16xi32>
    %swap3A_131 = vector.shape_cast %shift_right_arithmetic3A_127 : vector<16xi32> to vector<16xi32>
    tpu.vector_store %arg11[%swap3A_128], %swap3A_131 {strides = array<i32>} : memref<128xi32, #tpu.memory_space<vmem>>, vector<16xi32>,
    %get3A_132 = arith.constant 0 : i32
    %get3A_133 = arith.index_cast %get3A_132 : i32 to index
    %get3A_134 = arith.constant 112 : index
    %get3A_135 = tpu.vector_load %arg7[%get3A_133, %get3A_134] {strides = array<i32>} : memref<80x128xi32, #tpu.memory_space<vmem>>, vector<1x16xi32>,
    %get3A_136 = vector.shape_cast %get3A_135 : vector<1x16xi32> to vector<16xi32>
    %and3A_137 = arith.constant 16383 : i32
    %and3A_138 = vector.broadcast %and3A_137 : i32 to vector<16xi32>
    %and3A_139 = arith.andi %get3A_136, %and3A_138 : vector<16xi32>
    %swap3A_140 = arith.constant 112 : index
    %swap3A_141 = tpu.vector_load %arg10[%swap3A_140] {strides = array<i32>} : memref<128xi32, #tpu.memory_space<vmem>>, vector<16xi32>,
    %swap3A_142 = vector.shape_cast %swap3A_141 : vector<16xi32> to vector<16xi32>
    %swap3A_143 = vector.shape_cast %and3A_139 : vector<16xi32> to vector<16xi32>
    tpu.vector_store %arg10[%swap3A_140], %swap3A_143 {strides = array<i32>} : memref<128xi32, #tpu.memory_space<vmem>>, vector<16xi32>,
    %shift_right_arithmetic3A_144 = arith.constant 14 : i32
    %shift_right_arithmetic3A_145 = vector.broadcast %shift_right_arithmetic3A_144 : i32 to vector<16xi32>
    %shift_right_arithmetic3A_146 = arith.shrsi %get3A_136, %shift_right_arithmetic3A_145 : vector<16xi32>
    %swap3A_147 = arith.constant 112 : index
    %swap3A_148 = tpu.vector_load %arg11[%swap3A_147] {strides = array<i32>} : memref<128xi32, #tpu.memory_space<vmem>>, vector<16xi32>,
    %swap3A_149 = vector.shape_cast %swap3A_148 : vector<16xi32> to vector<16xi32>
    %swap3A_150 = vector.shape_cast %shift_right_arithmetic3A_146 : vector<16xi32> to vector<16xi32>
    tpu.vector_store %arg11[%swap3A_147], %swap3A_150 {strides = array<i32>} : memref<128xi32, #tpu.memory_space<vmem>>, vector<16xi32>,
    %dma_start3A = arith.constant 0 : i32
    %dma_start3A_151 = arith.constant 0 : i32
    %dma_start3A_152 = tpu.memref_slice %arg2[%dma_start3A, %dma_start3A_151] : memref<10000x128xf32, #tpu.memory_space<hbm>> -> memref<10000x128xf32, #tpu.memory_space<hbm>>
    tpu.enqueue_indirect_dma source(%dma_start3A_152 : memref<10000x128xf32, #tpu.memory_space<hbm>>) target(%arg8 : memref<128x128xf32, #tpu.memory_space<vmem>>) offsets(%arg10 : memref<128xi32, #tpu.memory_space<vmem>>) semaphore(%arg17 : memref<!tpu.dma_semaphore, #tpu.memory_space<semaphore_mem>>)
    %get3A_153 = arith.constant 1 : i32
    %get3A_154 = arith.index_cast %get3A_153 : i32 to index
    %get3A_155 = arith.constant 0 : index
    %get3A_156 = tpu.vector_load %arg7[%get3A_154, %get3A_155] {strides = array<i32>} : memref<80x128xi32, #tpu.memory_space<vmem>>, vector<1x16xi32>,
    %get3A_157 = vector.shape_cast %get3A_156 : vector<1x16xi32> to vector<16xi32>
    %and3A_158 = arith.constant 16383 : i32
    %and3A_159 = vector.broadcast %and3A_158 : i32 to vector<16xi32>
    %and3A_160 = arith.andi %get3A_157, %and3A_159 : vector<16xi32>
    %swap3A_161 = arith.constant 0 : index
    %swap3A_162 = tpu.vector_load %arg12[%swap3A_161] {strides = array<i32>} : memref<128xi32, #tpu.memory_space<vmem>>, vector<16xi32>,
    %swap3A_163 = vector.shape_cast %swap3A_162 : vector<16xi32> to vector<16xi32>
    %swap3A_164 = vector.shape_cast %and3A_160 : vector<16xi32> to vector<16xi32>
    tpu.vector_store %arg12[%swap3A_161], %swap3A_164 {strides = array<i32>} : memref<128xi32, #tpu.memory_space<vmem>>, vector<16xi32>,
    %shift_right_arithmetic3A_165 = arith.constant 14 : i32
    %shift_right_arithmetic3A_166 = vector.broadcast %shift_right_arithmetic3A_165 : i32 to vector<16xi32>
    %shift_right_arithmetic3A_167 = arith.shrsi %get3A_157, %shift_right_arithmetic3A_166 : vector<16xi32>
    %swap3A_168 = arith.constant 0 : index
    %swap3A_169 = tpu.vector_load %arg13[%swap3A_168] {strides = array<i32>} : memref<128xi32, #tpu.memory_space<vmem>>, vector<16xi32>,
    %swap3A_170 = vector.shape_cast %swap3A_169 : vector<16xi32> to vector<16xi32>
    %swap3A_171 = vector.shape_cast %shift_right_arithmetic3A_167 : vector<16xi32> to vector<16xi32>
    tpu.vector_store %arg13[%swap3A_168], %swap3A_171 {strides = array<i32>} : memref<128xi32, #tpu.memory_space<vmem>>, vector<16xi32>,
    %get3A_172 = arith.constant 1 : i32
    %get3A_173 = arith.index_cast %get3A_172 : i32 to index
    %get3A_174 = arith.constant 16 : index
    %get3A_175 = tpu.vector_load %arg7[%get3A_173, %get3A_174] {strides = array<i32>} : memref<80x128xi32, #tpu.memory_space<vmem>>, vector<1x16xi32>,
    %get3A_176 = vector.shape_cast %get3A_175 : vector<1x16xi32> to vector<16xi32>
    %and3A_177 = arith.constant 16383 : i32
    %and3A_178 = vector.broadcast %and3A_177 : i32 to vector<16xi32>
    %and3A_179 = arith.andi %get3A_176, %and3A_178 : vector<16xi32>
    %swap3A_180 = arith.constant 16 : index
    %swap3A_181 = tpu.vector_load %arg12[%swap3A_180] {strides = array<i32>} : memref<128xi32, #tpu.memory_space<vmem>>, vector<16xi32>,
    %swap3A_182 = vector.shape_cast %swap3A_181 : vector<16xi32> to vector<16xi32>
    %swap3A_183 = vector.shape_cast %and3A_179 : vector<16xi32> to vector<16xi32>
    tpu.vector_store %arg12[%swap3A_180], %swap3A_183 {strides = array<i32>} : memref<128xi32, #tpu.memory_space<vmem>>, vector<16xi32>,
    %shift_right_arithmetic3A_184 = arith.constant 14 : i32
    %shift_right_arithmetic3A_185 = vector.broadcast %shift_right_arithmetic3A_184 : i32 to vector<16xi32>
    %shift_right_arithmetic3A_186 = arith.shrsi %get3A_176, %shift_right_arithmetic3A_185 : vector<16xi32>
    %swap3A_187 = arith.constant 16 : index
    %swap3A_188 = tpu.vector_load %arg13[%swap3A_187] {strides = array<i32>} : memref<128xi32, #tpu.memory_space<vmem>>, vector<16xi32>,
    %swap3A_189 = vector.shape_cast %swap3A_188 : vector<16xi32> to vector<16xi32>
    %swap3A_190 = vector.shape_cast %shift_right_arithmetic3A_186 : vector<16xi32> to vector<16xi32>
    tpu.vector_store %arg13[%swap3A_187], %swap3A_190 {strides = array<i32>} : memref<128xi32, #tpu.memory_space<vmem>>, vector<16xi32>,
    %get3A_191 = arith.constant 1 : i32
    %get3A_192 = arith.index_cast %get3A_191 : i32 to index
    %get3A_193 = arith.constant 32 : index
    %get3A_194 = tpu.vector_load %arg7[%get3A_192, %get3A_193] {strides = array<i32>} : memref<80x128xi32, #tpu.memory_space<vmem>>, vector<1x16xi32>,
    %get3A_195 = vector.shape_cast %get3A_194 : vector<1x16xi32> to vector<16xi32>
    %and3A_196 = arith.constant 16383 : i32
    %and3A_197 = vector.broadcast %and3A_196 : i32 to vector<16xi32>
    %and3A_198 = arith.andi %get3A_195, %and3A_197 : vector<16xi32>
    %swap3A_199 = arith.constant 32 : index
    %swap3A_200 = tpu.vector_load %arg12[%swap3A_199] {strides = array<i32>} : memref<128xi32, #tpu.memory_space<vmem>>, vector<16xi32>,
    %swap3A_201 = vector.shape_cast %swap3A_200 : vector<16xi32> to vector<16xi32>
    %swap3A_202 = vector.shape_cast %and3A_198 : vector<16xi32> to vector<16xi32>
    tpu.vector_store %arg12[%swap3A_199], %swap3A_202 {strides = array<i32>} : memref<128xi32, #tpu.memory_space<vmem>>, vector<16xi32>,
    %shift_right_arithmetic3A_203 = arith.constant 14 : i32
    %shift_right_arithmetic3A_204 = vector.broadcast %shift_right_arithmetic3A_203 : i32 to vector<16xi32>
    %shift_right_arithmetic3A_205 = arith.shrsi %get3A_195, %shift_right_arithmetic3A_204 : vector<16xi32>
    %swap3A_206 = arith.constant 32 : index
    %swap3A_207 = tpu.vector_load %arg13[%swap3A_206] {strides = array<i32>} : memref<128xi32, #tpu.memory_space<vmem>>, vector<16xi32>,
    %swap3A_208 = vector.shape_cast %swap3A_207 : vector<16xi32> to vector<16xi32>
    %swap3A_209 = vector.shape_cast %shift_right_arithmetic3A_205 : vector<16xi32> to vector<16xi32>
    tpu.vector_store %arg13[%swap3A_206], %swap3A_209 {strides = array<i32>} : memref<128xi32, #tpu.memory_space<vmem>>, vector<16xi32>,
    %get3A_210 = arith.constant 1 : i32
    %get3A_211 = arith.index_cast %get3A_210 : i32 to index
    %get3A_212 = arith.constant 48 : index
    %get3A_213 = tpu.vector_load %arg7[%get3A_211, %get3A_212] {strides = array<i32>} : memref<80x128xi32, #tpu.memory_space<vmem>>, vector<1x16xi32>,
    %get3A_214 = vector.shape_cast %get3A_213 : vector<1x16xi32> to vector<16xi32>
    %and3A_215 = arith.constant 16383 : i32
    %and3A_216 = vector.broadcast %and3A_215 : i32 to vector<16xi32>
    %and3A_217 = arith.andi %get3A_214, %and3A_216 : vector<16xi32>
    %swap3A_218 = arith.constant 48 : index
    %swap3A_219 = tpu.vector_load %arg12[%swap3A_218] {strides = array<i32>} : memref<128xi32, #tpu.memory_space<vmem>>, vector<16xi32>,
    %swap3A_220 = vector.shape_cast %swap3A_219 : vector<16xi32> to vector<16xi32>
    %swap3A_221 = vector.shape_cast %and3A_217 : vector<16xi32> to vector<16xi32>
    tpu.vector_store %arg12[%swap3A_218], %swap3A_221 {strides = array<i32>} : memref<128xi32, #tpu.memory_space<vmem>>, vector<16xi32>,
    %shift_right_arithmetic3A_222 = arith.constant 14 : i32
    %shift_right_arithmetic3A_223 = vector.broadcast %shift_right_arithmetic3A_222 : i32 to vector<16xi32>
    %shift_right_arithmetic3A_224 = arith.shrsi %get3A_214, %shift_right_arithmetic3A_223 : vector<16xi32>
    %swap3A_225 = arith.constant 48 : index
    %swap3A_226 = tpu.vector_load %arg13[%swap3A_225] {strides = array<i32>} : memref<128xi32, #tpu.memory_space<vmem>>, vector<16xi32>,
    %swap3A_227 = vector.shape_cast %swap3A_226 : vector<16xi32> to vector<16xi32>
    %swap3A_228 = vector.shape_cast %shift_right_arithmetic3A_224 : vector<16xi32> to vector<16xi32>
    tpu.vector_store %arg13[%swap3A_225], %swap3A_228 {strides = array<i32>} : memref<128xi32, #tpu.memory_space<vmem>>, vector<16xi32>,
    %get3A_229 = arith.constant 1 : i32
    %get3A_230 = arith.index_cast %get3A_229 : i32 to index
    %get3A_231 = arith.constant 64 : index
    %get3A_232 = tpu.vector_load %arg7[%get3A_230, %get3A_231] {strides = array<i32>} : memref<80x128xi32, #tpu.memory_space<vmem>>, vector<1x16xi32>,
    %get3A_233 = vector.shape_cast %get3A_232 : vector<1x16xi32> to vector<16xi32>
    %and3A_234 = arith.constant 16383 : i32
    %and3A_235 = vector.broadcast %and3A_234 : i32 to vector<16xi32>
    %and3A_236 = arith.andi %get3A_233, %and3A_235 : vector<16xi32>
    %swap3A_237 = arith.constant 64 : index
    %swap3A_238 = tpu.vector_load %arg12[%swap3A_237] {strides = array<i32>} : memref<128xi32, #tpu.memory_space<vmem>>, vector<16xi32>,
    %swap3A_239 = vector.shape_cast %swap3A_238 : vector<16xi32> to vector<16xi32>
    %swap3A_240 = vector.shape_cast %and3A_236 : vector<16xi32> to vector<16xi32>
    tpu.vector_store %arg12[%swap3A_237], %swap3A_240 {strides = array<i32>} : memref<128xi32, #tpu.memory_space<vmem>>, vector<16xi32>,
    %shift_right_arithmetic3A_241 = arith.constant 14 : i32
    %shift_right_arithmetic3A_242 = vector.broadcast %shift_right_arithmetic3A_241 : i32 to vector<16xi32>
    %shift_right_arithmetic3A_243 = arith.shrsi %get3A_233, %shift_right_arithmetic3A_242 : vector<16xi32>
    %swap3A_244 = arith.constant 64 : index
    %swap3A_245 = tpu.vector_load %arg13[%swap3A_244] {strides = array<i32>} : memref<128xi32, #tpu.memory_space<vmem>>, vector<16xi32>,
    %swap3A_246 = vector.shape_cast %swap3A_245 : vector<16xi32> to vector<16xi32>
    %swap3A_247 = vector.shape_cast %shift_right_arithmetic3A_243 : vector<16xi32> to vector<16xi32>
    tpu.vector_store %arg13[%swap3A_244], %swap3A_247 {strides = array<i32>} : memref<128xi32, #tpu.memory_space<vmem>>, vector<16xi32>,
    %get3A_248 = arith.constant 1 : i32
    %get3A_249 = arith.index_cast %get3A_248 : i32 to index
    %get3A_250 = arith.constant 80 : index
    %get3A_251 = tpu.vector_load %arg7[%get3A_249, %get3A_250] {strides = array<i32>} : memref<80x128xi32, #tpu.memory_space<vmem>>, vector<1x16xi32>,
    %get3A_252 = vector.shape_cast %get3A_251 : vector<1x16xi32> to vector<16xi32>
    %and3A_253 = arith.constant 16383 : i32
    %and3A_254 = vector.broadcast %and3A_253 : i32 to vector<16xi32>
    %and3A_255 = arith.andi %get3A_252, %and3A_254 : vector<16xi32>
    %swap3A_256 = arith.constant 80 : index
    %swap3A_257 = tpu.vector_load %arg12[%swap3A_256] {strides = array<i32>} : memref<128xi32, #tpu.memory_space<vmem>>, vector<16xi32>,
    %swap3A_258 = vector.shape_cast %swap3A_257 : vector<16xi32> to vector<16xi32>
    %swap3A_259 = vector.shape_cast %and3A_255 : vector<16xi32> to vector<16xi32>
    tpu.vector_store %arg12[%swap3A_256], %swap3A_259 {strides = array<i32>} : memref<128xi32, #tpu.memory_space<vmem>>, vector<16xi32>,
    %shift_right_arithmetic3A_260 = arith.constant 14 : i32
    %shift_right_arithmetic3A_261 = vector.broadcast %shift_right_arithmetic3A_260 : i32 to vector<16xi32>
    %shift_right_arithmetic3A_262 = arith.shrsi %get3A_252, %shift_right_arithmetic3A_261 : vector<16xi32>
    %swap3A_263 = arith.constant 80 : index
    %swap3A_264 = tpu.vector_load %arg13[%swap3A_263] {strides = array<i32>} : memref<128xi32, #tpu.memory_space<vmem>>, vector<16xi32>,
    %swap3A_265 = vector.shape_cast %swap3A_264 : vector<16xi32> to vector<16xi32>
    %swap3A_266 = vector.shape_cast %shift_right_arithmetic3A_262 : vector<16xi32> to vector<16xi32>
    tpu.vector_store %arg13[%swap3A_263], %swap3A_266 {strides = array<i32>} : memref<128xi32, #tpu.memory_space<vmem>>, vector<16xi32>,
    %get3A_267 = arith.constant 1 : i32
    %get3A_268 = arith.index_cast %get3A_267 : i32 to index
    %get3A_269 = arith.constant 96 : index
    %get3A_270 = tpu.vector_load %arg7[%get3A_268, %get3A_269] {strides = array<i32>} : memref<80x128xi32, #tpu.memory_space<vmem>>, vector<1x16xi32>,
    %get3A_271 = vector.shape_cast %get3A_270 : vector<1x16xi32> to vector<16xi32>
    %and3A_272 = arith.constant 16383 : i32
    %and3A_273 = vector.broadcast %and3A_272 : i32 to vector<16xi32>
    %and3A_274 = arith.andi %get3A_271, %and3A_273 : vector<16xi32>
    %swap3A_275 = arith.constant 96 : index
    %swap3A_276 = tpu.vector_load %arg12[%swap3A_275] {strides = array<i32>} : memref<128xi32, #tpu.memory_space<vmem>>, vector<16xi32>,
    %swap3A_277 = vector.shape_cast %swap3A_276 : vector<16xi32> to vector<16xi32>
    %swap3A_278 = vector.shape_cast %and3A_274 : vector<16xi32> to vector<16xi32>
    tpu.vector_store %arg12[%swap3A_275], %swap3A_278 {strides = array<i32>} : memref<128xi32, #tpu.memory_space<vmem>>, vector<16xi32>,
    %shift_right_arithmetic3A_279 = arith.constant 14 : i32
    %shift_right_arithmetic3A_280 = vector.broadcast %shift_right_arithmetic3A_279 : i32 to vector<16xi32>
    %shift_right_arithmetic3A_281 = arith.shrsi %get3A_271, %shift_right_arithmetic3A_280 : vector<16xi32>
    %swap3A_282 = arith.constant 96 : index
    %swap3A_283 = tpu.vector_load %arg13[%swap3A_282] {strides = array<i32>} : memref<128xi32, #tpu.memory_space<vmem>>, vector<16xi32>,
    %swap3A_284 = vector.shape_cast %swap3A_283 : vector<16xi32> to vector<16xi32>
    %swap3A_285 = vector.shape_cast %shift_right_arithmetic3A_281 : vector<16xi32> to vector<16xi32>
    tpu.vector_store %arg13[%swap3A_282], %swap3A_285 {strides = array<i32>} : memref<128xi32, #tpu.memory_space<vmem>>, vector<16xi32>,
    %get3A_286 = arith.constant 1 : i32
    %get3A_287 = arith.index_cast %get3A_286 : i32 to index
    %get3A_288 = arith.constant 112 : index
    %get3A_289 = tpu.vector_load %arg7[%get3A_287, %get3A_288] {strides = array<i32>} : memref<80x128xi32, #tpu.memory_space<vmem>>, vector<1x16xi32>,
    %get3A_290 = vector.shape_cast %get3A_289 : vector<1x16xi32> to vector<16xi32>
    %and3A_291 = arith.constant 16383 : i32
    %and3A_292 = vector.broadcast %and3A_291 : i32 to vector<16xi32>
    %and3A_293 = arith.andi %get3A_290, %and3A_292 : vector<16xi32>
    %swap3A_294 = arith.constant 112 : index
    %swap3A_295 = tpu.vector_load %arg12[%swap3A_294] {strides = array<i32>} : memref<128xi32, #tpu.memory_space<vmem>>, vector<16xi32>,
    %swap3A_296 = vector.shape_cast %swap3A_295 : vector<16xi32> to vector<16xi32>
    %swap3A_297 = vector.shape_cast %and3A_293 : vector<16xi32> to vector<16xi32>
    tpu.vector_store %arg12[%swap3A_294], %swap3A_297 {strides = array<i32>} : memref<128xi32, #tpu.memory_space<vmem>>, vector<16xi32>,
    %shift_right_arithmetic3A_298 = arith.constant 14 : i32
    %shift_right_arithmetic3A_299 = vector.broadcast %shift_right_arithmetic3A_298 : i32 to vector<16xi32>
    %shift_right_arithmetic3A_300 = arith.shrsi %get3A_290, %shift_right_arithmetic3A_299 : vector<16xi32>
    %swap3A_301 = arith.constant 112 : index
    %swap3A_302 = tpu.vector_load %arg13[%swap3A_301] {strides = array<i32>} : memref<128xi32, #tpu.memory_space<vmem>>, vector<16xi32>,
    %swap3A_303 = vector.shape_cast %swap3A_302 : vector<16xi32> to vector<16xi32>
    %swap3A_304 = vector.shape_cast %shift_right_arithmetic3A_300 : vector<16xi32> to vector<16xi32>
    tpu.vector_store %arg13[%swap3A_301], %swap3A_304 {strides = array<i32>} : memref<128xi32, #tpu.memory_space<vmem>>, vector<16xi32>,
    %dma_start3A_305 = arith.constant 0 : i32
    %dma_start3A_306 = arith.constant 0 : i32
    %dma_start3A_307 = tpu.memref_slice %arg2[%dma_start3A_305, %dma_start3A_306] : memref<10000x128xf32, #tpu.memory_space<hbm>> -> memref<10000x128xf32, #tpu.memory_space<hbm>>
    tpu.enqueue_indirect_dma source(%dma_start3A_307 : memref<10000x128xf32, #tpu.memory_space<hbm>>) target(%arg9 : memref<128x128xf32, #tpu.memory_space<vmem>>) offsets(%arg12 : memref<128xi32, #tpu.memory_space<vmem>>) semaphore(%arg18 : memref<!tpu.dma_semaphore, #tpu.memory_space<semaphore_mem>>)
    %scan3A = arith.constant 0 : i32
    %scan3A_308 = arith.constant 39 : i32
    %scan3A_309 = arith.addi %scan3A, %scan3A_308 : i32
    %scan3A_310 = arith.constant 1 : i32
    scf.for %scan3A_320 = %scan3A to %scan3A_309 step %scan3A_310  : i32 {
      %mul3A_321 = arith.constant 2 : i32
      %mul3A_322 = arith.muli %scan3A_320, %mul3A_321 : i32
      %add3A_323 = arith.constant 0 : i32
      %add3A_324 = arith.addi %add3A_323, %mul3A_322 : i32
      %dma_wait3A_325 = arith.constant 0 : i32
      %dma_wait3A_326 = arith.constant 0 : i32
      %dma_wait3A_327 = tpu.memref_slice %arg2[%dma_wait3A_325, %dma_wait3A_326] : memref<10000x128xf32, #tpu.memory_space<hbm>> -> memref<10000x128xf32, #tpu.memory_space<hbm>>
      tpu.wait_indirect_dma semaphore(%arg17 : memref<!tpu.dma_semaphore, #tpu.memory_space<semaphore_mem>>) src(%dma_wait3A_327 : memref<10000x128xf32, #tpu.memory_space<hbm>>) dst(%arg8 : memref<128x128xf32, #tpu.memory_space<vmem>>)
      "tpu.region"() ({
        %run_scoped3A = tpu.sem_alloc : memref<!tpu.dma_semaphore, #tpu.memory_space<semaphore_mem>>
        %dma_start3A_629 = arith.constant 0 : i32
        %dma_start3A_630 = arith.constant 0 : i32
        %dma_start3A_631 = tpu.memref_slice %arg15[%dma_start3A_629, %dma_start3A_630] : memref<10112x128xf32, #tpu.memory_space<vmem_shared>> -> memref<10112x128xf32, #tpu.memory_space<vmem_shared>>
        tpu.enqueue_indirect_dma source(%arg8 : memref<128x128xf32, #tpu.memory_space<vmem>>) target(%dma_start3A_631 : memref<10112x128xf32, #tpu.memory_space<vmem_shared>>) offsets(%arg11 : memref<128xi32, #tpu.memory_space<vmem>>) semaphore(%run_scoped3A : memref<!tpu.dma_semaphore, #tpu.memory_space<semaphore_mem>>) {add = true}
        %dma_wait3A_632 = arith.constant 0 : i32
        %dma_wait3A_633 = arith.constant 0 : i32
        %dma_wait3A_634 = tpu.memref_slice %arg15[%dma_wait3A_632, %dma_wait3A_633] : memref<10112x128xf32, #tpu.memory_space<vmem_shared>> -> memref<10112x128xf32, #tpu.memory_space<vmem_shared>>
        tpu.wait_indirect_dma semaphore(%run_scoped3A : memref<!tpu.dma_semaphore, #tpu.memory_space<semaphore_mem>>) src(%arg8 : memref<128x128xf32, #tpu.memory_space<vmem>>) dst(%dma_wait3A_634 : memref<10112x128xf32, #tpu.memory_space<vmem_shared>>)
        tpu.yield
      }) : () -> ()
      %add3A_328 = arith.constant 2 : i32
      %add3A_329 = arith.addi %add3A_324, %add3A_328 : i32
      %get3A_330 = arith.index_cast %add3A_329 : i32 to index
      %get3A_331 = arith.constant 0 : index
      %get3A_332 = tpu.vector_load %arg7[%get3A_330, %get3A_331] {strides = array<i32>} : memref<80x128xi32, #tpu.memory_space<vmem>>, vector<1x16xi32>,
      %get3A_333 = vector.shape_cast %get3A_332 : vector<1x16xi32> to vector<16xi32>
      %and3A_334 = arith.constant 16383 : i32
      %and3A_335 = vector.broadcast %and3A_334 : i32 to vector<16xi32>
      %and3A_336 = arith.andi %get3A_333, %and3A_335 : vector<16xi32>
      %swap3A_337 = arith.constant 0 : index
      %swap3A_338 = tpu.vector_load %arg10[%swap3A_337] {strides = array<i32>} : memref<128xi32, #tpu.memory_space<vmem>>, vector<16xi32>,
      %swap3A_339 = vector.shape_cast %swap3A_338 : vector<16xi32> to vector<16xi32>
      %swap3A_340 = vector.shape_cast %and3A_336 : vector<16xi32> to vector<16xi32>
      tpu.vector_store %arg10[%swap3A_337], %swap3A_340 {strides = array<i32>} : memref<128xi32, #tpu.memory_space<vmem>>, vector<16xi32>,
      %shift_right_arithmetic3A_341 = arith.constant 14 : i32
      %shift_right_arithmetic3A_342 = vector.broadcast %shift_right_arithmetic3A_341 : i32 to vector<16xi32>
      %shift_right_arithmetic3A_343 = arith.shrsi %get3A_333, %shift_right_arithmetic3A_342 : vector<16xi32>
      %swap3A_344 = arith.constant 0 : index
      %swap3A_345 = tpu.vector_load %arg11[%swap3A_344] {strides = array<i32>} : memref<128xi32, #tpu.memory_space<vmem>>, vector<16xi32>,
      %swap3A_346 = vector.shape_cast %swap3A_345 : vector<16xi32> to vector<16xi32>
      %swap3A_347 = vector.shape_cast %shift_right_arithmetic3A_343 : vector<16xi32> to vector<16xi32>
      tpu.vector_store %arg11[%swap3A_344], %swap3A_347 {strides = array<i32>} : memref<128xi32, #tpu.memory_space<vmem>>, vector<16xi32>,
      %get3A_348 = arith.index_cast %add3A_329 : i32 to index
      %get3A_349 = arith.constant 16 : index
      %get3A_350 = tpu.vector_load %arg7[%get3A_348, %get3A_349] {strides = array<i32>} : memref<80x128xi32, #tpu.memory_space<vmem>>, vector<1x16xi32>,
      %get3A_351 = vector.shape_cast %get3A_350 : vector<1x16xi32> to vector<16xi32>
      %and3A_352 = arith.constant 16383 : i32
      %and3A_353 = vector.broadcast %and3A_352 : i32 to vector<16xi32>
      %and3A_354 = arith.andi %get3A_351, %and3A_353 : vector<16xi32>
      %swap3A_355 = arith.constant 16 : index
      %swap3A_356 = tpu.vector_load %arg10[%swap3A_355] {strides = array<i32>} : memref<128xi32, #tpu.memory_space<vmem>>, vector<16xi32>,
      %swap3A_357 = vector.shape_cast %swap3A_356 : vector<16xi32> to vector<16xi32>
      %swap3A_358 = vector.shape_cast %and3A_354 : vector<16xi32> to vector<16xi32>
      tpu.vector_store %arg10[%swap3A_355], %swap3A_358 {strides = array<i32>} : memref<128xi32, #tpu.memory_space<vmem>>, vector<16xi32>,
      %shift_right_arithmetic3A_359 = arith.constant 14 : i32
      %shift_right_arithmetic3A_360 = vector.broadcast %shift_right_arithmetic3A_359 : i32 to vector<16xi32>
      %shift_right_arithmetic3A_361 = arith.shrsi %get3A_351, %shift_right_arithmetic3A_360 : vector<16xi32>
      %swap3A_362 = arith.constant 16 : index
      %swap3A_363 = tpu.vector_load %arg11[%swap3A_362] {strides = array<i32>} : memref<128xi32, #tpu.memory_space<vmem>>, vector<16xi32>,
      %swap3A_364 = vector.shape_cast %swap3A_363 : vector<16xi32> to vector<16xi32>
      %swap3A_365 = vector.shape_cast %shift_right_arithmetic3A_361 : vector<16xi32> to vector<16xi32>
      tpu.vector_store %arg11[%swap3A_362], %swap3A_365 {strides = array<i32>} : memref<128xi32, #tpu.memory_space<vmem>>, vector<16xi32>,
      %get3A_366 = arith.index_cast %add3A_329 : i32 to index
      %get3A_367 = arith.constant 32 : index
      %get3A_368 = tpu.vector_load %arg7[%get3A_366, %get3A_367] {strides = array<i32>} : memref<80x128xi32, #tpu.memory_space<vmem>>, vector<1x16xi32>,
      %get3A_369 = vector.shape_cast %get3A_368 : vector<1x16xi32> to vector<16xi32>
      %and3A_370 = arith.constant 16383 : i32
      %and3A_371 = vector.broadcast %and3A_370 : i32 to vector<16xi32>
      %and3A_372 = arith.andi %get3A_369, %and3A_371 : vector<16xi32>
      %swap3A_373 = arith.constant 32 : index
      %swap3A_374 = tpu.vector_load %arg10[%swap3A_373] {strides = array<i32>} : memref<128xi32, #tpu.memory_space<vmem>>, vector<16xi32>,
      %swap3A_375 = vector.shape_cast %swap3A_374 : vector<16xi32> to vector<16xi32>
      %swap3A_376 = vector.shape_cast %and3A_372 : vector<16xi32> to vector<16xi32>
      tpu.vector_store %arg10[%swap3A_373], %swap3A_376 {strides = array<i32>} : memref<128xi32, #tpu.memory_space<vmem>>, vector<16xi32>,
      %shift_right_arithmetic3A_377 = arith.constant 14 : i32
      %shift_right_arithmetic3A_378 = vector.broadcast %shift_right_arithmetic3A_377 : i32 to vector<16xi32>
      %shift_right_arithmetic3A_379 = arith.shrsi %get3A_369, %shift_right_arithmetic3A_378 : vector<16xi32>
      %swap3A_380 = arith.constant 32 : index
      %swap3A_381 = tpu.vector_load %arg11[%swap3A_380] {strides = array<i32>} : memref<128xi32, #tpu.memory_space<vmem>>, vector<16xi32>,
      %swap3A_382 = vector.shape_cast %swap3A_381 : vector<16xi32> to vector<16xi32>
      %swap3A_383 = vector.shape_cast %shift_right_arithmetic3A_379 : vector<16xi32> to vector<16xi32>
      tpu.vector_store %arg11[%swap3A_380], %swap3A_383 {strides = array<i32>} : memref<128xi32, #tpu.memory_space<vmem>>, vector<16xi32>,
      %get3A_384 = arith.index_cast %add3A_329 : i32 to index
      %get3A_385 = arith.constant 48 : index
      %get3A_386 = tpu.vector_load %arg7[%get3A_384, %get3A_385] {strides = array<i32>} : memref<80x128xi32, #tpu.memory_space<vmem>>, vector<1x16xi32>,
      %get3A_387 = vector.shape_cast %get3A_386 : vector<1x16xi32> to vector<16xi32>
      %and3A_388 = arith.constant 16383 : i32
      %and3A_389 = vector.broadcast %and3A_388 : i32 to vector<16xi32>
      %and3A_390 = arith.andi %get3A_387, %and3A_389 : vector<16xi32>
      %swap3A_391 = arith.constant 48 : index
      %swap3A_392 = tpu.vector_load %arg10[%swap3A_391] {strides = array<i32>} : memref<128xi32, #tpu.memory_space<vmem>>, vector<16xi32>,
      %swap3A_393 = vector.shape_cast %swap3A_392 : vector<16xi32> to vector<16xi32>
      %swap3A_394 = vector.shape_cast %and3A_390 : vector<16xi32> to vector<16xi32>
      tpu.vector_store %arg10[%swap3A_391], %swap3A_394 {strides = array<i32>} : memref<128xi32, #tpu.memory_space<vmem>>, vector<16xi32>,
      %shift_right_arithmetic3A_395 = arith.constant 14 : i32
      %shift_right_arithmetic3A_396 = vector.broadcast %shift_right_arithmetic3A_395 : i32 to vector<16xi32>
      %shift_right_arithmetic3A_397 = arith.shrsi %get3A_387, %shift_right_arithmetic3A_396 : vector<16xi32>
      %swap3A_398 = arith.constant 48 : index
      %swap3A_399 = tpu.vector_load %arg11[%swap3A_398] {strides = array<i32>} : memref<128xi32, #tpu.memory_space<vmem>>, vector<16xi32>,
      %swap3A_400 = vector.shape_cast %swap3A_399 : vector<16xi32> to vector<16xi32>
      %swap3A_401 = vector.shape_cast %shift_right_arithmetic3A_397 : vector<16xi32> to vector<16xi32>
      tpu.vector_store %arg11[%swap3A_398], %swap3A_401 {strides = array<i32>} : memref<128xi32, #tpu.memory_space<vmem>>, vector<16xi32>,
      %get3A_402 = arith.index_cast %add3A_329 : i32 to index
      %get3A_403 = arith.constant 64 : index
      %get3A_404 = tpu.vector_load %arg7[%get3A_402, %get3A_403] {strides = array<i32>} : memref<80x128xi32, #tpu.memory_space<vmem>>, vector<1x16xi32>,
      %get3A_405 = vector.shape_cast %get3A_404 : vector<1x16xi32> to vector<16xi32>
      %and3A_406 = arith.constant 16383 : i32
      %and3A_407 = vector.broadcast %and3A_406 : i32 to vector<16xi32>
      %and3A_408 = arith.andi %get3A_405, %and3A_407 : vector<16xi32>
      %swap3A_409 = arith.constant 64 : index
      %swap3A_410 = tpu.vector_load %arg10[%swap3A_409] {strides = array<i32>} : memref<128xi32, #tpu.memory_space<vmem>>, vector<16xi32>,
      %swap3A_411 = vector.shape_cast %swap3A_410 : vector<16xi32> to vector<16xi32>
      %swap3A_412 = vector.shape_cast %and3A_408 : vector<16xi32> to vector<16xi32>
      tpu.vector_store %arg10[%swap3A_409], %swap3A_412 {strides = array<i32>} : memref<128xi32, #tpu.memory_space<vmem>>, vector<16xi32>,
      %shift_right_arithmetic3A_413 = arith.constant 14 : i32
      %shift_right_arithmetic3A_414 = vector.broadcast %shift_right_arithmetic3A_413 : i32 to vector<16xi32>
      %shift_right_arithmetic3A_415 = arith.shrsi %get3A_405, %shift_right_arithmetic3A_414 : vector<16xi32>
      %swap3A_416 = arith.constant 64 : index
      %swap3A_417 = tpu.vector_load %arg11[%swap3A_416] {strides = array<i32>} : memref<128xi32, #tpu.memory_space<vmem>>, vector<16xi32>,
      %swap3A_418 = vector.shape_cast %swap3A_417 : vector<16xi32> to vector<16xi32>
      %swap3A_419 = vector.shape_cast %shift_right_arithmetic3A_415 : vector<16xi32> to vector<16xi32>
      tpu.vector_store %arg11[%swap3A_416], %swap3A_419 {strides = array<i32>} : memref<128xi32, #tpu.memory_space<vmem>>, vector<16xi32>,
      %get3A_420 = arith.index_cast %add3A_329 : i32 to index
      %get3A_421 = arith.constant 80 : index
      %get3A_422 = tpu.vector_load %arg7[%get3A_420, %get3A_421] {strides = array<i32>} : memref<80x128xi32, #tpu.memory_space<vmem>>, vector<1x16xi32>,
      %get3A_423 = vector.shape_cast %get3A_422 : vector<1x16xi32> to vector<16xi32>
      %and3A_424 = arith.constant 16383 : i32
      %and3A_425 = vector.broadcast %and3A_424 : i32 to vector<16xi32>
      %and3A_426 = arith.andi %get3A_423, %and3A_425 : vector<16xi32>
      %swap3A_427 = arith.constant 80 : index
      %swap3A_428 = tpu.vector_load %arg10[%swap3A_427] {strides = array<i32>} : memref<128xi32, #tpu.memory_space<vmem>>, vector<16xi32>,
      %swap3A_429 = vector.shape_cast %swap3A_428 : vector<16xi32> to vector<16xi32>
      %swap3A_430 = vector.shape_cast %and3A_426 : vector<16xi32> to vector<16xi32>
      tpu.vector_store %arg10[%swap3A_427], %swap3A_430 {strides = array<i32>} : memref<128xi32, #tpu.memory_space<vmem>>, vector<16xi32>,
      %shift_right_arithmetic3A_431 = arith.constant 14 : i32
      %shift_right_arithmetic3A_432 = vector.broadcast %shift_right_arithmetic3A_431 : i32 to vector<16xi32>
      %shift_right_arithmetic3A_433 = arith.shrsi %get3A_423, %shift_right_arithmetic3A_432 : vector<16xi32>
      %swap3A_434 = arith.constant 80 : index
      %swap3A_435 = tpu.vector_load %arg11[%swap3A_434] {strides = array<i32>} : memref<128xi32, #tpu.memory_space<vmem>>, vector<16xi32>,
      %swap3A_436 = vector.shape_cast %swap3A_435 : vector<16xi32> to vector<16xi32>
      %swap3A_437 = vector.shape_cast %shift_right_arithmetic3A_433 : vector<16xi32> to vector<16xi32>
      tpu.vector_store %arg11[%swap3A_434], %swap3A_437 {strides = array<i32>} : memref<128xi32, #tpu.memory_space<vmem>>, vector<16xi32>,
      %get3A_438 = arith.index_cast %add3A_329 : i32 to index
      %get3A_439 = arith.constant 96 : index
      %get3A_440 = tpu.vector_load %arg7[%get3A_438, %get3A_439] {strides = array<i32>} : memref<80x128xi32, #tpu.memory_space<vmem>>, vector<1x16xi32>,
      %get3A_441 = vector.shape_cast %get3A_440 : vector<1x16xi32> to vector<16xi32>
      %and3A_442 = arith.constant 16383 : i32
      %and3A_443 = vector.broadcast %and3A_442 : i32 to vector<16xi32>
      %and3A_444 = arith.andi %get3A_441, %and3A_443 : vector<16xi32>
      %swap3A_445 = arith.constant 96 : index
      %swap3A_446 = tpu.vector_load %arg10[%swap3A_445] {strides = array<i32>} : memref<128xi32, #tpu.memory_space<vmem>>, vector<16xi32>,
      %swap3A_447 = vector.shape_cast %swap3A_446 : vector<16xi32> to vector<16xi32>
      %swap3A_448 = vector.shape_cast %and3A_444 : vector<16xi32> to vector<16xi32>
      tpu.vector_store %arg10[%swap3A_445], %swap3A_448 {strides = array<i32>} : memref<128xi32, #tpu.memory_space<vmem>>, vector<16xi32>,
      %shift_right_arithmetic3A_449 = arith.constant 14 : i32
      %shift_right_arithmetic3A_450 = vector.broadcast %shift_right_arithmetic3A_449 : i32 to vector<16xi32>
      %shift_right_arithmetic3A_451 = arith.shrsi %get3A_441, %shift_right_arithmetic3A_450 : vector<16xi32>
      %swap3A_452 = arith.constant 96 : index
      %swap3A_453 = tpu.vector_load %arg11[%swap3A_452] {strides = array<i32>} : memref<128xi32, #tpu.memory_space<vmem>>, vector<16xi32>,
      %swap3A_454 = vector.shape_cast %swap3A_453 : vector<16xi32> to vector<16xi32>
      %swap3A_455 = vector.shape_cast %shift_right_arithmetic3A_451 : vector<16xi32> to vector<16xi32>
      tpu.vector_store %arg11[%swap3A_452], %swap3A_455 {strides = array<i32>} : memref<128xi32, #tpu.memory_space<vmem>>, vector<16xi32>,
      %get3A_456 = arith.index_cast %add3A_329 : i32 to index
      %get3A_457 = arith.constant 112 : index
      %get3A_458 = tpu.vector_load %arg7[%get3A_456, %get3A_457] {strides = array<i32>} : memref<80x128xi32, #tpu.memory_space<vmem>>, vector<1x16xi32>,
      %get3A_459 = vector.shape_cast %get3A_458 : vector<1x16xi32> to vector<16xi32>
      %and3A_460 = arith.constant 16383 : i32
      %and3A_461 = vector.broadcast %and3A_460 : i32 to vector<16xi32>
      %and3A_462 = arith.andi %get3A_459, %and3A_461 : vector<16xi32>
      %swap3A_463 = arith.constant 112 : index
      %swap3A_464 = tpu.vector_load %arg10[%swap3A_463] {strides = array<i32>} : memref<128xi32, #tpu.memory_space<vmem>>, vector<16xi32>,
      %swap3A_465 = vector.shape_cast %swap3A_464 : vector<16xi32> to vector<16xi32>
      %swap3A_466 = vector.shape_cast %and3A_462 : vector<16xi32> to vector<16xi32>
      tpu.vector_store %arg10[%swap3A_463], %swap3A_466 {strides = array<i32>} : memref<128xi32, #tpu.memory_space<vmem>>, vector<16xi32>,
      %shift_right_arithmetic3A_467 = arith.constant 14 : i32
      %shift_right_arithmetic3A_468 = vector.broadcast %shift_right_arithmetic3A_467 : i32 to vector<16xi32>
      %shift_right_arithmetic3A_469 = arith.shrsi %get3A_459, %shift_right_arithmetic3A_468 : vector<16xi32>
      %swap3A_470 = arith.constant 112 : index
      %swap3A_471 = tpu.vector_load %arg11[%swap3A_470] {strides = array<i32>} : memref<128xi32, #tpu.memory_space<vmem>>, vector<16xi32>,
      %swap3A_472 = vector.shape_cast %swap3A_471 : vector<16xi32> to vector<16xi32>
      %swap3A_473 = vector.shape_cast %shift_right_arithmetic3A_469 : vector<16xi32> to vector<16xi32>
      tpu.vector_store %arg11[%swap3A_470], %swap3A_473 {strides = array<i32>} : memref<128xi32, #tpu.memory_space<vmem>>, vector<16xi32>,
      %dma_start3A_474 = arith.constant 0 : i32
      %dma_start3A_475 = arith.constant 0 : i32
      %dma_start3A_476 = tpu.memref_slice %arg2[%dma_start3A_474, %dma_start3A_475] : memref<10000x128xf32, #tpu.memory_space<hbm>> -> memref<10000x128xf32, #tpu.memory_space<hbm>>
      tpu.enqueue_indirect_dma source(%dma_start3A_476 : memref<10000x128xf32, #tpu.memory_space<hbm>>) target(%arg8 : memref<128x128xf32, #tpu.memory_space<vmem>>) offsets(%arg10 : memref<128xi32, #tpu.memory_space<vmem>>) semaphore(%arg17 : memref<!tpu.dma_semaphore, #tpu.memory_space<semaphore_mem>>)
      %dma_wait3A_477 = arith.constant 0 : i32
      %dma_wait3A_478 = arith.constant 0 : i32
      %dma_wait3A_479 = tpu.memref_slice %arg2[%dma_wait3A_477, %dma_wait3A_478] : memref<10000x128xf32, #tpu.memory_space<hbm>> -> memref<10000x128xf32, #tpu.memory_space<hbm>>
      tpu.wait_indirect_dma semaphore(%arg18 : memref<!tpu.dma_semaphore, #tpu.memory_space<semaphore_mem>>) src(%dma_wait3A_479 : memref<10000x128xf32, #tpu.memory_space<hbm>>) dst(%arg9 : memref<128x128xf32, #tpu.memory_space<vmem>>)
      "tpu.region"() ({
        %run_scoped3A = tpu.sem_alloc : memref<!tpu.dma_semaphore, #tpu.memory_space<semaphore_mem>>
        %dma_start3A_629 = arith.constant 0 : i32
        %dma_start3A_630 = arith.constant 0 : i32
        %dma_start3A_631 = tpu.memref_slice %arg15[%dma_start3A_629, %dma_start3A_630] : memref<10112x128xf32, #tpu.memory_space<vmem_shared>> -> memref<10112x128xf32, #tpu.memory_space<vmem_shared>>
        tpu.enqueue_indirect_dma source(%arg9 : memref<128x128xf32, #tpu.memory_space<vmem>>) target(%dma_start3A_631 : memref<10112x128xf32, #tpu.memory_space<vmem_shared>>) offsets(%arg13 : memref<128xi32, #tpu.memory_space<vmem>>) semaphore(%run_scoped3A : memref<!tpu.dma_semaphore, #tpu.memory_space<semaphore_mem>>) {add = true}
        %dma_wait3A_632 = arith.constant 0 : i32
        %dma_wait3A_633 = arith.constant 0 : i32
        %dma_wait3A_634 = tpu.memref_slice %arg15[%dma_wait3A_632, %dma_wait3A_633] : memref<10112x128xf32, #tpu.memory_space<vmem_shared>> -> memref<10112x128xf32, #tpu.memory_space<vmem_shared>>
        tpu.wait_indirect_dma semaphore(%run_scoped3A : memref<!tpu.dma_semaphore, #tpu.memory_space<semaphore_mem>>) src(%arg9 : memref<128x128xf32, #tpu.memory_space<vmem>>) dst(%dma_wait3A_634 : memref<10112x128xf32, #tpu.memory_space<vmem_shared>>)
        tpu.yield
      }) : () -> ()
      %add3A_480 = arith.constant 3 : i32
      %add3A_481 = arith.addi %add3A_324, %add3A_480 : i32
      %get3A_482 = arith.index_cast %add3A_481 : i32 to index
      %get3A_483 = arith.constant 0 : index
      %get3A_484 = tpu.vector_load %arg7[%get3A_482, %get3A_483] {strides = array<i32>} : memref<80x128xi32, #tpu.memory_space<vmem>>, vector<1x16xi32>,
      %get3A_485 = vector.shape_cast %get3A_484 : vector<1x16xi32> to vector<16xi32>
      %and3A_486 = arith.constant 16383 : i32
      %and3A_487 = vector.broadcast %and3A_486 : i32 to vector<16xi32>
      %and3A_488 = arith.andi %get3A_485, %and3A_487 : vector<16xi32>
      %swap3A_489 = arith.constant 0 : index
      %swap3A_490 = tpu.vector_load %arg12[%swap3A_489] {strides = array<i32>} : memref<128xi32, #tpu.memory_space<vmem>>, vector<16xi32>,
      %swap3A_491 = vector.shape_cast %swap3A_490 : vector<16xi32> to vector<16xi32>
      %swap3A_492 = vector.shape_cast %and3A_488 : vector<16xi32> to vector<16xi32>
      tpu.vector_store %arg12[%swap3A_489], %swap3A_492 {strides = array<i32>} : memref<128xi32, #tpu.memory_space<vmem>>, vector<16xi32>,
      %shift_right_arithmetic3A_493 = arith.constant 14 : i32
      %shift_right_arithmetic3A_494 = vector.broadcast %shift_right_arithmetic3A_493 : i32 to vector<16xi32>
      %shift_right_arithmetic3A_495 = arith.shrsi %get3A_485, %shift_right_arithmetic3A_494 : vector<16xi32>
      %swap3A_496 = arith.constant 0 : index
      %swap3A_497 = tpu.vector_load %arg13[%swap3A_496] {strides = array<i32>} : memref<128xi32, #tpu.memory_space<vmem>>, vector<16xi32>,
      %swap3A_498 = vector.shape_cast %swap3A_497 : vector<16xi32> to vector<16xi32>
      %swap3A_499 = vector.shape_cast %shift_right_arithmetic3A_495 : vector<16xi32> to vector<16xi32>
      tpu.vector_store %arg13[%swap3A_496], %swap3A_499 {strides = array<i32>} : memref<128xi32, #tpu.memory_space<vmem>>, vector<16xi32>,
      %get3A_500 = arith.index_cast %add3A_481 : i32 to index
      %get3A_501 = arith.constant 16 : index
      %get3A_502 = tpu.vector_load %arg7[%get3A_500, %get3A_501] {strides = array<i32>} : memref<80x128xi32, #tpu.memory_space<vmem>>, vector<1x16xi32>,
      %get3A_503 = vector.shape_cast %get3A_502 : vector<1x16xi32> to vector<16xi32>
      %and3A_504 = arith.constant 16383 : i32
      %and3A_505 = vector.broadcast %and3A_504 : i32 to vector<16xi32>
      %and3A_506 = arith.andi %get3A_503, %and3A_505 : vector<16xi32>
      %swap3A_507 = arith.constant 16 : index
      %swap3A_508 = tpu.vector_load %arg12[%swap3A_507] {strides = array<i32>} : memref<128xi32, #tpu.memory_space<vmem>>, vector<16xi32>,
      %swap3A_509 = vector.shape_cast %swap3A_508 : vector<16xi32> to vector<16xi32>
      %swap3A_510 = vector.shape_cast %and3A_506 : vector<16xi32> to vector<16xi32>
      tpu.vector_store %arg12[%swap3A_507], %swap3A_510 {strides = array<i32>} : memref<128xi32, #tpu.memory_space<vmem>>, vector<16xi32>,
      %shift_right_arithmetic3A_511 = arith.constant 14 : i32
      %shift_right_arithmetic3A_512 = vector.broadcast %shift_right_arithmetic3A_511 : i32 to vector<16xi32>
      %shift_right_arithmetic3A_513 = arith.shrsi %get3A_503, %shift_right_arithmetic3A_512 : vector<16xi32>
      %swap3A_514 = arith.constant 16 : index
      %swap3A_515 = tpu.vector_load %arg13[%swap3A_514] {strides = array<i32>} : memref<128xi32, #tpu.memory_space<vmem>>, vector<16xi32>,
      %swap3A_516 = vector.shape_cast %swap3A_515 : vector<16xi32> to vector<16xi32>
      %swap3A_517 = vector.shape_cast %shift_right_arithmetic3A_513 : vector<16xi32> to vector<16xi32>
      tpu.vector_store %arg13[%swap3A_514], %swap3A_517 {strides = array<i32>} : memref<128xi32, #tpu.memory_space<vmem>>, vector<16xi32>,
      %get3A_518 = arith.index_cast %add3A_481 : i32 to index
      %get3A_519 = arith.constant 32 : index
      %get3A_520 = tpu.vector_load %arg7[%get3A_518, %get3A_519] {strides = array<i32>} : memref<80x128xi32, #tpu.memory_space<vmem>>, vector<1x16xi32>,
      %get3A_521 = vector.shape_cast %get3A_520 : vector<1x16xi32> to vector<16xi32>
      %and3A_522 = arith.constant 16383 : i32
      %and3A_523 = vector.broadcast %and3A_522 : i32 to vector<16xi32>
      %and3A_524 = arith.andi %get3A_521, %and3A_523 : vector<16xi32>
      %swap3A_525 = arith.constant 32 : index
      %swap3A_526 = tpu.vector_load %arg12[%swap3A_525] {strides = array<i32>} : memref<128xi32, #tpu.memory_space<vmem>>, vector<16xi32>,
      %swap3A_527 = vector.shape_cast %swap3A_526 : vector<16xi32> to vector<16xi32>
      %swap3A_528 = vector.shape_cast %and3A_524 : vector<16xi32> to vector<16xi32>
      tpu.vector_store %arg12[%swap3A_525], %swap3A_528 {strides = array<i32>} : memref<128xi32, #tpu.memory_space<vmem>>, vector<16xi32>,
      %shift_right_arithmetic3A_529 = arith.constant 14 : i32
      %shift_right_arithmetic3A_530 = vector.broadcast %shift_right_arithmetic3A_529 : i32 to vector<16xi32>
      %shift_right_arithmetic3A_531 = arith.shrsi %get3A_521, %shift_right_arithmetic3A_530 : vector<16xi32>
      %swap3A_532 = arith.constant 32 : index
      %swap3A_533 = tpu.vector_load %arg13[%swap3A_532] {strides = array<i32>} : memref<128xi32, #tpu.memory_space<vmem>>, vector<16xi32>,
      %swap3A_534 = vector.shape_cast %swap3A_533 : vector<16xi32> to vector<16xi32>
      %swap3A_535 = vector.shape_cast %shift_right_arithmetic3A_531 : vector<16xi32> to vector<16xi32>
      tpu.vector_store %arg13[%swap3A_532], %swap3A_535 {strides = array<i32>} : memref<128xi32, #tpu.memory_space<vmem>>, vector<16xi32>,
      %get3A_536 = arith.index_cast %add3A_481 : i32 to index
      %get3A_537 = arith.constant 48 : index
      %get3A_538 = tpu.vector_load %arg7[%get3A_536, %get3A_537] {strides = array<i32>} : memref<80x128xi32, #tpu.memory_space<vmem>>, vector<1x16xi32>,
      %get3A_539 = vector.shape_cast %get3A_538 : vector<1x16xi32> to vector<16xi32>
      %and3A_540 = arith.constant 16383 : i32
      %and3A_541 = vector.broadcast %and3A_540 : i32 to vector<16xi32>
      %and3A_542 = arith.andi %get3A_539, %and3A_541 : vector<16xi32>
      %swap3A_543 = arith.constant 48 : index
      %swap3A_544 = tpu.vector_load %arg12[%swap3A_543] {strides = array<i32>} : memref<128xi32, #tpu.memory_space<vmem>>, vector<16xi32>,
      %swap3A_545 = vector.shape_cast %swap3A_544 : vector<16xi32> to vector<16xi32>
      %swap3A_546 = vector.shape_cast %and3A_542 : vector<16xi32> to vector<16xi32>
      tpu.vector_store %arg12[%swap3A_543], %swap3A_546 {strides = array<i32>} : memref<128xi32, #tpu.memory_space<vmem>>, vector<16xi32>,
      %shift_right_arithmetic3A_547 = arith.constant 14 : i32
      %shift_right_arithmetic3A_548 = vector.broadcast %shift_right_arithmetic3A_547 : i32 to vector<16xi32>
      %shift_right_arithmetic3A_549 = arith.shrsi %get3A_539, %shift_right_arithmetic3A_548 : vector<16xi32>
      %swap3A_550 = arith.constant 48 : index
      %swap3A_551 = tpu.vector_load %arg13[%swap3A_550] {strides = array<i32>} : memref<128xi32, #tpu.memory_space<vmem>>, vector<16xi32>,
      %swap3A_552 = vector.shape_cast %swap3A_551 : vector<16xi32> to vector<16xi32>
      %swap3A_553 = vector.shape_cast %shift_right_arithmetic3A_549 : vector<16xi32> to vector<16xi32>
      tpu.vector_store %arg13[%swap3A_550], %swap3A_553 {strides = array<i32>} : memref<128xi32, #tpu.memory_space<vmem>>, vector<16xi32>,
      %get3A_554 = arith.index_cast %add3A_481 : i32 to index
      %get3A_555 = arith.constant 64 : index
      %get3A_556 = tpu.vector_load %arg7[%get3A_554, %get3A_555] {strides = array<i32>} : memref<80x128xi32, #tpu.memory_space<vmem>>, vector<1x16xi32>,
      %get3A_557 = vector.shape_cast %get3A_556 : vector<1x16xi32> to vector<16xi32>
      %and3A_558 = arith.constant 16383 : i32
      %and3A_559 = vector.broadcast %and3A_558 : i32 to vector<16xi32>
      %and3A_560 = arith.andi %get3A_557, %and3A_559 : vector<16xi32>
      %swap3A_561 = arith.constant 64 : index
      %swap3A_562 = tpu.vector_load %arg12[%swap3A_561] {strides = array<i32>} : memref<128xi32, #tpu.memory_space<vmem>>, vector<16xi32>,
      %swap3A_563 = vector.shape_cast %swap3A_562 : vector<16xi32> to vector<16xi32>
      %swap3A_564 = vector.shape_cast %and3A_560 : vector<16xi32> to vector<16xi32>
      tpu.vector_store %arg12[%swap3A_561], %swap3A_564 {strides = array<i32>} : memref<128xi32, #tpu.memory_space<vmem>>, vector<16xi32>,
      %shift_right_arithmetic3A_565 = arith.constant 14 : i32
      %shift_right_arithmetic3A_566 = vector.broadcast %shift_right_arithmetic3A_565 : i32 to vector<16xi32>
      %shift_right_arithmetic3A_567 = arith.shrsi %get3A_557, %shift_right_arithmetic3A_566 : vector<16xi32>
      %swap3A_568 = arith.constant 64 : index
      %swap3A_569 = tpu.vector_load %arg13[%swap3A_568] {strides = array<i32>} : memref<128xi32, #tpu.memory_space<vmem>>, vector<16xi32>,
      %swap3A_570 = vector.shape_cast %swap3A_569 : vector<16xi32> to vector<16xi32>
      %swap3A_571 = vector.shape_cast %shift_right_arithmetic3A_567 : vector<16xi32> to vector<16xi32>
      tpu.vector_store %arg13[%swap3A_568], %swap3A_571 {strides = array<i32>} : memref<128xi32, #tpu.memory_space<vmem>>, vector<16xi32>,
      %get3A_572 = arith.index_cast %add3A_481 : i32 to index
      %get3A_573 = arith.constant 80 : index
      %get3A_574 = tpu.vector_load %arg7[%get3A_572, %get3A_573] {strides = array<i32>} : memref<80x128xi32, #tpu.memory_space<vmem>>, vector<1x16xi32>,
      %get3A_575 = vector.shape_cast %get3A_574 : vector<1x16xi32> to vector<16xi32>
      %and3A_576 = arith.constant 16383 : i32
      %and3A_577 = vector.broadcast %and3A_576 : i32 to vector<16xi32>
      %and3A_578 = arith.andi %get3A_575, %and3A_577 : vector<16xi32>
      %swap3A_579 = arith.constant 80 : index
      %swap3A_580 = tpu.vector_load %arg12[%swap3A_579] {strides = array<i32>} : memref<128xi32, #tpu.memory_space<vmem>>, vector<16xi32>,
      %swap3A_581 = vector.shape_cast %swap3A_580 : vector<16xi32> to vector<16xi32>
      %swap3A_582 = vector.shape_cast %and3A_578 : vector<16xi32> to vector<16xi32>
      tpu.vector_store %arg12[%swap3A_579], %swap3A_582 {strides = array<i32>} : memref<128xi32, #tpu.memory_space<vmem>>, vector<16xi32>,
      %shift_right_arithmetic3A_583 = arith.constant 14 : i32
      %shift_right_arithmetic3A_584 = vector.broadcast %shift_right_arithmetic3A_583 : i32 to vector<16xi32>
      %shift_right_arithmetic3A_585 = arith.shrsi %get3A_575, %shift_right_arithmetic3A_584 : vector<16xi32>
      %swap3A_586 = arith.constant 80 : index
      %swap3A_587 = tpu.vector_load %arg13[%swap3A_586] {strides = array<i32>} : memref<128xi32, #tpu.memory_space<vmem>>, vector<16xi32>,
      %swap3A_588 = vector.shape_cast %swap3A_587 : vector<16xi32> to vector<16xi32>
      %swap3A_589 = vector.shape_cast %shift_right_arithmetic3A_585 : vector<16xi32> to vector<16xi32>
      tpu.vector_store %arg13[%swap3A_586], %swap3A_589 {strides = array<i32>} : memref<128xi32, #tpu.memory_space<vmem>>, vector<16xi32>,
      %get3A_590 = arith.index_cast %add3A_481 : i32 to index
      %get3A_591 = arith.constant 96 : index
      %get3A_592 = tpu.vector_load %arg7[%get3A_590, %get3A_591] {strides = array<i32>} : memref<80x128xi32, #tpu.memory_space<vmem>>, vector<1x16xi32>,
      %get3A_593 = vector.shape_cast %get3A_592 : vector<1x16xi32> to vector<16xi32>
      %and3A_594 = arith.constant 16383 : i32
      %and3A_595 = vector.broadcast %and3A_594 : i32 to vector<16xi32>
      %and3A_596 = arith.andi %get3A_593, %and3A_595 : vector<16xi32>
      %swap3A_597 = arith.constant 96 : index
      %swap3A_598 = tpu.vector_load %arg12[%swap3A_597] {strides = array<i32>} : memref<128xi32, #tpu.memory_space<vmem>>, vector<16xi32>,
      %swap3A_599 = vector.shape_cast %swap3A_598 : vector<16xi32> to vector<16xi32>
      %swap3A_600 = vector.shape_cast %and3A_596 : vector<16xi32> to vector<16xi32>
      tpu.vector_store %arg12[%swap3A_597], %swap3A_600 {strides = array<i32>} : memref<128xi32, #tpu.memory_space<vmem>>, vector<16xi32>,
      %shift_right_arithmetic3A_601 = arith.constant 14 : i32
      %shift_right_arithmetic3A_602 = vector.broadcast %shift_right_arithmetic3A_601 : i32 to vector<16xi32>
      %shift_right_arithmetic3A_603 = arith.shrsi %get3A_593, %shift_right_arithmetic3A_602 : vector<16xi32>
      %swap3A_604 = arith.constant 96 : index
      %swap3A_605 = tpu.vector_load %arg13[%swap3A_604] {strides = array<i32>} : memref<128xi32, #tpu.memory_space<vmem>>, vector<16xi32>,
      %swap3A_606 = vector.shape_cast %swap3A_605 : vector<16xi32> to vector<16xi32>
      %swap3A_607 = vector.shape_cast %shift_right_arithmetic3A_603 : vector<16xi32> to vector<16xi32>
      tpu.vector_store %arg13[%swap3A_604], %swap3A_607 {strides = array<i32>} : memref<128xi32, #tpu.memory_space<vmem>>, vector<16xi32>,
      %get3A_608 = arith.index_cast %add3A_481 : i32 to index
      %get3A_609 = arith.constant 112 : index
      %get3A_610 = tpu.vector_load %arg7[%get3A_608, %get3A_609] {strides = array<i32>} : memref<80x128xi32, #tpu.memory_space<vmem>>, vector<1x16xi32>,
      %get3A_611 = vector.shape_cast %get3A_610 : vector<1x16xi32> to vector<16xi32>
      %and3A_612 = arith.constant 16383 : i32
      %and3A_613 = vector.broadcast %and3A_612 : i32 to vector<16xi32>
      %and3A_614 = arith.andi %get3A_611, %and3A_613 : vector<16xi32>
      %swap3A_615 = arith.constant 112 : index
      %swap3A_616 = tpu.vector_load %arg12[%swap3A_615] {strides = array<i32>} : memref<128xi32, #tpu.memory_space<vmem>>, vector<16xi32>,
      %swap3A_617 = vector.shape_cast %swap3A_616 : vector<16xi32> to vector<16xi32>
      %swap3A_618 = vector.shape_cast %and3A_614 : vector<16xi32> to vector<16xi32>
      tpu.vector_store %arg12[%swap3A_615], %swap3A_618 {strides = array<i32>} : memref<128xi32, #tpu.memory_space<vmem>>, vector<16xi32>,
      %shift_right_arithmetic3A_619 = arith.constant 14 : i32
      %shift_right_arithmetic3A_620 = vector.broadcast %shift_right_arithmetic3A_619 : i32 to vector<16xi32>
      %shift_right_arithmetic3A_621 = arith.shrsi %get3A_611, %shift_right_arithmetic3A_620 : vector<16xi32>
      %swap3A_622 = arith.constant 112 : index
      %swap3A_623 = tpu.vector_load %arg13[%swap3A_622] {strides = array<i32>} : memref<128xi32, #tpu.memory_space<vmem>>, vector<16xi32>,
      %swap3A_624 = vector.shape_cast %swap3A_623 : vector<16xi32> to vector<16xi32>
      %swap3A_625 = vector.shape_cast %shift_right_arithmetic3A_621 : vector<16xi32> to vector<16xi32>
      tpu.vector_store %arg13[%swap3A_622], %swap3A_625 {strides = array<i32>} : memref<128xi32, #tpu.memory_space<vmem>>, vector<16xi32>,
      %dma_start3A_626 = arith.constant 0 : i32
      %dma_start3A_627 = arith.constant 0 : i32
      %dma_start3A_628 = tpu.memref_slice %arg2[%dma_start3A_626, %dma_start3A_627] : memref<10000x128xf32, #tpu.memory_space<hbm>> -> memref<10000x128xf32, #tpu.memory_space<hbm>>
      tpu.enqueue_indirect_dma source(%dma_start3A_628 : memref<10000x128xf32, #tpu.memory_space<hbm>>) target(%arg9 : memref<128x128xf32, #tpu.memory_space<vmem>>) offsets(%arg12 : memref<128xi32, #tpu.memory_space<vmem>>) semaphore(%arg18 : memref<!tpu.dma_semaphore, #tpu.memory_space<semaphore_mem>>)
    }
    %scan3A_311 = arith.constant 39 : i32
    %dma_wait3A = arith.constant 0 : i32
    %dma_wait3A_312 = arith.constant 0 : i32
    %dma_wait3A_313 = tpu.memref_slice %arg2[%dma_wait3A, %dma_wait3A_312] : memref<10000x128xf32, #tpu.memory_space<hbm>> -> memref<10000x128xf32, #tpu.memory_space<hbm>>
    tpu.wait_indirect_dma semaphore(%arg17 : memref<!tpu.dma_semaphore, #tpu.memory_space<semaphore_mem>>) src(%dma_wait3A_313 : memref<10000x128xf32, #tpu.memory_space<hbm>>) dst(%arg8 : memref<128x128xf32, #tpu.memory_space<vmem>>)
    "tpu.region"() ({
      %run_scoped3A = tpu.sem_alloc : memref<!tpu.dma_semaphore, #tpu.memory_space<semaphore_mem>>
      %dma_start3A_320 = arith.constant 0 : i32
      %dma_start3A_321 = arith.constant 0 : i32
      %dma_start3A_322 = tpu.memref_slice %arg15[%dma_start3A_320, %dma_start3A_321] : memref<10112x128xf32, #tpu.memory_space<vmem_shared>> -> memref<10112x128xf32, #tpu.memory_space<vmem_shared>>
      tpu.enqueue_indirect_dma source(%arg8 : memref<128x128xf32, #tpu.memory_space<vmem>>) target(%dma_start3A_322 : memref<10112x128xf32, #tpu.memory_space<vmem_shared>>) offsets(%arg11 : memref<128xi32, #tpu.memory_space<vmem>>) semaphore(%run_scoped3A : memref<!tpu.dma_semaphore, #tpu.memory_space<semaphore_mem>>) {add = true}
      %dma_wait3A_323 = arith.constant 0 : i32
      %dma_wait3A_324 = arith.constant 0 : i32
      %dma_wait3A_325 = tpu.memref_slice %arg15[%dma_wait3A_323, %dma_wait3A_324] : memref<10112x128xf32, #tpu.memory_space<vmem_shared>> -> memref<10112x128xf32, #tpu.memory_space<vmem_shared>>
      tpu.wait_indirect_dma semaphore(%run_scoped3A : memref<!tpu.dma_semaphore, #tpu.memory_space<semaphore_mem>>) src(%arg8 : memref<128x128xf32, #tpu.memory_space<vmem>>) dst(%dma_wait3A_325 : memref<10112x128xf32, #tpu.memory_space<vmem_shared>>)
      tpu.yield
    }) : () -> ()
    %dma_wait3A_314 = arith.constant 0 : i32
    %dma_wait3A_315 = arith.constant 0 : i32
    %dma_wait3A_316 = tpu.memref_slice %arg2[%dma_wait3A_314, %dma_wait3A_315] : memref<10000x128xf32, #tpu.memory_space<hbm>> -> memref<10000x128xf32, #tpu.memory_space<hbm>>
    tpu.wait_indirect_dma semaphore(%arg18 : memref<!tpu.dma_semaphore, #tpu.memory_space<semaphore_mem>>) src(%dma_wait3A_316 : memref<10000x128xf32, #tpu.memory_space<hbm>>) dst(%arg9 : memref<128x128xf32, #tpu.memory_space<vmem>>)
    "tpu.region"() ({
      %run_scoped3A = tpu.sem_alloc : memref<!tpu.dma_semaphore, #tpu.memory_space<semaphore_mem>>
      %dma_start3A_320 = arith.constant 0 : i32
      %dma_start3A_321 = arith.constant 0 : i32
      %dma_start3A_322 = tpu.memref_slice %arg15[%dma_start3A_320, %dma_start3A_321] : memref<10112x128xf32, #tpu.memory_space<vmem_shared>> -> memref<10112x128xf32, #tpu.memory_space<vmem_shared>>
      tpu.enqueue_indirect_dma source(%arg9 : memref<128x128xf32, #tpu.memory_space<vmem>>) target(%dma_start3A_322 : memref<10112x128xf32, #tpu.memory_space<vmem_shared>>) offsets(%arg13 : memref<128xi32, #tpu.memory_space<vmem>>) semaphore(%run_scoped3A : memref<!tpu.dma_semaphore, #tpu.memory_space<semaphore_mem>>) {add = true}
      %dma_wait3A_323 = arith.constant 0 : i32
      %dma_wait3A_324 = arith.constant 0 : i32
      %dma_wait3A_325 = tpu.memref_slice %arg15[%dma_wait3A_323, %dma_wait3A_324] : memref<10112x128xf32, #tpu.memory_space<vmem_shared>> -> memref<10112x128xf32, #tpu.memory_space<vmem_shared>>
      tpu.wait_indirect_dma semaphore(%run_scoped3A : memref<!tpu.dma_semaphore, #tpu.memory_space<semaphore_mem>>) src(%arg9 : memref<128x128xf32, #tpu.memory_space<vmem>>) dst(%dma_wait3A_325 : memref<10112x128xf32, #tpu.memory_space<vmem_shared>>)
      tpu.yield
    }) : () -> ()
    %barrier3A_317 = arith.constant 0 : index
    tpu.barrier barrier_id(%barrier3A_317)
    %mul3A_318 = arith.constant 632 : i32
    %mul3A_319 = arith.muli %arg1, %mul3A_318 : i32
    "tpu.region"() ({
      %run_scoped3A = tpu.sem_alloc : memref<!tpu.dma_semaphore, #tpu.memory_space<semaphore_mem>>
      %dma_start3A_320 = arith.constant 0 : i32
      %dma_start3A_321 = arith.constant 0 : i32
      %dma_start3A_322 = tpu.memref_slice %arg6[%add3A, %dma_start3A_320, %dma_start3A_321] : memref<32x632x128xf32, #tpu.memory_space<hbm>> -> memref<1x632x128xf32, #tpu.memory_space<hbm>>
      %dma_start3A_323 = tpu.memref_squeeze %dma_start3A_322 : memref<1x632x128xf32, #tpu.memory_space<hbm>> -> memref<632x128xf32, #tpu.memory_space<hbm>>
      %dma_start3A_324 = arith.constant 0 : i32
      %dma_start3A_325 = tpu.memref_slice %arg15[%mul3A_319, %dma_start3A_324] : memref<10112x128xf32, #tpu.memory_space<vmem_shared>> -> memref<632x128xf32, #tpu.memory_space<vmem_shared>>
      tpu.enqueue_dma source(%dma_start3A_325 : memref<632x128xf32, #tpu.memory_space<vmem_shared>>) target(%dma_start3A_323 : memref<632x128xf32, #tpu.memory_space<hbm>>) target_semaphore(%run_scoped3A : memref<!tpu.dma_semaphore, #tpu.memory_space<semaphore_mem>>)
      %dma_wait3A_326 = arith.constant 0 : i32
      %dma_wait3A_327 = arith.constant 0 : i32
      %dma_wait3A_328 = tpu.memref_slice %arg6[%add3A, %dma_wait3A_326, %dma_wait3A_327] : memref<32x632x128xf32, #tpu.memory_space<hbm>> -> memref<1x632x128xf32, #tpu.memory_space<hbm>>
      %dma_wait3A_329 = tpu.memref_squeeze %dma_wait3A_328 : memref<1x632x128xf32, #tpu.memory_space<hbm>> -> memref<632x128xf32, #tpu.memory_space<hbm>>
      %dma_wait3A_330 = arith.constant 0 : i32
      %dma_wait3A_331 = tpu.memref_slice %arg15[%mul3A_319, %dma_wait3A_330] : memref<10112x128xf32, #tpu.memory_space<vmem_shared>> -> memref<632x128xf32, #tpu.memory_space<vmem_shared>>
      tpu.wait_dma2 semaphore(%run_scoped3A : memref<!tpu.dma_semaphore, #tpu.memory_space<semaphore_mem>>) src(%dma_wait3A_331 : memref<632x128xf32, #tpu.memory_space<vmem_shared>>) dst(%dma_wait3A_329 : memref<632x128xf32, #tpu.memory_space<hbm>>)
      tpu.yield
    }) : () -> ()
    return
  }
}

module attributes {stable_mosaic.version = 14 : i64} {
  func.func @body(%arg0: i32, %arg1: memref<2x1024x128xf32, #tpu.memory_space<vmem>>, %arg2: memref<1024x2xf32, #tpu.memory_space<vmem>>, %arg3: memref<1024x128xf32, #tpu.memory_space<vmem>>, %arg4: memref<128x128xf32, #tpu.memory_space<vmem>>, %arg5: memref<1x128xf32, #tpu.memory_space<vmem>>, %arg6: memref<128x128xf32, #tpu.memory_space<vmem>>, %arg7: memref<1024x128xf32, #tpu.memory_space<vmem>>) attributes {dimension_semantics = [#tpu.dimension_semantics<arbitrary>], iteration_bounds = array<i64: 10>, scalar_prefetch = 0 : i64, scratch_operands = 0 : i64, tpu.core_type = #tpu.core_type<tc>, window_params = [{transform_indices = @transform_0, window_bounds = array<i64: 2, 1024, 128>}, {transform_indices = @transform_1, window_bounds = array<i64: 1024, 2>}, {transform_indices = @transform_2, window_bounds = array<i64: 1024, 128>}, {pipeline_mode = #tpu.pipeline_mode<synchronous>, transform_indices = @transform_3, window_bounds = array<i64: 128, 128>}, {pipeline_mode = #tpu.pipeline_mode<synchronous>, transform_indices = @transform_4, window_bounds = array<i64: 1, 128>}, {pipeline_mode = #tpu.pipeline_mode<synchronous>, transform_indices = @transform_5, window_bounds = array<i64: 128, 128>}, {transform_indices = @transform_6, window_bounds = array<i64: 1024, 128>}]} {
    %get3A = arith.constant 0 : index
    %get3A_0 = arith.constant 0 : index
    %get3A_1 = vector.load %arg2[%get3A, %get3A_0] : memref<1024x2xf32, #tpu.memory_space<vmem>>, vector<1024x1xf32>
    %get3A_2 = arith.constant 0 : index
    %get3A_3 = arith.constant 1 : index
    %get3A_4 = vector.load %arg2[%get3A_2, %get3A_3] : memref<1024x2xf32, #tpu.memory_space<vmem>>, vector<1024x1xf32>
    %add3A = arith.addf %get3A_1, %get3A_4 : vector<1024x1xf32>
    %max3A = arith.constant 1.000000e+00 : f32
    %max3A_5 = vector.broadcast %max3A : f32 to vector<1024x1xf32>
    %max3A_6 = arith.maximumf %add3A, %max3A_5 : vector<1024x1xf32>
    %div3A = arith.constant 1.000000e+00 : f32
    %div3A_7 = vector.broadcast %div3A : f32 to vector<1024x1xf32>
    %div3A_8 = arith.divf %div3A_7, %max3A_6 : vector<1024x1xf32>
    %get3A_9 = arith.constant 0 : index
    %get3A_10 = arith.constant 0 : index
    %get3A_11 = arith.constant 0 : index
    %get3A_12 = vector.load %arg1[%get3A_9, %get3A_10, %get3A_11] : memref<2x1024x128xf32, #tpu.memory_space<vmem>>, vector<1x1024x128xf32>
    %get3A_13 = vector.shape_cast %get3A_12 : vector<1x1024x128xf32> to vector<1024x128xf32>
    %get3A_14 = arith.constant 1 : index
    %get3A_15 = arith.constant 0 : index
    %get3A_16 = arith.constant 0 : index
    %get3A_17 = vector.load %arg1[%get3A_14, %get3A_15, %get3A_16] : memref<2x1024x128xf32, #tpu.memory_space<vmem>>, vector<1x1024x128xf32>
    %get3A_18 = vector.shape_cast %get3A_17 : vector<1x1024x128xf32> to vector<1024x128xf32>
    %add3A_19 = arith.addf %get3A_13, %get3A_18 : vector<1024x128xf32>
    %mul3A = vector.broadcast %div3A_8 : vector<1024x1xf32> to vector<1024x128xf32>
    %mul3A_20 = arith.mulf %add3A_19, %mul3A : vector<1024x128xf32>
    %get3A_21 = arith.constant 0 : index
    %get3A_22 = arith.constant 0 : index
    %get3A_23 = vector.load %arg3[%get3A_21, %get3A_22] : memref<1024x128xf32, #tpu.memory_space<vmem>>, vector<1024x128xf32>
    %get3A_24 = arith.constant 0 : index
    %get3A_25 = arith.constant 0 : index
    %get3A_26 = vector.load %arg4[%get3A_24, %get3A_25] : memref<128x128xf32, #tpu.memory_space<vmem>>, vector<128x128xf32>
    %dot_general3A = arith.constant dense<0.000000e+00> : vector<1024x128xf32>
    %dot_general3A_27 = tpu.matmul %mul3A_20, %get3A_26, %dot_general3A {dimension_numbers = #tpu.dot_dimension_numbers<[1], [0], [0], [1], [0, 0, 1, 1], [], []>, precision = #tpu.contract_precision<fp32>, transpose_lhs_hint = false} : vector<1024x128xf32>, vector<128x128xf32>, vector<1024x128xf32> -> vector<1024x128xf32>
    %get3A_28 = arith.constant 0 : index
    %get3A_29 = arith.constant 0 : index
    %get3A_30 = vector.load %arg5[%get3A_28, %get3A_29] : memref<1x128xf32, #tpu.memory_space<vmem>>, vector<1x128xf32>
    %add3A_31 = vector.broadcast %get3A_30 : vector<1x128xf32> to vector<1024x128xf32>
    %add3A_32 = arith.addf %dot_general3A_27, %add3A_31 : vector<1024x128xf32>
    %get3A_33 = arith.constant 0 : index
    %get3A_34 = arith.constant 0 : index
    %get3A_35 = vector.load %arg6[%get3A_33, %get3A_34] : memref<128x128xf32, #tpu.memory_space<vmem>>, vector<128x128xf32>
    %dot_general3A_36 = arith.constant dense<0.000000e+00> : vector<1024x128xf32>
    %dot_general3A_37 = tpu.matmul %get3A_23, %get3A_35, %dot_general3A_36 {dimension_numbers = #tpu.dot_dimension_numbers<[1], [0], [0], [1], [0, 0, 1, 1], [], []>, precision = #tpu.contract_precision<fp32>, transpose_lhs_hint = false} : vector<1024x128xf32>, vector<128x128xf32>, vector<1024x128xf32> -> vector<1024x128xf32>
    %add3A_38 = arith.addf %add3A_32, %dot_general3A_37 : vector<1024x128xf32>
    %max3A_39 = arith.constant 0.000000e+00 : f32
    %max3A_40 = vector.broadcast %max3A_39 : f32 to vector<1024x128xf32>
    %max3A_41 = arith.maximumf %add3A_38, %max3A_40 : vector<1024x128xf32>
    %add3A_42 = arith.addf %max3A_41, %get3A_23 : vector<1024x128xf32>
    %swap3A = arith.constant 0 : index
    %swap3A_43 = arith.constant 0 : index
    %swap3A_44 = vector.load %arg7[%swap3A, %swap3A_43] : memref<1024x128xf32, #tpu.memory_space<vmem>>, vector<1024x128xf32>
    tpu.vector_store %arg7[%swap3A, %swap3A_43], %add3A_42 {strides = array<i32>} : memref<1024x128xf32, #tpu.memory_space<vmem>>, vector<1024x128xf32>,
    return
  }
  func.func @transform_0(%arg0: i32) -> (i32, i32, i32) {
    %c0_i32 = arith.constant 0 : i32
    %c0_i32_0 = arith.constant 0 : i32
    %c0_i32_1 = arith.constant 0 : i32
    return %c0_i32, %arg0, %c0_i32_0 : i32, i32, i32
  }
  func.func @transform_1(%arg0: i32) -> (i32, i32) {
    %c0_i32 = arith.constant 0 : i32
    %c0_i32_0 = arith.constant 0 : i32
    return %arg0, %c0_i32 : i32, i32
  }
  func.func @transform_2(%arg0: i32) -> (i32, i32) {
    %c0_i32 = arith.constant 0 : i32
    %c0_i32_0 = arith.constant 0 : i32
    return %arg0, %c0_i32 : i32, i32
  }
  func.func @transform_3(%arg0: i32) -> (i32, i32) {
    %c0_i32 = arith.constant 0 : i32
    %c0_i32_0 = arith.constant 0 : i32
    %c0_i32_1 = arith.constant 0 : i32
    return %c0_i32, %c0_i32_0 : i32, i32
  }
  func.func @transform_4(%arg0: i32) -> (i32, i32) {
    %c0_i32 = arith.constant 0 : i32
    %c0_i32_0 = arith.constant 0 : i32
    %c0_i32_1 = arith.constant 0 : i32
    return %c0_i32, %c0_i32_0 : i32, i32
  }
  func.func @transform_5(%arg0: i32) -> (i32, i32) {
    %c0_i32 = arith.constant 0 : i32
    %c0_i32_0 = arith.constant 0 : i32
    %c0_i32_1 = arith.constant 0 : i32
    return %c0_i32, %c0_i32_0 : i32, i32
  }
  func.func @transform_6(%arg0: i32) -> (i32, i32) {
    %c0_i32 = arith.constant 0 : i32
    %c0_i32_0 = arith.constant 0 : i32
    return %arg0, %c0_i32 : i32, i32
  }
}

module attributes {stable_mosaic.version = 14 : i64} {
  func.func @body(%arg0: i32, %arg1: memref<2x1024x128xf32, #tpu.memory_space<vmem>>, %arg2: memref<1024x2xf32, #tpu.memory_space<vmem>>, %arg3: memref<1024x128xf32, #tpu.memory_space<vmem>>, %arg4: memref<128x128xf32, #tpu.memory_space<vmem>>, %arg5: memref<1x128xf32, #tpu.memory_space<vmem>>, %arg6: memref<128x128xf32, #tpu.memory_space<vmem>>, %arg7: memref<1024x128xf32, #tpu.memory_space<vmem>>) attributes {dimension_semantics = [#tpu.dimension_semantics<arbitrary>], iteration_bounds = array<i64: 10>, scalar_prefetch = 0 : i64, scratch_operands = 0 : i64, tpu.core_type = #tpu.core_type<tc>, window_params = [{transform_indices = @transform_0, window_bounds = array<i64: 2, 1024, 128>}, {transform_indices = @transform_1, window_bounds = array<i64: 1024, 2>}, {transform_indices = @transform_2, window_bounds = array<i64: 1024, 128>}, {pipeline_mode = #tpu.pipeline_mode<synchronous>, transform_indices = @transform_3, window_bounds = array<i64: 128, 128>}, {pipeline_mode = #tpu.pipeline_mode<synchronous>, transform_indices = @transform_4, window_bounds = array<i64: 1, 128>}, {pipeline_mode = #tpu.pipeline_mode<synchronous>, transform_indices = @transform_5, window_bounds = array<i64: 128, 128>}, {transform_indices = @transform_6, window_bounds = array<i64: 1024, 128>}]} {
    %get3A = arith.constant 0 : index
    %get3A_0 = arith.constant 0 : index
    %get3A_1 = vector.load %arg2[%get3A, %get3A_0] : memref<1024x2xf32, #tpu.memory_space<vmem>>, vector<1024x1xf32>
    %get3A_2 = arith.constant 0 : index
    %get3A_3 = arith.constant 1 : index
    %get3A_4 = vector.load %arg2[%get3A_2, %get3A_3] : memref<1024x2xf32, #tpu.memory_space<vmem>>, vector<1024x1xf32>
    %add3A = arith.addf %get3A_1, %get3A_4 : vector<1024x1xf32>
    %max3A = arith.constant 1.000000e+00 : f32
    %max3A_5 = vector.broadcast %max3A : f32 to vector<1024x1xf32>
    %max3A_6 = arith.maximumf %add3A, %max3A_5 : vector<1024x1xf32>
    %div3A = arith.constant 1.000000e+00 : f32
    %div3A_7 = vector.broadcast %div3A : f32 to vector<1024x1xf32>
    %div3A_8 = arith.divf %div3A_7, %max3A_6 : vector<1024x1xf32>
    %get3A_9 = arith.constant 0 : index
    %get3A_10 = arith.constant 0 : index
    %get3A_11 = arith.constant 0 : index
    %get3A_12 = vector.load %arg1[%get3A_9, %get3A_10, %get3A_11] : memref<2x1024x128xf32, #tpu.memory_space<vmem>>, vector<1x1024x128xf32>
    %get3A_13 = vector.shape_cast %get3A_12 : vector<1x1024x128xf32> to vector<1024x128xf32>
    %get3A_14 = arith.constant 1 : index
    %get3A_15 = arith.constant 0 : index
    %get3A_16 = arith.constant 0 : index
    %get3A_17 = vector.load %arg1[%get3A_14, %get3A_15, %get3A_16] : memref<2x1024x128xf32, #tpu.memory_space<vmem>>, vector<1x1024x128xf32>
    %get3A_18 = vector.shape_cast %get3A_17 : vector<1x1024x128xf32> to vector<1024x128xf32>
    %add3A_19 = arith.addf %get3A_13, %get3A_18 : vector<1024x128xf32>
    %mul3A = vector.broadcast %div3A_8 : vector<1024x1xf32> to vector<1024x128xf32>
    %mul3A_20 = arith.mulf %add3A_19, %mul3A : vector<1024x128xf32>
    %get3A_21 = arith.constant 0 : index
    %get3A_22 = arith.constant 0 : index
    %get3A_23 = vector.load %arg3[%get3A_21, %get3A_22] : memref<1024x128xf32, #tpu.memory_space<vmem>>, vector<1024x128xf32>
    %get3A_24 = arith.constant 0 : index
    %get3A_25 = arith.constant 0 : index
    %get3A_26 = vector.load %arg4[%get3A_24, %get3A_25] : memref<128x128xf32, #tpu.memory_space<vmem>>, vector<128x128xf32>
    %dot_general3A = arith.constant dense<0.000000e+00> : vector<1024x128xf32>
    %dot_general3A_27 = tpu.matmul %mul3A_20, %get3A_26, %dot_general3A {dimension_numbers = #tpu.dot_dimension_numbers<[1], [0], [0], [1], [0, 0, 1, 1], [], []>, precision = #tpu.contract_precision<fp32>, transpose_lhs_hint = false} : vector<1024x128xf32>, vector<128x128xf32>, vector<1024x128xf32> -> vector<1024x128xf32>
    %get3A_28 = arith.constant 0 : index
    %get3A_29 = arith.constant 0 : index
    %get3A_30 = vector.load %arg5[%get3A_28, %get3A_29] : memref<1x128xf32, #tpu.memory_space<vmem>>, vector<1x128xf32>
    %add3A_31 = vector.broadcast %get3A_30 : vector<1x128xf32> to vector<1024x128xf32>
    %add3A_32 = arith.addf %dot_general3A_27, %add3A_31 : vector<1024x128xf32>
    %get3A_33 = arith.constant 0 : index
    %get3A_34 = arith.constant 0 : index
    %get3A_35 = vector.load %arg6[%get3A_33, %get3A_34] : memref<128x128xf32, #tpu.memory_space<vmem>>, vector<128x128xf32>
    %dot_general3A_36 = arith.constant dense<0.000000e+00> : vector<1024x128xf32>
    %dot_general3A_37 = tpu.matmul %get3A_23, %get3A_35, %dot_general3A_36 {dimension_numbers = #tpu.dot_dimension_numbers<[1], [0], [0], [1], [0, 0, 1, 1], [], []>, precision = #tpu.contract_precision<fp32>, transpose_lhs_hint = false} : vector<1024x128xf32>, vector<128x128xf32>, vector<1024x128xf32> -> vector<1024x128xf32>
    %add3A_38 = arith.addf %add3A_32, %dot_general3A_37 : vector<1024x128xf32>
    %max3A_39 = arith.constant 0.000000e+00 : f32
    %max3A_40 = vector.broadcast %max3A_39 : f32 to vector<1024x128xf32>
    %max3A_41 = arith.maximumf %add3A_38, %max3A_40 : vector<1024x128xf32>
    %swap3A = arith.constant 0 : index
    %swap3A_42 = arith.constant 0 : index
    %swap3A_43 = vector.load %arg7[%swap3A, %swap3A_42] : memref<1024x128xf32, #tpu.memory_space<vmem>>, vector<1024x128xf32>
    tpu.vector_store %arg7[%swap3A, %swap3A_42], %max3A_41 {strides = array<i32>} : memref<1024x128xf32, #tpu.memory_space<vmem>>, vector<1024x128xf32>,
    return
  }
  func.func @transform_0(%arg0: i32) -> (i32, i32, i32) {
    %c0_i32 = arith.constant 0 : i32
    %c0_i32_0 = arith.constant 0 : i32
    %c0_i32_1 = arith.constant 0 : i32
    return %c0_i32, %arg0, %c0_i32_0 : i32, i32, i32
  }
  func.func @transform_1(%arg0: i32) -> (i32, i32) {
    %c0_i32 = arith.constant 0 : i32
    %c0_i32_0 = arith.constant 0 : i32
    return %arg0, %c0_i32 : i32, i32
  }
  func.func @transform_2(%arg0: i32) -> (i32, i32) {
    %c0_i32 = arith.constant 0 : i32
    %c0_i32_0 = arith.constant 0 : i32
    return %arg0, %c0_i32 : i32, i32
  }
  func.func @transform_3(%arg0: i32) -> (i32, i32) {
    %c0_i32 = arith.constant 0 : i32
    %c0_i32_0 = arith.constant 0 : i32
    %c0_i32_1 = arith.constant 0 : i32
    return %c0_i32, %c0_i32_0 : i32, i32
  }
  func.func @transform_4(%arg0: i32) -> (i32, i32) {
    %c0_i32 = arith.constant 0 : i32
    %c0_i32_0 = arith.constant 0 : i32
    %c0_i32_1 = arith.constant 0 : i32
    return %c0_i32, %c0_i32_0 : i32, i32
  }
  func.func @transform_5(%arg0: i32) -> (i32, i32) {
    %c0_i32 = arith.constant 0 : i32
    %c0_i32_0 = arith.constant 0 : i32
    %c0_i32_1 = arith.constant 0 : i32
    return %c0_i32, %c0_i32_0 : i32, i32
  }
  func.func @transform_6(%arg0: i32) -> (i32, i32) {
    %c0_i32 = arith.constant 0 : i32
    %c0_i32_0 = arith.constant 0 : i32
    return %arg0, %c0_i32 : i32, i32
  }
}

module attributes {stable_mosaic.version = 14 : i64} {
  func.func @body(%arg0: i32, %arg1: memref<2x1024x128xf32, #tpu.memory_space<vmem>>, %arg2: memref<1024x2xf32, #tpu.memory_space<vmem>>, %arg3: memref<1024x128xf32, #tpu.memory_space<vmem>>, %arg4: memref<128x128xf32, #tpu.memory_space<vmem>>, %arg5: memref<1x128xf32, #tpu.memory_space<vmem>>, %arg6: memref<128x128xf32, #tpu.memory_space<vmem>>, %arg7: memref<128x128xf32, #tpu.memory_space<vmem>>, %arg8: memref<1x128xf32, #tpu.memory_space<vmem>>, %arg9: memref<128x128xf32, #tpu.memory_space<vmem>>, %arg10: memref<1x128xf32, #tpu.memory_space<vmem>>, %arg11: memref<1024x128xf32, #tpu.memory_space<vmem>>) attributes {dimension_semantics = [#tpu.dimension_semantics<arbitrary>], iteration_bounds = array<i64: 10>, scalar_prefetch = 0 : i64, scratch_operands = 0 : i64, tpu.core_type = #tpu.core_type<tc>, window_params = [{transform_indices = @transform_0, window_bounds = array<i64: 2, 1024, 128>}, {transform_indices = @transform_1, window_bounds = array<i64: 1024, 2>}, {transform_indices = @transform_2, window_bounds = array<i64: 1024, 128>}, {pipeline_mode = #tpu.pipeline_mode<synchronous>, transform_indices = @transform_3, window_bounds = array<i64: 128, 128>}, {pipeline_mode = #tpu.pipeline_mode<synchronous>, transform_indices = @transform_4, window_bounds = array<i64: 1, 128>}, {pipeline_mode = #tpu.pipeline_mode<synchronous>, transform_indices = @transform_5, window_bounds = array<i64: 128, 128>}, {pipeline_mode = #tpu.pipeline_mode<synchronous>, transform_indices = @transform_6, window_bounds = array<i64: 128, 128>}, {pipeline_mode = #tpu.pipeline_mode<synchronous>, transform_indices = @transform_7, window_bounds = array<i64: 1, 128>}, {pipeline_mode = #tpu.pipeline_mode<synchronous>, transform_indices = @transform_8, window_bounds = array<i64: 128, 128>}, {pipeline_mode = #tpu.pipeline_mode<synchronous>, transform_indices = @transform_9, window_bounds = array<i64: 1, 128>}, {transform_indices = @transform_10, window_bounds = array<i64: 1024, 128>}]} {
    %get3A = arith.constant 0 : index
    %get3A_0 = arith.constant 0 : index
    %get3A_1 = vector.load %arg2[%get3A, %get3A_0] : memref<1024x2xf32, #tpu.memory_space<vmem>>, vector<1024x1xf32>
    %get3A_2 = arith.constant 0 : index
    %get3A_3 = arith.constant 1 : index
    %get3A_4 = vector.load %arg2[%get3A_2, %get3A_3] : memref<1024x2xf32, #tpu.memory_space<vmem>>, vector<1024x1xf32>
    %add3A = arith.addf %get3A_1, %get3A_4 : vector<1024x1xf32>
    %max3A = arith.constant 1.000000e+00 : f32
    %max3A_5 = vector.broadcast %max3A : f32 to vector<1024x1xf32>
    %max3A_6 = arith.maximumf %add3A, %max3A_5 : vector<1024x1xf32>
    %div3A = arith.constant 1.000000e+00 : f32
    %div3A_7 = vector.broadcast %div3A : f32 to vector<1024x1xf32>
    %div3A_8 = arith.divf %div3A_7, %max3A_6 : vector<1024x1xf32>
    %get3A_9 = arith.constant 0 : index
    %get3A_10 = arith.constant 0 : index
    %get3A_11 = arith.constant 0 : index
    %get3A_12 = vector.load %arg1[%get3A_9, %get3A_10, %get3A_11] : memref<2x1024x128xf32, #tpu.memory_space<vmem>>, vector<1x1024x128xf32>
    %get3A_13 = vector.shape_cast %get3A_12 : vector<1x1024x128xf32> to vector<1024x128xf32>
    %get3A_14 = arith.constant 1 : index
    %get3A_15 = arith.constant 0 : index
    %get3A_16 = arith.constant 0 : index
    %get3A_17 = vector.load %arg1[%get3A_14, %get3A_15, %get3A_16] : memref<2x1024x128xf32, #tpu.memory_space<vmem>>, vector<1x1024x128xf32>
    %get3A_18 = vector.shape_cast %get3A_17 : vector<1x1024x128xf32> to vector<1024x128xf32>
    %add3A_19 = arith.addf %get3A_13, %get3A_18 : vector<1024x128xf32>
    %mul3A = vector.broadcast %div3A_8 : vector<1024x1xf32> to vector<1024x128xf32>
    %mul3A_20 = arith.mulf %add3A_19, %mul3A : vector<1024x128xf32>
    %get3A_21 = arith.constant 0 : index
    %get3A_22 = arith.constant 0 : index
    %get3A_23 = vector.load %arg3[%get3A_21, %get3A_22] : memref<1024x128xf32, #tpu.memory_space<vmem>>, vector<1024x128xf32>
    %get3A_24 = arith.constant 0 : index
    %get3A_25 = arith.constant 0 : index
    %get3A_26 = vector.load %arg4[%get3A_24, %get3A_25] : memref<128x128xf32, #tpu.memory_space<vmem>>, vector<128x128xf32>
    %dot_general3A = arith.constant dense<0.000000e+00> : vector<1024x128xf32>
    %dot_general3A_27 = tpu.matmul %mul3A_20, %get3A_26, %dot_general3A {dimension_numbers = #tpu.dot_dimension_numbers<[1], [0], [0], [1], [0, 0, 1, 1], [], []>, precision = #tpu.contract_precision<fp32>, transpose_lhs_hint = false} : vector<1024x128xf32>, vector<128x128xf32>, vector<1024x128xf32> -> vector<1024x128xf32>
    %get3A_28 = arith.constant 0 : index
    %get3A_29 = arith.constant 0 : index
    %get3A_30 = vector.load %arg5[%get3A_28, %get3A_29] : memref<1x128xf32, #tpu.memory_space<vmem>>, vector<1x128xf32>
    %add3A_31 = vector.broadcast %get3A_30 : vector<1x128xf32> to vector<1024x128xf32>
    %add3A_32 = arith.addf %dot_general3A_27, %add3A_31 : vector<1024x128xf32>
    %get3A_33 = arith.constant 0 : index
    %get3A_34 = arith.constant 0 : index
    %get3A_35 = vector.load %arg6[%get3A_33, %get3A_34] : memref<128x128xf32, #tpu.memory_space<vmem>>, vector<128x128xf32>
    %dot_general3A_36 = arith.constant dense<0.000000e+00> : vector<1024x128xf32>
    %dot_general3A_37 = tpu.matmul %get3A_23, %get3A_35, %dot_general3A_36 {dimension_numbers = #tpu.dot_dimension_numbers<[1], [0], [0], [1], [0, 0, 1, 1], [], []>, precision = #tpu.contract_precision<fp32>, transpose_lhs_hint = false} : vector<1024x128xf32>, vector<128x128xf32>, vector<1024x128xf32> -> vector<1024x128xf32>
    %add3A_38 = arith.addf %add3A_32, %dot_general3A_37 : vector<1024x128xf32>
    %max3A_39 = arith.constant 0.000000e+00 : f32
    %max3A_40 = vector.broadcast %max3A_39 : f32 to vector<1024x128xf32>
    %max3A_41 = arith.maximumf %add3A_38, %max3A_40 : vector<1024x128xf32>
    %add3A_42 = arith.addf %max3A_41, %get3A_23 : vector<1024x128xf32>
    %get3A_43 = arith.constant 0 : index
    %get3A_44 = arith.constant 0 : index
    %get3A_45 = vector.load %arg7[%get3A_43, %get3A_44] : memref<128x128xf32, #tpu.memory_space<vmem>>, vector<128x128xf32>
    %dot_general3A_46 = arith.constant dense<0.000000e+00> : vector<1024x128xf32>
    %dot_general3A_47 = tpu.matmul %add3A_42, %get3A_45, %dot_general3A_46 {dimension_numbers = #tpu.dot_dimension_numbers<[1], [0], [0], [1], [0, 0, 1, 1], [], []>, precision = #tpu.contract_precision<fp32>, transpose_lhs_hint = false} : vector<1024x128xf32>, vector<128x128xf32>, vector<1024x128xf32> -> vector<1024x128xf32>
    %get3A_48 = arith.constant 0 : index
    %get3A_49 = arith.constant 0 : index
    %get3A_50 = vector.load %arg8[%get3A_48, %get3A_49] : memref<1x128xf32, #tpu.memory_space<vmem>>, vector<1x128xf32>
    %add3A_51 = vector.broadcast %get3A_50 : vector<1x128xf32> to vector<1024x128xf32>
    %add3A_52 = arith.addf %dot_general3A_47, %add3A_51 : vector<1024x128xf32>
    %max3A_53 = arith.constant 0.000000e+00 : f32
    %max3A_54 = vector.broadcast %max3A_53 : f32 to vector<1024x128xf32>
    %max3A_55 = arith.maximumf %add3A_52, %max3A_54 : vector<1024x128xf32>
    %get3A_56 = arith.constant 0 : index
    %get3A_57 = arith.constant 0 : index
    %get3A_58 = vector.load %arg9[%get3A_56, %get3A_57] : memref<128x128xf32, #tpu.memory_space<vmem>>, vector<128x128xf32>
    %dot_general3A_59 = arith.constant dense<0.000000e+00> : vector<1024x128xf32>
    %dot_general3A_60 = tpu.matmul %max3A_55, %get3A_58, %dot_general3A_59 {dimension_numbers = #tpu.dot_dimension_numbers<[1], [0], [0], [1], [0, 0, 1, 1], [], []>, precision = #tpu.contract_precision<fp32>, transpose_lhs_hint = false} : vector<1024x128xf32>, vector<128x128xf32>, vector<1024x128xf32> -> vector<1024x128xf32>
    %get3A_61 = arith.constant 0 : index
    %get3A_62 = arith.constant 0 : index
    %get3A_63 = vector.load %arg10[%get3A_61, %get3A_62] : memref<1x128xf32, #tpu.memory_space<vmem>>, vector<1x128xf32>
    %add3A_64 = vector.broadcast %get3A_63 : vector<1x128xf32> to vector<1024x128xf32>
    %add3A_65 = arith.addf %dot_general3A_60, %add3A_64 : vector<1024x128xf32>
    %swap3A = arith.constant 0 : index
    %swap3A_66 = arith.constant 0 : index
    %swap3A_67 = vector.load %arg11[%swap3A, %swap3A_66] : memref<1024x128xf32, #tpu.memory_space<vmem>>, vector<1024x128xf32>
    tpu.vector_store %arg11[%swap3A, %swap3A_66], %add3A_65 {strides = array<i32>} : memref<1024x128xf32, #tpu.memory_space<vmem>>, vector<1024x128xf32>,
    return
  }
  func.func @transform_0(%arg0: i32) -> (i32, i32, i32) {
    %c0_i32 = arith.constant 0 : i32
    %c0_i32_0 = arith.constant 0 : i32
    %c0_i32_1 = arith.constant 0 : i32
    return %c0_i32, %arg0, %c0_i32_0 : i32, i32, i32
  }
  func.func @transform_1(%arg0: i32) -> (i32, i32) {
    %c0_i32 = arith.constant 0 : i32
    %c0_i32_0 = arith.constant 0 : i32
    return %arg0, %c0_i32 : i32, i32
  }
  func.func @transform_2(%arg0: i32) -> (i32, i32) {
    %c0_i32 = arith.constant 0 : i32
    %c0_i32_0 = arith.constant 0 : i32
    return %arg0, %c0_i32 : i32, i32
  }
  func.func @transform_3(%arg0: i32) -> (i32, i32) {
    %c0_i32 = arith.constant 0 : i32
    %c0_i32_0 = arith.constant 0 : i32
    %c0_i32_1 = arith.constant 0 : i32
    return %c0_i32, %c0_i32_0 : i32, i32
  }
  func.func @transform_4(%arg0: i32) -> (i32, i32) {
    %c0_i32 = arith.constant 0 : i32
    %c0_i32_0 = arith.constant 0 : i32
    %c0_i32_1 = arith.constant 0 : i32
    return %c0_i32, %c0_i32_0 : i32, i32
  }
  func.func @transform_5(%arg0: i32) -> (i32, i32) {
    %c0_i32 = arith.constant 0 : i32
    %c0_i32_0 = arith.constant 0 : i32
    %c0_i32_1 = arith.constant 0 : i32
    return %c0_i32, %c0_i32_0 : i32, i32
  }
  func.func @transform_6(%arg0: i32) -> (i32, i32) {
    %c0_i32 = arith.constant 0 : i32
    %c0_i32_0 = arith.constant 0 : i32
    %c0_i32_1 = arith.constant 0 : i32
    return %c0_i32, %c0_i32_0 : i32, i32
  }
  func.func @transform_7(%arg0: i32) -> (i32, i32) {
    %c0_i32 = arith.constant 0 : i32
    %c0_i32_0 = arith.constant 0 : i32
    %c0_i32_1 = arith.constant 0 : i32
    return %c0_i32, %c0_i32_0 : i32, i32
  }
  func.func @transform_8(%arg0: i32) -> (i32, i32) {
    %c0_i32 = arith.constant 0 : i32
    %c0_i32_0 = arith.constant 0 : i32
    %c0_i32_1 = arith.constant 0 : i32
    return %c0_i32, %c0_i32_0 : i32, i32
  }
  func.func @transform_9(%arg0: i32) -> (i32, i32) {
    %c0_i32 = arith.constant 0 : i32
    %c0_i32_0 = arith.constant 0 : i32
    %c0_i32_1 = arith.constant 0 : i32
    return %c0_i32, %c0_i32_0 : i32, i32
  }
  func.func @transform_10(%arg0: i32) -> (i32, i32) {
    %c0_i32 = arith.constant 0 : i32
    %c0_i32_0 = arith.constant 0 : i32
    return %arg0, %c0_i32 : i32, i32
  }
}

</mosaic_0001>

<sc_bundles>
// kernel: kernel.11.cloned.1.call-start
scs
__scs_entry_jumppad:
0x0: {  	(pc) =	sbr.rel $0x88, $3  }
0x1: {  	(tag) =	ssettag $0x0;
	lr =	simm.s32 $0x1  }
0x2: {  	[smem:$0x3F92] =	sst lr;
	_ =	strace $0xD0000000  }
0x3: {  	_ = 	snop  }
0x4: {  	_ = 	snop  }
0x5: {  	_ = 	snop  }
0x6: {  	_ = 	snop  }
0x7: {  	_ = 	snop  }
__scs_overlays_trampoline_lowered:
0x8: {  	[smem:$0x3FA1] =	sst s0  }
0x9: {  	[smem:$0x3FA2] =	sst s1  }
0xa: {  	[smem:$0x3FA3] =	sst s2  }
0xb: {  	[smem:$0x3FA4] =	sst s3  }
0xc: {  	[smem:$0x3FA5] =	sst s4  }
0xd: {  	[smem:$0x3FA6] =	sst s5  }
0xe: {  	[smem:$0x3FA7] =	sst s6  }
0xf: {  	[smem:$0x3FA8] =	sst s7  }
0x10: {  	[smem:$0x3FA9] =	sst s8  }
0x11: {  	[smem:$0x3FAA] =	sst s9;
	s0 =	simm.s32 @!p0 $0x0  }
0x12: {  	s1 =	sld [smem:$0x3F90];
	s0 =	simm.s32 @p0 $0x1  }
0x13: {  	[smem:$0x3FAB] =	sst s0;
	s0 =	simm.s32 @!p1 $0x0  }
0x14: {  	s2 =	sld [smem:$0x3F8F];
	s0 =	simm.s32 @p1 $0x1  }
0x15: {  	[smem:$0x3FAC] =	sst s0;
	s0 =	simm.s32 @!p2 $0x0  }
0x16: {  	s3 =	sld [smem:$0x3FDB];
	s0 =	simm.s32 @p2 $0x1  }
0x17: {  	s4 =	simm.s32 $0x1BF5;
	[smem:$0x3FAE] =	sst s0  }
0x18: {  	s0 =	sld [smem:$0x3F91];
	_ =	swait.ge [sflag:s4], $0x0  }
0x19: {  	s7 =	sld [smem:$0x3F92]  }
0x1a: {  	s8 =	sadd.s32 $0xFFFFE003, lr  }
0x1b: {  	s9 =	sadd.s32 $0xFFFFFEF7, lr;
	s5 =	simm.s32 $0xFFFFFFFF;
	p2 =	slt.u32 s8, $0xFFFFF086  }
0x1c: {  	p1 =	slt.u32 s9, $0xF7A;
	s5 =	simm.s32 @!p2 $0x0  }
0x1d: {  	s5 =	simm.s32 @p1 $0x1;
	p0 =	seq.s32 s7, s2  }
0x1e: {  	s7 =	smul.u32 @!p0 $0xF7A, s2;
	p2 =	seq.s32 @!p0 s5, $0x0  }
0x1f: {  	s9 =	smul.u32 $0xF7A, s1;
	s8 =	simm.s32 @!p0 $0x1BF5;
	p2 =	por !p2, p0  }
0x20: {  	[sflag:s8] =	ssyncset.s32 @!p0 $0xFFFFF086;
	s6 =	sadd.s32 @!p0 s3, s7;
	s7 =	simm.s32 @!p0 $0x108  }
0x21: {  	s3 =	sadd.s32 s3, s9;
	s6 =	sadd.s32 @!p0 $0x88, s6;
	s7 =	simm.s32 @p2 $0x1082  }
0x22: {  	[simem:s7], [sflag:s8] =	dma.local @!p0 [hbm:s6], $0xF7A  }
0x23: {  	s9 =	sor.u32 $0xD0000000, s2;
	s6 =	simm.s32 $0x108;
	_ =	swait.ge @!p0 [sflag:s8], $0x0  }
0x24: {  	s3 =	sadd.s32 $0x88, s3;
	s6 =	simm.s32 @!p1 $0x1082;
	[sflag:s4] =	ssyncset.s32 $0xFFFFF086  }
0x25: {  	[simem:s6], [sflag:s4] =	dma.local [hbm:s3], $0xF7A  }
0x26: {  	[smem:$0x3F92] =	sst s1;
	(tag) =	ssettag s2;
	_ =	strace s9  }
0x27: {  	s1 =	sld [smem:$0x3FA2]  }
0x28: {  	s2 =	sld [smem:$0x3FA3]  }
0x29: {  	s4 =	sld [smem:$0x3FA5]  }
0x2a: {  	p0 =	seq.s32 s5, $0x0;
	s5 =	sld [smem:$0x3FA6]  }
0x2b: {  	s6 =	sld [smem:$0x3FA7]  }
0x2c: {  	s7 =	sld [smem:$0x3FA8]  }
0x2d: {  	s3 =	simm.s32 $0x108;
	s8 =	sld [smem:$0x3FA9]  }
0x2e: {  	s3 =	simm.s32 @!p0 $0x1082;
	s9 =	sld [smem:$0x3FAA]  }
0x2f: {  	lr =	sadd.s32 s0, s3;
	s0 =	sld [smem:$0x3FA1]  }
0x30: {  	s3 =	sld [smem:$0x3FA4]  }
0x31: {  	[smem:$0x3FAD] =	sst s10  }
0x32: {  	s10 =	sld [smem:$0x3FAB];
	_ =	sdelay $0x3  }
0x33: {  	p0 =	seq.s32 s10, $0x1;
	s10 =	sld [smem:$0x3FAD];
	_ =	sdelay $0x3  }
0x34: {  	[smem:$0x3FAD] =	sst s10  }
0x35: {  	s10 =	sld [smem:$0x3FAC];
	_ =	sdelay $0x3  }
0x36: {  	p1 =	seq.s32 s10, $0x1;
	s10 =	sld [smem:$0x3FAD];
	_ =	sdelay $0x3  }
0x37: {  	[smem:$0x3FAD] =	sst s10  }
0x38: {  	s10 =	sld [smem:$0x3FAE]  }
0x39: {  	_ = 	snop;
	(pc) =	sbr.ind lr, $3  }
0x3a: {  	_ = 	snop  }
0x3b: {  	_ = 	snop  }
0x3c: {  	p2 =	seq.s32 s10, $0x1;
	s10 =	sld [smem:$0x3FAD]  }
0x3d: {  	_ =	shalt  }
0x3e: {  	_ =	shalt  }
0x3f: {  	_ =	shalt  }
0x40: {  	_ =	shalt  }
0x41: {  	_ =	shalt  }
0x42: {  	_ =	shalt  }
0x43: {  	_ =	shalt  }
0x44: {  	_ =	shalt  }
0x45: {  	_ =	shalt  }
0x46: {  	_ =	shalt  }
0x47: {  	_ =	shalt  }
0x48: {  	_ =	shalt  }
0x49: {  	_ =	shalt  }
0x4a: {  	_ =	shalt  }
0x4b: {  	_ =	shalt  }
0x4c: {  	_ =	shalt  }
0x4d: {  	_ =	shalt  }
0x4e: {  	_ =	shalt  }
0x4f: {  	_ =	shalt  }
0x50: {  	_ =	shalt  }
0x51: {  	_ =	shalt  }
0x52: {  	_ =	shalt  }
0x53: {  	_ =	shalt  }
0x54: {  	_ =	shalt  }
0x55: {  	_ =	shalt  }
0x56: {  	_ =	shalt  }
0x57: {  	_ =	shalt  }
0x58: {  	_ =	shalt  }
0x59: {  	_ =	shalt  }
0x5a: {  	_ =	shalt  }
0x5b: {  	_ =	shalt  }
0x5c: {  	_ =	shalt  }
0x5d: {  	_ =	shalt  }
0x5e: {  	_ =	shalt  }
0x5f: {  	_ =	shalt  }
0x60: {  	_ =	shalt  }
0x61: {  	_ =	shalt  }
0x62: {  	_ =	shalt  }
0x63: {  	_ =	shalt  }
0x64: {  	_ =	shalt  }
0x65: {  	_ =	shalt  }
0x66: {  	_ =	shalt  }
0x67: {  	_ =	shalt  }
0x68: {  	_ =	shalt  }
0x69: {  	_ =	shalt  }
0x6a: {  	_ =	shalt  }
0x6b: {  	_ =	shalt  }
0x6c: {  	_ =	shalt  }
0x6d: {  	_ =	shalt  }
0x6e: {  	_ =	shalt  }
0x6f: {  	_ =	shalt  }
0x70: {  	_ =	shalt  }
0x71: {  	_ =	shalt  }
0x72: {  	_ =	shalt  }
0x73: {  	_ =	shalt  }
0x74: {  	_ =	shalt  }
0x75: {  	_ =	shalt  }
0x76: {  	_ =	shalt  }
0x77: {  	_ =	shalt  }
0x78: {  	_ =	shalt  }
0x79: {  	_ =	shalt  }
0x7a: {  	_ =	shalt  }
0x7b: {  	_ =	shalt  }
0x7c: {  	_ =	shalt  }
0x7d: {  	_ =	shalt  }
0x7e: {  	_ =	shalt  }
0x7f: {  	_ =	shalt  }
0x80: {  	_ =	shalt  }
0x81: {  	_ =	shalt  }
0x82: {  	_ =	shalt  }
0x83: {  	_ =	shalt  }
0x84: {  	_ =	shalt  }
0x85: {  	_ =	shalt  }
0x86: {  	_ =	shalt  }
0x87: {  	_ =	shalt  }
.Lfunc_end0:
.L_simem_size_0:
called_computation.1_lowered:
.L_overlay_start_0:
0x88: {  	s2 =	sld [smem:$0x3FD9]  }
0x89: {  	s3 =	sld [smem:$0x3FFE];
	_ =	sdelay $0x1  }
0x8a: {  	s1 =	srdreg.scid  }
0x8b: {  	s0 =	sand.u32 $0x1, s1  }
0x8c: {  	s17 =	sshll.u32 s0, $0xA;
	s2 =	sadd.s32 s3, s2  }
0x8d: {  	s2 =	sadd.s32 s2, s17  }
0x8e: {  	[smem:$0x3FB9] =	sst s2  }
0x8f: {  	_ = 	snop  }
0x90: {  	s2 =	sld [smem:$0x3FD0];
	(tm) =	ssettm $0x1  }
0x91: {  	s18 =	sld [smem:$0x3FFB];
	_ =	sdelay $0x3  }
0x92: {  	_ =	strace s18  }
0x93: {  	s3 =	sld [smem:$0x3FFC];
	_ =	sdelay $0x3  }
0x94: {  	_ =	strace s3  }
0x95: {  	s3 =	sld [smem:$0x3FFD];
	_ =	sdelay $0x3  }
0x96: {  	_ =	strace s3  }
0x97: {  	_ =	strace $0x8FFFFFFF  }
0x98: {  	s19 =	sld [smem:$0x3FDB];
	_ =	sdelay $0x1  }
0x99: {  	s4 =	simm.s32 $_scs_section_size  }
0x9a: {  	s5 =	simm.s32 $_size__tile_overlayer_lowered;
	s6 =	simm.s32 $_tile_overlayer_lowered  }
0x9b: {  	s22 =	simm.s32 $0x1BFF;
	s21 =	sshll.u32 s6, $0x1;
	s3 =	sadd.s32 s4, s19  }
0x9c: {  	s7 =	simm.s32 $0x0;
	s20 =	sshll.u32 s5, $0x1;
	s5 =	sadd.s32 s21, s3  }
0x9d: {  	[timem:s7], [sflag:s22] =	dma.local [hbm:s5], s20  }
0x9e: {  	_ =	swait.ge [sflag:s22], s20  }
0x9f: {  	s4 =	ssub.s32 $0x0, s20;
	[sflag:s22] =	ssyncset.done $0x0  }
0xa0: {  	[sflag:s22] =	ssyncadd.s32 s4;
	_ =	sdelay $0x1  }
0xa1: {  	s23 =	simm.s32 $0x1B8B  }
0xa2: {  	_ =	swait.ge [sflag:s23], $0x1  }
0xa3: {  	[sflag:s23] =	ssyncset.done $0x0  }
0xa4: {  	s25 =	simm.s32 $0x1B8E;
	s24 =	sld [smem:$0x3FFE];
	[sflag:s23] =	ssyncadd.s32 $0xFFFFFFFF  }
0xa5: {  	s26 =	simm.s32 $execute0_lowered;
	[smem:$0x3FD2] =	sst s25  }
0xa6: {  	s5 =	sshll.u32 s26, $0x1;
	_ =	strace $0x80000049;
	[dreg:$0x1] =	wrdreg $0xFFFFFFFF  }
0xa7: {  	s28 =	simm.s32 $_size_execute0_lowered;
	s3 =	sadd.s32 s3, s5;
	[dreg:$0x0] =	wrdreg $0x0  }
0xa8: {  	s5 =	sshll.u32 s28, $0x1;
	[dreg:$0x2] =	wrdreg s3  }
0xa9: {  	[dreg:$0x3] =	wrdreg s5  }
0xaa: {  	[dreg:$0x4] =	wrdreg $0xC0  }
0xab: {  	_ =	task [dreg:s7], $0x5FFFF  }
0xac: {  	[dreg:$0x1] =	wrdreg $0xFFFFFFFF  }
0xad: {  	[dreg:$0x0] =	wrdreg $0x60  }
0xae: {  	[dreg:$0x2] =	wrdreg s2  }
0xaf: {  	[dreg:$0x3] =	wrdreg s24  }
0xb0: {  	[dreg:$0x4] =	wrdreg $0xAA000  }
0xb1: {  	[dreg:$0x5] =	wrdreg $0x9  }
0xb2: {  	_ =	task.clear_ibuf [dreg:s7], $0x6FFFF;
	_ =	strace $0x90000049  }
0xb3: {  	s29 =	simm.s32 $0x9;
	_ =	strace $0x8000004B  }
0xb4: {  	_ =	swait.ge [sflag:s29], $0x1  }
0xb5: {  	[sflag:s29] =	ssyncadd.s32 $0xFFFFFFFF  }
0xb6: {  	_ =	strace $0x9000004B  }
0xb7: {  	_ =	sfence  }
0xb8: {  	s30 =	sld [smem:$0x0];
	_ =	sdelay $0x2  }
0xb9: {  	s31 =	sshll.u32 s1, $0xD;
	s1 =	sshrl.u32 s1, $0x2  }
0xba: {  	s3 =	sand.u32 $0x4000, s31;
	s1 =	sadd.s32 s1, s30  }
0xbb: {  	s0 =	sor.u32 s3, s0;
	s1 =	sshll.u32 s1, $0x11  }
0xbc: {  	s0 =	sor.u32 s1, s0  }
0xbd: {  	s0 =	sadd.s32 $0x8F2B, s0  }
0xbe: {  	[sflag:s0] =	ssyncadd.remote.s32 $0x1  }
0xbf: {  	_ =	sfence.sel $0xFFFF  }
0xc0: {  	[dreg:$0x0] =	wrdreg $0xFFFFFFFF;
	(pc) =	sbr.abs _section_cstart, $3  }
0xc1: {  	[dreg:$0x1] =	wrdreg $0xFFFFFFFF  }
0xc2: {  	_ =	task.clear_ibuf [dreg:s7], $0x2FFFF;
	_ =	strace $0x9FFFFFFF  }
0xc3: {  	(tm) =	ssettm $0x7FFFFFFF  }
tec
execute0_lowered:
.L_overlay_start_1:
0x0: {  	(tag) =	ssettag $0x1  }
0x1: {  	s1 =	rddreg [dreg:$0x0]  }
0x2: {  	s7 =	rddreg [dreg:$0x1]  }
0x3: {  	s0 =	srdreg.scid;
	s3 =	rddreg [dreg:$0x2]  }
0x4: {  	s4 =	simm.s32 $0x0;
	s13 =	simm.s32 $0xA800;
	s14 =	simm.s32 $0x2800  }
0x5: {  	s15 =	simm.s32 $0xA900;
	s16 =	simm.s32 $0x6800;
	s17 =	simm.s32 $0x1  }
0x6: {  	s18 =	simm.s32 $0xA880;
	s19 =	simm.s32 $0x2;
	s20 =	simm.s32 $0xA980  }
0x7: {  	s21 =	simm.s32 $0x0;
	s6 =	sand.u32 $0x1, s0;
	s0 =	stileid.u32  }
0x8: {  	[smem:$0x7FF] =	sst s4;
	s2 =	sshll.u32 s6, $0x4;
	s10 =	smul.u32 $0x4F000, s0  }
0x9: {  	s6 =	ssub.s32 $0x2, s6;
	s11 =	sshll.u32 s0, $0x6;
	s5 =	sor.u32 s0, s2  }
0xa: {  	s2 =	rddreg [dreg:$0x3];
	_ =	strace $0x8000004A;
	s8 =	smul.u32 $0x500, s5  }
0xb: {  	s31 =	sshrl.u32 s6, $0x1;
	s9 =	smul.u32 $0x2780, s5;
	s5 =	sadd.s32 $0xDA00, s7  }
0xc: {  	s10 =	sshrl.u32 s10, $0x2;
	s12 =	ssub.s32 s6, s31;
	s6 =	sor.u32 $0x1C03, s11  }
0xd: {  	s11 =	simm.s32 $0x3;
	s10 =	sadd.s32 s10, s3;
	s8 =	sadd.s32 s8, s7  }
0xe: {  	s9 =	sadd.s32 s9, s7;
	s10 =	sshrl.u32 s10, $0x3;
	s7 =	sadd.s32 $0x3400, s8  }
0xf: {  	s8 =	sadd.s32 $0x10200, s9;
	s9 =	smax.u32 s12, $0x1;
	s12 =	simm.s32 $0x80  }
.LBB2_1:
0x10: {  	[spmem:s10], [sflag:s6] =	dma.local [hbm:s5], $0x2780  }
0x11: {  	_ =	swait.ge [sflag:s11], $0x2780  }
0x12: {  	[sflag:s11] =	ssyncset.done $0x0  }
0x13: {  	[sflag:s11] =	ssyncadd.s32 $0xFFFFD880  }
0x14: {  	[tilespmem:s4], [sflag:$0x3] =	stream.linear.gather [hbm4b:s7+s4], $0x2800, $0x38;
	[tilespmem:$0x1E600] =	vst v63  }
0x15: {  	_ =	swait.ge [sflag:s11], $0x2800  }
0x16: {  	[sflag:s11] =	ssyncset.done $0x0  }
0x17: {  	[sflag:s11] =	ssyncadd.s32 $0xFFFFD800  }
0x18: {  	[bflag:$0x0] =	sbarrier.arrive $0xFFFF  }
0x19: {  	v0 =	vld [tilespmem:$0x0];
	_ =	sdelay $0x1  }
0x1a: {  	v1 =	vld [tilespmem:$0x10];
	_ =	sdelay $0x1  }
0x1b: {  	v2 =	vld [tilespmem:$0x20]  }
0x1c: {  	v3 =	vand.u32 $0x3FFF, v0  }
0x1d: {  	v6 =	vld [tilespmem:$0x30];
	v0 =	vshra.s32 v0, $0xE;
	[tilespmem:$0xA800] =	vst v3  }
0x1e: {  	v7 =	vand.u32 $0x3FFF, v1;
	[tilespmem:$0xA880] =	vst v0  }
0x1f: {  	v9 =	vld [tilespmem:$0x40];
	v8 =	vshra.s32 v1, $0xE;
	[tilespmem:$0xA810] =	vst v7  }
0x20: {  	v10 =	vand.u32 $0x3FFF, v2;
	[tilespmem:$0xA890] =	vst v8  }
0x21: {  	v12 =	vld [tilespmem:$0x50];
	v11 =	vshra.s32 v2, $0xE;
	[tilespmem:$0xA820] =	vst v10  }
0x22: {  	v13 =	vand.u32 $0x3FFF, v6;
	[tilespmem:$0xA8A0] =	vst v11  }
0x23: {  	v15 =	vld [tilespmem:$0x60];
	v14 =	vshra.s32 v6, $0xE;
	[tilespmem:$0xA830] =	vst v13  }
0x24: {  	v16 =	vand.u32 $0x3FFF, v9;
	[tilespmem:$0xA8B0] =	vst v14  }
0x25: {  	v18 =	vld [tilespmem:$0x70];
	v17 =	vshra.s32 v9, $0xE;
	[tilespmem:$0xA840] =	vst v16  }
0x26: {  	v19 =	vand.u32 $0x3FFF, v12;
	[tilespmem:$0xA8C0] =	vst v17  }
0x27: {  	v20 =	vshra.s32 v12, $0xE;
	[tilespmem:$0xA850] =	vst v19  }
0x28: {  	v21 =	vand.u32 $0x3FFF, v15;
	[tilespmem:$0xA8D0] =	vst v20  }
0x29: {  	v22 =	vshra.s32 v15, $0xE;
	[tilespmem:$0xA860] =	vst v21  }
0x2a: {  	v23 =	vand.u32 $0x3FFF, v18;
	[tilespmem:$0xA8E0] =	vst v22  }
0x2b: {  	v24 =	vshra.s32 v18, $0xE;
	[tilespmem:$0xA870] =	vst v23  }
0x2c: {  	[tilespmem:$0xA8F0] =	vst v24  }
0x2d: {  	[tilespmem:s14], [sflag:$0x1] =	stream.indirect.gather [hbm4b:s1+s12], $0x80, s13, s12, $0xb8;
	[tilespmem:$0x1E600] =	vst v63  }
0x2e: {  	v25 =	vld [tilespmem:$0x80];
	_ =	sdelay $0x1  }
0x2f: {  	v26 =	vld [tilespmem:$0x90];
	_ =	sdelay $0x1  }
0x30: {  	v27 =	vld [tilespmem:$0xA0]  }
0x31: {  	v28 =	vand.u32 $0x3FFF, v25  }
0x32: {  	v29 =	vld [tilespmem:$0xB0];
	v0 =	vshra.s32 v25, $0xE;
	[tilespmem:$0xA900] =	vst v28  }
0x33: {  	v30 =	vand.u32 $0x3FFF, v26;
	[tilespmem:$0xA980] =	vst v0  }
0x34: {  	v32 =	vld [tilespmem:$0xC0];
	v31 =	vshra.s32 v26, $0xE;
	[tilespmem:$0xA910] =	vst v30  }
0x35: {  	v33 =	vand.u32 $0x3FFF, v27;
	[tilespmem:$0xA990] =	vst v31  }
0x36: {  	v35 =	vld [tilespmem:$0xD0];
	v34 =	vshra.s32 v27, $0xE;
	[tilespmem:$0xA920] =	vst v33  }
0x37: {  	v36 =	vand.u32 $0x3FFF, v29;
	[tilespmem:$0xA9A0] =	vst v34  }
0x38: {  	v38 =	vld [tilespmem:$0xE0];
	v37 =	vshra.s32 v29, $0xE;
	[tilespmem:$0xA930] =	vst v36  }
0x39: {  	v39 =	vand.u32 $0x3FFF, v32;
	[tilespmem:$0xA9B0] =	vst v37  }
0x3a: {  	v41 =	vld [tilespmem:$0xF0];
	v40 =	vshra.s32 v32, $0xE;
	[tilespmem:$0xA940] =	vst v39  }
0x3b: {  	v42 =	vand.u32 $0x3FFF, v35;
	[tilespmem:$0xA9C0] =	vst v40  }
0x3c: {  	v43 =	vshra.s32 v35, $0xE;
	[tilespmem:$0xA950] =	vst v42  }
0x3d: {  	v44 =	vand.u32 $0x3FFF, v38;
	[tilespmem:$0xA9D0] =	vst v43  }
0x3e: {  	v45 =	vshra.s32 v38, $0xE;
	[tilespmem:$0xA960] =	vst v44  }
0x3f: {  	v46 =	vand.u32 $0x3FFF, v41;
	[tilespmem:$0xA9E0] =	vst v45  }
0x40: {  	v47 =	vshra.s32 v41, $0xE;
	[tilespmem:$0xA970] =	vst v46  }
0x41: {  	[tilespmem:$0xA9F0] =	vst v47  }
0x42: {  	[tilespmem:s16], [sflag:$0x2] =	stream.indirect.gather [hbm4b:s1+s12], $0x80, s15, s12, $0xb8;
	[tilespmem:$0x1E600] =	vst v63  }
0x43: {  	_ =	swait.ge [sflag:s17], $0x4000  }
0x44: {  	[sflag:s17] =	ssyncset.done $0x0  }
0x45: {  	[sflag:s17] =	ssyncadd.s32 $0xFFFFC000  }
0x46: {  	[spmem:s3] =	stream.indirect.scatter.add.f32 [tilespmem:s14], [sflag:$0x3], $0x80, s18, s12, $0xb8;
	[tilespmem:$0x1E600] =	vst v63  }
0x47: {  	_ =	swait.ge [sflag:s11], $0x4000  }
0x48: {  	[sflag:s11] =	ssyncset.done $0x0  }
0x49: {  	s22 =	simm.s32 $0x1F0;
	[sflag:s11] =	ssyncadd.s32 $0xFFFFC000  }
0x4a: {  	v48 =	vld [tilespmem:s22+$0xFFFFFF10];
	_ =	sdelay $0x4  }
0x4b: {  	v49 =	vand.u32 $0x3FFF, v48  }
0x4c: {  	v0 =	vshra.s32 v48, $0xE;
	[tilespmem:$0xA800] =	vst v49  }
0x4d: {  	[tilespmem:$0xA880] =	vst v0  }
0x4e: {  	v0 =	vld [tilespmem:s22+$0xFFFFFF20];
	_ =	sdelay $0x4  }
0x4f: {  	v50 =	vand.u32 $0x3FFF, v0  }
0x50: {  	v0 =	vshra.s32 v0, $0xE;
	[tilespmem:$0xA810] =	vst v50  }
0x51: {  	[tilespmem:$0xA890] =	vst v0  }
0x52: {  	v0 =	vld [tilespmem:s22+$0xFFFFFF30];
	_ =	sdelay $0x4  }
0x53: {  	v51 =	vand.u32 $0x3FFF, v0  }
0x54: {  	v0 =	vshra.s32 v0, $0xE;
	[tilespmem:$0xA820] =	vst v51  }
0x55: {  	[tilespmem:$0xA8A0] =	vst v0  }
0x56: {  	v0 =	vld [tilespmem:s22+$0xFFFFFF40];
	_ =	sdelay $0x4  }
0x57: {  	v52 =	vand.u32 $0x3FFF, v0  }
0x58: {  	v0 =	vshra.s32 v0, $0xE;
	[tilespmem:$0xA830] =	vst v52  }
0x59: {  	[tilespmem:$0xA8B0] =	vst v0  }
0x5a: {  	v0 =	vld [tilespmem:s22+$0xFFFFFF50];
	_ =	sdelay $0x4  }
0x5b: {  	v53 =	vand.u32 $0x3FFF, v0  }
0x5c: {  	v0 =	vshra.s32 v0, $0xE;
	[tilespmem:$0xA840] =	vst v53  }
0x5d: {  	[tilespmem:$0xA8C0] =	vst v0  }
0x5e: {  	v0 =	vld [tilespmem:s22+$0xFFFFFF60];
	_ =	sdelay $0x4  }
0x5f: {  	v54 =	vand.u32 $0x3FFF, v0  }
0x60: {  	v0 =	vshra.s32 v0, $0xE;
	[tilespmem:$0xA850] =	vst v54  }
0x61: {  	[tilespmem:$0xA8D0] =	vst v0  }
0x62: {  	v0 =	vld [tilespmem:s22+$0xFFFFFF70];
	_ =	sdelay $0x4  }
0x63: {  	v55 =	vand.u32 $0x3FFF, v0  }
0x64: {  	v0 =	vshra.s32 v0, $0xE;
	[tilespmem:$0xA860] =	vst v55  }
0x65: {  	[tilespmem:$0xA8E0] =	vst v0  }
0x66: {  	v0 =	vld [tilespmem:s22+$0xFFFFFF80];
	_ =	sdelay $0x4  }
0x67: {  	v56 =	vand.u32 $0x3FFF, v0  }
0x68: {  	v0 =	vshra.s32 v0, $0xE;
	[tilespmem:$0xA870] =	vst v56  }
0x69: {  	[tilespmem:$0xA8F0] =	vst v0  }
0x6a: {  	[tilespmem:s14], [sflag:$0x1] =	stream.indirect.gather [hbm4b:s1+s12], $0x80, s13, s12, $0xb8;
	[tilespmem:$0x1E600] =	vst v63  }
0x6b: {  	_ =	swait.ge [sflag:s19], $0x4000  }
0x6c: {  	[sflag:s19] =	ssyncset.done $0x0  }
0x6d: {  	[sflag:s19] =	ssyncadd.s32 $0xFFFFC000  }
0x6e: {  	[spmem:s3] =	stream.indirect.scatter.add.f32 [tilespmem:s16], [sflag:$0x3], $0x80, s20, s12, $0xb8;
	[tilespmem:$0x1E600] =	vst v63  }
0x6f: {  	_ =	swait.ge [sflag:s11], $0x4000  }
0x70: {  	[sflag:s11] =	ssyncset.done $0x0  }
0x71: {  	[sflag:s11] =	ssyncadd.s32 $0xFFFFC000  }
0x72: {  	v57 =	vld [tilespmem:s22+$0xFFFFFF90];
	_ =	sdelay $0x4  }
0x73: {  	v58 =	vand.u32 $0x3FFF, v57  }
0x74: {  	v0 =	vshra.s32 v57, $0xE;
	[tilespmem:$0xA900] =	vst v58  }
0x75: {  	[tilespmem:$0xA980] =	vst v0  }
0x76: {  	v0 =	vld [tilespmem:s22+$0xFFFFFFA0];
	_ =	sdelay $0x4  }
0x77: {  	v59 =	vand.u32 $0x3FFF, v0  }
0x78: {  	v0 =	vshra.s32 v0, $0xE;
	[tilespmem:$0xA910] =	vst v59  }
0x79: {  	[tilespmem:$0xA990] =	vst v0  }
0x7a: {  	v0 =	vld [tilespmem:s22+$0xFFFFFFB0];
	_ =	sdelay $0x4  }
0x7b: {  	v60 =	vand.u32 $0x3FFF, v0  }
0x7c: {  	v0 =	vshra.s32 v0, $0xE;
	[tilespmem:$0xA920] =	vst v60  }
0x7d: {  	[tilespmem:$0xA9A0] =	vst v0  }
0x7e: {  	v0 =	vld [tilespmem:s22+$0xFFFFFFC0];
	_ =	sdelay $0x4  }
0x7f: {  	v61 =	vand.u32 $0x3FFF, v0  }
0x80: {  	v0 =	vshra.s32 v0, $0xE;
	[tilespmem:$0xA930] =	vst v61  }
0x81: {  	[tilespmem:$0xA9B0] =	vst v0  }
0x82: {  	v0 =	vld [tilespmem:s22+$0xFFFFFFD0];
	_ =	sdelay $0x4  }
0x83: {  	v62 =	vand.u32 $0x3FFF, v0  }
0x84: {  	v0 =	vshra.s32 v0, $0xE;
	[tilespmem:$0xA940] =	vst v62  }
0x85: {  	[tilespmem:$0xA9C0] =	vst v0  }
0x86: {  	v0 =	vld [tilespmem:s22+$0xFFFFFFE0];
	_ =	sdelay $0x4  }
0x87: {  	v63 =	vand.u32 $0x3FFF, v0  }
0x88: {  	v0 =	vshra.s32 v0, $0xE;
	[tilespmem:$0xA950] =	vst v63  }
0x89: {  	s23 =	simm.s32 $0xBC0;
	[tilespmem:$0xA9D0] =	vst v0  }
.LBB2_2:
0x8a: {  	p0 =	sne.s32 s23, $0x9FC0;
	v0 =	vld [tilespmem:s22+$0xFFFFFFF0];
	s24 =	smov.u32 s23;
	s23 =	sadd.s32 $0x400, s23  }
0x8b: {  	_ =	sdelay $0x3  }
0x8c: {  	v1 =	vand.u32 $0x3FFF, v0;
	v0 =	vshra.s32 v0, $0xE  }
0x8d: {  	[tilespmem:$0xA960] =	vst v1  }
0x8e: {  	[tilespmem:$0xA9E0] =	vst v0  }
0x8f: {  	v0 =	vld [tilespmem:s22+$0x0];
	_ =	sdelay $0x4  }
0x90: {  	v1 =	vand.u32 $0x3FFF, v0;
	v0 =	vshra.s32 v0, $0xE  }
0x91: {  	[tilespmem:$0xA970] =	vst v1  }
0x92: {  	[tilespmem:$0xA9F0] =	vst v0  }
0x93: {  	[tilespmem:s16], [sflag:$0x2] =	stream.indirect.gather [hbm4b:s1+s12], $0x80, s15, s12, $0xb8;
	[tilespmem:$0x1E600] =	vst v63  }
0x94: {  	_ =	swait.ge [sflag:s17], $0x4000  }
0x95: {  	[sflag:s17] =	ssyncset.done $0x0  }
0x96: {  	[sflag:s17] =	ssyncadd.s32 $0xFFFFC000  }
0x97: {  	[spmem:s3] =	stream.indirect.scatter.add.f32 [tilespmem:s14], [sflag:$0x3], $0x80, s18, s12, $0xb8;
	[tilespmem:$0x1E600] =	vst v63  }
0x98: {  	_ =	swait.ge [sflag:s11], $0x4000  }
0x99: {  	[sflag:s11] =	ssyncset.done $0x0  }
0x9a: {  	s22 =	sshra.s32 s24, $0x2;
	[sflag:s11] =	ssyncadd.s32 $0xFFFFC000  }
0x9b: {  	v0 =	vld [tilespmem:s22+$0xFFFFFF10];
	_ =	sdelay $0x4  }
0x9c: {  	v1 =	vand.u32 $0x3FFF, v0;
	v0 =	vshra.s32 v0, $0xE  }
0x9d: {  	[tilespmem:$0xA800] =	vst v1  }
0x9e: {  	[tilespmem:$0xA880] =	vst v0  }
0x9f: {  	v0 =	vld [tilespmem:s22+$0xFFFFFF20];
	_ =	sdelay $0x4  }
0xa0: {  	v1 =	vand.u32 $0x3FFF, v0;
	v0 =	vshra.s32 v0, $0xE  }
0xa1: {  	[tilespmem:$0xA810] =	vst v1  }
0xa2: {  	[tilespmem:$0xA890] =	vst v0  }
0xa3: {  	v0 =	vld [tilespmem:s22+$0xFFFFFF30];
	_ =	sdelay $0x4  }
0xa4: {  	v1 =	vand.u32 $0x3FFF, v0;
	v0 =	vshra.s32 v0, $0xE  }
0xa5: {  	[tilespmem:$0xA820] =	vst v1  }
0xa6: {  	[tilespmem:$0xA8A0] =	vst v0  }
0xa7: {  	v0 =	vld [tilespmem:s22+$0xFFFFFF40];
	_ =	sdelay $0x4  }
0xa8: {  	v1 =	vand.u32 $0x3FFF, v0;
	v0 =	vshra.s32 v0, $0xE  }
0xa9: {  	[tilespmem:$0xA830] =	vst v1  }
0xaa: {  	[tilespmem:$0xA8B0] =	vst v0  }
0xab: {  	v0 =	vld [tilespmem:s22+$0xFFFFFF50];
	_ =	sdelay $0x4  }
0xac: {  	v1 =	vand.u32 $0x3FFF, v0;
	v0 =	vshra.s32 v0, $0xE  }
0xad: {  	[tilespmem:$0xA840] =	vst v1  }
0xae: {  	[tilespmem:$0xA8C0] =	vst v0  }
0xaf: {  	v0 =	vld [tilespmem:s22+$0xFFFFFF60];
	_ =	sdelay $0x4  }
0xb0: {  	v1 =	vand.u32 $0x3FFF, v0;
	v0 =	vshra.s32 v0, $0xE  }
0xb1: {  	[tilespmem:$0xA850] =	vst v1  }
0xb2: {  	[tilespmem:$0xA8D0] =	vst v0  }
0xb3: {  	v0 =	vld [tilespmem:s22+$0xFFFFFF70];
	_ =	sdelay $0x4  }
0xb4: {  	v1 =	vand.u32 $0x3FFF, v0;
	v0 =	vshra.s32 v0, $0xE  }
0xb5: {  	[tilespmem:$0xA860] =	vst v1  }
0xb6: {  	[tilespmem:$0xA8E0] =	vst v0  }
0xb7: {  	v0 =	vld [tilespmem:s22+$0xFFFFFF80];
	_ =	sdelay $0x4  }
0xb8: {  	v1 =	vand.u32 $0x3FFF, v0;
	v0 =	vshra.s32 v0, $0xE  }
0xb9: {  	[tilespmem:$0xA870] =	vst v1  }
0xba: {  	[tilespmem:$0xA8F0] =	vst v0  }
0xbb: {  	[tilespmem:s14], [sflag:$0x1] =	stream.indirect.gather [hbm4b:s1+s12], $0x80, s13, s12, $0xb8;
	[tilespmem:$0x1E600] =	vst v63  }
0xbc: {  	_ =	swait.ge [sflag:s19], $0x4000  }
0xbd: {  	[sflag:s19] =	ssyncset.done $0x0  }
0xbe: {  	[sflag:s19] =	ssyncadd.s32 $0xFFFFC000  }
0xbf: {  	[spmem:s3] =	stream.indirect.scatter.add.f32 [tilespmem:s16], [sflag:$0x3], $0x80, s20, s12, $0xb8;
	[tilespmem:$0x1E600] =	vst v63  }
0xc0: {  	_ =	swait.ge [sflag:s11], $0x4000  }
0xc1: {  	[sflag:s11] =	ssyncset.done $0x0  }
0xc2: {  	[sflag:s11] =	ssyncadd.s32 $0xFFFFC000  }
0xc3: {  	v0 =	vld [tilespmem:s22+$0xFFFFFF90];
	_ =	sdelay $0x4  }
0xc4: {  	v1 =	vand.u32 $0x3FFF, v0;
	v0 =	vshra.s32 v0, $0xE  }
0xc5: {  	[tilespmem:$0xA900] =	vst v1  }
0xc6: {  	[tilespmem:$0xA980] =	vst v0  }
0xc7: {  	v0 =	vld [tilespmem:s22+$0xFFFFFFA0];
	_ =	sdelay $0x4  }
0xc8: {  	v1 =	vand.u32 $0x3FFF, v0;
	v0 =	vshra.s32 v0, $0xE  }
0xc9: {  	[tilespmem:$0xA910] =	vst v1  }
0xca: {  	[tilespmem:$0xA990] =	vst v0  }
0xcb: {  	v0 =	vld [tilespmem:s22+$0xFFFFFFB0];
	_ =	sdelay $0x4  }
0xcc: {  	v1 =	vand.u32 $0x3FFF, v0;
	v0 =	vshra.s32 v0, $0xE  }
0xcd: {  	[tilespmem:$0xA920] =	vst v1  }
0xce: {  	[tilespmem:$0xA9A0] =	vst v0  }
0xcf: {  	v0 =	vld [tilespmem:s22+$0xFFFFFFC0];
	_ =	sdelay $0x4  }
0xd0: {  	v1 =	vand.u32 $0x3FFF, v0;
	v0 =	vshra.s32 v0, $0xE  }
0xd1: {  	[tilespmem:$0xA930] =	vst v1  }
0xd2: {  	[tilespmem:$0xA9B0] =	vst v0  }
0xd3: {  	v0 =	vld [tilespmem:s22+$0xFFFFFFD0];
	_ =	sdelay $0x4  }
0xd4: {  	v1 =	vand.u32 $0x3FFF, v0;
	v0 =	vshra.s32 v0, $0xE  }
0xd5: {  	[tilespmem:$0xA940] =	vst v1  }
0xd6: {  	[tilespmem:$0xA9C0] =	vst v0  }
0xd7: {  	v0 =	vld [tilespmem:s22+$0xFFFFFFE0];
	_ =	sdelay $0x2  }
.Ltmp0:
0xd8: {  	(pc) =	sbr.rel @p0 .LBB2_2-.Ltmp0, $4  }
0xd9: {  	_ = 	snop  }
0xda: {  	v1 =	vand.u32 $0x3FFF, v0;
	v0 =	vshra.s32 v0, $0xE  }
0xdb: {  	[tilespmem:$0xA950] =	vst v1  }
0xdc: {  	[tilespmem:$0xA9D0] =	vst v0  }
0xdd: {  	v0 =	vld [tilespmem:s22+$0xFFFFFFF0];
	_ =	sdelay $0x4  }
0xde: {  	v1 =	vand.u32 $0x3FFF, v0  }
0xdf: {  	v0 =	vshra.s32 v0, $0xE;
	[tilespmem:$0xA960] =	vst v1  }
0xe0: {  	[tilespmem:$0xA9E0] =	vst v0  }
0xe1: {  	v0 =	vld [tilespmem:s22+$0x0];
	_ =	sdelay $0x4  }
0xe2: {  	v63 =	vand.u32 $0x3FFF, v0  }
0xe3: {  	v0 =	vshra.s32 v0, $0xE;
	[tilespmem:$0xA970] =	vst v63  }
0xe4: {  	[tilespmem:$0xA9F0] =	vst v0  }
0xe5: {  	[tilespmem:s16], [sflag:$0x2] =	stream.indirect.gather [hbm4b:s1+s12], $0x80, s15, s12, $0xb8;
	[tilespmem:$0x1E600] =	vst v63  }
0xe6: {  	_ =	swait.ge [sflag:s17], $0x4000  }
0xe7: {  	[sflag:s17] =	ssyncset.done $0x0  }
0xe8: {  	[sflag:s17] =	ssyncadd.s32 $0xFFFFC000  }
0xe9: {  	[spmem:s3] =	stream.indirect.scatter.add.f32 [tilespmem:s14], [sflag:$0x3], $0x80, s18, s12, $0xb8;
	[tilespmem:$0x1E600] =	vst v63  }
0xea: {  	_ =	swait.ge [sflag:s11], $0x4000  }
0xeb: {  	[sflag:s11] =	ssyncset.done $0x0  }
0xec: {  	[sflag:s11] =	ssyncadd.s32 $0xFFFFC000  }
0xed: {  	_ =	swait.ge [sflag:s19], $0x4000  }
0xee: {  	[sflag:s19] =	ssyncset.done $0x0  }
0xef: {  	[sflag:s19] =	ssyncadd.s32 $0xFFFFC000  }
0xf0: {  	[spmem:s3] =	stream.indirect.scatter.add.f32 [tilespmem:s16], [sflag:$0x3], $0x80, s20, s12, $0xb8;
	[tilespmem:$0x1E600] =	vst v63  }
0xf1: {  	_ =	swait.ge [sflag:s11], $0x4000  }
0xf2: {  	s21 =	sadd.s32 $0x1, s21;
	[sflag:s11] =	ssyncset.done $0x0  }
0xf3: {  	p0 =	sne.s32 s21, s9;
	[sflag:s11] =	ssyncadd.s32 $0xFFFFC000  }
.Ltmp1:
0xf4: {  	[bflag:$0x0] =	sbarrier.arrive $0xFFFF;
	(pc) =	sbr.rel @p0 .LBB2_1-.Ltmp1, $4  }
0xf5: {  	[hbm:s8], [sflag:s6] =	dma.local [spmem:s10], $0x2780  }
0xf6: {  	_ =	swait.ge [sflag:s11], $0x2780  }
0xf7: {  	[sflag:s11] =	ssyncset.done $0x0  }
0xf8: {  	[sflag:s11] =	ssyncadd.s32 $0xFFFFD880  }
0xf9: {  	_ =	sfence.sel $0x180000  }
0xfa: {  	[bflag:$0x0] =	sbarrier.arrive $0xFFFF  }
0xfb: {  	p0 =	sne.s32 s0, $0x0;
	_ =	strace $0x9000004A  }
0xfc: {  	s0 =	sadd.s32 @!p0 $0x100000, s2;
	[bflag:$0x2] =	sbarrier.arrive $0xFFFF  }
0xfd: {  	[sflag:s0] =	ssyncadd.tile.s32 @!p0 $0x1;
	_ =	shalt  }
.Lfunc_end2:
_tile_overlayer_lowered:
.L_overlay_start_2:
0xfe: {  	(tag) =	ssettag $0x2  }
0xff: {  	s0 =	rddreg [dreg:$0x0];
	s2 =	stileid.u32  }
0x100: {  	s1 =	rddreg [dreg:$0x1];
	p0 =	sne.s32 s2, $0x0  }
0x101: {  	s3 =	rddreg [dreg:$0x2];
	[bflag:$0x3] =	sbarrier.arrive $0xFFFF;
	s2 =	simm.s32 @!p0 $0x1C03  }
0x102: {  	[timem:s3], [sflag:s2] =	dma.local @!p0 [hbm:s0], s1  }
0x103: {  	s0 =	simm.s32 @!p0 $0x3  }
0x104: {  	_ =	swait.ge @!p0 [sflag:s0], s1  }
0x105: {  	s1 =	ssub.s32 @!p0 $0x0, s1;
	[sflag:s0] =	ssyncset.done @!p0 $0x0  }
0x106: {  	[sflag:s0] =	ssyncadd.s32 @!p0 s1  }
0x107: {  	[bflag:$0x3] =	sbarrier.arrive $0xFFFF  }
0x108: {  	_ =	shalt  }

// kernel: kernel.14.cloned.1.call-start
scs
__scs_entry_jumppad:
0x0: {  	(pc) =	sbr.rel $0x88, $3  }
0x1: {  	(tag) =	ssettag $0x0;
	lr =	simm.s32 $0x1  }
0x2: {  	[smem:$0x3F92] =	sst lr;
	_ =	strace $0xD0000000  }
0x3: {  	_ = 	snop  }
0x4: {  	_ = 	snop  }
0x5: {  	_ = 	snop  }
0x6: {  	_ = 	snop  }
0x7: {  	_ = 	snop  }
__scs_overlays_trampoline_lowered:
0x8: {  	[smem:$0x3FA1] =	sst s0  }
0x9: {  	[smem:$0x3FA2] =	sst s1  }
0xa: {  	[smem:$0x3FA3] =	sst s2  }
0xb: {  	[smem:$0x3FA4] =	sst s3  }
0xc: {  	[smem:$0x3FA5] =	sst s4  }
0xd: {  	[smem:$0x3FA6] =	sst s5  }
0xe: {  	[smem:$0x3FA7] =	sst s6  }
0xf: {  	[smem:$0x3FA8] =	sst s7  }
0x10: {  	[smem:$0x3FA9] =	sst s8  }
0x11: {  	[smem:$0x3FAA] =	sst s9;
	s0 =	simm.s32 @!p0 $0x0  }
0x12: {  	s1 =	sld [smem:$0x3F90];
	s0 =	simm.s32 @p0 $0x1  }
0x13: {  	[smem:$0x3FAB] =	sst s0;
	s0 =	simm.s32 @!p1 $0x0  }
0x14: {  	s2 =	sld [smem:$0x3F8F];
	s0 =	simm.s32 @p1 $0x1  }
0x15: {  	[smem:$0x3FAC] =	sst s0;
	s0 =	simm.s32 @!p2 $0x0  }
0x16: {  	s3 =	sld [smem:$0x3FDB];
	s0 =	simm.s32 @p2 $0x1  }
0x17: {  	s4 =	simm.s32 $0x1BF5;
	[smem:$0x3FAE] =	sst s0  }
0x18: {  	s0 =	sld [smem:$0x3F91];
	_ =	swait.ge [sflag:s4], $0x0  }
0x19: {  	s7 =	sld [smem:$0x3F92]  }
0x1a: {  	s8 =	sadd.s32 $0xFFFFE003, lr  }
0x1b: {  	s9 =	sadd.s32 $0xFFFFFEF7, lr;
	s5 =	simm.s32 $0xFFFFFFFF;
	p2 =	slt.u32 s8, $0xFFFFF086  }
0x1c: {  	p1 =	slt.u32 s9, $0xF7A;
	s5 =	simm.s32 @!p2 $0x0  }
0x1d: {  	s5 =	simm.s32 @p1 $0x1;
	p0 =	seq.s32 s7, s2  }
0x1e: {  	s7 =	smul.u32 @!p0 $0xF7A, s2;
	p2 =	seq.s32 @!p0 s5, $0x0  }
0x1f: {  	s9 =	smul.u32 $0xF7A, s1;
	s8 =	simm.s32 @!p0 $0x1BF5;
	p2 =	por !p2, p0  }
0x20: {  	[sflag:s8] =	ssyncset.s32 @!p0 $0xFFFFF086;
	s6 =	sadd.s32 @!p0 s3, s7;
	s7 =	simm.s32 @!p0 $0x108  }
0x21: {  	s3 =	sadd.s32 s3, s9;
	s6 =	sadd.s32 @!p0 $0x88, s6;
	s7 =	simm.s32 @p2 $0x1082  }
0x22: {  	[simem:s7], [sflag:s8] =	dma.local @!p0 [hbm:s6], $0xF7A  }
0x23: {  	s9 =	sor.u32 $0xD0000000, s2;
	s6 =	simm.s32 $0x108;
	_ =	swait.ge @!p0 [sflag:s8], $0x0  }
0x24: {  	s3 =	sadd.s32 $0x88, s3;
	s6 =	simm.s32 @!p1 $0x1082;
	[sflag:s4] =	ssyncset.s32 $0xFFFFF086  }
0x25: {  	[simem:s6], [sflag:s4] =	dma.local [hbm:s3], $0xF7A  }
0x26: {  	[smem:$0x3F92] =	sst s1;
	(tag) =	ssettag s2;
	_ =	strace s9  }
0x27: {  	s1 =	sld [smem:$0x3FA2]  }
0x28: {  	s2 =	sld [smem:$0x3FA3]  }
0x29: {  	s4 =	sld [smem:$0x3FA5]  }
0x2a: {  	p0 =	seq.s32 s5, $0x0;
	s5 =	sld [smem:$0x3FA6]  }
0x2b: {  	s6 =	sld [smem:$0x3FA7]  }
0x2c: {  	s7 =	sld [smem:$0x3FA8]  }
0x2d: {  	s3 =	simm.s32 $0x108;
	s8 =	sld [smem:$0x3FA9]  }
0x2e: {  	s3 =	simm.s32 @!p0 $0x1082;
	s9 =	sld [smem:$0x3FAA]  }
0x2f: {  	lr =	sadd.s32 s0, s3;
	s0 =	sld [smem:$0x3FA1]  }
0x30: {  	s3 =	sld [smem:$0x3FA4]  }
0x31: {  	[smem:$0x3FAD] =	sst s10  }
0x32: {  	s10 =	sld [smem:$0x3FAB];
	_ =	sdelay $0x3  }
0x33: {  	p0 =	seq.s32 s10, $0x1;
	s10 =	sld [smem:$0x3FAD];
	_ =	sdelay $0x3  }
0x34: {  	[smem:$0x3FAD] =	sst s10  }
0x35: {  	s10 =	sld [smem:$0x3FAC];
	_ =	sdelay $0x3  }
0x36: {  	p1 =	seq.s32 s10, $0x1;
	s10 =	sld [smem:$0x3FAD];
	_ =	sdelay $0x3  }
0x37: {  	[smem:$0x3FAD] =	sst s10  }
0x38: {  	s10 =	sld [smem:$0x3FAE]  }
0x39: {  	_ = 	snop;
	(pc) =	sbr.ind lr, $3  }
0x3a: {  	_ = 	snop  }
0x3b: {  	_ = 	snop  }
0x3c: {  	p2 =	seq.s32 s10, $0x1;
	s10 =	sld [smem:$0x3FAD]  }
0x3d: {  	_ =	shalt  }
0x3e: {  	_ =	shalt  }
0x3f: {  	_ =	shalt  }
0x40: {  	_ =	shalt  }
0x41: {  	_ =	shalt  }
0x42: {  	_ =	shalt  }
0x43: {  	_ =	shalt  }
0x44: {  	_ =	shalt  }
0x45: {  	_ =	shalt  }
0x46: {  	_ =	shalt  }
0x47: {  	_ =	shalt  }
0x48: {  	_ =	shalt  }
0x49: {  	_ =	shalt  }
0x4a: {  	_ =	shalt  }
0x4b: {  	_ =	shalt  }
0x4c: {  	_ =	shalt  }
0x4d: {  	_ =	shalt  }
0x4e: {  	_ =	shalt  }
0x4f: {  	_ =	shalt  }
0x50: {  	_ =	shalt  }
0x51: {  	_ =	shalt  }
0x52: {  	_ =	shalt  }
0x53: {  	_ =	shalt  }
0x54: {  	_ =	shalt  }
0x55: {  	_ =	shalt  }
0x56: {  	_ =	shalt  }
0x57: {  	_ =	shalt  }
0x58: {  	_ =	shalt  }
0x59: {  	_ =	shalt  }
0x5a: {  	_ =	shalt  }
0x5b: {  	_ =	shalt  }
0x5c: {  	_ =	shalt  }
0x5d: {  	_ =	shalt  }
0x5e: {  	_ =	shalt  }
0x5f: {  	_ =	shalt  }
0x60: {  	_ =	shalt  }
0x61: {  	_ =	shalt  }
0x62: {  	_ =	shalt  }
0x63: {  	_ =	shalt  }
0x64: {  	_ =	shalt  }
0x65: {  	_ =	shalt  }
0x66: {  	_ =	shalt  }
0x67: {  	_ =	shalt  }
0x68: {  	_ =	shalt  }
0x69: {  	_ =	shalt  }
0x6a: {  	_ =	shalt  }
0x6b: {  	_ =	shalt  }
0x6c: {  	_ =	shalt  }
0x6d: {  	_ =	shalt  }
0x6e: {  	_ =	shalt  }
0x6f: {  	_ =	shalt  }
0x70: {  	_ =	shalt  }
0x71: {  	_ =	shalt  }
0x72: {  	_ =	shalt  }
0x73: {  	_ =	shalt  }
0x74: {  	_ =	shalt  }
0x75: {  	_ =	shalt  }
0x76: {  	_ =	shalt  }
0x77: {  	_ =	shalt  }
0x78: {  	_ =	shalt  }
0x79: {  	_ =	shalt  }
0x7a: {  	_ =	shalt  }
0x7b: {  	_ =	shalt  }
0x7c: {  	_ =	shalt  }
0x7d: {  	_ =	shalt  }
0x7e: {  	_ =	shalt  }
0x7f: {  	_ =	shalt  }
0x80: {  	_ =	shalt  }
0x81: {  	_ =	shalt  }
0x82: {  	_ =	shalt  }
0x83: {  	_ =	shalt  }
0x84: {  	_ =	shalt  }
0x85: {  	_ =	shalt  }
0x86: {  	_ =	shalt  }
0x87: {  	_ =	shalt  }
.Lfunc_end0:
.L_simem_size_0:
called_computation.2_lowered:
.L_overlay_start_0:
0x88: {  	s2 =	sld [smem:$0x3FD9]  }
0x89: {  	s3 =	sld [smem:$0x3FFE];
	_ =	sdelay $0x1  }
0x8a: {  	s1 =	srdreg.scid  }
0x8b: {  	s0 =	sand.u32 $0x1, s1  }
0x8c: {  	s17 =	sshll.u32 s0, $0xA;
	s2 =	sadd.s32 s3, s2  }
0x8d: {  	s2 =	sadd.s32 s2, s17  }
0x8e: {  	[smem:$0x3FB9] =	sst s2  }
0x8f: {  	_ = 	snop  }
0x90: {  	s2 =	sld [smem:$0x3FD0];
	(tm) =	ssettm $0x1  }
0x91: {  	s18 =	sld [smem:$0x3FFB];
	_ =	sdelay $0x3  }
0x92: {  	_ =	strace s18  }
0x93: {  	s3 =	sld [smem:$0x3FFC];
	_ =	sdelay $0x3  }
0x94: {  	_ =	strace s3  }
0x95: {  	s3 =	sld [smem:$0x3FFD];
	_ =	sdelay $0x3  }
0x96: {  	_ =	strace s3  }
0x97: {  	_ =	strace $0x8FFFFFFF  }
0x98: {  	s19 =	sld [smem:$0x3FDB];
	_ =	sdelay $0x1  }
0x99: {  	s4 =	simm.s32 $_scs_section_size  }
0x9a: {  	s5 =	simm.s32 $_size__tile_overlayer_lowered;
	s6 =	simm.s32 $_tile_overlayer_lowered  }
0x9b: {  	s22 =	simm.s32 $0x1BFF;
	s21 =	sshll.u32 s6, $0x1;
	s3 =	sadd.s32 s4, s19  }
0x9c: {  	s7 =	simm.s32 $0x0;
	s20 =	sshll.u32 s5, $0x1;
	s5 =	sadd.s32 s21, s3  }
0x9d: {  	[timem:s7], [sflag:s22] =	dma.local [hbm:s5], s20  }
0x9e: {  	_ =	swait.ge [sflag:s22], s20  }
0x9f: {  	s4 =	ssub.s32 $0x0, s20;
	[sflag:s22] =	ssyncset.done $0x0  }
0xa0: {  	[sflag:s22] =	ssyncadd.s32 s4;
	_ =	sdelay $0x1  }
0xa1: {  	s23 =	simm.s32 $0x1B8B  }
0xa2: {  	_ =	swait.ge [sflag:s23], $0x1  }
0xa3: {  	[sflag:s23] =	ssyncset.done $0x0  }
0xa4: {  	s25 =	simm.s32 $0x1B8E;
	s24 =	sld [smem:$0x3FFE];
	[sflag:s23] =	ssyncadd.s32 $0xFFFFFFFF  }
0xa5: {  	s26 =	simm.s32 $execute0_lowered;
	[smem:$0x3FD2] =	sst s25  }
0xa6: {  	s5 =	sshll.u32 s26, $0x1;
	_ =	strace $0x8000004C;
	[dreg:$0x1] =	wrdreg $0xFFFFFFFF  }
0xa7: {  	s28 =	simm.s32 $_size_execute0_lowered;
	s3 =	sadd.s32 s3, s5;
	[dreg:$0x0] =	wrdreg $0x0  }
0xa8: {  	s5 =	sshll.u32 s28, $0x1;
	[dreg:$0x2] =	wrdreg s3  }
0xa9: {  	[dreg:$0x3] =	wrdreg s5  }
0xaa: {  	[dreg:$0x4] =	wrdreg $0xC0  }
0xab: {  	_ =	task [dreg:s7], $0x5FFFF  }
0xac: {  	[dreg:$0x1] =	wrdreg $0xFFFFFFFF  }
0xad: {  	[dreg:$0x0] =	wrdreg $0x60  }
0xae: {  	[dreg:$0x2] =	wrdreg s2  }
0xaf: {  	[dreg:$0x3] =	wrdreg s24  }
0xb0: {  	[dreg:$0x4] =	wrdreg $0xAA000  }
0xb1: {  	[dreg:$0x5] =	wrdreg $0x9  }
0xb2: {  	_ =	task.clear_ibuf [dreg:s7], $0x6FFFF;
	_ =	strace $0x9000004C  }
0xb3: {  	s29 =	simm.s32 $0x9;
	_ =	strace $0x8000004E  }
0xb4: {  	_ =	swait.ge [sflag:s29], $0x1  }
0xb5: {  	[sflag:s29] =	ssyncadd.s32 $0xFFFFFFFF  }
0xb6: {  	_ =	strace $0x9000004E  }
0xb7: {  	_ =	sfence  }
0xb8: {  	s30 =	sld [smem:$0x0];
	_ =	sdelay $0x2  }
0xb9: {  	s31 =	sshll.u32 s1, $0xD;
	s1 =	sshrl.u32 s1, $0x2  }
0xba: {  	s3 =	sand.u32 $0x4000, s31;
	s1 =	sadd.s32 s1, s30  }
0xbb: {  	s0 =	sor.u32 s3, s0;
	s1 =	sshll.u32 s1, $0x11  }
0xbc: {  	s0 =	sor.u32 s1, s0  }
0xbd: {  	s0 =	sadd.s32 $0x8F2B, s0  }
0xbe: {  	[sflag:s0] =	ssyncadd.remote.s32 $0x1  }
0xbf: {  	_ =	sfence.sel $0xFFFF  }
0xc0: {  	[dreg:$0x0] =	wrdreg $0xFFFFFFFF;
	(pc) =	sbr.abs _section_cstart, $3  }
0xc1: {  	[dreg:$0x1] =	wrdreg $0xFFFFFFFF  }
0xc2: {  	_ =	task.clear_ibuf [dreg:s7], $0x2FFFF;
	_ =	strace $0x9FFFFFFF  }
0xc3: {  	(tm) =	ssettm $0x7FFFFFFF  }
tec
execute0_lowered:
.L_overlay_start_1:
0x0: {  	(tag) =	ssettag $0x1  }
0x1: {  	s1 =	rddreg [dreg:$0x0]  }
0x2: {  	s7 =	rddreg [dreg:$0x1]  }
0x3: {  	s0 =	srdreg.scid;
	s3 =	rddreg [dreg:$0x2]  }
0x4: {  	s4 =	simm.s32 $0x0;
	s13 =	simm.s32 $0xA800;
	s14 =	simm.s32 $0x2800  }
0x5: {  	s15 =	simm.s32 $0xA900;
	s16 =	simm.s32 $0x6800;
	s17 =	simm.s32 $0x1  }
0x6: {  	s18 =	simm.s32 $0xA880;
	s19 =	simm.s32 $0x2;
	s20 =	simm.s32 $0xA980  }
0x7: {  	s21 =	simm.s32 $0x0;
	s6 =	sand.u32 $0x1, s0;
	s0 =	stileid.u32  }
0x8: {  	[smem:$0x7FF] =	sst s4;
	s2 =	sshll.u32 s6, $0x4;
	s10 =	smul.u32 $0x4F000, s0  }
0x9: {  	s6 =	ssub.s32 $0x2, s6;
	s11 =	sshll.u32 s0, $0x6;
	s5 =	sor.u32 s0, s2  }
0xa: {  	s2 =	rddreg [dreg:$0x3];
	_ =	strace $0x8000004D;
	s8 =	smul.u32 $0x500, s5  }
0xb: {  	s31 =	sshrl.u32 s6, $0x1;
	s9 =	smul.u32 $0x2780, s5;
	s5 =	sadd.s32 $0xDA00, s7  }
0xc: {  	s10 =	sshrl.u32 s10, $0x2;
	s12 =	ssub.s32 s6, s31;
	s6 =	sor.u32 $0x1C03, s11  }
0xd: {  	s11 =	simm.s32 $0x3;
	s10 =	sadd.s32 s10, s3;
	s8 =	sadd.s32 s8, s7  }
0xe: {  	s9 =	sadd.s32 s9, s7;
	s10 =	sshrl.u32 s10, $0x3;
	s7 =	sadd.s32 $0x3400, s8  }
0xf: {  	s8 =	sadd.s32 $0x10200, s9;
	s9 =	smax.u32 s12, $0x1;
	s12 =	simm.s32 $0x80  }
.LBB2_1:
0x10: {  	[spmem:s10], [sflag:s6] =	dma.local [hbm:s5], $0x2780  }
0x11: {  	_ =	swait.ge [sflag:s11], $0x2780  }
0x12: {  	[sflag:s11] =	ssyncset.done $0x0  }
0x13: {  	[sflag:s11] =	ssyncadd.s32 $0xFFFFD880  }
0x14: {  	[tilespmem:s4], [sflag:$0x3] =	stream.linear.gather [hbm4b:s7+s4], $0x2800, $0x38;
	[tilespmem:$0x1E600] =	vst v63  }
0x15: {  	_ =	swait.ge [sflag:s11], $0x2800  }
0x16: {  	[sflag:s11] =	ssyncset.done $0x0  }
0x17: {  	[sflag:s11] =	ssyncadd.s32 $0xFFFFD800  }
0x18: {  	[bflag:$0x0] =	sbarrier.arrive $0xFFFF  }
0x19: {  	v0 =	vld [tilespmem:$0x0];
	_ =	sdelay $0x1  }
0x1a: {  	v1 =	vld [tilespmem:$0x10];
	_ =	sdelay $0x1  }
0x1b: {  	v2 =	vld [tilespmem:$0x20]  }
0x1c: {  	v3 =	vand.u32 $0x3FFF, v0  }
0x1d: {  	v6 =	vld [tilespmem:$0x30];
	v0 =	vshra.s32 v0, $0xE;
	[tilespmem:$0xA800] =	vst v3  }
0x1e: {  	v7 =	vand.u32 $0x3FFF, v1;
	[tilespmem:$0xA880] =	vst v0  }
0x1f: {  	v9 =	vld [tilespmem:$0x40];
	v8 =	vshra.s32 v1, $0xE;
	[tilespmem:$0xA810] =	vst v7  }
0x20: {  	v10 =	vand.u32 $0x3FFF, v2;
	[tilespmem:$0xA890] =	vst v8  }
0x21: {  	v12 =	vld [tilespmem:$0x50];
	v11 =	vshra.s32 v2, $0xE;
	[tilespmem:$0xA820] =	vst v10  }
0x22: {  	v13 =	vand.u32 $0x3FFF, v6;
	[tilespmem:$0xA8A0] =	vst v11  }
0x23: {  	v15 =	vld [tilespmem:$0x60];
	v14 =	vshra.s32 v6, $0xE;
	[tilespmem:$0xA830] =	vst v13  }
0x24: {  	v16 =	vand.u32 $0x3FFF, v9;
	[tilespmem:$0xA8B0] =	vst v14  }
0x25: {  	v18 =	vld [tilespmem:$0x70];
	v17 =	vshra.s32 v9, $0xE;
	[tilespmem:$0xA840] =	vst v16  }
0x26: {  	v19 =	vand.u32 $0x3FFF, v12;
	[tilespmem:$0xA8C0] =	vst v17  }
0x27: {  	v20 =	vshra.s32 v12, $0xE;
	[tilespmem:$0xA850] =	vst v19  }
0x28: {  	v21 =	vand.u32 $0x3FFF, v15;
	[tilespmem:$0xA8D0] =	vst v20  }
0x29: {  	v22 =	vshra.s32 v15, $0xE;
	[tilespmem:$0xA860] =	vst v21  }
0x2a: {  	v23 =	vand.u32 $0x3FFF, v18;
	[tilespmem:$0xA8E0] =	vst v22  }
0x2b: {  	v24 =	vshra.s32 v18, $0xE;
	[tilespmem:$0xA870] =	vst v23  }
0x2c: {  	[tilespmem:$0xA8F0] =	vst v24  }
0x2d: {  	[tilespmem:s14], [sflag:$0x1] =	stream.indirect.gather [hbm4b:s1+s12], $0x80, s13, s12, $0xb8;
	[tilespmem:$0x1E600] =	vst v63  }
0x2e: {  	v25 =	vld [tilespmem:$0x80];
	_ =	sdelay $0x1  }
0x2f: {  	v26 =	vld [tilespmem:$0x90];
	_ =	sdelay $0x1  }
0x30: {  	v27 =	vld [tilespmem:$0xA0]  }
0x31: {  	v28 =	vand.u32 $0x3FFF, v25  }
0x32: {  	v29 =	vld [tilespmem:$0xB0];
	v0 =	vshra.s32 v25, $0xE;
	[tilespmem:$0xA900] =	vst v28  }
0x33: {  	v30 =	vand.u32 $0x3FFF, v26;
	[tilespmem:$0xA980] =	vst v0  }
0x34: {  	v32 =	vld [tilespmem:$0xC0];
	v31 =	vshra.s32 v26, $0xE;
	[tilespmem:$0xA910] =	vst v30  }
0x35: {  	v33 =	vand.u32 $0x3FFF, v27;
	[tilespmem:$0xA990] =	vst v31  }
0x36: {  	v35 =	vld [tilespmem:$0xD0];
	v34 =	vshra.s32 v27, $0xE;
	[tilespmem:$0xA920] =	vst v33  }
0x37: {  	v36 =	vand.u32 $0x3FFF, v29;
	[tilespmem:$0xA9A0] =	vst v34  }
0x38: {  	v38 =	vld [tilespmem:$0xE0];
	v37 =	vshra.s32 v29, $0xE;
	[tilespmem:$0xA930] =	vst v36  }
0x39: {  	v39 =	vand.u32 $0x3FFF, v32;
	[tilespmem:$0xA9B0] =	vst v37  }
0x3a: {  	v41 =	vld [tilespmem:$0xF0];
	v40 =	vshra.s32 v32, $0xE;
	[tilespmem:$0xA940] =	vst v39  }
0x3b: {  	v42 =	vand.u32 $0x3FFF, v35;
	[tilespmem:$0xA9C0] =	vst v40  }
0x3c: {  	v43 =	vshra.s32 v35, $0xE;
	[tilespmem:$0xA950] =	vst v42  }
0x3d: {  	v44 =	vand.u32 $0x3FFF, v38;
	[tilespmem:$0xA9D0] =	vst v43  }
0x3e: {  	v45 =	vshra.s32 v38, $0xE;
	[tilespmem:$0xA960] =	vst v44  }
0x3f: {  	v46 =	vand.u32 $0x3FFF, v41;
	[tilespmem:$0xA9E0] =	vst v45  }
0x40: {  	v47 =	vshra.s32 v41, $0xE;
	[tilespmem:$0xA970] =	vst v46  }
0x41: {  	[tilespmem:$0xA9F0] =	vst v47  }
0x42: {  	[tilespmem:s16], [sflag:$0x2] =	stream.indirect.gather [hbm4b:s1+s12], $0x80, s15, s12, $0xb8;
	[tilespmem:$0x1E600] =	vst v63  }
0x43: {  	_ =	swait.ge [sflag:s17], $0x4000  }
0x44: {  	[sflag:s17] =	ssyncset.done $0x0  }
0x45: {  	[sflag:s17] =	ssyncadd.s32 $0xFFFFC000  }
0x46: {  	[spmem:s3] =	stream.indirect.scatter.add.f32 [tilespmem:s14], [sflag:$0x3], $0x80, s18, s12, $0xb8;
	[tilespmem:$0x1E600] =	vst v63  }
0x47: {  	_ =	swait.ge [sflag:s11], $0x4000  }
0x48: {  	[sflag:s11] =	ssyncset.done $0x0  }
0x49: {  	s22 =	simm.s32 $0x1F0;
	[sflag:s11] =	ssyncadd.s32 $0xFFFFC000  }
0x4a: {  	v48 =	vld [tilespmem:s22+$0xFFFFFF10];
	_ =	sdelay $0x4  }
0x4b: {  	v49 =	vand.u32 $0x3FFF, v48  }
0x4c: {  	v0 =	vshra.s32 v48, $0xE;
	[tilespmem:$0xA800] =	vst v49  }
0x4d: {  	[tilespmem:$0xA880] =	vst v0  }
0x4e: {  	v0 =	vld [tilespmem:s22+$0xFFFFFF20];
	_ =	sdelay $0x4  }
0x4f: {  	v50 =	vand.u32 $0x3FFF, v0  }
0x50: {  	v0 =	vshra.s32 v0, $0xE;
	[tilespmem:$0xA810] =	vst v50  }
0x51: {  	[tilespmem:$0xA890] =	vst v0  }
0x52: {  	v0 =	vld [tilespmem:s22+$0xFFFFFF30];
	_ =	sdelay $0x4  }
0x53: {  	v51 =	vand.u32 $0x3FFF, v0  }
0x54: {  	v0 =	vshra.s32 v0, $0xE;
	[tilespmem:$0xA820] =	vst v51  }
0x55: {  	[tilespmem:$0xA8A0] =	vst v0  }
0x56: {  	v0 =	vld [tilespmem:s22+$0xFFFFFF40];
	_ =	sdelay $0x4  }
0x57: {  	v52 =	vand.u32 $0x3FFF, v0  }
0x58: {  	v0 =	vshra.s32 v0, $0xE;
	[tilespmem:$0xA830] =	vst v52  }
0x59: {  	[tilespmem:$0xA8B0] =	vst v0  }
0x5a: {  	v0 =	vld [tilespmem:s22+$0xFFFFFF50];
	_ =	sdelay $0x4  }
0x5b: {  	v53 =	vand.u32 $0x3FFF, v0  }
0x5c: {  	v0 =	vshra.s32 v0, $0xE;
	[tilespmem:$0xA840] =	vst v53  }
0x5d: {  	[tilespmem:$0xA8C0] =	vst v0  }
0x5e: {  	v0 =	vld [tilespmem:s22+$0xFFFFFF60];
	_ =	sdelay $0x4  }
0x5f: {  	v54 =	vand.u32 $0x3FFF, v0  }
0x60: {  	v0 =	vshra.s32 v0, $0xE;
	[tilespmem:$0xA850] =	vst v54  }
0x61: {  	[tilespmem:$0xA8D0] =	vst v0  }
0x62: {  	v0 =	vld [tilespmem:s22+$0xFFFFFF70];
	_ =	sdelay $0x4  }
0x63: {  	v55 =	vand.u32 $0x3FFF, v0  }
0x64: {  	v0 =	vshra.s32 v0, $0xE;
	[tilespmem:$0xA860] =	vst v55  }
0x65: {  	[tilespmem:$0xA8E0] =	vst v0  }
0x66: {  	v0 =	vld [tilespmem:s22+$0xFFFFFF80];
	_ =	sdelay $0x4  }
0x67: {  	v56 =	vand.u32 $0x3FFF, v0  }
0x68: {  	v0 =	vshra.s32 v0, $0xE;
	[tilespmem:$0xA870] =	vst v56  }
0x69: {  	[tilespmem:$0xA8F0] =	vst v0  }
0x6a: {  	[tilespmem:s14], [sflag:$0x1] =	stream.indirect.gather [hbm4b:s1+s12], $0x80, s13, s12, $0xb8;
	[tilespmem:$0x1E600] =	vst v63  }
0x6b: {  	_ =	swait.ge [sflag:s19], $0x4000  }
0x6c: {  	[sflag:s19] =	ssyncset.done $0x0  }
0x6d: {  	[sflag:s19] =	ssyncadd.s32 $0xFFFFC000  }
0x6e: {  	[spmem:s3] =	stream.indirect.scatter.add.f32 [tilespmem:s16], [sflag:$0x3], $0x80, s20, s12, $0xb8;
	[tilespmem:$0x1E600] =	vst v63  }
0x6f: {  	_ =	swait.ge [sflag:s11], $0x4000  }
0x70: {  	[sflag:s11] =	ssyncset.done $0x0  }
0x71: {  	[sflag:s11] =	ssyncadd.s32 $0xFFFFC000  }
0x72: {  	v57 =	vld [tilespmem:s22+$0xFFFFFF90];
	_ =	sdelay $0x4  }
0x73: {  	v58 =	vand.u32 $0x3FFF, v57  }
0x74: {  	v0 =	vshra.s32 v57, $0xE;
	[tilespmem:$0xA900] =	vst v58  }
0x75: {  	[tilespmem:$0xA980] =	vst v0  }
0x76: {  	v0 =	vld [tilespmem:s22+$0xFFFFFFA0];
	_ =	sdelay $0x4  }
0x77: {  	v59 =	vand.u32 $0x3FFF, v0  }
0x78: {  	v0 =	vshra.s32 v0, $0xE;
	[tilespmem:$0xA910] =	vst v59  }
0x79: {  	[tilespmem:$0xA990] =	vst v0  }
0x7a: {  	v0 =	vld [tilespmem:s22+$0xFFFFFFB0];
	_ =	sdelay $0x4  }
0x7b: {  	v60 =	vand.u32 $0x3FFF, v0  }
0x7c: {  	v0 =	vshra.s32 v0, $0xE;
	[tilespmem:$0xA920] =	vst v60  }
0x7d: {  	[tilespmem:$0xA9A0] =	vst v0  }
0x7e: {  	v0 =	vld [tilespmem:s22+$0xFFFFFFC0];
	_ =	sdelay $0x4  }
0x7f: {  	v61 =	vand.u32 $0x3FFF, v0  }
0x80: {  	v0 =	vshra.s32 v0, $0xE;
	[tilespmem:$0xA930] =	vst v61  }
0x81: {  	[tilespmem:$0xA9B0] =	vst v0  }
0x82: {  	v0 =	vld [tilespmem:s22+$0xFFFFFFD0];
	_ =	sdelay $0x4  }
0x83: {  	v62 =	vand.u32 $0x3FFF, v0  }
0x84: {  	v0 =	vshra.s32 v0, $0xE;
	[tilespmem:$0xA940] =	vst v62  }
0x85: {  	[tilespmem:$0xA9C0] =	vst v0  }
0x86: {  	v0 =	vld [tilespmem:s22+$0xFFFFFFE0];
	_ =	sdelay $0x4  }
0x87: {  	v63 =	vand.u32 $0x3FFF, v0  }
0x88: {  	v0 =	vshra.s32 v0, $0xE;
	[tilespmem:$0xA950] =	vst v63  }
0x89: {  	s23 =	simm.s32 $0xBC0;
	[tilespmem:$0xA9D0] =	vst v0  }
.LBB2_2:
0x8a: {  	p0 =	sne.s32 s23, $0x9FC0;
	v0 =	vld [tilespmem:s22+$0xFFFFFFF0];
	s24 =	smov.u32 s23;
	s23 =	sadd.s32 $0x400, s23  }
0x8b: {  	_ =	sdelay $0x3  }
0x8c: {  	v1 =	vand.u32 $0x3FFF, v0;
	v0 =	vshra.s32 v0, $0xE  }
0x8d: {  	[tilespmem:$0xA960] =	vst v1  }
0x8e: {  	[tilespmem:$0xA9E0] =	vst v0  }
0x8f: {  	v0 =	vld [tilespmem:s22+$0x0];
	_ =	sdelay $0x4  }
0x90: {  	v1 =	vand.u32 $0x3FFF, v0;
	v0 =	vshra.s32 v0, $0xE  }
0x91: {  	[tilespmem:$0xA970] =	vst v1  }
0x92: {  	[tilespmem:$0xA9F0] =	vst v0  }
0x93: {  	[tilespmem:s16], [sflag:$0x2] =	stream.indirect.gather [hbm4b:s1+s12], $0x80, s15, s12, $0xb8;
	[tilespmem:$0x1E600] =	vst v63  }
0x94: {  	_ =	swait.ge [sflag:s17], $0x4000  }
0x95: {  	[sflag:s17] =	ssyncset.done $0x0  }
0x96: {  	[sflag:s17] =	ssyncadd.s32 $0xFFFFC000  }
0x97: {  	[spmem:s3] =	stream.indirect.scatter.add.f32 [tilespmem:s14], [sflag:$0x3], $0x80, s18, s12, $0xb8;
	[tilespmem:$0x1E600] =	vst v63  }
0x98: {  	_ =	swait.ge [sflag:s11], $0x4000  }
0x99: {  	[sflag:s11] =	ssyncset.done $0x0  }
0x9a: {  	s22 =	sshra.s32 s24, $0x2;
	[sflag:s11] =	ssyncadd.s32 $0xFFFFC000  }
0x9b: {  	v0 =	vld [tilespmem:s22+$0xFFFFFF10];
	_ =	sdelay $0x4  }
0x9c: {  	v1 =	vand.u32 $0x3FFF, v0;
	v0 =	vshra.s32 v0, $0xE  }
0x9d: {  	[tilespmem:$0xA800] =	vst v1  }
0x9e: {  	[tilespmem:$0xA880] =	vst v0  }
0x9f: {  	v0 =	vld [tilespmem:s22+$0xFFFFFF20];
	_ =	sdelay $0x4  }
0xa0: {  	v1 =	vand.u32 $0x3FFF, v0;
	v0 =	vshra.s32 v0, $0xE  }
0xa1: {  	[tilespmem:$0xA810] =	vst v1  }
0xa2: {  	[tilespmem:$0xA890] =	vst v0  }
0xa3: {  	v0 =	vld [tilespmem:s22+$0xFFFFFF30];
	_ =	sdelay $0x4  }
0xa4: {  	v1 =	vand.u32 $0x3FFF, v0;
	v0 =	vshra.s32 v0, $0xE  }
0xa5: {  	[tilespmem:$0xA820] =	vst v1  }
0xa6: {  	[tilespmem:$0xA8A0] =	vst v0  }
0xa7: {  	v0 =	vld [tilespmem:s22+$0xFFFFFF40];
	_ =	sdelay $0x4  }
0xa8: {  	v1 =	vand.u32 $0x3FFF, v0;
	v0 =	vshra.s32 v0, $0xE  }
0xa9: {  	[tilespmem:$0xA830] =	vst v1  }
0xaa: {  	[tilespmem:$0xA8B0] =	vst v0  }
0xab: {  	v0 =	vld [tilespmem:s22+$0xFFFFFF50];
	_ =	sdelay $0x4  }
0xac: {  	v1 =	vand.u32 $0x3FFF, v0;
	v0 =	vshra.s32 v0, $0xE  }
0xad: {  	[tilespmem:$0xA840] =	vst v1  }
0xae: {  	[tilespmem:$0xA8C0] =	vst v0  }
0xaf: {  	v0 =	vld [tilespmem:s22+$0xFFFFFF60];
	_ =	sdelay $0x4  }
0xb0: {  	v1 =	vand.u32 $0x3FFF, v0;
	v0 =	vshra.s32 v0, $0xE  }
0xb1: {  	[tilespmem:$0xA850] =	vst v1  }
0xb2: {  	[tilespmem:$0xA8D0] =	vst v0  }
0xb3: {  	v0 =	vld [tilespmem:s22+$0xFFFFFF70];
	_ =	sdelay $0x4  }
0xb4: {  	v1 =	vand.u32 $0x3FFF, v0;
	v0 =	vshra.s32 v0, $0xE  }
0xb5: {  	[tilespmem:$0xA860] =	vst v1  }
0xb6: {  	[tilespmem:$0xA8E0] =	vst v0  }
0xb7: {  	v0 =	vld [tilespmem:s22+$0xFFFFFF80];
	_ =	sdelay $0x4  }
0xb8: {  	v1 =	vand.u32 $0x3FFF, v0;
	v0 =	vshra.s32 v0, $0xE  }
0xb9: {  	[tilespmem:$0xA870] =	vst v1  }
0xba: {  	[tilespmem:$0xA8F0] =	vst v0  }
0xbb: {  	[tilespmem:s14], [sflag:$0x1] =	stream.indirect.gather [hbm4b:s1+s12], $0x80, s13, s12, $0xb8;
	[tilespmem:$0x1E600] =	vst v63  }
0xbc: {  	_ =	swait.ge [sflag:s19], $0x4000  }
0xbd: {  	[sflag:s19] =	ssyncset.done $0x0  }
0xbe: {  	[sflag:s19] =	ssyncadd.s32 $0xFFFFC000  }
0xbf: {  	[spmem:s3] =	stream.indirect.scatter.add.f32 [tilespmem:s16], [sflag:$0x3], $0x80, s20, s12, $0xb8;
	[tilespmem:$0x1E600] =	vst v63  }
0xc0: {  	_ =	swait.ge [sflag:s11], $0x4000  }
0xc1: {  	[sflag:s11] =	ssyncset.done $0x0  }
0xc2: {  	[sflag:s11] =	ssyncadd.s32 $0xFFFFC000  }
0xc3: {  	v0 =	vld [tilespmem:s22+$0xFFFFFF90];
	_ =	sdelay $0x4  }
0xc4: {  	v1 =	vand.u32 $0x3FFF, v0;
	v0 =	vshra.s32 v0, $0xE  }
0xc5: {  	[tilespmem:$0xA900] =	vst v1  }
0xc6: {  	[tilespmem:$0xA980] =	vst v0  }
0xc7: {  	v0 =	vld [tilespmem:s22+$0xFFFFFFA0];
	_ =	sdelay $0x4  }
0xc8: {  	v1 =	vand.u32 $0x3FFF, v0;
	v0 =	vshra.s32 v0, $0xE  }
0xc9: {  	[tilespmem:$0xA910] =	vst v1  }
0xca: {  	[tilespmem:$0xA990] =	vst v0  }
0xcb: {  	v0 =	vld [tilespmem:s22+$0xFFFFFFB0];
	_ =	sdelay $0x4  }
0xcc: {  	v1 =	vand.u32 $0x3FFF, v0;
	v0 =	vshra.s32 v0, $0xE  }
0xcd: {  	[tilespmem:$0xA920] =	vst v1  }
0xce: {  	[tilespmem:$0xA9A0] =	vst v0  }
0xcf: {  	v0 =	vld [tilespmem:s22+$0xFFFFFFC0];
	_ =	sdelay $0x4  }
0xd0: {  	v1 =	vand.u32 $0x3FFF, v0;
	v0 =	vshra.s32 v0, $0xE  }
0xd1: {  	[tilespmem:$0xA930] =	vst v1  }
0xd2: {  	[tilespmem:$0xA9B0] =	vst v0  }
0xd3: {  	v0 =	vld [tilespmem:s22+$0xFFFFFFD0];
	_ =	sdelay $0x4  }
0xd4: {  	v1 =	vand.u32 $0x3FFF, v0;
	v0 =	vshra.s32 v0, $0xE  }
0xd5: {  	[tilespmem:$0xA940] =	vst v1  }
0xd6: {  	[tilespmem:$0xA9C0] =	vst v0  }
0xd7: {  	v0 =	vld [tilespmem:s22+$0xFFFFFFE0];
	_ =	sdelay $0x2  }
.Ltmp0:
0xd8: {  	(pc) =	sbr.rel @p0 .LBB2_2-.Ltmp0, $4  }
0xd9: {  	_ = 	snop  }
0xda: {  	v1 =	vand.u32 $0x3FFF, v0;
	v0 =	vshra.s32 v0, $0xE  }
0xdb: {  	[tilespmem:$0xA950] =	vst v1  }
0xdc: {  	[tilespmem:$0xA9D0] =	vst v0  }
0xdd: {  	v0 =	vld [tilespmem:s22+$0xFFFFFFF0];
	_ =	sdelay $0x4  }
0xde: {  	v1 =	vand.u32 $0x3FFF, v0  }
0xdf: {  	v0 =	vshra.s32 v0, $0xE;
	[tilespmem:$0xA960] =	vst v1  }
0xe0: {  	[tilespmem:$0xA9E0] =	vst v0  }
0xe1: {  	v0 =	vld [tilespmem:s22+$0x0];
	_ =	sdelay $0x4  }
0xe2: {  	v63 =	vand.u32 $0x3FFF, v0  }
0xe3: {  	v0 =	vshra.s32 v0, $0xE;
	[tilespmem:$0xA970] =	vst v63  }
0xe4: {  	[tilespmem:$0xA9F0] =	vst v0  }
0xe5: {  	[tilespmem:s16], [sflag:$0x2] =	stream.indirect.gather [hbm4b:s1+s12], $0x80, s15, s12, $0xb8;
	[tilespmem:$0x1E600] =	vst v63  }
0xe6: {  	_ =	swait.ge [sflag:s17], $0x4000  }
0xe7: {  	[sflag:s17] =	ssyncset.done $0x0  }
0xe8: {  	[sflag:s17] =	ssyncadd.s32 $0xFFFFC000  }
0xe9: {  	[spmem:s3] =	stream.indirect.scatter.add.f32 [tilespmem:s14], [sflag:$0x3], $0x80, s18, s12, $0xb8;
	[tilespmem:$0x1E600] =	vst v63  }
0xea: {  	_ =	swait.ge [sflag:s11], $0x4000  }
0xeb: {  	[sflag:s11] =	ssyncset.done $0x0  }
0xec: {  	[sflag:s11] =	ssyncadd.s32 $0xFFFFC000  }
0xed: {  	_ =	swait.ge [sflag:s19], $0x4000  }
0xee: {  	[sflag:s19] =	ssyncset.done $0x0  }
0xef: {  	[sflag:s19] =	ssyncadd.s32 $0xFFFFC000  }
0xf0: {  	[spmem:s3] =	stream.indirect.scatter.add.f32 [tilespmem:s16], [sflag:$0x3], $0x80, s20, s12, $0xb8;
	[tilespmem:$0x1E600] =	vst v63  }
0xf1: {  	_ =	swait.ge [sflag:s11], $0x4000  }
0xf2: {  	s21 =	sadd.s32 $0x1, s21;
	[sflag:s11] =	ssyncset.done $0x0  }
0xf3: {  	p0 =	sne.s32 s21, s9;
	[sflag:s11] =	ssyncadd.s32 $0xFFFFC000  }
.Ltmp1:
0xf4: {  	[bflag:$0x0] =	sbarrier.arrive $0xFFFF;
	(pc) =	sbr.rel @p0 .LBB2_1-.Ltmp1, $4  }
0xf5: {  	[hbm:s8], [sflag:s6] =	dma.local [spmem:s10], $0x2780  }
0xf6: {  	_ =	swait.ge [sflag:s11], $0x2780  }
0xf7: {  	[sflag:s11] =	ssyncset.done $0x0  }
0xf8: {  	[sflag:s11] =	ssyncadd.s32 $0xFFFFD880  }
0xf9: {  	_ =	sfence.sel $0x180000  }
0xfa: {  	[bflag:$0x0] =	sbarrier.arrive $0xFFFF  }
0xfb: {  	p0 =	sne.s32 s0, $0x0;
	_ =	strace $0x9000004D  }
0xfc: {  	s0 =	sadd.s32 @!p0 $0x100000, s2;
	[bflag:$0x2] =	sbarrier.arrive $0xFFFF  }
0xfd: {  	[sflag:s0] =	ssyncadd.tile.s32 @!p0 $0x1;
	_ =	shalt  }
.Lfunc_end2:
_tile_overlayer_lowered:
.L_overlay_start_2:
0xfe: {  	(tag) =	ssettag $0x2  }
0xff: {  	s0 =	rddreg [dreg:$0x0];
	s2 =	stileid.u32  }
0x100: {  	s1 =	rddreg [dreg:$0x1];
	p0 =	sne.s32 s2, $0x0  }
0x101: {  	s3 =	rddreg [dreg:$0x2];
	[bflag:$0x3] =	sbarrier.arrive $0xFFFF;
	s2 =	simm.s32 @!p0 $0x1C03  }
0x102: {  	[timem:s3], [sflag:s2] =	dma.local @!p0 [hbm:s0], s1  }
0x103: {  	s0 =	simm.s32 @!p0 $0x3  }
0x104: {  	_ =	swait.ge @!p0 [sflag:s0], s1  }
0x105: {  	s1 =	ssub.s32 @!p0 $0x0, s1;
	[sflag:s0] =	ssyncset.done @!p0 $0x0  }
0x106: {  	[sflag:s0] =	ssyncadd.s32 @!p0 s1  }
0x107: {  	[bflag:$0x3] =	sbarrier.arrive $0xFFFF  }
0x108: {  	_ =	shalt  }

// kernel: kernel.8.cloned.1.call-start
scs
__scs_entry_jumppad:
0x0: {  	(pc) =	sbr.rel $0x88, $3  }
0x1: {  	(tag) =	ssettag $0x0;
	lr =	simm.s32 $0x1  }
0x2: {  	[smem:$0x3F92] =	sst lr;
	_ =	strace $0xD0000000  }
0x3: {  	_ = 	snop  }
0x4: {  	_ = 	snop  }
0x5: {  	_ = 	snop  }
0x6: {  	_ = 	snop  }
0x7: {  	_ = 	snop  }
__scs_overlays_trampoline_lowered:
0x8: {  	[smem:$0x3FA1] =	sst s0  }
0x9: {  	[smem:$0x3FA2] =	sst s1  }
0xa: {  	[smem:$0x3FA3] =	sst s2  }
0xb: {  	[smem:$0x3FA4] =	sst s3  }
0xc: {  	[smem:$0x3FA5] =	sst s4  }
0xd: {  	[smem:$0x3FA6] =	sst s5  }
0xe: {  	[smem:$0x3FA7] =	sst s6  }
0xf: {  	[smem:$0x3FA8] =	sst s7  }
0x10: {  	[smem:$0x3FA9] =	sst s8  }
0x11: {  	[smem:$0x3FAA] =	sst s9;
	s0 =	simm.s32 @!p0 $0x0  }
0x12: {  	s1 =	sld [smem:$0x3F90];
	s0 =	simm.s32 @p0 $0x1  }
0x13: {  	[smem:$0x3FAB] =	sst s0;
	s0 =	simm.s32 @!p1 $0x0  }
0x14: {  	s2 =	sld [smem:$0x3F8F];
	s0 =	simm.s32 @p1 $0x1  }
0x15: {  	[smem:$0x3FAC] =	sst s0;
	s0 =	simm.s32 @!p2 $0x0  }
0x16: {  	s3 =	sld [smem:$0x3FDB];
	s0 =	simm.s32 @p2 $0x1  }
0x17: {  	s4 =	simm.s32 $0x1BF5;
	[smem:$0x3FAE] =	sst s0  }
0x18: {  	s0 =	sld [smem:$0x3F91];
	_ =	swait.ge [sflag:s4], $0x0  }
0x19: {  	s7 =	sld [smem:$0x3F92]  }
0x1a: {  	s8 =	sadd.s32 $0xFFFFE003, lr  }
0x1b: {  	s9 =	sadd.s32 $0xFFFFFEF7, lr;
	s5 =	simm.s32 $0xFFFFFFFF;
	p2 =	slt.u32 s8, $0xFFFFF086  }
0x1c: {  	p1 =	slt.u32 s9, $0xF7A;
	s5 =	simm.s32 @!p2 $0x0  }
0x1d: {  	s5 =	simm.s32 @p1 $0x1;
	p0 =	seq.s32 s7, s2  }
0x1e: {  	s7 =	smul.u32 @!p0 $0xF7A, s2;
	p2 =	seq.s32 @!p0 s5, $0x0  }
0x1f: {  	s9 =	smul.u32 $0xF7A, s1;
	s8 =	simm.s32 @!p0 $0x1BF5;
	p2 =	por !p2, p0  }
0x20: {  	[sflag:s8] =	ssyncset.s32 @!p0 $0xFFFFF086;
	s6 =	sadd.s32 @!p0 s3, s7;
	s7 =	simm.s32 @!p0 $0x108  }
0x21: {  	s3 =	sadd.s32 s3, s9;
	s6 =	sadd.s32 @!p0 $0x88, s6;
	s7 =	simm.s32 @p2 $0x1082  }
0x22: {  	[simem:s7], [sflag:s8] =	dma.local @!p0 [hbm:s6], $0xF7A  }
0x23: {  	s9 =	sor.u32 $0xD0000000, s2;
	s6 =	simm.s32 $0x108;
	_ =	swait.ge @!p0 [sflag:s8], $0x0  }
0x24: {  	s3 =	sadd.s32 $0x88, s3;
	s6 =	simm.s32 @!p1 $0x1082;
	[sflag:s4] =	ssyncset.s32 $0xFFFFF086  }
0x25: {  	[simem:s6], [sflag:s4] =	dma.local [hbm:s3], $0xF7A  }
0x26: {  	[smem:$0x3F92] =	sst s1;
	(tag) =	ssettag s2;
	_ =	strace s9  }
0x27: {  	s1 =	sld [smem:$0x3FA2]  }
0x28: {  	s2 =	sld [smem:$0x3FA3]  }
0x29: {  	s4 =	sld [smem:$0x3FA5]  }
0x2a: {  	p0 =	seq.s32 s5, $0x0;
	s5 =	sld [smem:$0x3FA6]  }
0x2b: {  	s6 =	sld [smem:$0x3FA7]  }
0x2c: {  	s7 =	sld [smem:$0x3FA8]  }
0x2d: {  	s3 =	simm.s32 $0x108;
	s8 =	sld [smem:$0x3FA9]  }
0x2e: {  	s3 =	simm.s32 @!p0 $0x1082;
	s9 =	sld [smem:$0x3FAA]  }
0x2f: {  	lr =	sadd.s32 s0, s3;
	s0 =	sld [smem:$0x3FA1]  }
0x30: {  	s3 =	sld [smem:$0x3FA4]  }
0x31: {  	[smem:$0x3FAD] =	sst s10  }
0x32: {  	s10 =	sld [smem:$0x3FAB];
	_ =	sdelay $0x3  }
0x33: {  	p0 =	seq.s32 s10, $0x1;
	s10 =	sld [smem:$0x3FAD];
	_ =	sdelay $0x3  }
0x34: {  	[smem:$0x3FAD] =	sst s10  }
0x35: {  	s10 =	sld [smem:$0x3FAC];
	_ =	sdelay $0x3  }
0x36: {  	p1 =	seq.s32 s10, $0x1;
	s10 =	sld [smem:$0x3FAD];
	_ =	sdelay $0x3  }
0x37: {  	[smem:$0x3FAD] =	sst s10  }
0x38: {  	s10 =	sld [smem:$0x3FAE]  }
0x39: {  	_ = 	snop;
	(pc) =	sbr.ind lr, $3  }
0x3a: {  	_ = 	snop  }
0x3b: {  	_ = 	snop  }
0x3c: {  	p2 =	seq.s32 s10, $0x1;
	s10 =	sld [smem:$0x3FAD]  }
0x3d: {  	_ =	shalt  }
0x3e: {  	_ =	shalt  }
0x3f: {  	_ =	shalt  }
0x40: {  	_ =	shalt  }
0x41: {  	_ =	shalt  }
0x42: {  	_ =	shalt  }
0x43: {  	_ =	shalt  }
0x44: {  	_ =	shalt  }
0x45: {  	_ =	shalt  }
0x46: {  	_ =	shalt  }
0x47: {  	_ =	shalt  }
0x48: {  	_ =	shalt  }
0x49: {  	_ =	shalt  }
0x4a: {  	_ =	shalt  }
0x4b: {  	_ =	shalt  }
0x4c: {  	_ =	shalt  }
0x4d: {  	_ =	shalt  }
0x4e: {  	_ =	shalt  }
0x4f: {  	_ =	shalt  }
0x50: {  	_ =	shalt  }
0x51: {  	_ =	shalt  }
0x52: {  	_ =	shalt  }
0x53: {  	_ =	shalt  }
0x54: {  	_ =	shalt  }
0x55: {  	_ =	shalt  }
0x56: {  	_ =	shalt  }
0x57: {  	_ =	shalt  }
0x58: {  	_ =	shalt  }
0x59: {  	_ =	shalt  }
0x5a: {  	_ =	shalt  }
0x5b: {  	_ =	shalt  }
0x5c: {  	_ =	shalt  }
0x5d: {  	_ =	shalt  }
0x5e: {  	_ =	shalt  }
0x5f: {  	_ =	shalt  }
0x60: {  	_ =	shalt  }
0x61: {  	_ =	shalt  }
0x62: {  	_ =	shalt  }
0x63: {  	_ =	shalt  }
0x64: {  	_ =	shalt  }
0x65: {  	_ =	shalt  }
0x66: {  	_ =	shalt  }
0x67: {  	_ =	shalt  }
0x68: {  	_ =	shalt  }
0x69: {  	_ =	shalt  }
0x6a: {  	_ =	shalt  }
0x6b: {  	_ =	shalt  }
0x6c: {  	_ =	shalt  }
0x6d: {  	_ =	shalt  }
0x6e: {  	_ =	shalt  }
0x6f: {  	_ =	shalt  }
0x70: {  	_ =	shalt  }
0x71: {  	_ =	shalt  }
0x72: {  	_ =	shalt  }
0x73: {  	_ =	shalt  }
0x74: {  	_ =	shalt  }
0x75: {  	_ =	shalt  }
0x76: {  	_ =	shalt  }
0x77: {  	_ =	shalt  }
0x78: {  	_ =	shalt  }
0x79: {  	_ =	shalt  }
0x7a: {  	_ =	shalt  }
0x7b: {  	_ =	shalt  }
0x7c: {  	_ =	shalt  }
0x7d: {  	_ =	shalt  }
0x7e: {  	_ =	shalt  }
0x7f: {  	_ =	shalt  }
0x80: {  	_ =	shalt  }
0x81: {  	_ =	shalt  }
0x82: {  	_ =	shalt  }
0x83: {  	_ =	shalt  }
0x84: {  	_ =	shalt  }
0x85: {  	_ =	shalt  }
0x86: {  	_ =	shalt  }
0x87: {  	_ =	shalt  }
.Lfunc_end0:
.L_simem_size_0:
called_computation_lowered:
.L_overlay_start_0:
0x88: {  	s2 =	sld [smem:$0x3FD9]  }
0x89: {  	s3 =	sld [smem:$0x3FFE];
	_ =	sdelay $0x1  }
0x8a: {  	s1 =	srdreg.scid  }
0x8b: {  	s0 =	sand.u32 $0x1, s1  }
0x8c: {  	s17 =	sshll.u32 s0, $0xA;
	s2 =	sadd.s32 s3, s2  }
0x8d: {  	s2 =	sadd.s32 s2, s17  }
0x8e: {  	[smem:$0x3FB9] =	sst s2  }
0x8f: {  	_ = 	snop  }
0x90: {  	s2 =	sld [smem:$0x3FC9]  }
0x91: {  	s18 =	sld [smem:$0x3FD0];
	(tm) =	ssettm $0x1  }
0x92: {  	s4 =	sld [smem:$0x3FFB];
	_ =	sdelay $0x3  }
0x93: {  	_ =	strace s4  }
0x94: {  	s4 =	sld [smem:$0x3FFC];
	_ =	sdelay $0x3  }
0x95: {  	_ =	strace s4  }
0x96: {  	s4 =	sld [smem:$0x3FFD];
	_ =	sdelay $0x3  }
0x97: {  	_ =	strace s4  }
0x98: {  	_ =	strace $0x8FFFFFFF  }
0x99: {  	s19 =	sld [smem:$0x3FDB];
	_ =	sdelay $0x1  }
0x9a: {  	s5 =	simm.s32 $_scs_section_size  }
0x9b: {  	s6 =	simm.s32 $_size__tile_overlayer_lowered;
	s7 =	simm.s32 $_tile_overlayer_lowered  }
0x9c: {  	s22 =	simm.s32 $0x1BFF;
	s21 =	sshll.u32 s7, $0x1;
	s4 =	sadd.s32 s5, s19  }
0x9d: {  	s8 =	simm.s32 $0x0;
	s20 =	sshll.u32 s6, $0x1;
	s6 =	sadd.s32 s21, s4  }
0x9e: {  	[timem:s8], [sflag:s22] =	dma.local [hbm:s6], s20  }
0x9f: {  	_ =	swait.ge [sflag:s22], s20  }
0xa0: {  	s5 =	ssub.s32 $0x0, s20;
	[sflag:s22] =	ssyncset.done $0x0  }
0xa1: {  	[sflag:s22] =	ssyncadd.s32 s5;
	_ =	sdelay $0x1  }
0xa2: {  	s23 =	simm.s32 $0x1B8B  }
0xa3: {  	_ =	swait.ge [sflag:s23], $0x1  }
0xa4: {  	[sflag:s23] =	ssyncset.done $0x0  }
0xa5: {  	s25 =	simm.s32 $0x1B8E;
	s24 =	sld [smem:$0x3FFE];
	[sflag:s23] =	ssyncadd.s32 $0xFFFFFFFF  }
0xa6: {  	s26 =	simm.s32 $execute0_lowered;
	[smem:$0x3FD2] =	sst s25  }
0xa7: {  	s6 =	sshll.u32 s26, $0x1;
	_ =	strace $0x80000046;
	[dreg:$0x1] =	wrdreg $0xFFFFFFFF  }
0xa8: {  	s28 =	simm.s32 $_size_execute0_lowered;
	s4 =	sadd.s32 s4, s6;
	[dreg:$0x0] =	wrdreg $0x0  }
0xa9: {  	s6 =	sshll.u32 s28, $0x1;
	[dreg:$0x2] =	wrdreg s4  }
0xaa: {  	[dreg:$0x3] =	wrdreg s6  }
0xab: {  	[dreg:$0x4] =	wrdreg $0xC0  }
0xac: {  	_ =	task [dreg:s8], $0x5FFFF  }
0xad: {  	[dreg:$0x1] =	wrdreg $0xFFFFFFFF  }
0xae: {  	[dreg:$0x0] =	wrdreg $0x60  }
0xaf: {  	[dreg:$0x2] =	wrdreg s2  }
0xb0: {  	[dreg:$0x3] =	wrdreg s24  }
0xb1: {  	[dreg:$0x4] =	wrdreg s18  }
0xb2: {  	[dreg:$0x5] =	wrdreg $0xAA800  }
0xb3: {  	[dreg:$0x6] =	wrdreg $0x1E6800  }
0xb4: {  	[dreg:$0x7] =	wrdreg $0x9  }
0xb5: {  	_ =	task.clear_ibuf [dreg:s8], $0x8FFFF;
	_ =	strace $0x90000046  }
0xb6: {  	s29 =	simm.s32 $0x9;
	_ =	strace $0x80000048  }
0xb7: {  	_ =	swait.ge [sflag:s29], $0x1  }
0xb8: {  	[sflag:s29] =	ssyncadd.s32 $0xFFFFFFFF  }
0xb9: {  	_ =	strace $0x90000048  }
0xba: {  	_ =	sfence  }
0xbb: {  	s30 =	sld [smem:$0x0];
	_ =	sdelay $0x2  }
0xbc: {  	s31 =	sshll.u32 s1, $0xD;
	s1 =	sshrl.u32 s1, $0x2  }
0xbd: {  	s3 =	sand.u32 $0x4000, s31;
	s1 =	sadd.s32 s1, s30  }
0xbe: {  	s0 =	sor.u32 s3, s0;
	s1 =	sshll.u32 s1, $0x11  }
0xbf: {  	s0 =	sor.u32 s1, s0  }
0xc0: {  	s0 =	sadd.s32 $0x8F2B, s0  }
0xc1: {  	[sflag:s0] =	ssyncadd.remote.s32 $0x1  }
0xc2: {  	_ =	sfence.sel $0xFFFF  }
0xc3: {  	[dreg:$0x0] =	wrdreg $0xFFFFFFFF;
	(pc) =	sbr.abs _section_cstart, $3  }
0xc4: {  	[dreg:$0x1] =	wrdreg $0xFFFFFFFF  }
0xc5: {  	_ =	task.clear_ibuf [dreg:s8], $0x2FFFF;
	_ =	strace $0x9FFFFFFF  }
0xc6: {  	(tm) =	ssettm $0x7FFFFFFF  }
0xc7: {  	_ =	shalt  }
tec
execute0_lowered:
.L_overlay_start_1:
0x0: {  	(tag) =	ssettag $0x1  }
0x1: {  	s0 =	rddreg [dreg:$0x0]  }
0x2: {  	s7 =	rddreg [dreg:$0x1]  }
0x3: {  	s10 =	rddreg [dreg:$0x2]  }
0x4: {  	s1 =	srdreg.scid;
	s2 =	rddreg [dreg:$0x3]  }
0x5: {  	s12 =	stileid.u32;
	s3 =	rddreg [dreg:$0x4];
	s4 =	simm.s32 $0x0  }
0x6: {  	s16 =	simm.s32 $0xA800;
	s17 =	simm.s32 $0x2800;
	s18 =	simm.s32 $0xA900  }
0x7: {  	s19 =	simm.s32 $0x6800;
	s20 =	simm.s32 $0x1;
	s21 =	simm.s32 $0xA880  }
0x8: {  	s22 =	simm.s32 $0xAA00;
	s23 =	simm.s32 $0x2;
	s24 =	simm.s32 $0xA980  }
0x9: {  	s25 =	simm.s32 $0x0;
	s6 =	sand.u32 $0x1, s1;
	s1 =	rddreg [dreg:$0x5]  }
0xa: {  	[smem:$0x7FF] =	sst s4;
	s14 =	smul.u32 $0x4F000, s12;
	s31 =	sshll.u32 s12, $0x6  }
0xb: {  	p0 =	sne.s32 s12, $0x0;
	s11 =	sshll.u32 s6, $0x4;
	_ =	strace $0x80000047  }
0xc: {  	s13 =	ssub.s32 $0x2, s6;
	s6 =	sadd.s32 $0xD400, s7;
	s5 =	sor.u32 s12, s11  }
0xd: {  	s29 =	sshrl.u32 s13, $0x1;
	s30 =	sshrl.u32 s14, $0x2;
	s8 =	smul.u32 $0x500, s5  }
0xe: {  	s10 =	sadd.s32 s10, s11;
	s14 =	sshrl.u32 @!p0 s3, $0x3;
	s9 =	smul.u32 $0x2780, s5  }
0xf: {  	s5 =	sadd.s32 $0xDA00, s7;
	s13 =	ssub.s32 s13, s29;
	s15 =	sadd.s32 s30, s2  }
0x10: {  	s11 =	smax.u32 s13, $0x1;
	s12 =	sshrl.u32 s15, $0x3;
	s13 =	simm.s32 $0x3  }
0x11: {  	s15 =	simm.s32 $0x80;
	s8 =	sadd.s32 s8, s7;
	s9 =	sadd.s32 s9, s7  }
0x12: {  	v0 =	vimm.f32 $1.000000000e+00;
	s7 =	sor.u32 $0x1C03, s31;
	s8 =	sadd.s32 $0x3400, s8;
	s9 =	sadd.s32 $0x10200, s9  }
.LBB2_1:
0x13: {  	[spmem:s12], [sflag:s7] =	dma.local [hbm:s5], $0x2780  }
0x14: {  	_ =	swait.ge [sflag:s13], $0x2780  }
0x15: {  	[sflag:s13] =	ssyncset.done $0x0  }
0x16: {  	s26 =	simm.s32 @!p0 $0x3;
	[sflag:s13] =	ssyncadd.s32 $0xFFFFD880  }
0x17: {  	[spmem:s14], [sflag:s7] =	dma.local @!p0 [hbm:s6], $0x4F0  }
0x18: {  	_ =	swait.ge @!p0 [sflag:s26], $0x4F0  }
0x19: {  	[sflag:s26] =	ssyncset.done @!p0 $0x0  }
0x1a: {  	[sflag:s26] =	ssyncadd.s32 @!p0 $0xFFFFFB10  }
0x1b: {  	[tilespmem:$0xAA00] =	vst v0  }
0x1c: {  	[tilespmem:$0xAA10] =	vst v0  }
0x1d: {  	[tilespmem:$0xAA20] =	vst v0  }
0x1e: {  	[tilespmem:$0xAA30] =	vst v0  }
0x1f: {  	[tilespmem:$0xAA40] =	vst v0  }
0x20: {  	[tilespmem:$0xAA50] =	vst v0  }
0x21: {  	[tilespmem:$0xAA60] =	vst v0  }
0x22: {  	[tilespmem:$0xAA70] =	vst v0  }
0x23: {  	[tilespmem:s4], [sflag:$0x3] =	stream.linear.gather [hbm4b:s8+s4], $0x2800, $0x38;
	[tilespmem:$0x1E8F8] =	vst v63  }
0x24: {  	_ =	swait.ge [sflag:s13], $0x2800  }
0x25: {  	[sflag:s13] =	ssyncset.done $0x0  }
0x26: {  	[sflag:s13] =	ssyncadd.s32 $0xFFFFD800  }
0x27: {  	[bflag:$0x0] =	sbarrier.arrive $0xFFFF  }
0x28: {  	v1 =	vld [tilespmem:$0x0];
	_ =	sdelay $0x1  }
0x29: {  	v2 =	vld [tilespmem:$0x10];
	_ =	sdelay $0x1  }
0x2a: {  	v3 =	vld [tilespmem:$0x20]  }
0x2b: {  	v4 =	vand.u32 $0x3FFF, v1  }
0x2c: {  	v59 =	vld [tilespmem:$0x30];
	v1 =	vshra.s32 v1, $0xE;
	[tilespmem:$0xA800] =	vst v4  }
0x2d: {  	[tilespmem:$0xA880] =	vst v1;
	v1 =	vand.u32 $0x3FFF, v2  }
0x2e: {  	[tilespmem:$0xA810] =	vst v1;
	v1 =	vshra.s32 v2, $0xE;
	v2 =	vld [tilespmem:$0x40]  }
0x2f: {  	[tilespmem:$0xA890] =	vst v1;
	v1 =	vand.u32 $0x3FFF, v3  }
0x30: {  	[tilespmem:$0xA820] =	vst v1;
	v1 =	vshra.s32 v3, $0xE;
	v3 =	vld [tilespmem:$0x50]  }
0x31: {  	[tilespmem:$0xA8A0] =	vst v1;
	v1 =	vand.u32 $0x3FFF, v59  }
0x32: {  	v60 =	vld [tilespmem:$0x60];
	[tilespmem:$0xA830] =	vst v1;
	v1 =	vshra.s32 v59, $0xE  }
0x33: {  	[tilespmem:$0xA8B0] =	vst v1;
	v1 =	vand.u32 $0x3FFF, v2  }
0x34: {  	[tilespmem:$0xA840] =	vst v1;
	v1 =	vshra.s32 v2, $0xE;
	v2 =	vld [tilespmem:$0x70]  }
0x35: {  	[tilespmem:$0xA8C0] =	vst v1;
	v1 =	vand.u32 $0x3FFF, v3  }
0x36: {  	[tilespmem:$0xA850] =	vst v1;
	v1 =	vshra.s32 v3, $0xE  }
0x37: {  	[tilespmem:$0xA8D0] =	vst v1;
	v1 =	vand.u32 $0x3FFF, v60  }
0x38: {  	[tilespmem:$0xA860] =	vst v1;
	v1 =	vshra.s32 v60, $0xE  }
0x39: {  	[tilespmem:$0xA8E0] =	vst v1;
	v1 =	vand.u32 $0x3FFF, v2  }
0x3a: {  	[tilespmem:$0xA870] =	vst v1;
	v1 =	vshra.s32 v2, $0xE  }
0x3b: {  	[tilespmem:$0xA8F0] =	vst v1  }
0x3c: {  	[tilespmem:s17], [sflag:$0x1] =	stream.indirect.gather [hbm4b:s0+s15], $0x80, s16, s15, $0xb8;
	[tilespmem:$0x1E8F8] =	vst v63  }
0x3d: {  	v1 =	vld [tilespmem:$0x80];
	_ =	sdelay $0x1  }
0x3e: {  	v2 =	vld [tilespmem:$0x90];
	_ =	sdelay $0x1  }
0x3f: {  	v3 =	vld [tilespmem:$0xA0]  }
0x40: {  	v61 =	vand.u32 $0x3FFF, v1  }
0x41: {  	v62 =	vld [tilespmem:$0xB0];
	v1 =	vshra.s32 v1, $0xE;
	[tilespmem:$0xA900] =	vst v61  }
0x42: {  	[tilespmem:$0xA980] =	vst v1;
	v1 =	vand.u32 $0x3FFF, v2  }
0x43: {  	[tilespmem:$0xA910] =	vst v1;
	v1 =	vshra.s32 v2, $0xE;
	v2 =	vld [tilespmem:$0xC0]  }
0x44: {  	[tilespmem:$0xA990] =	vst v1;
	v1 =	vand.u32 $0x3FFF, v3  }
0x45: {  	[tilespmem:$0xA920] =	vst v1;
	v1 =	vshra.s32 v3, $0xE;
	v3 =	vld [tilespmem:$0xD0]  }
0x46: {  	[tilespmem:$0xA9A0] =	vst v1;
	v1 =	vand.u32 $0x3FFF, v62  }
0x47: {  	v63 =	vld [tilespmem:$0xE0];
	[tilespmem:$0xA930] =	vst v1;
	v1 =	vshra.s32 v62, $0xE  }
0x48: {  	[tilespmem:$0xA9B0] =	vst v1;
	v1 =	vand.u32 $0x3FFF, v2  }
0x49: {  	[tilespmem:$0xA940] =	vst v1;
	v1 =	vshra.s32 v2, $0xE;
	v2 =	vld [tilespmem:$0xF0]  }
0x4a: {  	[tilespmem:$0xA9C0] =	vst v1;
	v1 =	vand.u32 $0x3FFF, v3  }
0x4b: {  	[tilespmem:$0xA950] =	vst v1;
	v1 =	vshra.s32 v3, $0xE  }
0x4c: {  	[tilespmem:$0xA9D0] =	vst v1;
	v1 =	vand.u32 $0x3FFF, v63  }
0x4d: {  	[tilespmem:$0xA960] =	vst v1;
	v1 =	vshra.s32 v63, $0xE  }
0x4e: {  	[tilespmem:$0xA9E0] =	vst v1;
	v1 =	vand.u32 $0x3FFF, v2  }
0x4f: {  	[tilespmem:$0xA970] =	vst v1;
	v1 =	vshra.s32 v2, $0xE  }
0x50: {  	[tilespmem:$0xA9F0] =	vst v1  }
0x51: {  	[tilespmem:s19], [sflag:$0x2] =	stream.indirect.gather [hbm4b:s0+s15], $0x80, s18, s15, $0xb8;
	[tilespmem:$0x1E8F8] =	vst v63  }
0x52: {  	_ =	swait.ge [sflag:s20], $0x4000  }
0x53: {  	[sflag:s20] =	ssyncset.done $0x0  }
0x54: {  	[sflag:s20] =	ssyncadd.s32 $0xFFFFC000  }
0x55: {  	[spmem:s2] =	stream.indirect.scatter.add.f32 [tilespmem:s17], [sflag:$0x3], $0x80, s21, s15, $0xb8;
	[tilespmem:$0x1E8F8] =	vst v63  }
0x56: {  	_ =	swait.ge [sflag:s13], $0x4000  }
0x57: {  	[sflag:s13] =	ssyncset.done $0x0  }
0x58: {  	[sflag:s13] =	ssyncadd.s32 $0xFFFFC000  }
0x59: {  	[spmem:s3] =	stream.indirect.scatter.add.f32 [tilespmem:s22], [sflag:$0x3], $0x1, s21, s15, $0xb8;
	[tilespmem:$0x1E8F8] =	vst v63  }
0x5a: {  	_ =	swait.ge [sflag:s13], $0x80  }
0x5b: {  	[sflag:s13] =	ssyncset.done $0x0  }
0x5c: {  	s26 =	simm.s32 $0x1F0;
	[sflag:s13] =	ssyncadd.s32 $0xFFFFFF80  }
0x5d: {  	v1 =	vld [tilespmem:s26+$0xFFFFFF10];
	_ =	sdelay $0x4  }
0x5e: {  	v2 =	vand.u32 $0x3FFF, v1  }
0x5f: {  	v1 =	vshra.s32 v1, $0xE;
	[tilespmem:$0xA800] =	vst v2  }
0x60: {  	[tilespmem:$0xA880] =	vst v1  }
0x61: {  	v1 =	vld [tilespmem:s26+$0xFFFFFF20];
	_ =	sdelay $0x4  }
0x62: {  	v2 =	vand.u32 $0x3FFF, v1  }
0x63: {  	v1 =	vshra.s32 v1, $0xE;
	[tilespmem:$0xA810] =	vst v2  }
0x64: {  	[tilespmem:$0xA890] =	vst v1  }
0x65: {  	v1 =	vld [tilespmem:s26+$0xFFFFFF30];
	_ =	sdelay $0x4  }
0x66: {  	v2 =	vand.u32 $0x3FFF, v1  }
0x67: {  	v1 =	vshra.s32 v1, $0xE;
	[tilespmem:$0xA820] =	vst v2  }
0x68: {  	[tilespmem:$0xA8A0] =	vst v1  }
0x69: {  	v1 =	vld [tilespmem:s26+$0xFFFFFF40];
	_ =	sdelay $0x4  }
0x6a: {  	v2 =	vand.u32 $0x3FFF, v1  }
0x6b: {  	v1 =	vshra.s32 v1, $0xE;
	[tilespmem:$0xA830] =	vst v2  }
0x6c: {  	[tilespmem:$0xA8B0] =	vst v1  }
0x6d: {  	v1 =	vld [tilespmem:s26+$0xFFFFFF50];
	_ =	sdelay $0x4  }
0x6e: {  	v2 =	vand.u32 $0x3FFF, v1  }
0x6f: {  	v1 =	vshra.s32 v1, $0xE;
	[tilespmem:$0xA840] =	vst v2  }
0x70: {  	[tilespmem:$0xA8C0] =	vst v1  }
0x71: {  	v1 =	vld [tilespmem:s26+$0xFFFFFF60];
	_ =	sdelay $0x4  }
0x72: {  	v2 =	vand.u32 $0x3FFF, v1  }
0x73: {  	v1 =	vshra.s32 v1, $0xE;
	[tilespmem:$0xA850] =	vst v2  }
0x74: {  	[tilespmem:$0xA8D0] =	vst v1  }
0x75: {  	v1 =	vld [tilespmem:s26+$0xFFFFFF70];
	_ =	sdelay $0x4  }
0x76: {  	v2 =	vand.u32 $0x3FFF, v1  }
0x77: {  	v1 =	vshra.s32 v1, $0xE;
	[tilespmem:$0xA860] =	vst v2  }
0x78: {  	[tilespmem:$0xA8E0] =	vst v1  }
0x79: {  	v1 =	vld [tilespmem:s26+$0xFFFFFF80];
	_ =	sdelay $0x4  }
0x7a: {  	v2 =	vand.u32 $0x3FFF, v1  }
0x7b: {  	v1 =	vshra.s32 v1, $0xE;
	[tilespmem:$0xA870] =	vst v2  }
0x7c: {  	[tilespmem:$0xA8F0] =	vst v1  }
0x7d: {  	[tilespmem:s17], [sflag:$0x1] =	stream.indirect.gather [hbm4b:s0+s15], $0x80, s16, s15, $0xb8;
	[tilespmem:$0x1E8F8] =	vst v63  }
0x7e: {  	_ =	swait.ge [sflag:s23], $0x4000  }
0x7f: {  	[sflag:s23] =	ssyncset.done $0x0  }
0x80: {  	[sflag:s23] =	ssyncadd.s32 $0xFFFFC000  }
0x81: {  	[spmem:s2] =	stream.indirect.scatter.add.f32 [tilespmem:s19], [sflag:$0x3], $0x80, s24, s15, $0xb8;
	[tilespmem:$0x1E8F8] =	vst v63  }
0x82: {  	_ =	swait.ge [sflag:s13], $0x4000  }
0x83: {  	[sflag:s13] =	ssyncset.done $0x0  }
0x84: {  	[sflag:s13] =	ssyncadd.s32 $0xFFFFC000  }
0x85: {  	[spmem:s3] =	stream.indirect.scatter.add.f32 [tilespmem:s22], [sflag:$0x3], $0x1, s24, s15, $0xb8;
	[tilespmem:$0x1E8F8] =	vst v63  }
0x86: {  	_ =	swait.ge [sflag:s13], $0x80  }
0x87: {  	[sflag:s13] =	ssyncset.done $0x0  }
0x88: {  	[sflag:s13] =	ssyncadd.s32 $0xFFFFFF80  }
0x89: {  	v1 =	vld [tilespmem:s26+$0xFFFFFF90];
	_ =	sdelay $0x4  }
0x8a: {  	v2 =	vand.u32 $0x3FFF, v1  }
0x8b: {  	v1 =	vshra.s32 v1, $0xE;
	[tilespmem:$0xA900] =	vst v2  }
0x8c: {  	[tilespmem:$0xA980] =	vst v1  }
0x8d: {  	v1 =	vld [tilespmem:s26+$0xFFFFFFA0];
	_ =	sdelay $0x4  }
0x8e: {  	v2 =	vand.u32 $0x3FFF, v1  }
0x8f: {  	v1 =	vshra.s32 v1, $0xE;
	[tilespmem:$0xA910] =	vst v2  }
0x90: {  	[tilespmem:$0xA990] =	vst v1  }
0x91: {  	v1 =	vld [tilespmem:s26+$0xFFFFFFB0];
	_ =	sdelay $0x4  }
0x92: {  	v2 =	vand.u32 $0x3FFF, v1  }
0x93: {  	v1 =	vshra.s32 v1, $0xE;
	[tilespmem:$0xA920] =	vst v2  }
0x94: {  	[tilespmem:$0xA9A0] =	vst v1  }
0x95: {  	v1 =	vld [tilespmem:s26+$0xFFFFFFC0];
	_ =	sdelay $0x4  }
0x96: {  	v2 =	vand.u32 $0x3FFF, v1  }
0x97: {  	v1 =	vshra.s32 v1, $0xE;
	[tilespmem:$0xA930] =	vst v2  }
0x98: {  	[tilespmem:$0xA9B0] =	vst v1  }
0x99: {  	v1 =	vld [tilespmem:s26+$0xFFFFFFD0];
	_ =	sdelay $0x4  }
0x9a: {  	v2 =	vand.u32 $0x3FFF, v1  }
0x9b: {  	v1 =	vshra.s32 v1, $0xE;
	[tilespmem:$0xA940] =	vst v2  }
0x9c: {  	[tilespmem:$0xA9C0] =	vst v1  }
0x9d: {  	v1 =	vld [tilespmem:s26+$0xFFFFFFE0];
	_ =	sdelay $0x4  }
0x9e: {  	v2 =	vand.u32 $0x3FFF, v1  }
0x9f: {  	v1 =	vshra.s32 v1, $0xE;
	[tilespmem:$0xA950] =	vst v2  }
0xa0: {  	s28 =	simm.s32 $0xBC0;
	[tilespmem:$0xA9D0] =	vst v1  }
.LBB2_2:
0xa1: {  	p1 =	sne.s32 s28, $0x9FC0;
	v1 =	vld [tilespmem:s26+$0xFFFFFFF0];
	s29 =	smov.u32 s28;
	s28 =	sadd.s32 $0x400, s28  }
0xa2: {  	_ =	sdelay $0x3  }
0xa3: {  	v2 =	vand.u32 $0x3FFF, v1;
	v1 =	vshra.s32 v1, $0xE  }
0xa4: {  	[tilespmem:$0xA960] =	vst v2  }
0xa5: {  	[tilespmem:$0xA9E0] =	vst v1  }
0xa6: {  	v1 =	vld [tilespmem:s26+$0x0];
	_ =	sdelay $0x4  }
0xa7: {  	v2 =	vand.u32 $0x3FFF, v1;
	v1 =	vshra.s32 v1, $0xE  }
0xa8: {  	[tilespmem:$0xA970] =	vst v2  }
0xa9: {  	[tilespmem:$0xA9F0] =	vst v1  }
0xaa: {  	[tilespmem:s19], [sflag:$0x2] =	stream.indirect.gather [hbm4b:s0+s15], $0x80, s18, s15, $0xb8;
	[tilespmem:$0x1E8F8] =	vst v63  }
0xab: {  	_ =	swait.ge [sflag:s20], $0x4000  }
0xac: {  	[sflag:s20] =	ssyncset.done $0x0  }
0xad: {  	[sflag:s20] =	ssyncadd.s32 $0xFFFFC000  }
0xae: {  	[spmem:s2] =	stream.indirect.scatter.add.f32 [tilespmem:s17], [sflag:$0x3], $0x80, s21, s15, $0xb8;
	[tilespmem:$0x1E8F8] =	vst v63  }
0xaf: {  	_ =	swait.ge [sflag:s13], $0x4000  }
0xb0: {  	[sflag:s13] =	ssyncset.done $0x0  }
0xb1: {  	[sflag:s13] =	ssyncadd.s32 $0xFFFFC000  }
0xb2: {  	[spmem:s3] =	stream.indirect.scatter.add.f32 [tilespmem:s22], [sflag:$0x3], $0x1, s21, s15, $0xb8;
	[tilespmem:$0x1E8F8] =	vst v63  }
0xb3: {  	_ =	swait.ge [sflag:s13], $0x80  }
0xb4: {  	[sflag:s13] =	ssyncset.done $0x0  }
0xb5: {  	s26 =	sshra.s32 s29, $0x2;
	[sflag:s13] =	ssyncadd.s32 $0xFFFFFF80  }
0xb6: {  	v1 =	vld [tilespmem:s26+$0xFFFFFF10];
	_ =	sdelay $0x4  }
0xb7: {  	v2 =	vand.u32 $0x3FFF, v1;
	v1 =	vshra.s32 v1, $0xE  }
0xb8: {  	[tilespmem:$0xA800] =	vst v2  }
0xb9: {  	[tilespmem:$0xA880] =	vst v1  }
0xba: {  	v1 =	vld [tilespmem:s26+$0xFFFFFF20];
	_ =	sdelay $0x4  }
0xbb: {  	v2 =	vand.u32 $0x3FFF, v1;
	v1 =	vshra.s32 v1, $0xE  }
0xbc: {  	[tilespmem:$0xA810] =	vst v2  }
0xbd: {  	[tilespmem:$0xA890] =	vst v1  }
0xbe: {  	v1 =	vld [tilespmem:s26+$0xFFFFFF30];
	_ =	sdelay $0x4  }
0xbf: {  	v2 =	vand.u32 $0x3FFF, v1;
	v1 =	vshra.s32 v1, $0xE  }
0xc0: {  	[tilespmem:$0xA820] =	vst v2  }
0xc1: {  	[tilespmem:$0xA8A0] =	vst v1  }
0xc2: {  	v1 =	vld [tilespmem:s26+$0xFFFFFF40];
	_ =	sdelay $0x4  }
0xc3: {  	v2 =	vand.u32 $0x3FFF, v1;
	v1 =	vshra.s32 v1, $0xE  }
0xc4: {  	[tilespmem:$0xA830] =	vst v2  }
0xc5: {  	[tilespmem:$0xA8B0] =	vst v1  }
0xc6: {  	v1 =	vld [tilespmem:s26+$0xFFFFFF50];
	_ =	sdelay $0x4  }
0xc7: {  	v2 =	vand.u32 $0x3FFF, v1;
	v1 =	vshra.s32 v1, $0xE  }
0xc8: {  	[tilespmem:$0xA840] =	vst v2  }
0xc9: {  	[tilespmem:$0xA8C0] =	vst v1  }
0xca: {  	v1 =	vld [tilespmem:s26+$0xFFFFFF60];
	_ =	sdelay $0x4  }
0xcb: {  	v2 =	vand.u32 $0x3FFF, v1;
	v1 =	vshra.s32 v1, $0xE  }
0xcc: {  	[tilespmem:$0xA850] =	vst v2  }
0xcd: {  	[tilespmem:$0xA8D0] =	vst v1  }
0xce: {  	v1 =	vld [tilespmem:s26+$0xFFFFFF70];
	_ =	sdelay $0x4  }
0xcf: {  	v2 =	vand.u32 $0x3FFF, v1;
	v1 =	vshra.s32 v1, $0xE  }
0xd0: {  	[tilespmem:$0xA860] =	vst v2  }
0xd1: {  	[tilespmem:$0xA8E0] =	vst v1  }
0xd2: {  	v1 =	vld [tilespmem:s26+$0xFFFFFF80];
	_ =	sdelay $0x4  }
0xd3: {  	v2 =	vand.u32 $0x3FFF, v1;
	v1 =	vshra.s32 v1, $0xE  }
0xd4: {  	[tilespmem:$0xA870] =	vst v2  }
0xd5: {  	[tilespmem:$0xA8F0] =	vst v1  }
0xd6: {  	[tilespmem:s17], [sflag:$0x1] =	stream.indirect.gather [hbm4b:s0+s15], $0x80, s16, s15, $0xb8;
	[tilespmem:$0x1E8F8] =	vst v63  }
0xd7: {  	_ =	swait.ge [sflag:s23], $0x4000  }
0xd8: {  	[sflag:s23] =	ssyncset.done $0x0  }
0xd9: {  	[sflag:s23] =	ssyncadd.s32 $0xFFFFC000  }
0xda: {  	[spmem:s2] =	stream.indirect.scatter.add.f32 [tilespmem:s19], [sflag:$0x3], $0x80, s24, s15, $0xb8;
	[tilespmem:$0x1E8F8] =	vst v63  }
0xdb: {  	_ =	swait.ge [sflag:s13], $0x4000  }
0xdc: {  	[sflag:s13] =	ssyncset.done $0x0  }
0xdd: {  	[sflag:s13] =	ssyncadd.s32 $0xFFFFC000  }
0xde: {  	[spmem:s3] =	stream.indirect.scatter.add.f32 [tilespmem:s22], [sflag:$0x3], $0x1, s24, s15, $0xb8;
	[tilespmem:$0x1E8F8] =	vst v63  }
0xdf: {  	_ =	swait.ge [sflag:s13], $0x80  }
0xe0: {  	[sflag:s13] =	ssyncset.done $0x0  }
0xe1: {  	[sflag:s13] =	ssyncadd.s32 $0xFFFFFF80  }
0xe2: {  	v1 =	vld [tilespmem:s26+$0xFFFFFF90];
	_ =	sdelay $0x4  }
0xe3: {  	v2 =	vand.u32 $0x3FFF, v1;
	v1 =	vshra.s32 v1, $0xE  }
0xe4: {  	[tilespmem:$0xA900] =	vst v2  }
0xe5: {  	[tilespmem:$0xA980] =	vst v1  }
0xe6: {  	v1 =	vld [tilespmem:s26+$0xFFFFFFA0];
	_ =	sdelay $0x4  }
0xe7: {  	v2 =	vand.u32 $0x3FFF, v1;
	v1 =	vshra.s32 v1, $0xE  }
0xe8: {  	[tilespmem:$0xA910] =	vst v2  }
0xe9: {  	[tilespmem:$0xA990] =	vst v1  }
0xea: {  	v1 =	vld [tilespmem:s26+$0xFFFFFFB0];
	_ =	sdelay $0x4  }
0xeb: {  	v2 =	vand.u32 $0x3FFF, v1;
	v1 =	vshra.s32 v1, $0xE  }
0xec: {  	[tilespmem:$0xA920] =	vst v2  }
0xed: {  	[tilespmem:$0xA9A0] =	vst v1  }
0xee: {  	v1 =	vld [tilespmem:s26+$0xFFFFFFC0];
	_ =	sdelay $0x4  }
0xef: {  	v2 =	vand.u32 $0x3FFF, v1;
	v1 =	vshra.s32 v1, $0xE  }
0xf0: {  	[tilespmem:$0xA930] =	vst v2  }
0xf1: {  	[tilespmem:$0xA9B0] =	vst v1  }
0xf2: {  	v1 =	vld [tilespmem:s26+$0xFFFFFFD0];
	_ =	sdelay $0x4  }
0xf3: {  	v2 =	vand.u32 $0x3FFF, v1;
	v1 =	vshra.s32 v1, $0xE  }
0xf4: {  	[tilespmem:$0xA940] =	vst v2  }
0xf5: {  	[tilespmem:$0xA9C0] =	vst v1  }
0xf6: {  	v1 =	vld [tilespmem:s26+$0xFFFFFFE0];
	_ =	sdelay $0x2  }
.Ltmp0:
0xf7: {  	(pc) =	sbr.rel @p1 .LBB2_2-.Ltmp0, $4  }
0xf8: {  	_ = 	snop  }
0xf9: {  	v2 =	vand.u32 $0x3FFF, v1;
	v1 =	vshra.s32 v1, $0xE  }
0xfa: {  	[tilespmem:$0xA950] =	vst v2  }
0xfb: {  	[tilespmem:$0xA9D0] =	vst v1  }
0xfc: {  	v1 =	vld [tilespmem:s26+$0xFFFFFFF0];
	_ =	sdelay $0x4  }
0xfd: {  	v2 =	vand.u32 $0x3FFF, v1  }
0xfe: {  	v1 =	vshra.s32 v1, $0xE;
	[tilespmem:$0xA960] =	vst v2  }
0xff: {  	[tilespmem:$0xA9E0] =	vst v1  }
0x100: {  	v1 =	vld [tilespmem:s26+$0x0];
	_ =	sdelay $0x4  }
0x101: {  	v2 =	vand.u32 $0x3FFF, v1  }
0x102: {  	v1 =	vshra.s32 v1, $0xE;
	[tilespmem:$0xA970] =	vst v2  }
0x103: {  	[tilespmem:$0xA9F0] =	vst v1  }
0x104: {  	[tilespmem:s19], [sflag:$0x2] =	stream.indirect.gather [hbm4b:s0+s15], $0x80, s18, s15, $0xb8;
	[tilespmem:$0x1E8F8] =	vst v63  }
0x105: {  	_ =	swait.ge [sflag:s20], $0x4000  }
0x106: {  	[sflag:s20] =	ssyncset.done $0x0  }
0x107: {  	[sflag:s20] =	ssyncadd.s32 $0xFFFFC000  }
0x108: {  	[spmem:s2] =	stream.indirect.scatter.add.f32 [tilespmem:s17], [sflag:$0x3], $0x80, s21, s15, $0xb8;
	[tilespmem:$0x1E8F8] =	vst v63  }
0x109: {  	_ =	swait.ge [sflag:s13], $0x4000  }
0x10a: {  	[sflag:s13] =	ssyncset.done $0x0  }
0x10b: {  	[sflag:s13] =	ssyncadd.s32 $0xFFFFC000  }
0x10c: {  	[spmem:s3] =	stream.indirect.scatter.add.f32 [tilespmem:s22], [sflag:$0x3], $0x1, s21, s15, $0xb8;
	[tilespmem:$0x1E8F8] =	vst v63  }
0x10d: {  	_ =	swait.ge [sflag:s13], $0x80  }
0x10e: {  	[sflag:s13] =	ssyncset.done $0x0  }
0x10f: {  	[sflag:s13] =	ssyncadd.s32 $0xFFFFFF80  }
0x110: {  	_ =	swait.ge [sflag:s23], $0x4000  }
0x111: {  	[sflag:s23] =	ssyncset.done $0x0  }
0x112: {  	[sflag:s23] =	ssyncadd.s32 $0xFFFFC000  }
0x113: {  	[spmem:s2] =	stream.indirect.scatter.add.f32 [tilespmem:s19], [sflag:$0x3], $0x80, s24, s15, $0xb8;
	[tilespmem:$0x1E8F8] =	vst v63  }
0x114: {  	_ =	swait.ge [sflag:s13], $0x4000  }
0x115: {  	[sflag:s13] =	ssyncset.done $0x0  }
0x116: {  	[sflag:s13] =	ssyncadd.s32 $0xFFFFC000  }
0x117: {  	[spmem:s3] =	stream.indirect.scatter.add.f32 [tilespmem:s22], [sflag:$0x3], $0x1, s24, s15, $0xb8;
	[tilespmem:$0x1E8F8] =	vst v63  }
0x118: {  	_ =	swait.ge [sflag:s13], $0x80  }
0x119: {  	[sflag:s13] =	ssyncset.done $0x0  }
0x11a: {  	[sflag:s13] =	ssyncadd.s32 $0xFFFFFF80  }
0x11b: {  	[bflag:$0x0] =	sbarrier.arrive $0xFFFF  }
0x11c: {  	[hbm:s9], [sflag:s7] =	dma.local [spmem:s12], $0x2780  }
0x11d: {  	s28 =	simm.s32 @!p0 $0x20;
	_ =	swait.ge [sflag:s13], $0x2780  }
0x11e: {  	s29 =	simm.s32 @!p0 $0x10;
	s25 =	sadd.s32 $0x1, s25;
	[sflag:s13] =	ssyncset.done $0x0  }
0x11f: {  	p1 =	sne.s32 s25, s11;
	s26 =	simm.s32 @!p0 $0x1;
	[sflag:s13] =	ssyncadd.s32 $0xFFFFD880  }
0x120: {  	[hbm:s10@s28], [sflag:s7] =	dma.strided @!p0 [spmem:s14@s29], $0x4F0, s26, $0x10   }
.Ltmp1:
0x121: {  	_ = 	snop;
	(pc) =	sbr.rel @p1 .LBB2_1-.Ltmp1, $4  }
0x122: {  	s26 =	simm.s32 @!p0 $0x3  }
0x123: {  	_ =	swait.ge @!p0 [sflag:s26], $0x4F0  }
0x124: {  	[sflag:s26] =	ssyncset.done @!p0 $0x0  }
0x125: {  	[sflag:s26] =	ssyncadd.s32 @!p0 $0xFFFFFB10  }
0x126: {  	_ =	sfence.sel $0x180000  }
0x127: {  	[bflag:$0x0] =	sbarrier.arrive $0xFFFF  }
0x128: {  	_ =	strace $0x90000047  }
0x129: {  	s0 =	sadd.s32 @!p0 $0x100000, s1;
	[bflag:$0x2] =	sbarrier.arrive $0xFFFF  }
0x12a: {  	[sflag:s0] =	ssyncadd.tile.s32 @!p0 $0x1;
	_ =	shalt  }
.Lfunc_end2:
_tile_overlayer_lowered:
.L_overlay_start_2:
0x12b: {  	(tag) =	ssettag $0x2  }
0x12c: {  	s0 =	rddreg [dreg:$0x0];
	s2 =	stileid.u32  }
0x12d: {  	s1 =	rddreg [dreg:$0x1];
	p0 =	sne.s32 s2, $0x0  }
0x12e: {  	s3 =	rddreg [dreg:$0x2];
	[bflag:$0x3] =	sbarrier.arrive $0xFFFF;
	s2 =	simm.s32 @!p0 $0x1C03  }
0x12f: {  	[timem:s3], [sflag:s2] =	dma.local @!p0 [hbm:s0], s1  }
0x130: {  	s0 =	simm.s32 @!p0 $0x3  }
0x131: {  	_ =	swait.ge @!p0 [sflag:s0], s1  }
0x132: {  	s1 =	ssub.s32 @!p0 $0x0, s1;
	[sflag:s0] =	ssyncset.done @!p0 $0x0  }
0x133: {  	[sflag:s0] =	ssyncadd.s32 @!p0 s1  }
0x134: {  	[bflag:$0x3] =	sbarrier.arrive $0xFFFF  }
0x135: {  	_ =	shalt  }

</sc_bundles>
